<compile_context>
chip_gen: v7x
topology: tpu7x:2x2x1
jax: 0.10.2.dev20260603
libtpu: 0.0.44.dev20260713+nightly
codegen_flags: <defaults>
</compile_context>

<pallas_src>
import functools

import jax
import jax.numpy as jnp
from jax import lax
from jax.experimental import pallas as pl
from jax.experimental.pallas import tpu as pltpu
from jax.experimental.pallas import tpu_sc as plsc

NC = 2
NS = 16
CHUNK = 128

N = 50000
E = 800000
B = 500
C = 4
R = 4
F = 16

EPAD = 802816
HALF = 25088
NTAB = 2 * HALF
NPAD = 51200
BHALF = 256
BTAB = 2 * BHALF

_EB = 2048
_NB = 1024



def _sc_gather(table, idx, d, n_items):
  per_w = n_items // (NC * NS)
  nch = per_w // CHUNK
  mesh = plsc.VectorSubcoreMesh(core_axis_name="c", subcore_axis_name="s")

  @functools.partial(
      pl.kernel, mesh=mesh,
      out_type=jax.ShapeDtypeStruct((n_items, d), jnp.float32),
      compiler_params=pltpu.CompilerParams(use_tc_tiling_on_sc=False),
      scratch_types=[
          pltpu.VMEM((CHUNK,), jnp.int32),
          pltpu.VMEM((CHUNK, d), jnp.float32),
          pltpu.SemaphoreType.DMA,
      ],
  )
  def k(table_hbm, idx_hbm, out_hbm, idx_v, rows_v, sem):
    wid = lax.axis_index("s") * NC + lax.axis_index("c")

    def body(j, carry):
      base = wid * per_w + j * CHUNK
      pltpu.sync_copy(idx_hbm.at[pl.ds(base, CHUNK)], idx_v)
      pltpu.async_copy(table_hbm.at[idx_v], rows_v, sem).wait()
      pltpu.sync_copy(rows_v, out_hbm.at[pl.ds(base, CHUNK)])
      return carry

    lax.fori_loop(0, nch, body, 0)

  return k(table, idx)


def _sc_scatter_add(idx2, vals, zeros, d, n_items, half):
  per_s = n_items // NS
  nch = per_s // CHUNK
  rps = half // NS
  mesh = plsc.VectorSubcoreMesh(core_axis_name="c", subcore_axis_name="s")

  @functools.partial(
      pl.kernel, mesh=mesh,
      out_type=jax.ShapeDtypeStruct((2 * half, d), jnp.float32),
      compiler_params=pltpu.CompilerParams(use_tc_tiling_on_sc=False),
      scratch_types=[
          pltpu.VMEM((CHUNK,), jnp.int32),
          pltpu.VMEM((CHUNK, d), jnp.float32),
          pltpu.VMEM_SHARED((half + 16, d), jnp.float32),
      ],
  )
  def k(idx_hbm, vals_hbm, zeros_hbm, out_hbm, idx_v, rows_v, acc_sh):
    cid = lax.axis_index("c")
    sid = lax.axis_index("s")

    @pl.when(sid == 0)
    def _zero():
      pltpu.sync_copy(zeros_hbm, acc_sh)

    plsc.subcore_barrier()

    def body(j, carry):
      base = sid * per_s + j * CHUNK
      pltpu.sync_copy(idx_hbm.at[cid, pl.ds(base, CHUNK)], idx_v)
      pltpu.sync_copy(vals_hbm.at[pl.ds(base, CHUNK)], rows_v)
      pltpu.sync_copy(rows_v, acc_sh.at[idx_v], add=True)
      return carry

    lax.fori_loop(0, nch, body, 0)
    plsc.subcore_barrier()
    pltpu.sync_copy(acc_sh.at[pl.ds(sid * rps, rps)],
                    out_hbm.at[pl.ds(cid * half + sid * rps, rps)])

  return k(idx2, vals, zeros)



def _localize(idx, half, n_items):
  blk = 2048

  def body(i_ref, o0_ref, o1_ref):
    v = i_ref[...]
    in0 = v < half
    o0_ref[...] = jnp.where(in0, v, half)
    o1_ref[...] = jnp.where(in0, half, v - half)

  o0, o1 = pl.pallas_call(
      body,
      grid=(n_items // blk,),
      in_specs=[pl.BlockSpec((blk,), lambda i: (i,))],
      out_specs=[pl.BlockSpec((blk,), lambda i: (i,))] * 2,
      out_shape=[jax.ShapeDtypeStruct((n_items,), jnp.int32)] * 2,
  )(idx)
  return jnp.stack([o0, o1])


def _node_embed(pos_p, num_p, w_species):
  nspec = w_species.shape[0]

  def body(p_ref, n_ref, w_ref, o_ref):
    pos = p_ref[...]
    num = n_ref[...]
    it = lax.broadcasted_iota(jnp.int32, (_NB, nspec), 1)
    oh = (num == it).astype(jnp.float32)
    cn = jnp.dot(oh, w_ref[...], preferred_element_type=jnp.float32)
    o_ref[...] = jnp.concatenate([pos, cn], axis=1)

  return pl.pallas_call(
      body,
      grid=(NTAB // _NB,),
      in_specs=[
          pl.BlockSpec((_NB, 4), lambda i: (i, 0)),
          pl.BlockSpec((_NB, 1), lambda i: (i, 0)),
          pl.BlockSpec((nspec, C), lambda i: (0, 0)),
      ],
      out_specs=pl.BlockSpec((_NB, 8), lambda i: (i, 0)),
      out_shape=jax.ShapeDtypeStruct((NTAB, 8), jnp.float32),
  )(pos_p, num_p, w_species)


def _edge_geom(gs, gd, eo):

  def body(s_ref, d_ref, e_ref, o_ref):
    gs_ = s_ref[...]
    gd_ = d_ref[...]
    eo_ = e_ref[...]
    rij = gd_[:, 0:3] - gs_[:, 0:3] + eo_[:, 0:3]
    d2 = jnp.sum(rij * rij, axis=1, keepdims=True)
    dist = jnp.sqrt(d2 + 1e-12)
    mus = 0.5 + 1.5 * lax.broadcasted_iota(jnp.int32, (1, 4), 1).astype(
        jnp.float32)
    g = jnp.exp(-((dist - mus) ** 2) / 0.25)
    fc = 0.5 * (jnp.cos(jnp.pi * jnp.clip(dist / 5.0, 0.0, 1.0)) + 1.0)
    g = g * fc
    csrc = gs_[:, 4:8]
    ef = csrc[:, :, None] * g[:, None, :]
    o_ref[...] = ef.reshape(_EB, 16)

  return pl.pallas_call(
      body,
      grid=(EPAD // _EB,),
      in_specs=[
          pl.BlockSpec((_EB, 8), lambda i: (i, 0)),
          pl.BlockSpec((_EB, 8), lambda i: (i, 0)),
          pl.BlockSpec((_EB, 4), lambda i: (i, 0)),
      ],
      out_specs=pl.BlockSpec((_EB, 16), lambda i: (i, 0)),
      out_shape=jax.ShapeDtypeStruct((EPAD, 16), jnp.float32),
  )(gs, gd, eo)


def _silu(x):
  return x * (1.0 / (1.0 + jnp.exp(-x)))


def _node_gat_tables(x_in, den, wbd, a_s, a_d, ln_g, ln_b, first):

  def body(x_ref, den_ref, w_ref, as_ref, ad_ref, g_ref, b_ref,
           ts_ref, td_ref):
    if first:
      dens = x_ref[...]
      d3 = dens.reshape(_NB, C, R)
      ps = (d3[:, :, :, None] * d3[:, :, None, :]).reshape(_NB, C, F)
      mu = jnp.mean(ps, axis=2, keepdims=True)
      var = jnp.mean((ps - mu) ** 2, axis=2, keepdims=True)
      psn = (ps - mu) / jnp.sqrt(var + 1e-5)
      psn = psn * g_ref[...][None] + b_ref[...][None]
      x = psn.reshape(_NB, C * F)
    else:
      acc = x_ref[...].reshape(_NB, C, 16)
      den_ = den_ref[...][:, 0:C]
      x = _silu(acc / (den_[:, :, None] + 1e-9)).reshape(_NB, C * 16)
    h = jnp.dot(x, w_ref[...], preferred_element_type=jnp.float32)
    h4 = h.reshape(_NB, C, 16)
    als = jnp.sum(h4 * as_ref[...][None], axis=2)
    ald = jnp.sum(h4 * ad_ref[...][None], axis=2)
    z4 = jnp.zeros((_NB, 4), jnp.float32)
    ts_ref[...] = jnp.concatenate([h, als, z4], axis=1)
    td_ref[...] = jnp.concatenate([ald, z4], axis=1)

  din = 16 if first else 64
  return pl.pallas_call(
      body,
      grid=(NTAB // _NB,),
      in_specs=[
          pl.BlockSpec((_NB, din), lambda i: (i, 0)),
          pl.BlockSpec((_NB, 8), lambda i: (i, 0)),
          pl.BlockSpec((64, 64), lambda i: (0, 0)),
          pl.BlockSpec((C, 16), lambda i: (0, 0)),
          pl.BlockSpec((C, 16), lambda i: (0, 0)),
          pl.BlockSpec((1, F), lambda i: (0, 0)),
          pl.BlockSpec((1, F), lambda i: (0, 0)),
      ],
      out_specs=[
          pl.BlockSpec((_NB, 72), lambda i: (i, 0)),
          pl.BlockSpec((_NB, 8), lambda i: (i, 0)),
      ],
      out_shape=[
          jax.ShapeDtypeStruct((NTAB, 72), jnp.float32),
          jax.ShapeDtypeStruct((NTAB, 8), jnp.float32),
      ],
  )(x_in, den, wbd, a_s, a_d, ln_g, ln_b)


def _edge_att(ts, td):

  def body(s_ref, d_ref, ex_ref, mv_ref):
    ts_ = s_ref[...]
    td_ = d_ref[...]
    e = ts_[:, 64:68] + td_[:, 0:4]
    e = jnp.where(e > 0, e, 0.2 * e)
    ex = jnp.exp(e)
    ex_ref[...] = jnp.concatenate(
        [ex, jnp.zeros((_EB, 4), jnp.float32)], axis=1)
    h4 = ts_[:, 0:64].reshape(_EB, C, 16)
    mv_ref[...] = (ex[:, :, None] * h4).reshape(_EB, 64)

  return pl.pallas_call(
      body,
      grid=(EPAD // _EB,),
      in_specs=[
          pl.BlockSpec((_EB, 72), lambda i: (i, 0)),
          pl.BlockSpec((_EB, 8), lambda i: (i, 0)),
      ],
      out_specs=[
          pl.BlockSpec((_EB, 8), lambda i: (i, 0)),
          pl.BlockSpec((_EB, 64), lambda i: (i, 0)),
      ],
      out_shape=[
          jax.ShapeDtypeStruct((EPAD, 8), jnp.float32),
          jax.ShapeDtypeStruct((EPAD, 64), jnp.float32),
      ],
  )(ts, td)


def _node_head(acc, den, wnbd, wo_flat):

  def body(a_ref, d_ref, w_ref, wo_ref, o_ref):
    acc_ = a_ref[...].reshape(_NB, C, 16)
    den_ = d_ref[...][:, 0:C]
    x = _silu(acc_ / (den_[:, :, None] + 1e-9)).reshape(_NB, 64)
    xh = _silu(jnp.dot(x, w_ref[...], preferred_element_type=jnp.float32))
    y = jnp.sum(xh * wo_ref[...], axis=1, keepdims=True)
    o_ref[...] = jnp.concatenate(
        [y, jnp.zeros((_NB, 7), jnp.float32)], axis=1)

  return pl.pallas_call(
      body,
      grid=(NTAB // _NB,),
      in_specs=[
          pl.BlockSpec((_NB, 64), lambda i: (i, 0)),
          pl.BlockSpec((_NB, 8), lambda i: (i, 0)),
          pl.BlockSpec((64, 64), lambda i: (0, 0)),
          pl.BlockSpec((1, 64), lambda i: (0, 0)),
      ],
      out_specs=pl.BlockSpec((_NB, 8), lambda i: (i, 0)),
      out_shape=jax.ShapeDtypeStruct((NTAB, 8), jnp.float32),
  )(acc, den, wnbd, wo_flat)



def _blockdiag(w):
  c, din, dout = w.shape
  out = jnp.zeros((c * din, c * dout), jnp.float32)
  for i in range(c):
    out = out.at[i * din:(i + 1) * din, i * dout:(i + 1) * dout].set(w[i])
  return out


def kernel(positions, cells, numbers, edge_indices, edge_offsets, batch,
           W_species, ln_gamma, ln_beta, Wc1, a_src1, a_dst1,
           Wc2, a_src2, a_dst2, Wn, Wo):
  f32 = jnp.float32
  i32 = jnp.int32

  src = edge_indices[0].astype(i32)
  dst = edge_indices[1].astype(i32)
  pad_e = EPAD - E
  src_p = jnp.concatenate([src, jnp.full((pad_e,), N, i32)])
  dst_p = jnp.concatenate([dst, jnp.full((pad_e,), N, i32)])
  eo_p = jnp.concatenate(
      [edge_offsets.astype(f32), jnp.zeros((pad_e, 3), f32)], axis=0)
  eo_p = jnp.concatenate([eo_p, jnp.zeros((EPAD, 1), f32)], axis=1)

  pos_p = jnp.concatenate([positions.astype(f32), jnp.zeros((N, 1), f32)],
                          axis=1)
  pos_p = jnp.concatenate([pos_p, jnp.zeros((NTAB - N, 4), f32)], axis=0)
  num_p = jnp.concatenate([numbers.astype(i32), jnp.zeros((NTAB - N,), i32)]
                          )[:, None]

  z8 = jnp.zeros((HALF + 16, 8), f32)
  z16 = jnp.zeros((HALF + 16, 16), f32)
  z64 = jnp.zeros((HALF + 16, 64), f32)
  zb = jnp.zeros((BHALF + 16, 8), f32)

  w1bd = _blockdiag(Wc1.astype(f32))
  w2bd = _blockdiag(Wc2.astype(f32))
  wnbd = _blockdiag(Wn.astype(f32))
  wo_flat = Wo.astype(f32).reshape(1, C * 16)
  ln_g = ln_gamma.astype(f32).reshape(1, F)
  ln_b = ln_beta.astype(f32).reshape(1, F)

  x0 = _node_embed(pos_p, num_p, W_species.astype(f32))
  gs0 = _sc_gather(x0, src_p, 8, EPAD)
  gd0 = _sc_gather(x0, dst_p, 8, EPAD)
  ef = _edge_geom(gs0, gd0, eo_p)
  dix = _localize(dst_p, HALF, EPAD)
  dens = _sc_scatter_add(dix, ef, z16, 16, EPAD, HALF)

  t1s, t1d = _node_gat_tables(dens, dens[:, 0:8], w1bd,
                              a_src1.astype(f32), a_dst1.astype(f32),
                              ln_g, ln_b, True)
  gs1 = _sc_gather(t1s, src_p, 72, EPAD)
  gd1 = _sc_gather(t1d, dst_p, 8, EPAD)
  ex1, mv1 = _edge_att(gs1, gd1)
  den1 = _sc_scatter_add(dix, ex1, z8, 8, EPAD, HALF)
  acc1 = _sc_scatter_add(dix, mv1, z64, 64, EPAD, HALF)

  t2s, t2d = _node_gat_tables(acc1, den1, w2bd,
                              a_src2.astype(f32), a_dst2.astype(f32),
                              ln_g, ln_b, False)
  gs2 = _sc_gather(t2s, src_p, 72, EPAD)
  gd2 = _sc_gather(t2d, dst_p, 8, EPAD)
  ex2, mv2 = _edge_att(gs2, gd2)
  den2 = _sc_scatter_add(dix, ex2, z8, 8, EPAD, HALF)
  acc2 = _sc_scatter_add(dix, mv2, z64, 64, EPAD, HALF)

  feat = _node_head(acc2, den2, wnbd, wo_flat)
  feat_p = jnp.concatenate([feat, jnp.zeros((NPAD - NTAB, 8), f32)], axis=0)
  batch_p = jnp.concatenate(
      [batch.astype(i32), jnp.full((NPAD - N,), BTAB - 1, i32)])
  bix = _localize(batch_p, BHALF, NPAD)
  esum = _sc_scatter_add(bix, feat_p, zb, 8, NPAD, BHALF)
  return esum[:B, 0:1] / jnp.sqrt(float(C))

# --- scband reference (transcript-rebuilt; emitter-appended) ---
"""Pipeline reference for scband-alchemical-gat-30382598652273 (READ-ONLY COPY).

The authoritative reference and input builder live on the scoring server;
editing this copy changes nothing except your own understanding.
"""

import jax, jax.numpy as jnp
import numpy as np

N = 50000
E = 800000
B = 500
NSPEC = 5
C = 4
R = 4
F = R * R
H1 = 16
H2 = 16
HN = 16
OUT = 1
CUTOFF = 5.0


def setup_inputs(seed: int = 0):
    key = jax.random.key(seed)
    ks = jax.random.split(key, 14)
    positions = jax.random.normal(ks[0], (N, 3), dtype=jnp.float32) * 5.0
    cells = jnp.zeros((B, 3, 3), dtype=jnp.float32)
    numbers = jax.random.randint(ks[1], (N,), 0, NSPEC)
    edge_indices = jax.random.randint(ks[2], (2, E), 0, N)
    edge_offsets = jnp.zeros((E, 3), dtype=jnp.float32)
    batch = jnp.sort(jax.random.randint(ks[3], (N,), 0, B))
    W_species = jax.random.normal(ks[4], (NSPEC, C), dtype=jnp.float32) * 0.5
    ln_gamma = jnp.ones((F,), jnp.float32)
    ln_beta = jnp.zeros((F,), jnp.float32)
    Wc1 = jax.random.normal(ks[5], (C, F, H1), dtype=jnp.float32) / np.sqrt(F)
    a_src1 = jax.random.normal(ks[6], (C, H1), dtype=jnp.float32) * 0.1
    a_dst1 = jax.random.normal(ks[7], (C, H1), dtype=jnp.float32) * 0.1
    Wc2 = jax.random.normal(ks[8], (C, H1, H2), dtype=jnp.float32) / np.sqrt(H1)
    a_src2 = jax.random.normal(ks[9], (C, H2), dtype=jnp.float32) * 0.1
    a_dst2 = jax.random.normal(ks[10], (C, H2), dtype=jnp.float32) * 0.1
    Wn = jax.random.normal(ks[11], (C, H2, HN), dtype=jnp.float32) / np.sqrt(H2)
    Wo = jax.random.normal(ks[12], (C, HN, OUT), dtype=jnp.float32) / np.sqrt(HN)
    return {"positions": positions, "cells": cells, "numbers": numbers,
            "edge_indices": edge_indices, "edge_offsets": edge_offsets, "batch": batch,
            "W_species": W_species, "ln_gamma": ln_gamma, "ln_beta": ln_beta,
            "Wc1": Wc1, "a_src1": a_src1, "a_dst1": a_dst1,
            "Wc2": Wc2, "a_src2": a_src2, "a_dst2": a_dst2,
            "Wn": Wn, "Wo": Wo}


def _gat(x, src, dst, W, a_s, a_d):
    # multi-channel GAT conv: x [N, C, Fin], W [C, Fin, Fout]
    h = jnp.einsum('ncf,cfo->nco', x, W)
    alpha_s = (h * a_s[None]).sum(-1)
    alpha_d = (h * a_d[None]).sum(-1)
    e = jax.nn.leaky_relu(alpha_s[src] + alpha_d[dst], 0.2)
    n = x.shape[0]
    emax = jax.ops.segment_max(e, dst, num_segments=n)
    emax = jnp.where(jnp.isfinite(emax), emax, 0.0)
    ex = jnp.exp(e - emax[dst])
    denom = jax.ops.segment_sum(ex, dst, num_segments=n) + 1e-9
    alpha = ex / denom[dst]
    msg = alpha[:, :, None] * h[src]
    return jax.ops.segment_sum(msg, dst, num_segments=n)


def reference(positions, cells, numbers, edge_indices, edge_offsets, batch,
              W_species, ln_gamma, ln_beta, Wc1, a_src1, a_dst1,
              Wc2, a_src2, a_dst2, Wn, Wo):
    src = edge_indices[0]
    dst = edge_indices[1]
    # edge vectors and radial expansion (PowerSpectrumFeatures analogue)
    rij = positions[dst] - positions[src] + edge_offsets
    d = jnp.sqrt((rij ** 2).sum(-1) + 1e-12)
    mus = jnp.linspace(0.5, CUTOFF, R)
    g = jnp.exp(-((d[:, None] - mus[None, :]) ** 2) / 0.25)
    fcut = 0.5 * (jnp.cos(jnp.pi * jnp.clip(d / CUTOFF, 0.0, 1.0)) + 1.0)
    g = g * fcut[:, None]
    # alchemical species contraction to pseudo species (AlchemicalEmbedding analogue)
    csrc = W_species[numbers][src]                      # [E, C]
    edge_feat = csrc[:, :, None] * g[:, None, :]        # [E, C, R]
    dens = jax.ops.segment_sum(edge_feat, dst, num_segments=positions.shape[0])  # [N, C, R]
    # power spectrum: correlation of density coefficients
    ps = (dens[:, :, :, None] * dens[:, :, None, :]).reshape(positions.shape[0], C, F)
    # layer norm
    mu = ps.mean(-1, keepdims=True)
    var = ps.var(-1, keepdims=True)
    ps = (ps - mu) / jnp.sqrt(var + 1e-5) * ln_gamma + ln_beta
    # multi-channel GAT convs + SiLU
    x = jax.nn.silu(_gat(ps, src, dst, Wc1, a_src1, a_dst1))
    x = jax.nn.silu(_gat(x, src, dst, Wc2, a_src2, a_dst2))
    # multi-channel MLP head
    x = jax.nn.silu(jnp.einsum('ncf,cfo->nco', x, Wn))
    x = jnp.einsum('ncf,cfo->nco', x, Wo)
    feat = x.sum(1)                                     # sum_over_components -> [N, 1]
    energies = jax.ops.segment_sum(feat, batch, num_segments=B)  # index_add over structures
    energies = energies / jnp.sqrt(float(C))            # normalize by sqrt(num_pseudo_species)
    energies = energies / 1.0                           # average_number_of_atoms = 1.0
    return energies

if __name__ == "__main__":
    import jax
    _d = setup_inputs()
    print(jax.jit(kernel)(*tuple(_d.values())))

</pallas_src>

<mosaic_0001>
#map = affine_map<(d0, d1) -> (0, 0)>
#map1 = affine_map<(d0, d1) -> (0)>
module attributes {stable_mosaic.version = 14 : i64} {
  func.func @k(%arg0: i32, %arg1: i32, %arg2: memref<50176x8xf32, #tpu.memory_space<hbm>>, %arg3: memref<802816xi32, #tpu.memory_space<hbm>>, %arg4: memref<802816x8xf32, #tpu.memory_space<hbm>>, %arg5: memref<128xi32, #tpu.memory_space<vmem>>, %arg6: memref<128x8xf32, #tpu.memory_space<vmem>>, %arg7: memref<!tpu.dma_semaphore, #tpu.memory_space<semaphore_mem>>) attributes {dimension_semantics = [#tpu.dimension_semantics<core_parallel>, #tpu.dimension_semantics<subcore_parallel>], iteration_bounds = array<i64: 2, 16>, scalar_prefetch = 0 : i64, scratch_operands = 3 : i64, tpu.core_type = #tpu.core_type<sc_vector_subcore>, window_params = [{transform_indices = #map}, {transform_indices = #map1}, {transform_indices = #map}]} {
    %mul3A = arith.constant 2 : i32
    %mul3A_0 = arith.muli %arg1, %mul3A : i32
    %add3A = arith.addi %mul3A_0, %arg0 : i32
    %scan3A = arith.constant 0 : i32
    %scan3A_1 = arith.constant 0 : i32
    %scan3A_2 = arith.constant 196 : i32
    %scan3A_3 = arith.addi %scan3A_1, %scan3A_2 : i32
    %scan3A_4 = arith.constant 1 : i32
    scf.for %scan3A_6 = %scan3A_1 to %scan3A_3 step %scan3A_4  : i32 {
      %mul3A_7 = arith.constant 25088 : i32
      %mul3A_8 = arith.muli %add3A, %mul3A_7 : i32
      %mul3A_9 = arith.constant 128 : i32
      %mul3A_10 = arith.muli %scan3A_6, %mul3A_9 : i32
      %add3A_11 = arith.addi %mul3A_8, %mul3A_10 : i32
      "tpu.region"() ({
        %run_scoped3A = tpu.sem_alloc : memref<!tpu.dma_semaphore, #tpu.memory_space<semaphore_mem>>
        %dma_start3A_16 = tpu.memref_slice %arg3[%add3A_11] : memref<802816xi32, #tpu.memory_space<hbm>> -> memref<128xi32, #tpu.memory_space<hbm>>
        %dma_start3A_17 = tpu.memref_slice %arg3[%add3A_11] : memref<802816xi32, #tpu.memory_space<hbm>> -> memref<128xi32, #tpu.memory_space<hbm>>
        tpu.enqueue_dma source(%dma_start3A_17 : memref<128xi32, #tpu.memory_space<hbm>>) target(%arg5 : memref<128xi32, #tpu.memory_space<vmem>>) target_semaphore(%run_scoped3A : memref<!tpu.dma_semaphore, #tpu.memory_space<semaphore_mem>>)
        %dma_wait3A_18 = tpu.memref_slice %arg3[%add3A_11] : memref<802816xi32, #tpu.memory_space<hbm>> -> memref<128xi32, #tpu.memory_space<hbm>>
        %dma_wait3A_19 = tpu.memref_slice %arg3[%add3A_11] : memref<802816xi32, #tpu.memory_space<hbm>> -> memref<128xi32, #tpu.memory_space<hbm>>
        tpu.wait_dma2 semaphore(%run_scoped3A : memref<!tpu.dma_semaphore, #tpu.memory_space<semaphore_mem>>) src(%dma_wait3A_19 : memref<128xi32, #tpu.memory_space<hbm>>) dst(%arg5 : memref<128xi32, #tpu.memory_space<vmem>>)
        tpu.yield
      }) : () -> ()
      %dma_start3A = arith.constant 0 : i32
      %dma_start3A_12 = arith.constant 0 : i32
      %dma_start3A_13 = tpu.memref_slice %arg2[%dma_start3A, %dma_start3A_12] : memref<50176x8xf32, #tpu.memory_space<hbm>> -> memref<50176x8xf32, #tpu.memory_space<hbm>>
      tpu.enqueue_indirect_dma source(%dma_start3A_13 : memref<50176x8xf32, #tpu.memory_space<hbm>>) target(%arg6 : memref<128x8xf32, #tpu.memory_space<vmem>>) offsets(%arg5 : memref<128xi32, #tpu.memory_space<vmem>>) semaphore(%arg7 : memref<!tpu.dma_semaphore, #tpu.memory_space<semaphore_mem>>)
      %dma_wait3A = arith.constant 0 : i32
      %dma_wait3A_14 = arith.constant 0 : i32
      %dma_wait3A_15 = tpu.memref_slice %arg2[%dma_wait3A, %dma_wait3A_14] : memref<50176x8xf32, #tpu.memory_space<hbm>> -> memref<50176x8xf32, #tpu.memory_space<hbm>>
      tpu.wait_indirect_dma semaphore(%arg7 : memref<!tpu.dma_semaphore, #tpu.memory_space<semaphore_mem>>) src(%dma_wait3A_15 : memref<50176x8xf32, #tpu.memory_space<hbm>>) dst(%arg6 : memref<128x8xf32, #tpu.memory_space<vmem>>)
      "tpu.region"() ({
        %run_scoped3A = tpu.sem_alloc : memref<!tpu.dma_semaphore, #tpu.memory_space<semaphore_mem>>
        %dma_start3A_16 = arith.constant 0 : i32
        %dma_start3A_17 = tpu.memref_slice %arg4[%add3A_11, %dma_start3A_16] : memref<802816x8xf32, #tpu.memory_space<hbm>> -> memref<128x8xf32, #tpu.memory_space<hbm>>
        %dma_start3A_18 = arith.constant 0 : i32
        %dma_start3A_19 = tpu.memref_slice %arg4[%add3A_11, %dma_start3A_18] : memref<802816x8xf32, #tpu.memory_space<hbm>> -> memref<128x8xf32, #tpu.memory_space<hbm>>
        tpu.enqueue_dma source(%arg6 : memref<128x8xf32, #tpu.memory_space<vmem>>) target(%dma_start3A_19 : memref<128x8xf32, #tpu.memory_space<hbm>>) target_semaphore(%run_scoped3A : memref<!tpu.dma_semaphore, #tpu.memory_space<semaphore_mem>>)
        %dma_wait3A_20 = arith.constant 0 : i32
        %dma_wait3A_21 = tpu.memref_slice %arg4[%add3A_11, %dma_wait3A_20] : memref<802816x8xf32, #tpu.memory_space<hbm>> -> memref<128x8xf32, #tpu.memory_space<hbm>>
        %dma_wait3A_22 = arith.constant 0 : i32
        %dma_wait3A_23 = tpu.memref_slice %arg4[%add3A_11, %dma_wait3A_22] : memref<802816x8xf32, #tpu.memory_space<hbm>> -> memref<128x8xf32, #tpu.memory_space<hbm>>
        tpu.wait_dma2 semaphore(%run_scoped3A : memref<!tpu.dma_semaphore, #tpu.memory_space<semaphore_mem>>) src(%arg6 : memref<128x8xf32, #tpu.memory_space<vmem>>) dst(%dma_wait3A_23 : memref<128x8xf32, #tpu.memory_space<hbm>>)
        tpu.yield
      }) : () -> ()
    }
    %scan3A_5 = arith.constant 196 : i32
    return
  }
}

#map = affine_map<(d0, d1) -> (0, 0)>
#map1 = affine_map<(d0, d1) -> (0)>
module attributes {stable_mosaic.version = 14 : i64} {
  func.func @k(%arg0: i32, %arg1: i32, %arg2: memref<50176x8xf32, #tpu.memory_space<hbm>>, %arg3: memref<802816xi32, #tpu.memory_space<hbm>>, %arg4: memref<802816x8xf32, #tpu.memory_space<hbm>>, %arg5: memref<128xi32, #tpu.memory_space<vmem>>, %arg6: memref<128x8xf32, #tpu.memory_space<vmem>>, %arg7: memref<!tpu.dma_semaphore, #tpu.memory_space<semaphore_mem>>) attributes {dimension_semantics = [#tpu.dimension_semantics<core_parallel>, #tpu.dimension_semantics<subcore_parallel>], iteration_bounds = array<i64: 2, 16>, scalar_prefetch = 0 : i64, scratch_operands = 3 : i64, tpu.core_type = #tpu.core_type<sc_vector_subcore>, window_params = [{transform_indices = #map}, {transform_indices = #map1}, {transform_indices = #map}]} {
    %mul3A = arith.constant 2 : i32
    %mul3A_0 = arith.muli %arg1, %mul3A : i32
    %add3A = arith.addi %mul3A_0, %arg0 : i32
    %scan3A = arith.constant 0 : i32
    %scan3A_1 = arith.constant 0 : i32
    %scan3A_2 = arith.constant 196 : i32
    %scan3A_3 = arith.addi %scan3A_1, %scan3A_2 : i32
    %scan3A_4 = arith.constant 1 : i32
    scf.for %scan3A_6 = %scan3A_1 to %scan3A_3 step %scan3A_4  : i32 {
      %mul3A_7 = arith.constant 25088 : i32
      %mul3A_8 = arith.muli %add3A, %mul3A_7 : i32
      %mul3A_9 = arith.constant 128 : i32
      %mul3A_10 = arith.muli %scan3A_6, %mul3A_9 : i32
      %add3A_11 = arith.addi %mul3A_8, %mul3A_10 : i32
      "tpu.region"() ({
        %run_scoped3A = tpu.sem_alloc : memref<!tpu.dma_semaphore, #tpu.memory_space<semaphore_mem>>
        %dma_start3A_16 = tpu.memref_slice %arg3[%add3A_11] : memref<802816xi32, #tpu.memory_space<hbm>> -> memref<128xi32, #tpu.memory_space<hbm>>
        %dma_start3A_17 = tpu.memref_slice %arg3[%add3A_11] : memref<802816xi32, #tpu.memory_space<hbm>> -> memref<128xi32, #tpu.memory_space<hbm>>
        tpu.enqueue_dma source(%dma_start3A_17 : memref<128xi32, #tpu.memory_space<hbm>>) target(%arg5 : memref<128xi32, #tpu.memory_space<vmem>>) target_semaphore(%run_scoped3A : memref<!tpu.dma_semaphore, #tpu.memory_space<semaphore_mem>>)
        %dma_wait3A_18 = tpu.memref_slice %arg3[%add3A_11] : memref<802816xi32, #tpu.memory_space<hbm>> -> memref<128xi32, #tpu.memory_space<hbm>>
        %dma_wait3A_19 = tpu.memref_slice %arg3[%add3A_11] : memref<802816xi32, #tpu.memory_space<hbm>> -> memref<128xi32, #tpu.memory_space<hbm>>
        tpu.wait_dma2 semaphore(%run_scoped3A : memref<!tpu.dma_semaphore, #tpu.memory_space<semaphore_mem>>) src(%dma_wait3A_19 : memref<128xi32, #tpu.memory_space<hbm>>) dst(%arg5 : memref<128xi32, #tpu.memory_space<vmem>>)
        tpu.yield
      }) : () -> ()
      %dma_start3A = arith.constant 0 : i32
      %dma_start3A_12 = arith.constant 0 : i32
      %dma_start3A_13 = tpu.memref_slice %arg2[%dma_start3A, %dma_start3A_12] : memref<50176x8xf32, #tpu.memory_space<hbm>> -> memref<50176x8xf32, #tpu.memory_space<hbm>>
      tpu.enqueue_indirect_dma source(%dma_start3A_13 : memref<50176x8xf32, #tpu.memory_space<hbm>>) target(%arg6 : memref<128x8xf32, #tpu.memory_space<vmem>>) offsets(%arg5 : memref<128xi32, #tpu.memory_space<vmem>>) semaphore(%arg7 : memref<!tpu.dma_semaphore, #tpu.memory_space<semaphore_mem>>)
      %dma_wait3A = arith.constant 0 : i32
      %dma_wait3A_14 = arith.constant 0 : i32
      %dma_wait3A_15 = tpu.memref_slice %arg2[%dma_wait3A, %dma_wait3A_14] : memref<50176x8xf32, #tpu.memory_space<hbm>> -> memref<50176x8xf32, #tpu.memory_space<hbm>>
      tpu.wait_indirect_dma semaphore(%arg7 : memref<!tpu.dma_semaphore, #tpu.memory_space<semaphore_mem>>) src(%dma_wait3A_15 : memref<50176x8xf32, #tpu.memory_space<hbm>>) dst(%arg6 : memref<128x8xf32, #tpu.memory_space<vmem>>)
      "tpu.region"() ({
        %run_scoped3A = tpu.sem_alloc : memref<!tpu.dma_semaphore, #tpu.memory_space<semaphore_mem>>
        %dma_start3A_16 = arith.constant 0 : i32
        %dma_start3A_17 = tpu.memref_slice %arg4[%add3A_11, %dma_start3A_16] : memref<802816x8xf32, #tpu.memory_space<hbm>> -> memref<128x8xf32, #tpu.memory_space<hbm>>
        %dma_start3A_18 = arith.constant 0 : i32
        %dma_start3A_19 = tpu.memref_slice %arg4[%add3A_11, %dma_start3A_18] : memref<802816x8xf32, #tpu.memory_space<hbm>> -> memref<128x8xf32, #tpu.memory_space<hbm>>
        tpu.enqueue_dma source(%arg6 : memref<128x8xf32, #tpu.memory_space<vmem>>) target(%dma_start3A_19 : memref<128x8xf32, #tpu.memory_space<hbm>>) target_semaphore(%run_scoped3A : memref<!tpu.dma_semaphore, #tpu.memory_space<semaphore_mem>>)
        %dma_wait3A_20 = arith.constant 0 : i32
        %dma_wait3A_21 = tpu.memref_slice %arg4[%add3A_11, %dma_wait3A_20] : memref<802816x8xf32, #tpu.memory_space<hbm>> -> memref<128x8xf32, #tpu.memory_space<hbm>>
        %dma_wait3A_22 = arith.constant 0 : i32
        %dma_wait3A_23 = tpu.memref_slice %arg4[%add3A_11, %dma_wait3A_22] : memref<802816x8xf32, #tpu.memory_space<hbm>> -> memref<128x8xf32, #tpu.memory_space<hbm>>
        tpu.wait_dma2 semaphore(%run_scoped3A : memref<!tpu.dma_semaphore, #tpu.memory_space<semaphore_mem>>) src(%arg6 : memref<128x8xf32, #tpu.memory_space<vmem>>) dst(%dma_wait3A_23 : memref<128x8xf32, #tpu.memory_space<hbm>>)
        tpu.yield
      }) : () -> ()
    }
    %scan3A_5 = arith.constant 196 : i32
    return
  }
}

#map = affine_map<(d0, d1) -> (0, 0)>
module attributes {stable_mosaic.version = 14 : i64} {
  func.func @k(%arg0: i32, %arg1: i32, %arg2: memref<2x802816xi32, #tpu.memory_space<hbm>>, %arg3: memref<802816x16xf32, #tpu.memory_space<hbm>>, %arg4: memref<25104x16xf32, #tpu.memory_space<hbm>>, %arg5: memref<50176x16xf32, #tpu.memory_space<hbm>>, %arg6: memref<128xi32, #tpu.memory_space<vmem>>, %arg7: memref<128x16xf32, #tpu.memory_space<vmem>>, %arg8: memref<25104x16xf32, #tpu.memory_space<vmem_shared>>) attributes {dimension_semantics = [#tpu.dimension_semantics<core_parallel>, #tpu.dimension_semantics<subcore_parallel>], iteration_bounds = array<i64: 2, 16>, scalar_prefetch = 0 : i64, scratch_operands = 3 : i64, tpu.core_type = #tpu.core_type<sc_vector_subcore>, window_params = [{transform_indices = #map}, {transform_indices = #map}, {transform_indices = #map}, {transform_indices = #map}]} {
    %eq3A = arith.constant 0 : i32
    %eq3A_0 = arith.cmpi eq, %arg1, %eq3A : i32
    %convert_element_type3A = arith.extui %eq3A_0 : i1 to i32
    %cond3A = arith.constant 0 : i32
    %cond3A_1 = arith.cmpi ne, %convert_element_type3A, %cond3A : i32
    scf.if %cond3A_1 {
      "tpu.region"() ({
        %run_scoped3A = tpu.sem_alloc : memref<!tpu.dma_semaphore, #tpu.memory_space<semaphore_mem>>
        tpu.enqueue_dma source(%arg4 : memref<25104x16xf32, #tpu.memory_space<hbm>>) target(%arg8 : memref<25104x16xf32, #tpu.memory_space<vmem_shared>>) target_semaphore(%run_scoped3A : memref<!tpu.dma_semaphore, #tpu.memory_space<semaphore_mem>>)
        tpu.wait_dma2 semaphore(%run_scoped3A : memref<!tpu.dma_semaphore, #tpu.memory_space<semaphore_mem>>) src(%arg4 : memref<25104x16xf32, #tpu.memory_space<hbm>>) dst(%arg8 : memref<25104x16xf32, #tpu.memory_space<vmem_shared>>)
        tpu.yield
      }) : () -> ()
    } else {
    }
    %barrier3A = arith.constant 0 : index
    tpu.barrier barrier_id(%barrier3A)
    %scan3A = arith.constant 0 : i32
    %scan3A_2 = arith.constant 0 : i32
    %scan3A_3 = arith.constant 392 : i32
    %scan3A_4 = arith.addi %scan3A_2, %scan3A_3 : i32
    %scan3A_5 = arith.constant 1 : i32
    scf.for %scan3A_13 = %scan3A_2 to %scan3A_4 step %scan3A_5  : i32 {
      %mul3A_14 = arith.constant 50176 : i32
      %mul3A_15 = arith.muli %arg1, %mul3A_14 : i32
      %mul3A_16 = arith.constant 128 : i32
      %mul3A_17 = arith.muli %scan3A_13, %mul3A_16 : i32
      %add3A_18 = arith.addi %mul3A_15, %mul3A_17 : i32
      "tpu.region"() ({
        %run_scoped3A = tpu.sem_alloc : memref<!tpu.dma_semaphore, #tpu.memory_space<semaphore_mem>>
        %dma_start3A = tpu.memref_slice %arg2[%arg0, %add3A_18] : memref<2x802816xi32, #tpu.memory_space<hbm>> -> memref<1x128xi32, #tpu.memory_space<hbm>>
        %dma_start3A_19 = tpu.memref_squeeze %dma_start3A : memref<1x128xi32, #tpu.memory_space<hbm>> -> memref<128xi32, #tpu.memory_space<hbm>>
        %dma_start3A_20 = tpu.memref_slice %arg2[%arg0, %add3A_18] : memref<2x802816xi32, #tpu.memory_space<hbm>> -> memref<1x128xi32, #tpu.memory_space<hbm>>
        %dma_start3A_21 = tpu.memref_squeeze %dma_start3A_20 : memref<1x128xi32, #tpu.memory_space<hbm>> -> memref<128xi32, #tpu.memory_space<hbm>>
        tpu.enqueue_dma source(%dma_start3A_21 : memref<128xi32, #tpu.memory_space<hbm>>) target(%arg6 : memref<128xi32, #tpu.memory_space<vmem>>) target_semaphore(%run_scoped3A : memref<!tpu.dma_semaphore, #tpu.memory_space<semaphore_mem>>)
        %dma_wait3A = tpu.memref_slice %arg2[%arg0, %add3A_18] : memref<2x802816xi32, #tpu.memory_space<hbm>> -> memref<1x128xi32, #tpu.memory_space<hbm>>
        %dma_wait3A_22 = tpu.memref_squeeze %dma_wait3A : memref<1x128xi32, #tpu.memory_space<hbm>> -> memref<128xi32, #tpu.memory_space<hbm>>
        %dma_wait3A_23 = tpu.memref_slice %arg2[%arg0, %add3A_18] : memref<2x802816xi32, #tpu.memory_space<hbm>> -> memref<1x128xi32, #tpu.memory_space<hbm>>
        %dma_wait3A_24 = tpu.memref_squeeze %dma_wait3A_23 : memref<1x128xi32, #tpu.memory_space<hbm>> -> memref<128xi32, #tpu.memory_space<hbm>>
        tpu.wait_dma2 semaphore(%run_scoped3A : memref<!tpu.dma_semaphore, #tpu.memory_space<semaphore_mem>>) src(%dma_wait3A_24 : memref<128xi32, #tpu.memory_space<hbm>>) dst(%arg6 : memref<128xi32, #tpu.memory_space<vmem>>)
        tpu.yield
      }) : () -> ()
      "tpu.region"() ({
        %run_scoped3A = tpu.sem_alloc : memref<!tpu.dma_semaphore, #tpu.memory_space<semaphore_mem>>
        %dma_start3A = arith.constant 0 : i32
        %dma_start3A_19 = tpu.memref_slice %arg3[%add3A_18, %dma_start3A] : memref<802816x16xf32, #tpu.memory_space<hbm>> -> memref<128x16xf32, #tpu.memory_space<hbm>>
        %dma_start3A_20 = arith.constant 0 : i32
        %dma_start3A_21 = tpu.memref_slice %arg3[%add3A_18, %dma_start3A_20] : memref<802816x16xf32, #tpu.memory_space<hbm>> -> memref<128x16xf32, #tpu.memory_space<hbm>>
        tpu.enqueue_dma source(%dma_start3A_21 : memref<128x16xf32, #tpu.memory_space<hbm>>) target(%arg7 : memref<128x16xf32, #tpu.memory_space<vmem>>) target_semaphore(%run_scoped3A : memref<!tpu.dma_semaphore, #tpu.memory_space<semaphore_mem>>)
        %dma_wait3A = arith.constant 0 : i32
        %dma_wait3A_22 = tpu.memref_slice %arg3[%add3A_18, %dma_wait3A] : memref<802816x16xf32, #tpu.memory_space<hbm>> -> memref<128x16xf32, #tpu.memory_space<hbm>>
        %dma_wait3A_23 = arith.constant 0 : i32
        %dma_wait3A_24 = tpu.memref_slice %arg3[%add3A_18, %dma_wait3A_23] : memref<802816x16xf32, #tpu.memory_space<hbm>> -> memref<128x16xf32, #tpu.memory_space<hbm>>
        tpu.wait_dma2 semaphore(%run_scoped3A : memref<!tpu.dma_semaphore, #tpu.memory_space<semaphore_mem>>) src(%dma_wait3A_24 : memref<128x16xf32, #tpu.memory_space<hbm>>) dst(%arg7 : memref<128x16xf32, #tpu.memory_space<vmem>>)
        tpu.yield
      }) : () -> ()
      "tpu.region"() ({
        %run_scoped3A = tpu.sem_alloc : memref<!tpu.dma_semaphore, #tpu.memory_space<semaphore_mem>>
        %dma_start3A = arith.constant 0 : i32
        %dma_start3A_19 = arith.constant 0 : i32
        %dma_start3A_20 = tpu.memref_slice %arg8[%dma_start3A, %dma_start3A_19] : memref<25104x16xf32, #tpu.memory_space<vmem_shared>> -> memref<25104x16xf32, #tpu.memory_space<vmem_shared>>
        tpu.enqueue_indirect_dma source(%arg7 : memref<128x16xf32, #tpu.memory_space<vmem>>) target(%dma_start3A_20 : memref<25104x16xf32, #tpu.memory_space<vmem_shared>>) offsets(%arg6 : memref<128xi32, #tpu.memory_space<vmem>>) semaphore(%run_scoped3A : memref<!tpu.dma_semaphore, #tpu.memory_space<semaphore_mem>>) {add = true}
        %dma_wait3A = arith.constant 0 : i32
        %dma_wait3A_21 = arith.constant 0 : i32
        %dma_wait3A_22 = tpu.memref_slice %arg8[%dma_wait3A, %dma_wait3A_21] : memref<25104x16xf32, #tpu.memory_space<vmem_shared>> -> memref<25104x16xf32, #tpu.memory_space<vmem_shared>>
        tpu.wait_indirect_dma semaphore(%run_scoped3A : memref<!tpu.dma_semaphore, #tpu.memory_space<semaphore_mem>>) src(%arg7 : memref<128x16xf32, #tpu.memory_space<vmem>>) dst(%dma_wait3A_22 : memref<25104x16xf32, #tpu.memory_space<vmem_shared>>)
        tpu.yield
      }) : () -> ()
    }
    %scan3A_6 = arith.constant 392 : i32
    %barrier3A_7 = arith.constant 0 : index
    tpu.barrier barrier_id(%barrier3A_7)
    %mul3A = arith.constant 1568 : i32
    %mul3A_8 = arith.muli %arg1, %mul3A : i32
    %mul3A_9 = arith.constant 25088 : i32
    %mul3A_10 = arith.muli %arg0, %mul3A_9 : i32
    %mul3A_11 = arith.constant 1568 : i32
    %mul3A_12 = arith.muli %arg1, %mul3A_11 : i32
    %add3A = arith.addi %mul3A_10, %mul3A_12 : i32
    "tpu.region"() ({
      %run_scoped3A = tpu.sem_alloc : memref<!tpu.dma_semaphore, #tpu.memory_space<semaphore_mem>>
      %dma_start3A = arith.constant 0 : i32
      %dma_start3A_13 = tpu.memref_slice %arg5[%add3A, %dma_start3A] : memref<50176x16xf32, #tpu.memory_space<hbm>> -> memref<1568x16xf32, #tpu.memory_space<hbm>>
      %dma_start3A_14 = arith.constant 0 : i32
      %dma_start3A_15 = tpu.memref_slice %arg8[%mul3A_8, %dma_start3A_14] : memref<25104x16xf32, #tpu.memory_space<vmem_shared>> -> memref<1568x16xf32, #tpu.memory_space<vmem_shared>>
      tpu.enqueue_dma source(%dma_start3A_15 : memref<1568x16xf32, #tpu.memory_space<vmem_shared>>) target(%dma_start3A_13 : memref<1568x16xf32, #tpu.memory_space<hbm>>) target_semaphore(%run_scoped3A : memref<!tpu.dma_semaphore, #tpu.memory_space<semaphore_mem>>)
      %dma_wait3A = arith.constant 0 : i32
      %dma_wait3A_16 = tpu.memref_slice %arg5[%add3A, %dma_wait3A] : memref<50176x16xf32, #tpu.memory_space<hbm>> -> memref<1568x16xf32, #tpu.memory_space<hbm>>
      %dma_wait3A_17 = arith.constant 0 : i32
      %dma_wait3A_18 = tpu.memref_slice %arg8[%mul3A_8, %dma_wait3A_17] : memref<25104x16xf32, #tpu.memory_space<vmem_shared>> -> memref<1568x16xf32, #tpu.memory_space<vmem_shared>>
      tpu.wait_dma2 semaphore(%run_scoped3A : memref<!tpu.dma_semaphore, #tpu.memory_space<semaphore_mem>>) src(%dma_wait3A_18 : memref<1568x16xf32, #tpu.memory_space<vmem_shared>>) dst(%dma_wait3A_16 : memref<1568x16xf32, #tpu.memory_space<hbm>>)
      tpu.yield
    }) : () -> ()
    return
  }
}

#map = affine_map<(d0, d1) -> (0, 0)>
#map1 = affine_map<(d0, d1) -> (0)>
module attributes {stable_mosaic.version = 14 : i64} {
  func.func @k(%arg0: i32, %arg1: i32, %arg2: memref<50176x8xf32, #tpu.memory_space<hbm>>, %arg3: memref<802816xi32, #tpu.memory_space<hbm>>, %arg4: memref<802816x8xf32, #tpu.memory_space<hbm>>, %arg5: memref<128xi32, #tpu.memory_space<vmem>>, %arg6: memref<128x8xf32, #tpu.memory_space<vmem>>, %arg7: memref<!tpu.dma_semaphore, #tpu.memory_space<semaphore_mem>>) attributes {dimension_semantics = [#tpu.dimension_semantics<core_parallel>, #tpu.dimension_semantics<subcore_parallel>], iteration_bounds = array<i64: 2, 16>, scalar_prefetch = 0 : i64, scratch_operands = 3 : i64, tpu.core_type = #tpu.core_type<sc_vector_subcore>, window_params = [{transform_indices = #map}, {transform_indices = #map1}, {transform_indices = #map}]} {
    %mul3A = arith.constant 2 : i32
    %mul3A_0 = arith.muli %arg1, %mul3A : i32
    %add3A = arith.addi %mul3A_0, %arg0 : i32
    %scan3A = arith.constant 0 : i32
    %scan3A_1 = arith.constant 0 : i32
    %scan3A_2 = arith.constant 196 : i32
    %scan3A_3 = arith.addi %scan3A_1, %scan3A_2 : i32
    %scan3A_4 = arith.constant 1 : i32
    scf.for %scan3A_6 = %scan3A_1 to %scan3A_3 step %scan3A_4  : i32 {
      %mul3A_7 = arith.constant 25088 : i32
      %mul3A_8 = arith.muli %add3A, %mul3A_7 : i32
      %mul3A_9 = arith.constant 128 : i32
      %mul3A_10 = arith.muli %scan3A_6, %mul3A_9 : i32
      %add3A_11 = arith.addi %mul3A_8, %mul3A_10 : i32
      "tpu.region"() ({
        %run_scoped3A = tpu.sem_alloc : memref<!tpu.dma_semaphore, #tpu.memory_space<semaphore_mem>>
        %dma_start3A_16 = tpu.memref_slice %arg3[%add3A_11] : memref<802816xi32, #tpu.memory_space<hbm>> -> memref<128xi32, #tpu.memory_space<hbm>>
        %dma_start3A_17 = tpu.memref_slice %arg3[%add3A_11] : memref<802816xi32, #tpu.memory_space<hbm>> -> memref<128xi32, #tpu.memory_space<hbm>>
        tpu.enqueue_dma source(%dma_start3A_17 : memref<128xi32, #tpu.memory_space<hbm>>) target(%arg5 : memref<128xi32, #tpu.memory_space<vmem>>) target_semaphore(%run_scoped3A : memref<!tpu.dma_semaphore, #tpu.memory_space<semaphore_mem>>)
        %dma_wait3A_18 = tpu.memref_slice %arg3[%add3A_11] : memref<802816xi32, #tpu.memory_space<hbm>> -> memref<128xi32, #tpu.memory_space<hbm>>
        %dma_wait3A_19 = tpu.memref_slice %arg3[%add3A_11] : memref<802816xi32, #tpu.memory_space<hbm>> -> memref<128xi32, #tpu.memory_space<hbm>>
        tpu.wait_dma2 semaphore(%run_scoped3A : memref<!tpu.dma_semaphore, #tpu.memory_space<semaphore_mem>>) src(%dma_wait3A_19 : memref<128xi32, #tpu.memory_space<hbm>>) dst(%arg5 : memref<128xi32, #tpu.memory_space<vmem>>)
        tpu.yield
      }) : () -> ()
      %dma_start3A = arith.constant 0 : i32
      %dma_start3A_12 = arith.constant 0 : i32
      %dma_start3A_13 = tpu.memref_slice %arg2[%dma_start3A, %dma_start3A_12] : memref<50176x8xf32, #tpu.memory_space<hbm>> -> memref<50176x8xf32, #tpu.memory_space<hbm>>
      tpu.enqueue_indirect_dma source(%dma_start3A_13 : memref<50176x8xf32, #tpu.memory_space<hbm>>) target(%arg6 : memref<128x8xf32, #tpu.memory_space<vmem>>) offsets(%arg5 : memref<128xi32, #tpu.memory_space<vmem>>) semaphore(%arg7 : memref<!tpu.dma_semaphore, #tpu.memory_space<semaphore_mem>>)
      %dma_wait3A = arith.constant 0 : i32
      %dma_wait3A_14 = arith.constant 0 : i32
      %dma_wait3A_15 = tpu.memref_slice %arg2[%dma_wait3A, %dma_wait3A_14] : memref<50176x8xf32, #tpu.memory_space<hbm>> -> memref<50176x8xf32, #tpu.memory_space<hbm>>
      tpu.wait_indirect_dma semaphore(%arg7 : memref<!tpu.dma_semaphore, #tpu.memory_space<semaphore_mem>>) src(%dma_wait3A_15 : memref<50176x8xf32, #tpu.memory_space<hbm>>) dst(%arg6 : memref<128x8xf32, #tpu.memory_space<vmem>>)
      "tpu.region"() ({
        %run_scoped3A = tpu.sem_alloc : memref<!tpu.dma_semaphore, #tpu.memory_space<semaphore_mem>>
        %dma_start3A_16 = arith.constant 0 : i32
        %dma_start3A_17 = tpu.memref_slice %arg4[%add3A_11, %dma_start3A_16] : memref<802816x8xf32, #tpu.memory_space<hbm>> -> memref<128x8xf32, #tpu.memory_space<hbm>>
        %dma_start3A_18 = arith.constant 0 : i32
        %dma_start3A_19 = tpu.memref_slice %arg4[%add3A_11, %dma_start3A_18] : memref<802816x8xf32, #tpu.memory_space<hbm>> -> memref<128x8xf32, #tpu.memory_space<hbm>>
        tpu.enqueue_dma source(%arg6 : memref<128x8xf32, #tpu.memory_space<vmem>>) target(%dma_start3A_19 : memref<128x8xf32, #tpu.memory_space<hbm>>) target_semaphore(%run_scoped3A : memref<!tpu.dma_semaphore, #tpu.memory_space<semaphore_mem>>)
        %dma_wait3A_20 = arith.constant 0 : i32
        %dma_wait3A_21 = tpu.memref_slice %arg4[%add3A_11, %dma_wait3A_20] : memref<802816x8xf32, #tpu.memory_space<hbm>> -> memref<128x8xf32, #tpu.memory_space<hbm>>
        %dma_wait3A_22 = arith.constant 0 : i32
        %dma_wait3A_23 = tpu.memref_slice %arg4[%add3A_11, %dma_wait3A_22] : memref<802816x8xf32, #tpu.memory_space<hbm>> -> memref<128x8xf32, #tpu.memory_space<hbm>>
        tpu.wait_dma2 semaphore(%run_scoped3A : memref<!tpu.dma_semaphore, #tpu.memory_space<semaphore_mem>>) src(%arg6 : memref<128x8xf32, #tpu.memory_space<vmem>>) dst(%dma_wait3A_23 : memref<128x8xf32, #tpu.memory_space<hbm>>)
        tpu.yield
      }) : () -> ()
    }
    %scan3A_5 = arith.constant 196 : i32
    return
  }
}

#map = affine_map<(d0, d1) -> (0, 0)>
#map1 = affine_map<(d0, d1) -> (0)>
module attributes {stable_mosaic.version = 14 : i64} {
  func.func @k(%arg0: i32, %arg1: i32, %arg2: memref<50176x72xf32, #tpu.memory_space<hbm>>, %arg3: memref<802816xi32, #tpu.memory_space<hbm>>, %arg4: memref<802816x72xf32, #tpu.memory_space<hbm>>, %arg5: memref<128xi32, #tpu.memory_space<vmem>>, %arg6: memref<128x72xf32, #tpu.memory_space<vmem>>, %arg7: memref<!tpu.dma_semaphore, #tpu.memory_space<semaphore_mem>>) attributes {dimension_semantics = [#tpu.dimension_semantics<core_parallel>, #tpu.dimension_semantics<subcore_parallel>], iteration_bounds = array<i64: 2, 16>, scalar_prefetch = 0 : i64, scratch_operands = 3 : i64, tpu.core_type = #tpu.core_type<sc_vector_subcore>, window_params = [{transform_indices = #map}, {transform_indices = #map1}, {transform_indices = #map}]} {
    %mul3A = arith.constant 2 : i32
    %mul3A_0 = arith.muli %arg1, %mul3A : i32
    %add3A = arith.addi %mul3A_0, %arg0 : i32
    %scan3A = arith.constant 0 : i32
    %scan3A_1 = arith.constant 0 : i32
    %scan3A_2 = arith.constant 196 : i32
    %scan3A_3 = arith.addi %scan3A_1, %scan3A_2 : i32
    %scan3A_4 = arith.constant 1 : i32
    scf.for %scan3A_6 = %scan3A_1 to %scan3A_3 step %scan3A_4  : i32 {
      %mul3A_7 = arith.constant 25088 : i32
      %mul3A_8 = arith.muli %add3A, %mul3A_7 : i32
      %mul3A_9 = arith.constant 128 : i32
      %mul3A_10 = arith.muli %scan3A_6, %mul3A_9 : i32
      %add3A_11 = arith.addi %mul3A_8, %mul3A_10 : i32
      "tpu.region"() ({
        %run_scoped3A = tpu.sem_alloc : memref<!tpu.dma_semaphore, #tpu.memory_space<semaphore_mem>>
        %dma_start3A_16 = tpu.memref_slice %arg3[%add3A_11] : memref<802816xi32, #tpu.memory_space<hbm>> -> memref<128xi32, #tpu.memory_space<hbm>>
        %dma_start3A_17 = tpu.memref_slice %arg3[%add3A_11] : memref<802816xi32, #tpu.memory_space<hbm>> -> memref<128xi32, #tpu.memory_space<hbm>>
        tpu.enqueue_dma source(%dma_start3A_17 : memref<128xi32, #tpu.memory_space<hbm>>) target(%arg5 : memref<128xi32, #tpu.memory_space<vmem>>) target_semaphore(%run_scoped3A : memref<!tpu.dma_semaphore, #tpu.memory_space<semaphore_mem>>)
        %dma_wait3A_18 = tpu.memref_slice %arg3[%add3A_11] : memref<802816xi32, #tpu.memory_space<hbm>> -> memref<128xi32, #tpu.memory_space<hbm>>
        %dma_wait3A_19 = tpu.memref_slice %arg3[%add3A_11] : memref<802816xi32, #tpu.memory_space<hbm>> -> memref<128xi32, #tpu.memory_space<hbm>>
        tpu.wait_dma2 semaphore(%run_scoped3A : memref<!tpu.dma_semaphore, #tpu.memory_space<semaphore_mem>>) src(%dma_wait3A_19 : memref<128xi32, #tpu.memory_space<hbm>>) dst(%arg5 : memref<128xi32, #tpu.memory_space<vmem>>)
        tpu.yield
      }) : () -> ()
      %dma_start3A = arith.constant 0 : i32
      %dma_start3A_12 = arith.constant 0 : i32
      %dma_start3A_13 = tpu.memref_slice %arg2[%dma_start3A, %dma_start3A_12] : memref<50176x72xf32, #tpu.memory_space<hbm>> -> memref<50176x72xf32, #tpu.memory_space<hbm>>
      tpu.enqueue_indirect_dma source(%dma_start3A_13 : memref<50176x72xf32, #tpu.memory_space<hbm>>) target(%arg6 : memref<128x72xf32, #tpu.memory_space<vmem>>) offsets(%arg5 : memref<128xi32, #tpu.memory_space<vmem>>) semaphore(%arg7 : memref<!tpu.dma_semaphore, #tpu.memory_space<semaphore_mem>>)
      %dma_wait3A = arith.constant 0 : i32
      %dma_wait3A_14 = arith.constant 0 : i32
      %dma_wait3A_15 = tpu.memref_slice %arg2[%dma_wait3A, %dma_wait3A_14] : memref<50176x72xf32, #tpu.memory_space<hbm>> -> memref<50176x72xf32, #tpu.memory_space<hbm>>
      tpu.wait_indirect_dma semaphore(%arg7 : memref<!tpu.dma_semaphore, #tpu.memory_space<semaphore_mem>>) src(%dma_wait3A_15 : memref<50176x72xf32, #tpu.memory_space<hbm>>) dst(%arg6 : memref<128x72xf32, #tpu.memory_space<vmem>>)
      "tpu.region"() ({
        %run_scoped3A = tpu.sem_alloc : memref<!tpu.dma_semaphore, #tpu.memory_space<semaphore_mem>>
        %dma_start3A_16 = arith.constant 0 : i32
        %dma_start3A_17 = tpu.memref_slice %arg4[%add3A_11, %dma_start3A_16] : memref<802816x72xf32, #tpu.memory_space<hbm>> -> memref<128x72xf32, #tpu.memory_space<hbm>>
        %dma_start3A_18 = arith.constant 0 : i32
        %dma_start3A_19 = tpu.memref_slice %arg4[%add3A_11, %dma_start3A_18] : memref<802816x72xf32, #tpu.memory_space<hbm>> -> memref<128x72xf32, #tpu.memory_space<hbm>>
        tpu.enqueue_dma source(%arg6 : memref<128x72xf32, #tpu.memory_space<vmem>>) target(%dma_start3A_19 : memref<128x72xf32, #tpu.memory_space<hbm>>) target_semaphore(%run_scoped3A : memref<!tpu.dma_semaphore, #tpu.memory_space<semaphore_mem>>)
        %dma_wait3A_20 = arith.constant 0 : i32
        %dma_wait3A_21 = tpu.memref_slice %arg4[%add3A_11, %dma_wait3A_20] : memref<802816x72xf32, #tpu.memory_space<hbm>> -> memref<128x72xf32, #tpu.memory_space<hbm>>
        %dma_wait3A_22 = arith.constant 0 : i32
        %dma_wait3A_23 = tpu.memref_slice %arg4[%add3A_11, %dma_wait3A_22] : memref<802816x72xf32, #tpu.memory_space<hbm>> -> memref<128x72xf32, #tpu.memory_space<hbm>>
        tpu.wait_dma2 semaphore(%run_scoped3A : memref<!tpu.dma_semaphore, #tpu.memory_space<semaphore_mem>>) src(%arg6 : memref<128x72xf32, #tpu.memory_space<vmem>>) dst(%dma_wait3A_23 : memref<128x72xf32, #tpu.memory_space<hbm>>)
        tpu.yield
      }) : () -> ()
    }
    %scan3A_5 = arith.constant 196 : i32
    return
  }
}

#map = affine_map<(d0, d1) -> (0, 0)>
module attributes {stable_mosaic.version = 14 : i64} {
  func.func @k(%arg0: i32, %arg1: i32, %arg2: memref<2x802816xi32, #tpu.memory_space<hbm>>, %arg3: memref<802816x64xf32, #tpu.memory_space<hbm>>, %arg4: memref<25104x64xf32, #tpu.memory_space<hbm>>, %arg5: memref<50176x64xf32, #tpu.memory_space<hbm>>, %arg6: memref<128xi32, #tpu.memory_space<vmem>>, %arg7: memref<128x64xf32, #tpu.memory_space<vmem>>, %arg8: memref<25104x64xf32, #tpu.memory_space<vmem_shared>>) attributes {dimension_semantics = [#tpu.dimension_semantics<core_parallel>, #tpu.dimension_semantics<subcore_parallel>], iteration_bounds = array<i64: 2, 16>, scalar_prefetch = 0 : i64, scratch_operands = 3 : i64, tpu.core_type = #tpu.core_type<sc_vector_subcore>, window_params = [{transform_indices = #map}, {transform_indices = #map}, {transform_indices = #map}, {transform_indices = #map}]} {
    %eq3A = arith.constant 0 : i32
    %eq3A_0 = arith.cmpi eq, %arg1, %eq3A : i32
    %convert_element_type3A = arith.extui %eq3A_0 : i1 to i32
    %cond3A = arith.constant 0 : i32
    %cond3A_1 = arith.cmpi ne, %convert_element_type3A, %cond3A : i32
    scf.if %cond3A_1 {
      "tpu.region"() ({
        %run_scoped3A = tpu.sem_alloc : memref<!tpu.dma_semaphore, #tpu.memory_space<semaphore_mem>>
        tpu.enqueue_dma source(%arg4 : memref<25104x64xf32, #tpu.memory_space<hbm>>) target(%arg8 : memref<25104x64xf32, #tpu.memory_space<vmem_shared>>) target_semaphore(%run_scoped3A : memref<!tpu.dma_semaphore, #tpu.memory_space<semaphore_mem>>)
        tpu.wait_dma2 semaphore(%run_scoped3A : memref<!tpu.dma_semaphore, #tpu.memory_space<semaphore_mem>>) src(%arg4 : memref<25104x64xf32, #tpu.memory_space<hbm>>) dst(%arg8 : memref<25104x64xf32, #tpu.memory_space<vmem_shared>>)
        tpu.yield
      }) : () -> ()
    } else {
    }
    %barrier3A = arith.constant 0 : index
    tpu.barrier barrier_id(%barrier3A)
    %scan3A = arith.constant 0 : i32
    %scan3A_2 = arith.constant 0 : i32
    %scan3A_3 = arith.constant 392 : i32
    %scan3A_4 = arith.addi %scan3A_2, %scan3A_3 : i32
    %scan3A_5 = arith.constant 1 : i32
    scf.for %scan3A_13 = %scan3A_2 to %scan3A_4 step %scan3A_5  : i32 {
      %mul3A_14 = arith.constant 50176 : i32
      %mul3A_15 = arith.muli %arg1, %mul3A_14 : i32
      %mul3A_16 = arith.constant 128 : i32
      %mul3A_17 = arith.muli %scan3A_13, %mul3A_16 : i32
      %add3A_18 = arith.addi %mul3A_15, %mul3A_17 : i32
      "tpu.region"() ({
        %run_scoped3A = tpu.sem_alloc : memref<!tpu.dma_semaphore, #tpu.memory_space<semaphore_mem>>
        %dma_start3A = tpu.memref_slice %arg2[%arg0, %add3A_18] : memref<2x802816xi32, #tpu.memory_space<hbm>> -> memref<1x128xi32, #tpu.memory_space<hbm>>
        %dma_start3A_19 = tpu.memref_squeeze %dma_start3A : memref<1x128xi32, #tpu.memory_space<hbm>> -> memref<128xi32, #tpu.memory_space<hbm>>
        %dma_start3A_20 = tpu.memref_slice %arg2[%arg0, %add3A_18] : memref<2x802816xi32, #tpu.memory_space<hbm>> -> memref<1x128xi32, #tpu.memory_space<hbm>>
        %dma_start3A_21 = tpu.memref_squeeze %dma_start3A_20 : memref<1x128xi32, #tpu.memory_space<hbm>> -> memref<128xi32, #tpu.memory_space<hbm>>
        tpu.enqueue_dma source(%dma_start3A_21 : memref<128xi32, #tpu.memory_space<hbm>>) target(%arg6 : memref<128xi32, #tpu.memory_space<vmem>>) target_semaphore(%run_scoped3A : memref<!tpu.dma_semaphore, #tpu.memory_space<semaphore_mem>>)
        %dma_wait3A = tpu.memref_slice %arg2[%arg0, %add3A_18] : memref<2x802816xi32, #tpu.memory_space<hbm>> -> memref<1x128xi32, #tpu.memory_space<hbm>>
        %dma_wait3A_22 = tpu.memref_squeeze %dma_wait3A : memref<1x128xi32, #tpu.memory_space<hbm>> -> memref<128xi32, #tpu.memory_space<hbm>>
        %dma_wait3A_23 = tpu.memref_slice %arg2[%arg0, %add3A_18] : memref<2x802816xi32, #tpu.memory_space<hbm>> -> memref<1x128xi32, #tpu.memory_space<hbm>>
        %dma_wait3A_24 = tpu.memref_squeeze %dma_wait3A_23 : memref<1x128xi32, #tpu.memory_space<hbm>> -> memref<128xi32, #tpu.memory_space<hbm>>
        tpu.wait_dma2 semaphore(%run_scoped3A : memref<!tpu.dma_semaphore, #tpu.memory_space<semaphore_mem>>) src(%dma_wait3A_24 : memref<128xi32, #tpu.memory_space<hbm>>) dst(%arg6 : memref<128xi32, #tpu.memory_space<vmem>>)
        tpu.yield
      }) : () -> ()
      "tpu.region"() ({
        %run_scoped3A = tpu.sem_alloc : memref<!tpu.dma_semaphore, #tpu.memory_space<semaphore_mem>>
        %dma_start3A = arith.constant 0 : i32
        %dma_start3A_19 = tpu.memref_slice %arg3[%add3A_18, %dma_start3A] : memref<802816x64xf32, #tpu.memory_space<hbm>> -> memref<128x64xf32, #tpu.memory_space<hbm>>
        %dma_start3A_20 = arith.constant 0 : i32
        %dma_start3A_21 = tpu.memref_slice %arg3[%add3A_18, %dma_start3A_20] : memref<802816x64xf32, #tpu.memory_space<hbm>> -> memref<128x64xf32, #tpu.memory_space<hbm>>
        tpu.enqueue_dma source(%dma_start3A_21 : memref<128x64xf32, #tpu.memory_space<hbm>>) target(%arg7 : memref<128x64xf32, #tpu.memory_space<vmem>>) target_semaphore(%run_scoped3A : memref<!tpu.dma_semaphore, #tpu.memory_space<semaphore_mem>>)
        %dma_wait3A = arith.constant 0 : i32
        %dma_wait3A_22 = tpu.memref_slice %arg3[%add3A_18, %dma_wait3A] : memref<802816x64xf32, #tpu.memory_space<hbm>> -> memref<128x64xf32, #tpu.memory_space<hbm>>
        %dma_wait3A_23 = arith.constant 0 : i32
        %dma_wait3A_24 = tpu.memref_slice %arg3[%add3A_18, %dma_wait3A_23] : memref<802816x64xf32, #tpu.memory_space<hbm>> -> memref<128x64xf32, #tpu.memory_space<hbm>>
        tpu.wait_dma2 semaphore(%run_scoped3A : memref<!tpu.dma_semaphore, #tpu.memory_space<semaphore_mem>>) src(%dma_wait3A_24 : memref<128x64xf32, #tpu.memory_space<hbm>>) dst(%arg7 : memref<128x64xf32, #tpu.memory_space<vmem>>)
        tpu.yield
      }) : () -> ()
      "tpu.region"() ({
        %run_scoped3A = tpu.sem_alloc : memref<!tpu.dma_semaphore, #tpu.memory_space<semaphore_mem>>
        %dma_start3A = arith.constant 0 : i32
        %dma_start3A_19 = arith.constant 0 : i32
        %dma_start3A_20 = tpu.memref_slice %arg8[%dma_start3A, %dma_start3A_19] : memref<25104x64xf32, #tpu.memory_space<vmem_shared>> -> memref<25104x64xf32, #tpu.memory_space<vmem_shared>>
        tpu.enqueue_indirect_dma source(%arg7 : memref<128x64xf32, #tpu.memory_space<vmem>>) target(%dma_start3A_20 : memref<25104x64xf32, #tpu.memory_space<vmem_shared>>) offsets(%arg6 : memref<128xi32, #tpu.memory_space<vmem>>) semaphore(%run_scoped3A : memref<!tpu.dma_semaphore, #tpu.memory_space<semaphore_mem>>) {add = true}
        %dma_wait3A = arith.constant 0 : i32
        %dma_wait3A_21 = arith.constant 0 : i32
        %dma_wait3A_22 = tpu.memref_slice %arg8[%dma_wait3A, %dma_wait3A_21] : memref<25104x64xf32, #tpu.memory_space<vmem_shared>> -> memref<25104x64xf32, #tpu.memory_space<vmem_shared>>
        tpu.wait_indirect_dma semaphore(%run_scoped3A : memref<!tpu.dma_semaphore, #tpu.memory_space<semaphore_mem>>) src(%arg7 : memref<128x64xf32, #tpu.memory_space<vmem>>) dst(%dma_wait3A_22 : memref<25104x64xf32, #tpu.memory_space<vmem_shared>>)
        tpu.yield
      }) : () -> ()
    }
    %scan3A_6 = arith.constant 392 : i32
    %barrier3A_7 = arith.constant 0 : index
    tpu.barrier barrier_id(%barrier3A_7)
    %mul3A = arith.constant 1568 : i32
    %mul3A_8 = arith.muli %arg1, %mul3A : i32
    %mul3A_9 = arith.constant 25088 : i32
    %mul3A_10 = arith.muli %arg0, %mul3A_9 : i32
    %mul3A_11 = arith.constant 1568 : i32
    %mul3A_12 = arith.muli %arg1, %mul3A_11 : i32
    %add3A = arith.addi %mul3A_10, %mul3A_12 : i32
    "tpu.region"() ({
      %run_scoped3A = tpu.sem_alloc : memref<!tpu.dma_semaphore, #tpu.memory_space<semaphore_mem>>
      %dma_start3A = arith.constant 0 : i32
      %dma_start3A_13 = tpu.memref_slice %arg5[%add3A, %dma_start3A] : memref<50176x64xf32, #tpu.memory_space<hbm>> -> memref<1568x64xf32, #tpu.memory_space<hbm>>
      %dma_start3A_14 = arith.constant 0 : i32
      %dma_start3A_15 = tpu.memref_slice %arg8[%mul3A_8, %dma_start3A_14] : memref<25104x64xf32, #tpu.memory_space<vmem_shared>> -> memref<1568x64xf32, #tpu.memory_space<vmem_shared>>
      tpu.enqueue_dma source(%dma_start3A_15 : memref<1568x64xf32, #tpu.memory_space<vmem_shared>>) target(%dma_start3A_13 : memref<1568x64xf32, #tpu.memory_space<hbm>>) target_semaphore(%run_scoped3A : memref<!tpu.dma_semaphore, #tpu.memory_space<semaphore_mem>>)
      %dma_wait3A = arith.constant 0 : i32
      %dma_wait3A_16 = tpu.memref_slice %arg5[%add3A, %dma_wait3A] : memref<50176x64xf32, #tpu.memory_space<hbm>> -> memref<1568x64xf32, #tpu.memory_space<hbm>>
      %dma_wait3A_17 = arith.constant 0 : i32
      %dma_wait3A_18 = tpu.memref_slice %arg8[%mul3A_8, %dma_wait3A_17] : memref<25104x64xf32, #tpu.memory_space<vmem_shared>> -> memref<1568x64xf32, #tpu.memory_space<vmem_shared>>
      tpu.wait_dma2 semaphore(%run_scoped3A : memref<!tpu.dma_semaphore, #tpu.memory_space<semaphore_mem>>) src(%dma_wait3A_18 : memref<1568x64xf32, #tpu.memory_space<vmem_shared>>) dst(%dma_wait3A_16 : memref<1568x64xf32, #tpu.memory_space<hbm>>)
      tpu.yield
    }) : () -> ()
    return
  }
}

#map = affine_map<(d0, d1) -> (0, 0)>
module attributes {stable_mosaic.version = 14 : i64} {
  func.func @k(%arg0: i32, %arg1: i32, %arg2: memref<2x802816xi32, #tpu.memory_space<hbm>>, %arg3: memref<802816x8xf32, #tpu.memory_space<hbm>>, %arg4: memref<25104x8xf32, #tpu.memory_space<hbm>>, %arg5: memref<50176x8xf32, #tpu.memory_space<hbm>>, %arg6: memref<128xi32, #tpu.memory_space<vmem>>, %arg7: memref<128x8xf32, #tpu.memory_space<vmem>>, %arg8: memref<25104x8xf32, #tpu.memory_space<vmem_shared>>) attributes {dimension_semantics = [#tpu.dimension_semantics<core_parallel>, #tpu.dimension_semantics<subcore_parallel>], iteration_bounds = array<i64: 2, 16>, scalar_prefetch = 0 : i64, scratch_operands = 3 : i64, tpu.core_type = #tpu.core_type<sc_vector_subcore>, window_params = [{transform_indices = #map}, {transform_indices = #map}, {transform_indices = #map}, {transform_indices = #map}]} {
    %eq3A = arith.constant 0 : i32
    %eq3A_0 = arith.cmpi eq, %arg1, %eq3A : i32
    %convert_element_type3A = arith.extui %eq3A_0 : i1 to i32
    %cond3A = arith.constant 0 : i32
    %cond3A_1 = arith.cmpi ne, %convert_element_type3A, %cond3A : i32
    scf.if %cond3A_1 {
      "tpu.region"() ({
        %run_scoped3A = tpu.sem_alloc : memref<!tpu.dma_semaphore, #tpu.memory_space<semaphore_mem>>
        tpu.enqueue_dma source(%arg4 : memref<25104x8xf32, #tpu.memory_space<hbm>>) target(%arg8 : memref<25104x8xf32, #tpu.memory_space<vmem_shared>>) target_semaphore(%run_scoped3A : memref<!tpu.dma_semaphore, #tpu.memory_space<semaphore_mem>>)
        tpu.wait_dma2 semaphore(%run_scoped3A : memref<!tpu.dma_semaphore, #tpu.memory_space<semaphore_mem>>) src(%arg4 : memref<25104x8xf32, #tpu.memory_space<hbm>>) dst(%arg8 : memref<25104x8xf32, #tpu.memory_space<vmem_shared>>)
        tpu.yield
      }) : () -> ()
    } else {
    }
    %barrier3A = arith.constant 0 : index
    tpu.barrier barrier_id(%barrier3A)
    %scan3A = arith.constant 0 : i32
    %scan3A_2 = arith.constant 0 : i32
    %scan3A_3 = arith.constant 392 : i32
    %scan3A_4 = arith.addi %scan3A_2, %scan3A_3 : i32
    %scan3A_5 = arith.constant 1 : i32
    scf.for %scan3A_13 = %scan3A_2 to %scan3A_4 step %scan3A_5  : i32 {
      %mul3A_14 = arith.constant 50176 : i32
      %mul3A_15 = arith.muli %arg1, %mul3A_14 : i32
      %mul3A_16 = arith.constant 128 : i32
      %mul3A_17 = arith.muli %scan3A_13, %mul3A_16 : i32
      %add3A_18 = arith.addi %mul3A_15, %mul3A_17 : i32
      "tpu.region"() ({
        %run_scoped3A = tpu.sem_alloc : memref<!tpu.dma_semaphore, #tpu.memory_space<semaphore_mem>>
        %dma_start3A = tpu.memref_slice %arg2[%arg0, %add3A_18] : memref<2x802816xi32, #tpu.memory_space<hbm>> -> memref<1x128xi32, #tpu.memory_space<hbm>>
        %dma_start3A_19 = tpu.memref_squeeze %dma_start3A : memref<1x128xi32, #tpu.memory_space<hbm>> -> memref<128xi32, #tpu.memory_space<hbm>>
        %dma_start3A_20 = tpu.memref_slice %arg2[%arg0, %add3A_18] : memref<2x802816xi32, #tpu.memory_space<hbm>> -> memref<1x128xi32, #tpu.memory_space<hbm>>
        %dma_start3A_21 = tpu.memref_squeeze %dma_start3A_20 : memref<1x128xi32, #tpu.memory_space<hbm>> -> memref<128xi32, #tpu.memory_space<hbm>>
        tpu.enqueue_dma source(%dma_start3A_21 : memref<128xi32, #tpu.memory_space<hbm>>) target(%arg6 : memref<128xi32, #tpu.memory_space<vmem>>) target_semaphore(%run_scoped3A : memref<!tpu.dma_semaphore, #tpu.memory_space<semaphore_mem>>)
        %dma_wait3A = tpu.memref_slice %arg2[%arg0, %add3A_18] : memref<2x802816xi32, #tpu.memory_space<hbm>> -> memref<1x128xi32, #tpu.memory_space<hbm>>
        %dma_wait3A_22 = tpu.memref_squeeze %dma_wait3A : memref<1x128xi32, #tpu.memory_space<hbm>> -> memref<128xi32, #tpu.memory_space<hbm>>
        %dma_wait3A_23 = tpu.memref_slice %arg2[%arg0, %add3A_18] : memref<2x802816xi32, #tpu.memory_space<hbm>> -> memref<1x128xi32, #tpu.memory_space<hbm>>
        %dma_wait3A_24 = tpu.memref_squeeze %dma_wait3A_23 : memref<1x128xi32, #tpu.memory_space<hbm>> -> memref<128xi32, #tpu.memory_space<hbm>>
        tpu.wait_dma2 semaphore(%run_scoped3A : memref<!tpu.dma_semaphore, #tpu.memory_space<semaphore_mem>>) src(%dma_wait3A_24 : memref<128xi32, #tpu.memory_space<hbm>>) dst(%arg6 : memref<128xi32, #tpu.memory_space<vmem>>)
        tpu.yield
      }) : () -> ()
      "tpu.region"() ({
        %run_scoped3A = tpu.sem_alloc : memref<!tpu.dma_semaphore, #tpu.memory_space<semaphore_mem>>
        %dma_start3A = arith.constant 0 : i32
        %dma_start3A_19 = tpu.memref_slice %arg3[%add3A_18, %dma_start3A] : memref<802816x8xf32, #tpu.memory_space<hbm>> -> memref<128x8xf32, #tpu.memory_space<hbm>>
        %dma_start3A_20 = arith.constant 0 : i32
        %dma_start3A_21 = tpu.memref_slice %arg3[%add3A_18, %dma_start3A_20] : memref<802816x8xf32, #tpu.memory_space<hbm>> -> memref<128x8xf32, #tpu.memory_space<hbm>>
        tpu.enqueue_dma source(%dma_start3A_21 : memref<128x8xf32, #tpu.memory_space<hbm>>) target(%arg7 : memref<128x8xf32, #tpu.memory_space<vmem>>) target_semaphore(%run_scoped3A : memref<!tpu.dma_semaphore, #tpu.memory_space<semaphore_mem>>)
        %dma_wait3A = arith.constant 0 : i32
        %dma_wait3A_22 = tpu.memref_slice %arg3[%add3A_18, %dma_wait3A] : memref<802816x8xf32, #tpu.memory_space<hbm>> -> memref<128x8xf32, #tpu.memory_space<hbm>>
        %dma_wait3A_23 = arith.constant 0 : i32
        %dma_wait3A_24 = tpu.memref_slice %arg3[%add3A_18, %dma_wait3A_23] : memref<802816x8xf32, #tpu.memory_space<hbm>> -> memref<128x8xf32, #tpu.memory_space<hbm>>
        tpu.wait_dma2 semaphore(%run_scoped3A : memref<!tpu.dma_semaphore, #tpu.memory_space<semaphore_mem>>) src(%dma_wait3A_24 : memref<128x8xf32, #tpu.memory_space<hbm>>) dst(%arg7 : memref<128x8xf32, #tpu.memory_space<vmem>>)
        tpu.yield
      }) : () -> ()
      "tpu.region"() ({
        %run_scoped3A = tpu.sem_alloc : memref<!tpu.dma_semaphore, #tpu.memory_space<semaphore_mem>>
        %dma_start3A = arith.constant 0 : i32
        %dma_start3A_19 = arith.constant 0 : i32
        %dma_start3A_20 = tpu.memref_slice %arg8[%dma_start3A, %dma_start3A_19] : memref<25104x8xf32, #tpu.memory_space<vmem_shared>> -> memref<25104x8xf32, #tpu.memory_space<vmem_shared>>
        tpu.enqueue_indirect_dma source(%arg7 : memref<128x8xf32, #tpu.memory_space<vmem>>) target(%dma_start3A_20 : memref<25104x8xf32, #tpu.memory_space<vmem_shared>>) offsets(%arg6 : memref<128xi32, #tpu.memory_space<vmem>>) semaphore(%run_scoped3A : memref<!tpu.dma_semaphore, #tpu.memory_space<semaphore_mem>>) {add = true}
        %dma_wait3A = arith.constant 0 : i32
        %dma_wait3A_21 = arith.constant 0 : i32
        %dma_wait3A_22 = tpu.memref_slice %arg8[%dma_wait3A, %dma_wait3A_21] : memref<25104x8xf32, #tpu.memory_space<vmem_shared>> -> memref<25104x8xf32, #tpu.memory_space<vmem_shared>>
        tpu.wait_indirect_dma semaphore(%run_scoped3A : memref<!tpu.dma_semaphore, #tpu.memory_space<semaphore_mem>>) src(%arg7 : memref<128x8xf32, #tpu.memory_space<vmem>>) dst(%dma_wait3A_22 : memref<25104x8xf32, #tpu.memory_space<vmem_shared>>)
        tpu.yield
      }) : () -> ()
    }
    %scan3A_6 = arith.constant 392 : i32
    %barrier3A_7 = arith.constant 0 : index
    tpu.barrier barrier_id(%barrier3A_7)
    %mul3A = arith.constant 1568 : i32
    %mul3A_8 = arith.muli %arg1, %mul3A : i32
    %mul3A_9 = arith.constant 25088 : i32
    %mul3A_10 = arith.muli %arg0, %mul3A_9 : i32
    %mul3A_11 = arith.constant 1568 : i32
    %mul3A_12 = arith.muli %arg1, %mul3A_11 : i32
    %add3A = arith.addi %mul3A_10, %mul3A_12 : i32
    "tpu.region"() ({
      %run_scoped3A = tpu.sem_alloc : memref<!tpu.dma_semaphore, #tpu.memory_space<semaphore_mem>>
      %dma_start3A = arith.constant 0 : i32
      %dma_start3A_13 = tpu.memref_slice %arg5[%add3A, %dma_start3A] : memref<50176x8xf32, #tpu.memory_space<hbm>> -> memref<1568x8xf32, #tpu.memory_space<hbm>>
      %dma_start3A_14 = arith.constant 0 : i32
      %dma_start3A_15 = tpu.memref_slice %arg8[%mul3A_8, %dma_start3A_14] : memref<25104x8xf32, #tpu.memory_space<vmem_shared>> -> memref<1568x8xf32, #tpu.memory_space<vmem_shared>>
      tpu.enqueue_dma source(%dma_start3A_15 : memref<1568x8xf32, #tpu.memory_space<vmem_shared>>) target(%dma_start3A_13 : memref<1568x8xf32, #tpu.memory_space<hbm>>) target_semaphore(%run_scoped3A : memref<!tpu.dma_semaphore, #tpu.memory_space<semaphore_mem>>)
      %dma_wait3A = arith.constant 0 : i32
      %dma_wait3A_16 = tpu.memref_slice %arg5[%add3A, %dma_wait3A] : memref<50176x8xf32, #tpu.memory_space<hbm>> -> memref<1568x8xf32, #tpu.memory_space<hbm>>
      %dma_wait3A_17 = arith.constant 0 : i32
      %dma_wait3A_18 = tpu.memref_slice %arg8[%mul3A_8, %dma_wait3A_17] : memref<25104x8xf32, #tpu.memory_space<vmem_shared>> -> memref<1568x8xf32, #tpu.memory_space<vmem_shared>>
      tpu.wait_dma2 semaphore(%run_scoped3A : memref<!tpu.dma_semaphore, #tpu.memory_space<semaphore_mem>>) src(%dma_wait3A_18 : memref<1568x8xf32, #tpu.memory_space<vmem_shared>>) dst(%dma_wait3A_16 : memref<1568x8xf32, #tpu.memory_space<hbm>>)
      tpu.yield
    }) : () -> ()
    return
  }
}

#map = affine_map<(d0, d1) -> (0, 0)>
#map1 = affine_map<(d0, d1) -> (0)>
module attributes {stable_mosaic.version = 14 : i64} {
  func.func @k(%arg0: i32, %arg1: i32, %arg2: memref<50176x72xf32, #tpu.memory_space<hbm>>, %arg3: memref<802816xi32, #tpu.memory_space<hbm>>, %arg4: memref<802816x72xf32, #tpu.memory_space<hbm>>, %arg5: memref<128xi32, #tpu.memory_space<vmem>>, %arg6: memref<128x72xf32, #tpu.memory_space<vmem>>, %arg7: memref<!tpu.dma_semaphore, #tpu.memory_space<semaphore_mem>>) attributes {dimension_semantics = [#tpu.dimension_semantics<core_parallel>, #tpu.dimension_semantics<subcore_parallel>], iteration_bounds = array<i64: 2, 16>, scalar_prefetch = 0 : i64, scratch_operands = 3 : i64, tpu.core_type = #tpu.core_type<sc_vector_subcore>, window_params = [{transform_indices = #map}, {transform_indices = #map1}, {transform_indices = #map}]} {
    %mul3A = arith.constant 2 : i32
    %mul3A_0 = arith.muli %arg1, %mul3A : i32
    %add3A = arith.addi %mul3A_0, %arg0 : i32
    %scan3A = arith.constant 0 : i32
    %scan3A_1 = arith.constant 0 : i32
    %scan3A_2 = arith.constant 196 : i32
    %scan3A_3 = arith.addi %scan3A_1, %scan3A_2 : i32
    %scan3A_4 = arith.constant 1 : i32
    scf.for %scan3A_6 = %scan3A_1 to %scan3A_3 step %scan3A_4  : i32 {
      %mul3A_7 = arith.constant 25088 : i32
      %mul3A_8 = arith.muli %add3A, %mul3A_7 : i32
      %mul3A_9 = arith.constant 128 : i32
      %mul3A_10 = arith.muli %scan3A_6, %mul3A_9 : i32
      %add3A_11 = arith.addi %mul3A_8, %mul3A_10 : i32
      "tpu.region"() ({
        %run_scoped3A = tpu.sem_alloc : memref<!tpu.dma_semaphore, #tpu.memory_space<semaphore_mem>>
        %dma_start3A_16 = tpu.memref_slice %arg3[%add3A_11] : memref<802816xi32, #tpu.memory_space<hbm>> -> memref<128xi32, #tpu.memory_space<hbm>>
        %dma_start3A_17 = tpu.memref_slice %arg3[%add3A_11] : memref<802816xi32, #tpu.memory_space<hbm>> -> memref<128xi32, #tpu.memory_space<hbm>>
        tpu.enqueue_dma source(%dma_start3A_17 : memref<128xi32, #tpu.memory_space<hbm>>) target(%arg5 : memref<128xi32, #tpu.memory_space<vmem>>) target_semaphore(%run_scoped3A : memref<!tpu.dma_semaphore, #tpu.memory_space<semaphore_mem>>)
        %dma_wait3A_18 = tpu.memref_slice %arg3[%add3A_11] : memref<802816xi32, #tpu.memory_space<hbm>> -> memref<128xi32, #tpu.memory_space<hbm>>
        %dma_wait3A_19 = tpu.memref_slice %arg3[%add3A_11] : memref<802816xi32, #tpu.memory_space<hbm>> -> memref<128xi32, #tpu.memory_space<hbm>>
        tpu.wait_dma2 semaphore(%run_scoped3A : memref<!tpu.dma_semaphore, #tpu.memory_space<semaphore_mem>>) src(%dma_wait3A_19 : memref<128xi32, #tpu.memory_space<hbm>>) dst(%arg5 : memref<128xi32, #tpu.memory_space<vmem>>)
        tpu.yield
      }) : () -> ()
      %dma_start3A = arith.constant 0 : i32
      %dma_start3A_12 = arith.constant 0 : i32
      %dma_start3A_13 = tpu.memref_slice %arg2[%dma_start3A, %dma_start3A_12] : memref<50176x72xf32, #tpu.memory_space<hbm>> -> memref<50176x72xf32, #tpu.memory_space<hbm>>
      tpu.enqueue_indirect_dma source(%dma_start3A_13 : memref<50176x72xf32, #tpu.memory_space<hbm>>) target(%arg6 : memref<128x72xf32, #tpu.memory_space<vmem>>) offsets(%arg5 : memref<128xi32, #tpu.memory_space<vmem>>) semaphore(%arg7 : memref<!tpu.dma_semaphore, #tpu.memory_space<semaphore_mem>>)
      %dma_wait3A = arith.constant 0 : i32
      %dma_wait3A_14 = arith.constant 0 : i32
      %dma_wait3A_15 = tpu.memref_slice %arg2[%dma_wait3A, %dma_wait3A_14] : memref<50176x72xf32, #tpu.memory_space<hbm>> -> memref<50176x72xf32, #tpu.memory_space<hbm>>
      tpu.wait_indirect_dma semaphore(%arg7 : memref<!tpu.dma_semaphore, #tpu.memory_space<semaphore_mem>>) src(%dma_wait3A_15 : memref<50176x72xf32, #tpu.memory_space<hbm>>) dst(%arg6 : memref<128x72xf32, #tpu.memory_space<vmem>>)
      "tpu.region"() ({
        %run_scoped3A = tpu.sem_alloc : memref<!tpu.dma_semaphore, #tpu.memory_space<semaphore_mem>>
        %dma_start3A_16 = arith.constant 0 : i32
        %dma_start3A_17 = tpu.memref_slice %arg4[%add3A_11, %dma_start3A_16] : memref<802816x72xf32, #tpu.memory_space<hbm>> -> memref<128x72xf32, #tpu.memory_space<hbm>>
        %dma_start3A_18 = arith.constant 0 : i32
        %dma_start3A_19 = tpu.memref_slice %arg4[%add3A_11, %dma_start3A_18] : memref<802816x72xf32, #tpu.memory_space<hbm>> -> memref<128x72xf32, #tpu.memory_space<hbm>>
        tpu.enqueue_dma source(%arg6 : memref<128x72xf32, #tpu.memory_space<vmem>>) target(%dma_start3A_19 : memref<128x72xf32, #tpu.memory_space<hbm>>) target_semaphore(%run_scoped3A : memref<!tpu.dma_semaphore, #tpu.memory_space<semaphore_mem>>)
        %dma_wait3A_20 = arith.constant 0 : i32
        %dma_wait3A_21 = tpu.memref_slice %arg4[%add3A_11, %dma_wait3A_20] : memref<802816x72xf32, #tpu.memory_space<hbm>> -> memref<128x72xf32, #tpu.memory_space<hbm>>
        %dma_wait3A_22 = arith.constant 0 : i32
        %dma_wait3A_23 = tpu.memref_slice %arg4[%add3A_11, %dma_wait3A_22] : memref<802816x72xf32, #tpu.memory_space<hbm>> -> memref<128x72xf32, #tpu.memory_space<hbm>>
        tpu.wait_dma2 semaphore(%run_scoped3A : memref<!tpu.dma_semaphore, #tpu.memory_space<semaphore_mem>>) src(%arg6 : memref<128x72xf32, #tpu.memory_space<vmem>>) dst(%dma_wait3A_23 : memref<128x72xf32, #tpu.memory_space<hbm>>)
        tpu.yield
      }) : () -> ()
    }
    %scan3A_5 = arith.constant 196 : i32
    return
  }
}

#map = affine_map<(d0, d1) -> (0, 0)>
#map1 = affine_map<(d0, d1) -> (0)>
module attributes {stable_mosaic.version = 14 : i64} {
  func.func @k(%arg0: i32, %arg1: i32, %arg2: memref<50176x8xf32, #tpu.memory_space<hbm>>, %arg3: memref<802816xi32, #tpu.memory_space<hbm>>, %arg4: memref<802816x8xf32, #tpu.memory_space<hbm>>, %arg5: memref<128xi32, #tpu.memory_space<vmem>>, %arg6: memref<128x8xf32, #tpu.memory_space<vmem>>, %arg7: memref<!tpu.dma_semaphore, #tpu.memory_space<semaphore_mem>>) attributes {dimension_semantics = [#tpu.dimension_semantics<core_parallel>, #tpu.dimension_semantics<subcore_parallel>], iteration_bounds = array<i64: 2, 16>, scalar_prefetch = 0 : i64, scratch_operands = 3 : i64, tpu.core_type = #tpu.core_type<sc_vector_subcore>, window_params = [{transform_indices = #map}, {transform_indices = #map1}, {transform_indices = #map}]} {
    %mul3A = arith.constant 2 : i32
    %mul3A_0 = arith.muli %arg1, %mul3A : i32
    %add3A = arith.addi %mul3A_0, %arg0 : i32
    %scan3A = arith.constant 0 : i32
    %scan3A_1 = arith.constant 0 : i32
    %scan3A_2 = arith.constant 196 : i32
    %scan3A_3 = arith.addi %scan3A_1, %scan3A_2 : i32
    %scan3A_4 = arith.constant 1 : i32
    scf.for %scan3A_6 = %scan3A_1 to %scan3A_3 step %scan3A_4  : i32 {
      %mul3A_7 = arith.constant 25088 : i32
      %mul3A_8 = arith.muli %add3A, %mul3A_7 : i32
      %mul3A_9 = arith.constant 128 : i32
      %mul3A_10 = arith.muli %scan3A_6, %mul3A_9 : i32
      %add3A_11 = arith.addi %mul3A_8, %mul3A_10 : i32
      "tpu.region"() ({
        %run_scoped3A = tpu.sem_alloc : memref<!tpu.dma_semaphore, #tpu.memory_space<semaphore_mem>>
        %dma_start3A_16 = tpu.memref_slice %arg3[%add3A_11] : memref<802816xi32, #tpu.memory_space<hbm>> -> memref<128xi32, #tpu.memory_space<hbm>>
        %dma_start3A_17 = tpu.memref_slice %arg3[%add3A_11] : memref<802816xi32, #tpu.memory_space<hbm>> -> memref<128xi32, #tpu.memory_space<hbm>>
        tpu.enqueue_dma source(%dma_start3A_17 : memref<128xi32, #tpu.memory_space<hbm>>) target(%arg5 : memref<128xi32, #tpu.memory_space<vmem>>) target_semaphore(%run_scoped3A : memref<!tpu.dma_semaphore, #tpu.memory_space<semaphore_mem>>)
        %dma_wait3A_18 = tpu.memref_slice %arg3[%add3A_11] : memref<802816xi32, #tpu.memory_space<hbm>> -> memref<128xi32, #tpu.memory_space<hbm>>
        %dma_wait3A_19 = tpu.memref_slice %arg3[%add3A_11] : memref<802816xi32, #tpu.memory_space<hbm>> -> memref<128xi32, #tpu.memory_space<hbm>>
        tpu.wait_dma2 semaphore(%run_scoped3A : memref<!tpu.dma_semaphore, #tpu.memory_space<semaphore_mem>>) src(%dma_wait3A_19 : memref<128xi32, #tpu.memory_space<hbm>>) dst(%arg5 : memref<128xi32, #tpu.memory_space<vmem>>)
        tpu.yield
      }) : () -> ()
      %dma_start3A = arith.constant 0 : i32
      %dma_start3A_12 = arith.constant 0 : i32
      %dma_start3A_13 = tpu.memref_slice %arg2[%dma_start3A, %dma_start3A_12] : memref<50176x8xf32, #tpu.memory_space<hbm>> -> memref<50176x8xf32, #tpu.memory_space<hbm>>
      tpu.enqueue_indirect_dma source(%dma_start3A_13 : memref<50176x8xf32, #tpu.memory_space<hbm>>) target(%arg6 : memref<128x8xf32, #tpu.memory_space<vmem>>) offsets(%arg5 : memref<128xi32, #tpu.memory_space<vmem>>) semaphore(%arg7 : memref<!tpu.dma_semaphore, #tpu.memory_space<semaphore_mem>>)
      %dma_wait3A = arith.constant 0 : i32
      %dma_wait3A_14 = arith.constant 0 : i32
      %dma_wait3A_15 = tpu.memref_slice %arg2[%dma_wait3A, %dma_wait3A_14] : memref<50176x8xf32, #tpu.memory_space<hbm>> -> memref<50176x8xf32, #tpu.memory_space<hbm>>
      tpu.wait_indirect_dma semaphore(%arg7 : memref<!tpu.dma_semaphore, #tpu.memory_space<semaphore_mem>>) src(%dma_wait3A_15 : memref<50176x8xf32, #tpu.memory_space<hbm>>) dst(%arg6 : memref<128x8xf32, #tpu.memory_space<vmem>>)
      "tpu.region"() ({
        %run_scoped3A = tpu.sem_alloc : memref<!tpu.dma_semaphore, #tpu.memory_space<semaphore_mem>>
        %dma_start3A_16 = arith.constant 0 : i32
        %dma_start3A_17 = tpu.memref_slice %arg4[%add3A_11, %dma_start3A_16] : memref<802816x8xf32, #tpu.memory_space<hbm>> -> memref<128x8xf32, #tpu.memory_space<hbm>>
        %dma_start3A_18 = arith.constant 0 : i32
        %dma_start3A_19 = tpu.memref_slice %arg4[%add3A_11, %dma_start3A_18] : memref<802816x8xf32, #tpu.memory_space<hbm>> -> memref<128x8xf32, #tpu.memory_space<hbm>>
        tpu.enqueue_dma source(%arg6 : memref<128x8xf32, #tpu.memory_space<vmem>>) target(%dma_start3A_19 : memref<128x8xf32, #tpu.memory_space<hbm>>) target_semaphore(%run_scoped3A : memref<!tpu.dma_semaphore, #tpu.memory_space<semaphore_mem>>)
        %dma_wait3A_20 = arith.constant 0 : i32
        %dma_wait3A_21 = tpu.memref_slice %arg4[%add3A_11, %dma_wait3A_20] : memref<802816x8xf32, #tpu.memory_space<hbm>> -> memref<128x8xf32, #tpu.memory_space<hbm>>
        %dma_wait3A_22 = arith.constant 0 : i32
        %dma_wait3A_23 = tpu.memref_slice %arg4[%add3A_11, %dma_wait3A_22] : memref<802816x8xf32, #tpu.memory_space<hbm>> -> memref<128x8xf32, #tpu.memory_space<hbm>>
        tpu.wait_dma2 semaphore(%run_scoped3A : memref<!tpu.dma_semaphore, #tpu.memory_space<semaphore_mem>>) src(%arg6 : memref<128x8xf32, #tpu.memory_space<vmem>>) dst(%dma_wait3A_23 : memref<128x8xf32, #tpu.memory_space<hbm>>)
        tpu.yield
      }) : () -> ()
    }
    %scan3A_5 = arith.constant 196 : i32
    return
  }
}

#map = affine_map<(d0, d1) -> (0, 0)>
module attributes {stable_mosaic.version = 14 : i64} {
  func.func @k(%arg0: i32, %arg1: i32, %arg2: memref<2x802816xi32, #tpu.memory_space<hbm>>, %arg3: memref<802816x64xf32, #tpu.memory_space<hbm>>, %arg4: memref<25104x64xf32, #tpu.memory_space<hbm>>, %arg5: memref<50176x64xf32, #tpu.memory_space<hbm>>, %arg6: memref<128xi32, #tpu.memory_space<vmem>>, %arg7: memref<128x64xf32, #tpu.memory_space<vmem>>, %arg8: memref<25104x64xf32, #tpu.memory_space<vmem_shared>>) attributes {dimension_semantics = [#tpu.dimension_semantics<core_parallel>, #tpu.dimension_semantics<subcore_parallel>], iteration_bounds = array<i64: 2, 16>, scalar_prefetch = 0 : i64, scratch_operands = 3 : i64, tpu.core_type = #tpu.core_type<sc_vector_subcore>, window_params = [{transform_indices = #map}, {transform_indices = #map}, {transform_indices = #map}, {transform_indices = #map}]} {
    %eq3A = arith.constant 0 : i32
    %eq3A_0 = arith.cmpi eq, %arg1, %eq3A : i32
    %convert_element_type3A = arith.extui %eq3A_0 : i1 to i32
    %cond3A = arith.constant 0 : i32
    %cond3A_1 = arith.cmpi ne, %convert_element_type3A, %cond3A : i32
    scf.if %cond3A_1 {
      "tpu.region"() ({
        %run_scoped3A = tpu.sem_alloc : memref<!tpu.dma_semaphore, #tpu.memory_space<semaphore_mem>>
        tpu.enqueue_dma source(%arg4 : memref<25104x64xf32, #tpu.memory_space<hbm>>) target(%arg8 : memref<25104x64xf32, #tpu.memory_space<vmem_shared>>) target_semaphore(%run_scoped3A : memref<!tpu.dma_semaphore, #tpu.memory_space<semaphore_mem>>)
        tpu.wait_dma2 semaphore(%run_scoped3A : memref<!tpu.dma_semaphore, #tpu.memory_space<semaphore_mem>>) src(%arg4 : memref<25104x64xf32, #tpu.memory_space<hbm>>) dst(%arg8 : memref<25104x64xf32, #tpu.memory_space<vmem_shared>>)
        tpu.yield
      }) : () -> ()
    } else {
    }
    %barrier3A = arith.constant 0 : index
    tpu.barrier barrier_id(%barrier3A)
    %scan3A = arith.constant 0 : i32
    %scan3A_2 = arith.constant 0 : i32
    %scan3A_3 = arith.constant 392 : i32
    %scan3A_4 = arith.addi %scan3A_2, %scan3A_3 : i32
    %scan3A_5 = arith.constant 1 : i32
    scf.for %scan3A_13 = %scan3A_2 to %scan3A_4 step %scan3A_5  : i32 {
      %mul3A_14 = arith.constant 50176 : i32
      %mul3A_15 = arith.muli %arg1, %mul3A_14 : i32
      %mul3A_16 = arith.constant 128 : i32
      %mul3A_17 = arith.muli %scan3A_13, %mul3A_16 : i32
      %add3A_18 = arith.addi %mul3A_15, %mul3A_17 : i32
      "tpu.region"() ({
        %run_scoped3A = tpu.sem_alloc : memref<!tpu.dma_semaphore, #tpu.memory_space<semaphore_mem>>
        %dma_start3A = tpu.memref_slice %arg2[%arg0, %add3A_18] : memref<2x802816xi32, #tpu.memory_space<hbm>> -> memref<1x128xi32, #tpu.memory_space<hbm>>
        %dma_start3A_19 = tpu.memref_squeeze %dma_start3A : memref<1x128xi32, #tpu.memory_space<hbm>> -> memref<128xi32, #tpu.memory_space<hbm>>
        %dma_start3A_20 = tpu.memref_slice %arg2[%arg0, %add3A_18] : memref<2x802816xi32, #tpu.memory_space<hbm>> -> memref<1x128xi32, #tpu.memory_space<hbm>>
        %dma_start3A_21 = tpu.memref_squeeze %dma_start3A_20 : memref<1x128xi32, #tpu.memory_space<hbm>> -> memref<128xi32, #tpu.memory_space<hbm>>
        tpu.enqueue_dma source(%dma_start3A_21 : memref<128xi32, #tpu.memory_space<hbm>>) target(%arg6 : memref<128xi32, #tpu.memory_space<vmem>>) target_semaphore(%run_scoped3A : memref<!tpu.dma_semaphore, #tpu.memory_space<semaphore_mem>>)
        %dma_wait3A = tpu.memref_slice %arg2[%arg0, %add3A_18] : memref<2x802816xi32, #tpu.memory_space<hbm>> -> memref<1x128xi32, #tpu.memory_space<hbm>>
        %dma_wait3A_22 = tpu.memref_squeeze %dma_wait3A : memref<1x128xi32, #tpu.memory_space<hbm>> -> memref<128xi32, #tpu.memory_space<hbm>>
        %dma_wait3A_23 = tpu.memref_slice %arg2[%arg0, %add3A_18] : memref<2x802816xi32, #tpu.memory_space<hbm>> -> memref<1x128xi32, #tpu.memory_space<hbm>>
        %dma_wait3A_24 = tpu.memref_squeeze %dma_wait3A_23 : memref<1x128xi32, #tpu.memory_space<hbm>> -> memref<128xi32, #tpu.memory_space<hbm>>
        tpu.wait_dma2 semaphore(%run_scoped3A : memref<!tpu.dma_semaphore, #tpu.memory_space<semaphore_mem>>) src(%dma_wait3A_24 : memref<128xi32, #tpu.memory_space<hbm>>) dst(%arg6 : memref<128xi32, #tpu.memory_space<vmem>>)
        tpu.yield
      }) : () -> ()
      "tpu.region"() ({
        %run_scoped3A = tpu.sem_alloc : memref<!tpu.dma_semaphore, #tpu.memory_space<semaphore_mem>>
        %dma_start3A = arith.constant 0 : i32
        %dma_start3A_19 = tpu.memref_slice %arg3[%add3A_18, %dma_start3A] : memref<802816x64xf32, #tpu.memory_space<hbm>> -> memref<128x64xf32, #tpu.memory_space<hbm>>
        %dma_start3A_20 = arith.constant 0 : i32
        %dma_start3A_21 = tpu.memref_slice %arg3[%add3A_18, %dma_start3A_20] : memref<802816x64xf32, #tpu.memory_space<hbm>> -> memref<128x64xf32, #tpu.memory_space<hbm>>
        tpu.enqueue_dma source(%dma_start3A_21 : memref<128x64xf32, #tpu.memory_space<hbm>>) target(%arg7 : memref<128x64xf32, #tpu.memory_space<vmem>>) target_semaphore(%run_scoped3A : memref<!tpu.dma_semaphore, #tpu.memory_space<semaphore_mem>>)
        %dma_wait3A = arith.constant 0 : i32
        %dma_wait3A_22 = tpu.memref_slice %arg3[%add3A_18, %dma_wait3A] : memref<802816x64xf32, #tpu.memory_space<hbm>> -> memref<128x64xf32, #tpu.memory_space<hbm>>
        %dma_wait3A_23 = arith.constant 0 : i32
        %dma_wait3A_24 = tpu.memref_slice %arg3[%add3A_18, %dma_wait3A_23] : memref<802816x64xf32, #tpu.memory_space<hbm>> -> memref<128x64xf32, #tpu.memory_space<hbm>>
        tpu.wait_dma2 semaphore(%run_scoped3A : memref<!tpu.dma_semaphore, #tpu.memory_space<semaphore_mem>>) src(%dma_wait3A_24 : memref<128x64xf32, #tpu.memory_space<hbm>>) dst(%arg7 : memref<128x64xf32, #tpu.memory_space<vmem>>)
        tpu.yield
      }) : () -> ()
      "tpu.region"() ({
        %run_scoped3A = tpu.sem_alloc : memref<!tpu.dma_semaphore, #tpu.memory_space<semaphore_mem>>
        %dma_start3A = arith.constant 0 : i32
        %dma_start3A_19 = arith.constant 0 : i32
        %dma_start3A_20 = tpu.memref_slice %arg8[%dma_start3A, %dma_start3A_19] : memref<25104x64xf32, #tpu.memory_space<vmem_shared>> -> memref<25104x64xf32, #tpu.memory_space<vmem_shared>>
        tpu.enqueue_indirect_dma source(%arg7 : memref<128x64xf32, #tpu.memory_space<vmem>>) target(%dma_start3A_20 : memref<25104x64xf32, #tpu.memory_space<vmem_shared>>) offsets(%arg6 : memref<128xi32, #tpu.memory_space<vmem>>) semaphore(%run_scoped3A : memref<!tpu.dma_semaphore, #tpu.memory_space<semaphore_mem>>) {add = true}
        %dma_wait3A = arith.constant 0 : i32
        %dma_wait3A_21 = arith.constant 0 : i32
        %dma_wait3A_22 = tpu.memref_slice %arg8[%dma_wait3A, %dma_wait3A_21] : memref<25104x64xf32, #tpu.memory_space<vmem_shared>> -> memref<25104x64xf32, #tpu.memory_space<vmem_shared>>
        tpu.wait_indirect_dma semaphore(%run_scoped3A : memref<!tpu.dma_semaphore, #tpu.memory_space<semaphore_mem>>) src(%arg7 : memref<128x64xf32, #tpu.memory_space<vmem>>) dst(%dma_wait3A_22 : memref<25104x64xf32, #tpu.memory_space<vmem_shared>>)
        tpu.yield
      }) : () -> ()
    }
    %scan3A_6 = arith.constant 392 : i32
    %barrier3A_7 = arith.constant 0 : index
    tpu.barrier barrier_id(%barrier3A_7)
    %mul3A = arith.constant 1568 : i32
    %mul3A_8 = arith.muli %arg1, %mul3A : i32
    %mul3A_9 = arith.constant 25088 : i32
    %mul3A_10 = arith.muli %arg0, %mul3A_9 : i32
    %mul3A_11 = arith.constant 1568 : i32
    %mul3A_12 = arith.muli %arg1, %mul3A_11 : i32
    %add3A = arith.addi %mul3A_10, %mul3A_12 : i32
    "tpu.region"() ({
      %run_scoped3A = tpu.sem_alloc : memref<!tpu.dma_semaphore, #tpu.memory_space<semaphore_mem>>
      %dma_start3A = arith.constant 0 : i32
      %dma_start3A_13 = tpu.memref_slice %arg5[%add3A, %dma_start3A] : memref<50176x64xf32, #tpu.memory_space<hbm>> -> memref<1568x64xf32, #tpu.memory_space<hbm>>
      %dma_start3A_14 = arith.constant 0 : i32
      %dma_start3A_15 = tpu.memref_slice %arg8[%mul3A_8, %dma_start3A_14] : memref<25104x64xf32, #tpu.memory_space<vmem_shared>> -> memref<1568x64xf32, #tpu.memory_space<vmem_shared>>
      tpu.enqueue_dma source(%dma_start3A_15 : memref<1568x64xf32, #tpu.memory_space<vmem_shared>>) target(%dma_start3A_13 : memref<1568x64xf32, #tpu.memory_space<hbm>>) target_semaphore(%run_scoped3A : memref<!tpu.dma_semaphore, #tpu.memory_space<semaphore_mem>>)
      %dma_wait3A = arith.constant 0 : i32
      %dma_wait3A_16 = tpu.memref_slice %arg5[%add3A, %dma_wait3A] : memref<50176x64xf32, #tpu.memory_space<hbm>> -> memref<1568x64xf32, #tpu.memory_space<hbm>>
      %dma_wait3A_17 = arith.constant 0 : i32
      %dma_wait3A_18 = tpu.memref_slice %arg8[%mul3A_8, %dma_wait3A_17] : memref<25104x64xf32, #tpu.memory_space<vmem_shared>> -> memref<1568x64xf32, #tpu.memory_space<vmem_shared>>
      tpu.wait_dma2 semaphore(%run_scoped3A : memref<!tpu.dma_semaphore, #tpu.memory_space<semaphore_mem>>) src(%dma_wait3A_18 : memref<1568x64xf32, #tpu.memory_space<vmem_shared>>) dst(%dma_wait3A_16 : memref<1568x64xf32, #tpu.memory_space<hbm>>)
      tpu.yield
    }) : () -> ()
    return
  }
}

#map = affine_map<(d0, d1) -> (0, 0)>
module attributes {stable_mosaic.version = 14 : i64} {
  func.func @k(%arg0: i32, %arg1: i32, %arg2: memref<2x802816xi32, #tpu.memory_space<hbm>>, %arg3: memref<802816x8xf32, #tpu.memory_space<hbm>>, %arg4: memref<25104x8xf32, #tpu.memory_space<hbm>>, %arg5: memref<50176x8xf32, #tpu.memory_space<hbm>>, %arg6: memref<128xi32, #tpu.memory_space<vmem>>, %arg7: memref<128x8xf32, #tpu.memory_space<vmem>>, %arg8: memref<25104x8xf32, #tpu.memory_space<vmem_shared>>) attributes {dimension_semantics = [#tpu.dimension_semantics<core_parallel>, #tpu.dimension_semantics<subcore_parallel>], iteration_bounds = array<i64: 2, 16>, scalar_prefetch = 0 : i64, scratch_operands = 3 : i64, tpu.core_type = #tpu.core_type<sc_vector_subcore>, window_params = [{transform_indices = #map}, {transform_indices = #map}, {transform_indices = #map}, {transform_indices = #map}]} {
    %eq3A = arith.constant 0 : i32
    %eq3A_0 = arith.cmpi eq, %arg1, %eq3A : i32
    %convert_element_type3A = arith.extui %eq3A_0 : i1 to i32
    %cond3A = arith.constant 0 : i32
    %cond3A_1 = arith.cmpi ne, %convert_element_type3A, %cond3A : i32
    scf.if %cond3A_1 {
      "tpu.region"() ({
        %run_scoped3A = tpu.sem_alloc : memref<!tpu.dma_semaphore, #tpu.memory_space<semaphore_mem>>
        tpu.enqueue_dma source(%arg4 : memref<25104x8xf32, #tpu.memory_space<hbm>>) target(%arg8 : memref<25104x8xf32, #tpu.memory_space<vmem_shared>>) target_semaphore(%run_scoped3A : memref<!tpu.dma_semaphore, #tpu.memory_space<semaphore_mem>>)
        tpu.wait_dma2 semaphore(%run_scoped3A : memref<!tpu.dma_semaphore, #tpu.memory_space<semaphore_mem>>) src(%arg4 : memref<25104x8xf32, #tpu.memory_space<hbm>>) dst(%arg8 : memref<25104x8xf32, #tpu.memory_space<vmem_shared>>)
        tpu.yield
      }) : () -> ()
    } else {
    }
    %barrier3A = arith.constant 0 : index
    tpu.barrier barrier_id(%barrier3A)
    %scan3A = arith.constant 0 : i32
    %scan3A_2 = arith.constant 0 : i32
    %scan3A_3 = arith.constant 392 : i32
    %scan3A_4 = arith.addi %scan3A_2, %scan3A_3 : i32
    %scan3A_5 = arith.constant 1 : i32
    scf.for %scan3A_13 = %scan3A_2 to %scan3A_4 step %scan3A_5  : i32 {
      %mul3A_14 = arith.constant 50176 : i32
      %mul3A_15 = arith.muli %arg1, %mul3A_14 : i32
      %mul3A_16 = arith.constant 128 : i32
      %mul3A_17 = arith.muli %scan3A_13, %mul3A_16 : i32
      %add3A_18 = arith.addi %mul3A_15, %mul3A_17 : i32
      "tpu.region"() ({
        %run_scoped3A = tpu.sem_alloc : memref<!tpu.dma_semaphore, #tpu.memory_space<semaphore_mem>>
        %dma_start3A = tpu.memref_slice %arg2[%arg0, %add3A_18] : memref<2x802816xi32, #tpu.memory_space<hbm>> -> memref<1x128xi32, #tpu.memory_space<hbm>>
        %dma_start3A_19 = tpu.memref_squeeze %dma_start3A : memref<1x128xi32, #tpu.memory_space<hbm>> -> memref<128xi32, #tpu.memory_space<hbm>>
        %dma_start3A_20 = tpu.memref_slice %arg2[%arg0, %add3A_18] : memref<2x802816xi32, #tpu.memory_space<hbm>> -> memref<1x128xi32, #tpu.memory_space<hbm>>
        %dma_start3A_21 = tpu.memref_squeeze %dma_start3A_20 : memref<1x128xi32, #tpu.memory_space<hbm>> -> memref<128xi32, #tpu.memory_space<hbm>>
        tpu.enqueue_dma source(%dma_start3A_21 : memref<128xi32, #tpu.memory_space<hbm>>) target(%arg6 : memref<128xi32, #tpu.memory_space<vmem>>) target_semaphore(%run_scoped3A : memref<!tpu.dma_semaphore, #tpu.memory_space<semaphore_mem>>)
        %dma_wait3A = tpu.memref_slice %arg2[%arg0, %add3A_18] : memref<2x802816xi32, #tpu.memory_space<hbm>> -> memref<1x128xi32, #tpu.memory_space<hbm>>
        %dma_wait3A_22 = tpu.memref_squeeze %dma_wait3A : memref<1x128xi32, #tpu.memory_space<hbm>> -> memref<128xi32, #tpu.memory_space<hbm>>
        %dma_wait3A_23 = tpu.memref_slice %arg2[%arg0, %add3A_18] : memref<2x802816xi32, #tpu.memory_space<hbm>> -> memref<1x128xi32, #tpu.memory_space<hbm>>
        %dma_wait3A_24 = tpu.memref_squeeze %dma_wait3A_23 : memref<1x128xi32, #tpu.memory_space<hbm>> -> memref<128xi32, #tpu.memory_space<hbm>>
        tpu.wait_dma2 semaphore(%run_scoped3A : memref<!tpu.dma_semaphore, #tpu.memory_space<semaphore_mem>>) src(%dma_wait3A_24 : memref<128xi32, #tpu.memory_space<hbm>>) dst(%arg6 : memref<128xi32, #tpu.memory_space<vmem>>)
        tpu.yield
      }) : () -> ()
      "tpu.region"() ({
        %run_scoped3A = tpu.sem_alloc : memref<!tpu.dma_semaphore, #tpu.memory_space<semaphore_mem>>
        %dma_start3A = arith.constant 0 : i32
        %dma_start3A_19 = tpu.memref_slice %arg3[%add3A_18, %dma_start3A] : memref<802816x8xf32, #tpu.memory_space<hbm>> -> memref<128x8xf32, #tpu.memory_space<hbm>>
        %dma_start3A_20 = arith.constant 0 : i32
        %dma_start3A_21 = tpu.memref_slice %arg3[%add3A_18, %dma_start3A_20] : memref<802816x8xf32, #tpu.memory_space<hbm>> -> memref<128x8xf32, #tpu.memory_space<hbm>>
        tpu.enqueue_dma source(%dma_start3A_21 : memref<128x8xf32, #tpu.memory_space<hbm>>) target(%arg7 : memref<128x8xf32, #tpu.memory_space<vmem>>) target_semaphore(%run_scoped3A : memref<!tpu.dma_semaphore, #tpu.memory_space<semaphore_mem>>)
        %dma_wait3A = arith.constant 0 : i32
        %dma_wait3A_22 = tpu.memref_slice %arg3[%add3A_18, %dma_wait3A] : memref<802816x8xf32, #tpu.memory_space<hbm>> -> memref<128x8xf32, #tpu.memory_space<hbm>>
        %dma_wait3A_23 = arith.constant 0 : i32
        %dma_wait3A_24 = tpu.memref_slice %arg3[%add3A_18, %dma_wait3A_23] : memref<802816x8xf32, #tpu.memory_space<hbm>> -> memref<128x8xf32, #tpu.memory_space<hbm>>
        tpu.wait_dma2 semaphore(%run_scoped3A : memref<!tpu.dma_semaphore, #tpu.memory_space<semaphore_mem>>) src(%dma_wait3A_24 : memref<128x8xf32, #tpu.memory_space<hbm>>) dst(%arg7 : memref<128x8xf32, #tpu.memory_space<vmem>>)
        tpu.yield
      }) : () -> ()
      "tpu.region"() ({
        %run_scoped3A = tpu.sem_alloc : memref<!tpu.dma_semaphore, #tpu.memory_space<semaphore_mem>>
        %dma_start3A = arith.constant 0 : i32
        %dma_start3A_19 = arith.constant 0 : i32
        %dma_start3A_20 = tpu.memref_slice %arg8[%dma_start3A, %dma_start3A_19] : memref<25104x8xf32, #tpu.memory_space<vmem_shared>> -> memref<25104x8xf32, #tpu.memory_space<vmem_shared>>
        tpu.enqueue_indirect_dma source(%arg7 : memref<128x8xf32, #tpu.memory_space<vmem>>) target(%dma_start3A_20 : memref<25104x8xf32, #tpu.memory_space<vmem_shared>>) offsets(%arg6 : memref<128xi32, #tpu.memory_space<vmem>>) semaphore(%run_scoped3A : memref<!tpu.dma_semaphore, #tpu.memory_space<semaphore_mem>>) {add = true}
        %dma_wait3A = arith.constant 0 : i32
        %dma_wait3A_21 = arith.constant 0 : i32
        %dma_wait3A_22 = tpu.memref_slice %arg8[%dma_wait3A, %dma_wait3A_21] : memref<25104x8xf32, #tpu.memory_space<vmem_shared>> -> memref<25104x8xf32, #tpu.memory_space<vmem_shared>>
        tpu.wait_indirect_dma semaphore(%run_scoped3A : memref<!tpu.dma_semaphore, #tpu.memory_space<semaphore_mem>>) src(%arg7 : memref<128x8xf32, #tpu.memory_space<vmem>>) dst(%dma_wait3A_22 : memref<25104x8xf32, #tpu.memory_space<vmem_shared>>)
        tpu.yield
      }) : () -> ()
    }
    %scan3A_6 = arith.constant 392 : i32
    %barrier3A_7 = arith.constant 0 : index
    tpu.barrier barrier_id(%barrier3A_7)
    %mul3A = arith.constant 1568 : i32
    %mul3A_8 = arith.muli %arg1, %mul3A : i32
    %mul3A_9 = arith.constant 25088 : i32
    %mul3A_10 = arith.muli %arg0, %mul3A_9 : i32
    %mul3A_11 = arith.constant 1568 : i32
    %mul3A_12 = arith.muli %arg1, %mul3A_11 : i32
    %add3A = arith.addi %mul3A_10, %mul3A_12 : i32
    "tpu.region"() ({
      %run_scoped3A = tpu.sem_alloc : memref<!tpu.dma_semaphore, #tpu.memory_space<semaphore_mem>>
      %dma_start3A = arith.constant 0 : i32
      %dma_start3A_13 = tpu.memref_slice %arg5[%add3A, %dma_start3A] : memref<50176x8xf32, #tpu.memory_space<hbm>> -> memref<1568x8xf32, #tpu.memory_space<hbm>>
      %dma_start3A_14 = arith.constant 0 : i32
      %dma_start3A_15 = tpu.memref_slice %arg8[%mul3A_8, %dma_start3A_14] : memref<25104x8xf32, #tpu.memory_space<vmem_shared>> -> memref<1568x8xf32, #tpu.memory_space<vmem_shared>>
      tpu.enqueue_dma source(%dma_start3A_15 : memref<1568x8xf32, #tpu.memory_space<vmem_shared>>) target(%dma_start3A_13 : memref<1568x8xf32, #tpu.memory_space<hbm>>) target_semaphore(%run_scoped3A : memref<!tpu.dma_semaphore, #tpu.memory_space<semaphore_mem>>)
      %dma_wait3A = arith.constant 0 : i32
      %dma_wait3A_16 = tpu.memref_slice %arg5[%add3A, %dma_wait3A] : memref<50176x8xf32, #tpu.memory_space<hbm>> -> memref<1568x8xf32, #tpu.memory_space<hbm>>
      %dma_wait3A_17 = arith.constant 0 : i32
      %dma_wait3A_18 = tpu.memref_slice %arg8[%mul3A_8, %dma_wait3A_17] : memref<25104x8xf32, #tpu.memory_space<vmem_shared>> -> memref<1568x8xf32, #tpu.memory_space<vmem_shared>>
      tpu.wait_dma2 semaphore(%run_scoped3A : memref<!tpu.dma_semaphore, #tpu.memory_space<semaphore_mem>>) src(%dma_wait3A_18 : memref<1568x8xf32, #tpu.memory_space<vmem_shared>>) dst(%dma_wait3A_16 : memref<1568x8xf32, #tpu.memory_space<hbm>>)
      tpu.yield
    }) : () -> ()
    return
  }
}

#map = affine_map<(d0, d1) -> (0, 0)>
module attributes {stable_mosaic.version = 14 : i64} {
  func.func @k(%arg0: i32, %arg1: i32, %arg2: memref<2x51200xi32, #tpu.memory_space<hbm>>, %arg3: memref<51200x8xf32, #tpu.memory_space<hbm>>, %arg4: memref<272x8xf32, #tpu.memory_space<hbm>>, %arg5: memref<512x8xf32, #tpu.memory_space<hbm>>, %arg6: memref<128xi32, #tpu.memory_space<vmem>>, %arg7: memref<128x8xf32, #tpu.memory_space<vmem>>, %arg8: memref<272x8xf32, #tpu.memory_space<vmem_shared>>) attributes {dimension_semantics = [#tpu.dimension_semantics<core_parallel>, #tpu.dimension_semantics<subcore_parallel>], iteration_bounds = array<i64: 2, 16>, scalar_prefetch = 0 : i64, scratch_operands = 3 : i64, tpu.core_type = #tpu.core_type<sc_vector_subcore>, window_params = [{transform_indices = #map}, {transform_indices = #map}, {transform_indices = #map}, {transform_indices = #map}]} {
    %eq3A = arith.constant 0 : i32
    %eq3A_0 = arith.cmpi eq, %arg1, %eq3A : i32
    %convert_element_type3A = arith.extui %eq3A_0 : i1 to i32
    %cond3A = arith.constant 0 : i32
    %cond3A_1 = arith.cmpi ne, %convert_element_type3A, %cond3A : i32
    scf.if %cond3A_1 {
      "tpu.region"() ({
        %run_scoped3A = tpu.sem_alloc : memref<!tpu.dma_semaphore, #tpu.memory_space<semaphore_mem>>
        tpu.enqueue_dma source(%arg4 : memref<272x8xf32, #tpu.memory_space<hbm>>) target(%arg8 : memref<272x8xf32, #tpu.memory_space<vmem_shared>>) target_semaphore(%run_scoped3A : memref<!tpu.dma_semaphore, #tpu.memory_space<semaphore_mem>>)
        tpu.wait_dma2 semaphore(%run_scoped3A : memref<!tpu.dma_semaphore, #tpu.memory_space<semaphore_mem>>) src(%arg4 : memref<272x8xf32, #tpu.memory_space<hbm>>) dst(%arg8 : memref<272x8xf32, #tpu.memory_space<vmem_shared>>)
        tpu.yield
      }) : () -> ()
    } else {
    }
    %barrier3A = arith.constant 0 : index
    tpu.barrier barrier_id(%barrier3A)
    %scan3A = arith.constant 0 : i32
    %scan3A_2 = arith.constant 0 : i32
    %scan3A_3 = arith.constant 25 : i32
    %scan3A_4 = arith.addi %scan3A_2, %scan3A_3 : i32
    %scan3A_5 = arith.constant 1 : i32
    scf.for %scan3A_13 = %scan3A_2 to %scan3A_4 step %scan3A_5  : i32 {
      %mul3A_14 = arith.constant 3200 : i32
      %mul3A_15 = arith.muli %arg1, %mul3A_14 : i32
      %mul3A_16 = arith.constant 128 : i32
      %mul3A_17 = arith.muli %scan3A_13, %mul3A_16 : i32
      %add3A_18 = arith.addi %mul3A_15, %mul3A_17 : i32
      "tpu.region"() ({
        %run_scoped3A = tpu.sem_alloc : memref<!tpu.dma_semaphore, #tpu.memory_space<semaphore_mem>>
        %dma_start3A = tpu.memref_slice %arg2[%arg0, %add3A_18] : memref<2x51200xi32, #tpu.memory_space<hbm>> -> memref<1x128xi32, #tpu.memory_space<hbm>>
        %dma_start3A_19 = tpu.memref_squeeze %dma_start3A : memref<1x128xi32, #tpu.memory_space<hbm>> -> memref<128xi32, #tpu.memory_space<hbm>>
        %dma_start3A_20 = tpu.memref_slice %arg2[%arg0, %add3A_18] : memref<2x51200xi32, #tpu.memory_space<hbm>> -> memref<1x128xi32, #tpu.memory_space<hbm>>
        %dma_start3A_21 = tpu.memref_squeeze %dma_start3A_20 : memref<1x128xi32, #tpu.memory_space<hbm>> -> memref<128xi32, #tpu.memory_space<hbm>>
        tpu.enqueue_dma source(%dma_start3A_21 : memref<128xi32, #tpu.memory_space<hbm>>) target(%arg6 : memref<128xi32, #tpu.memory_space<vmem>>) target_semaphore(%run_scoped3A : memref<!tpu.dma_semaphore, #tpu.memory_space<semaphore_mem>>)
        %dma_wait3A = tpu.memref_slice %arg2[%arg0, %add3A_18] : memref<2x51200xi32, #tpu.memory_space<hbm>> -> memref<1x128xi32, #tpu.memory_space<hbm>>
        %dma_wait3A_22 = tpu.memref_squeeze %dma_wait3A : memref<1x128xi32, #tpu.memory_space<hbm>> -> memref<128xi32, #tpu.memory_space<hbm>>
        %dma_wait3A_23 = tpu.memref_slice %arg2[%arg0, %add3A_18] : memref<2x51200xi32, #tpu.memory_space<hbm>> -> memref<1x128xi32, #tpu.memory_space<hbm>>
        %dma_wait3A_24 = tpu.memref_squeeze %dma_wait3A_23 : memref<1x128xi32, #tpu.memory_space<hbm>> -> memref<128xi32, #tpu.memory_space<hbm>>
        tpu.wait_dma2 semaphore(%run_scoped3A : memref<!tpu.dma_semaphore, #tpu.memory_space<semaphore_mem>>) src(%dma_wait3A_24 : memref<128xi32, #tpu.memory_space<hbm>>) dst(%arg6 : memref<128xi32, #tpu.memory_space<vmem>>)
        tpu.yield
      }) : () -> ()
      "tpu.region"() ({
        %run_scoped3A = tpu.sem_alloc : memref<!tpu.dma_semaphore, #tpu.memory_space<semaphore_mem>>
        %dma_start3A = arith.constant 0 : i32
        %dma_start3A_19 = tpu.memref_slice %arg3[%add3A_18, %dma_start3A] : memref<51200x8xf32, #tpu.memory_space<hbm>> -> memref<128x8xf32, #tpu.memory_space<hbm>>
        %dma_start3A_20 = arith.constant 0 : i32
        %dma_start3A_21 = tpu.memref_slice %arg3[%add3A_18, %dma_start3A_20] : memref<51200x8xf32, #tpu.memory_space<hbm>> -> memref<128x8xf32, #tpu.memory_space<hbm>>
        tpu.enqueue_dma source(%dma_start3A_21 : memref<128x8xf32, #tpu.memory_space<hbm>>) target(%arg7 : memref<128x8xf32, #tpu.memory_space<vmem>>) target_semaphore(%run_scoped3A : memref<!tpu.dma_semaphore, #tpu.memory_space<semaphore_mem>>)
        %dma_wait3A = arith.constant 0 : i32
        %dma_wait3A_22 = tpu.memref_slice %arg3[%add3A_18, %dma_wait3A] : memref<51200x8xf32, #tpu.memory_space<hbm>> -> memref<128x8xf32, #tpu.memory_space<hbm>>
        %dma_wait3A_23 = arith.constant 0 : i32
        %dma_wait3A_24 = tpu.memref_slice %arg3[%add3A_18, %dma_wait3A_23] : memref<51200x8xf32, #tpu.memory_space<hbm>> -> memref<128x8xf32, #tpu.memory_space<hbm>>
        tpu.wait_dma2 semaphore(%run_scoped3A : memref<!tpu.dma_semaphore, #tpu.memory_space<semaphore_mem>>) src(%dma_wait3A_24 : memref<128x8xf32, #tpu.memory_space<hbm>>) dst(%arg7 : memref<128x8xf32, #tpu.memory_space<vmem>>)
        tpu.yield
      }) : () -> ()
      "tpu.region"() ({
        %run_scoped3A = tpu.sem_alloc : memref<!tpu.dma_semaphore, #tpu.memory_space<semaphore_mem>>
        %dma_start3A = arith.constant 0 : i32
        %dma_start3A_19 = arith.constant 0 : i32
        %dma_start3A_20 = tpu.memref_slice %arg8[%dma_start3A, %dma_start3A_19] : memref<272x8xf32, #tpu.memory_space<vmem_shared>> -> memref<272x8xf32, #tpu.memory_space<vmem_shared>>
        tpu.enqueue_indirect_dma source(%arg7 : memref<128x8xf32, #tpu.memory_space<vmem>>) target(%dma_start3A_20 : memref<272x8xf32, #tpu.memory_space<vmem_shared>>) offsets(%arg6 : memref<128xi32, #tpu.memory_space<vmem>>) semaphore(%run_scoped3A : memref<!tpu.dma_semaphore, #tpu.memory_space<semaphore_mem>>) {add = true}
        %dma_wait3A = arith.constant 0 : i32
        %dma_wait3A_21 = arith.constant 0 : i32
        %dma_wait3A_22 = tpu.memref_slice %arg8[%dma_wait3A, %dma_wait3A_21] : memref<272x8xf32, #tpu.memory_space<vmem_shared>> -> memref<272x8xf32, #tpu.memory_space<vmem_shared>>
        tpu.wait_indirect_dma semaphore(%run_scoped3A : memref<!tpu.dma_semaphore, #tpu.memory_space<semaphore_mem>>) src(%arg7 : memref<128x8xf32, #tpu.memory_space<vmem>>) dst(%dma_wait3A_22 : memref<272x8xf32, #tpu.memory_space<vmem_shared>>)
        tpu.yield
      }) : () -> ()
    }
    %scan3A_6 = arith.constant 25 : i32
    %barrier3A_7 = arith.constant 0 : index
    tpu.barrier barrier_id(%barrier3A_7)
    %mul3A = arith.constant 16 : i32
    %mul3A_8 = arith.muli %arg1, %mul3A : i32
    %mul3A_9 = arith.constant 256 : i32
    %mul3A_10 = arith.muli %arg0, %mul3A_9 : i32
    %mul3A_11 = arith.constant 16 : i32
    %mul3A_12 = arith.muli %arg1, %mul3A_11 : i32
    %add3A = arith.addi %mul3A_10, %mul3A_12 : i32
    "tpu.region"() ({
      %run_scoped3A = tpu.sem_alloc : memref<!tpu.dma_semaphore, #tpu.memory_space<semaphore_mem>>
      %dma_start3A = arith.constant 0 : i32
      %dma_start3A_13 = tpu.memref_slice %arg5[%add3A, %dma_start3A] : memref<512x8xf32, #tpu.memory_space<hbm>> -> memref<16x8xf32, #tpu.memory_space<hbm>>
      %dma_start3A_14 = arith.constant 0 : i32
      %dma_start3A_15 = tpu.memref_slice %arg8[%mul3A_8, %dma_start3A_14] : memref<272x8xf32, #tpu.memory_space<vmem_shared>> -> memref<16x8xf32, #tpu.memory_space<vmem_shared>>
      tpu.enqueue_dma source(%dma_start3A_15 : memref<16x8xf32, #tpu.memory_space<vmem_shared>>) target(%dma_start3A_13 : memref<16x8xf32, #tpu.memory_space<hbm>>) target_semaphore(%run_scoped3A : memref<!tpu.dma_semaphore, #tpu.memory_space<semaphore_mem>>)
      %dma_wait3A = arith.constant 0 : i32
      %dma_wait3A_16 = tpu.memref_slice %arg5[%add3A, %dma_wait3A] : memref<512x8xf32, #tpu.memory_space<hbm>> -> memref<16x8xf32, #tpu.memory_space<hbm>>
      %dma_wait3A_17 = arith.constant 0 : i32
      %dma_wait3A_18 = tpu.memref_slice %arg8[%mul3A_8, %dma_wait3A_17] : memref<272x8xf32, #tpu.memory_space<vmem_shared>> -> memref<16x8xf32, #tpu.memory_space<vmem_shared>>
      tpu.wait_dma2 semaphore(%run_scoped3A : memref<!tpu.dma_semaphore, #tpu.memory_space<semaphore_mem>>) src(%dma_wait3A_18 : memref<16x8xf32, #tpu.memory_space<vmem_shared>>) dst(%dma_wait3A_16 : memref<16x8xf32, #tpu.memory_space<hbm>>)
      tpu.yield
    }) : () -> ()
    return
  }
}

module attributes {stable_mosaic.version = 14 : i64} {
  func.func @body(%arg0: i32, %arg1: memref<1024x4xf32, #tpu.memory_space<vmem>>, %arg2: memref<1024x1xi32, #tpu.memory_space<vmem>>, %arg3: memref<5x4xf32, #tpu.memory_space<vmem>>, %arg4: memref<1024x8xf32, #tpu.memory_space<vmem>>) attributes {dimension_semantics = [#tpu.dimension_semantics<arbitrary>], iteration_bounds = array<i64: 49>, scalar_prefetch = 0 : i64, scratch_operands = 0 : i64, tpu.core_type = #tpu.core_type<tc>, window_params = [{transform_indices = @transform_0, window_bounds = array<i64: 1024, 4>}, {transform_indices = @transform_1, window_bounds = array<i64: 1024, 1>}, {pipeline_mode = #tpu.pipeline_mode<synchronous>, transform_indices = @transform_2, window_bounds = array<i64: 5, 4>}, {transform_indices = @transform_3, window_bounds = array<i64: 1024, 8>}]} {
    %get3A = arith.constant 0 : index
    %get3A_0 = arith.constant 0 : index
    %get3A_1 = vector.load %arg1[%get3A, %get3A_0] : memref<1024x4xf32, #tpu.memory_space<vmem>>, vector<1024x4xf32>
    %get3A_2 = arith.constant 0 : index
    %get3A_3 = arith.constant 0 : index
    %get3A_4 = vector.load %arg2[%get3A_2, %get3A_3] : memref<1024x1xi32, #tpu.memory_space<vmem>>, vector<1024x1xi32>
    %iota3A = tpu.iota {dimensions = array<i32: 1>} : vector<1024x5xi32>
    %eq3A = vector.broadcast %get3A_4 : vector<1024x1xi32> to vector<1024x5xi32>
    %eq3A_5 = arith.cmpi eq, %eq3A, %iota3A : vector<1024x5xi32>
    %convert_element_type3A = arith.extui %eq3A_5 : vector<1024x5xi1> to vector<1024x5xi32>
    %convert_element_type3A_6 = arith.sitofp %convert_element_type3A : vector<1024x5xi32> to vector<1024x5xf32>
    %get3A_7 = arith.constant 0 : index
    %get3A_8 = arith.constant 0 : index
    %get3A_9 = vector.load %arg3[%get3A_7, %get3A_8] : memref<5x4xf32, #tpu.memory_space<vmem>>, vector<5x4xf32>
    %dot_general3A = arith.constant dense<0.000000e+00> : vector<1024x4xf32>
    %dot_general3A_10 = tpu.matmul %convert_element_type3A_6, %get3A_9, %dot_general3A {dimension_numbers = #tpu.dot_dimension_numbers<[1], [0], [0], [1], [0, 0, 1, 1], [], []>, transpose_lhs_hint = false} : vector<1024x5xf32>, vector<5x4xf32>, vector<1024x4xf32> -> vector<1024x4xf32>
    %concatenate3A = tpu.concatenate %get3A_1, %dot_general3A_10 in 1 : vector<1024x4xf32>, vector<1024x4xf32> -> vector<1024x8xf32>
    %swap3A = arith.constant 0 : index
    %swap3A_11 = arith.constant 0 : index
    %swap3A_12 = vector.load %arg4[%swap3A, %swap3A_11] : memref<1024x8xf32, #tpu.memory_space<vmem>>, vector<1024x8xf32>
    tpu.vector_store %arg4[%swap3A, %swap3A_11], %concatenate3A {strides = array<i32>} : memref<1024x8xf32, #tpu.memory_space<vmem>>, vector<1024x8xf32>,
    return
  }
  func.func @transform_0(%arg0: i32) -> (i32, i32) {
    %c0_i32 = arith.constant 0 : i32
    %c0_i32_0 = arith.constant 0 : i32
    return %arg0, %c0_i32 : i32, i32
  }
  func.func @transform_1(%arg0: i32) -> (i32, i32) {
    %c0_i32 = arith.constant 0 : i32
    %c0_i32_0 = arith.constant 0 : i32
    return %arg0, %c0_i32 : i32, i32
  }
  func.func @transform_2(%arg0: i32) -> (i32, i32) {
    %c0_i32 = arith.constant 0 : i32
    %c0_i32_0 = arith.constant 0 : i32
    %c0_i32_1 = arith.constant 0 : i32
    return %c0_i32, %c0_i32_0 : i32, i32
  }
  func.func @transform_3(%arg0: i32) -> (i32, i32) {
    %c0_i32 = arith.constant 0 : i32
    %c0_i32_0 = arith.constant 0 : i32
    return %arg0, %c0_i32 : i32, i32
  }
}

module attributes {stable_mosaic.version = 14 : i64} {
  func.func @body(%arg0: i32, %arg1: memref<2048xi32, #tpu.memory_space<vmem>>, %arg2: memref<2048xi32, #tpu.memory_space<vmem>>, %arg3: memref<2048xi32, #tpu.memory_space<vmem>>) attributes {dimension_semantics = [#tpu.dimension_semantics<arbitrary>], iteration_bounds = array<i64: 392>, scalar_prefetch = 0 : i64, scratch_operands = 0 : i64, tpu.core_type = #tpu.core_type<tc>, window_params = [{transform_indices = @transform_0, window_bounds = array<i64: 2048>}, {transform_indices = @transform_1, window_bounds = array<i64: 2048>}, {transform_indices = @transform_2, window_bounds = array<i64: 2048>}]} {
    %get3A = arith.constant 0 : index
    %get3A_0 = vector.load %arg1[%get3A] : memref<2048xi32, #tpu.memory_space<vmem>>, vector<2048xi32>
    %lt3A = arith.constant 25088 : i32
    %lt3A_1 = vector.broadcast %lt3A : i32 to vector<2048xi32>
    %lt3A_2 = arith.cmpi slt, %get3A_0, %lt3A_1 : vector<2048xi32>
    %jit3A = arith.constant 25088 : i32
    %broadcast_in_dim3A = vector.broadcast %jit3A : i32 to vector<2048xi32>
    %select_n3A = arith.select %lt3A_2, %get3A_0, %broadcast_in_dim3A : vector<2048xi1>, vector<2048xi32>
    %swap3A = arith.constant 0 : index
    %swap3A_3 = vector.load %arg2[%swap3A] : memref<2048xi32, #tpu.memory_space<vmem>>, vector<2048xi32>
    tpu.vector_store %arg2[%swap3A], %select_n3A {strides = array<i32>} : memref<2048xi32, #tpu.memory_space<vmem>>, vector<2048xi32>,
    %sub3A = arith.constant 25088 : i32
    %sub3A_4 = vector.broadcast %sub3A : i32 to vector<2048xi32>
    %sub3A_5 = arith.subi %get3A_0, %sub3A_4 : vector<2048xi32>
    %jit3A_6 = arith.constant 25088 : i32
    %broadcast_in_dim3A_7 = vector.broadcast %jit3A_6 : i32 to vector<2048xi32>
    %select_n3A_8 = arith.select %lt3A_2, %broadcast_in_dim3A_7, %sub3A_5 : vector<2048xi1>, vector<2048xi32>
    %swap3A_9 = arith.constant 0 : index
    %swap3A_10 = vector.load %arg3[%swap3A_9] : memref<2048xi32, #tpu.memory_space<vmem>>, vector<2048xi32>
    tpu.vector_store %arg3[%swap3A_9], %select_n3A_8 {strides = array<i32>} : memref<2048xi32, #tpu.memory_space<vmem>>, vector<2048xi32>,
    return
  }
  func.func @transform_0(%arg0: i32) -> i32 {
    %c0_i32 = arith.constant 0 : i32
    return %arg0 : i32
  }
  func.func @transform_1(%arg0: i32) -> i32 {
    %c0_i32 = arith.constant 0 : i32
    return %arg0 : i32
  }
  func.func @transform_2(%arg0: i32) -> i32 {
    %c0_i32 = arith.constant 0 : i32
    return %arg0 : i32
  }
}

module attributes {stable_mosaic.version = 14 : i64} {
  func.func @body(%arg0: i32, %arg1: memref<2048x8xf32, #tpu.memory_space<vmem>>, %arg2: memref<2048x8xf32, #tpu.memory_space<vmem>>, %arg3: memref<2048x4xf32, #tpu.memory_space<vmem>>, %arg4: memref<2048x16xf32, #tpu.memory_space<vmem>>) attributes {dimension_semantics = [#tpu.dimension_semantics<arbitrary>], iteration_bounds = array<i64: 392>, scalar_prefetch = 0 : i64, scratch_operands = 0 : i64, tpu.core_type = #tpu.core_type<tc>, window_params = [{transform_indices = @transform_0, window_bounds = array<i64: 2048, 8>}, {transform_indices = @transform_1, window_bounds = array<i64: 2048, 8>}, {transform_indices = @transform_2, window_bounds = array<i64: 2048, 4>}, {transform_indices = @transform_3, window_bounds = array<i64: 2048, 16>}]} {
    %get3A = arith.constant 0 : index
    %get3A_0 = arith.constant 0 : index
    %get3A_1 = vector.load %arg1[%get3A, %get3A_0] : memref<2048x8xf32, #tpu.memory_space<vmem>>, vector<2048x8xf32>
    %get3A_2 = arith.constant 0 : index
    %get3A_3 = arith.constant 0 : index
    %get3A_4 = vector.load %arg2[%get3A_2, %get3A_3] : memref<2048x8xf32, #tpu.memory_space<vmem>>, vector<2048x8xf32>
    %get3A_5 = arith.constant 0 : index
    %get3A_6 = arith.constant 0 : index
    %get3A_7 = vector.load %arg3[%get3A_5, %get3A_6] : memref<2048x4xf32, #tpu.memory_space<vmem>>, vector<2048x4xf32>
    %slice3A = vector.extract_strided_slice %get3A_4 {offsets = [0, 0], sizes = [2048, 3], strides = [1, 1]} : vector<2048x8xf32> to vector<2048x3xf32>
    %slice3A_8 = vector.extract_strided_slice %get3A_1 {offsets = [0, 0], sizes = [2048, 3], strides = [1, 1]} : vector<2048x8xf32> to vector<2048x3xf32>
    %sub3A = arith.subf %slice3A, %slice3A_8 : vector<2048x3xf32>
    %slice3A_9 = vector.extract_strided_slice %get3A_7 {offsets = [0, 0], sizes = [2048, 3], strides = [1, 1]} : vector<2048x4xf32> to vector<2048x3xf32>
    %add3A = arith.addf %sub3A, %slice3A_9 : vector<2048x3xf32>
    %mul3A = arith.mulf %add3A, %add3A : vector<2048x3xf32>
    %reduce_sum3A = arith.constant dense<0.000000e+00> : vector<2048xf32>
    %reduce_sum3A_10 = vector.multi_reduction <add>, %mul3A, %reduce_sum3A [1] : vector<2048x3xf32> to vector<2048xf32>
    %broadcast_in_dim3A = vector.shape_cast %reduce_sum3A_10 : vector<2048xf32> to vector<2048x1xf32>
    %add3A_11 = arith.constant 9.99999996E-13 : f32
    %add3A_12 = vector.broadcast %add3A_11 : f32 to vector<2048x1xf32>
    %add3A_13 = arith.addf %broadcast_in_dim3A, %add3A_12 : vector<2048x1xf32>
    %sqrt3A = math.sqrt %add3A_13 : vector<2048x1xf32>
    %iota3A = tpu.iota {dimensions = array<i32: 1>} : vector<1x4xi32>
    %convert_element_type3A = arith.sitofp %iota3A : vector<1x4xi32> to vector<1x4xf32>
    %mul3A_14 = arith.constant 1.500000e+00 : f32
    %mul3A_15 = vector.broadcast %mul3A_14 : f32 to vector<1x4xf32>
    %mul3A_16 = arith.mulf %mul3A_15, %convert_element_type3A : vector<1x4xf32>
    %add3A_17 = arith.constant 5.000000e-01 : f32
    %add3A_18 = vector.broadcast %add3A_17 : f32 to vector<1x4xf32>
    %add3A_19 = arith.addf %add3A_18, %mul3A_16 : vector<1x4xf32>
    %sub3A_20 = vector.broadcast %sqrt3A : vector<2048x1xf32> to vector<2048x4xf32>
    %sub3A_21 = vector.broadcast %add3A_19 : vector<1x4xf32> to vector<2048x4xf32>
    %sub3A_22 = arith.subf %sub3A_20, %sub3A_21 : vector<2048x4xf32>
    %integer_pow3A = arith.mulf %sub3A_22, %sub3A_22 : vector<2048x4xf32>
    %neg3A = arith.constant 0.000000e+00 : f32
    %neg3A_23 = vector.broadcast %neg3A : f32 to vector<2048x4xf32>
    %neg3A_24 = arith.subf %neg3A_23, %integer_pow3A : vector<2048x4xf32>
    %div3A = arith.constant 2.500000e-01 : f32
    %div3A_25 = vector.broadcast %div3A : f32 to vector<2048x4xf32>
    %div3A_26 = arith.divf %neg3A_24, %div3A_25 : vector<2048x4xf32>
    %exp3A = math.exp %div3A_26 : vector<2048x4xf32>
    %div3A_27 = arith.constant 5.000000e+00 : f32
    %div3A_28 = vector.broadcast %div3A_27 : f32 to vector<2048x1xf32>
    %div3A_29 = arith.divf %sqrt3A, %div3A_28 : vector<2048x1xf32>
    %jit3A = arith.constant 0.000000e+00 : f32
    %jit3A_30 = arith.constant 1.000000e+00 : f32
    %max3A = vector.broadcast %jit3A : f32 to vector<2048x1xf32>
    %max3A_31 = arith.maximumf %max3A, %div3A_29 : vector<2048x1xf32>
    %min3A = vector.broadcast %jit3A_30 : f32 to vector<2048x1xf32>
    %min3A_32 = arith.minimumf %min3A, %max3A_31 : vector<2048x1xf32>
    %mul3A_33 = arith.constant 3.14159274 : f32
    %mul3A_34 = vector.broadcast %mul3A_33 : f32 to vector<2048x1xf32>
    %mul3A_35 = arith.mulf %mul3A_34, %min3A_32 : vector<2048x1xf32>
    %cos3A = math.cos %mul3A_35 : vector<2048x1xf32>
    %add3A_36 = arith.constant 1.000000e+00 : f32
    %add3A_37 = vector.broadcast %add3A_36 : f32 to vector<2048x1xf32>
    %add3A_38 = arith.addf %cos3A, %add3A_37 : vector<2048x1xf32>
    %mul3A_39 = arith.constant 5.000000e-01 : f32
    %mul3A_40 = vector.broadcast %mul3A_39 : f32 to vector<2048x1xf32>
    %mul3A_41 = arith.mulf %mul3A_40, %add3A_38 : vector<2048x1xf32>
    %mul3A_42 = vector.broadcast %mul3A_41 : vector<2048x1xf32> to vector<2048x4xf32>
    %mul3A_43 = arith.mulf %exp3A, %mul3A_42 : vector<2048x4xf32>
    %slice3A_44 = vector.extract_strided_slice %get3A_1 {offsets = [0, 4], sizes = [2048, 4], strides = [1, 1]} : vector<2048x8xf32> to vector<2048x4xf32>
    %broadcast_in_dim3A_45 = vector.shape_cast %slice3A_44 : vector<2048x4xf32> to vector<2048x4x1xf32>
    %broadcast_in_dim3A_46 = vector.shape_cast %mul3A_43 : vector<2048x4xf32> to vector<2048x1x4xf32>
    %mul3A_47 = vector.broadcast %broadcast_in_dim3A_45 : vector<2048x4x1xf32> to vector<2048x4x4xf32>
    %mul3A_48 = vector.broadcast %broadcast_in_dim3A_46 : vector<2048x1x4xf32> to vector<2048x4x4xf32>
    %mul3A_49 = arith.mulf %mul3A_47, %mul3A_48 : vector<2048x4x4xf32>
    %reshape3A = vector.shape_cast %mul3A_49 : vector<2048x4x4xf32> to vector<2048x16xf32>
    %swap3A = arith.constant 0 : index
    %swap3A_50 = arith.constant 0 : index
    %swap3A_51 = vector.load %arg4[%swap3A, %swap3A_50] : memref<2048x16xf32, #tpu.memory_space<vmem>>, vector<2048x16xf32>
    tpu.vector_store %arg4[%swap3A, %swap3A_50], %reshape3A {strides = array<i32>} : memref<2048x16xf32, #tpu.memory_space<vmem>>, vector<2048x16xf32>,
    return
  }
  func.func @transform_0(%arg0: i32) -> (i32, i32) {
    %c0_i32 = arith.constant 0 : i32
    %c0_i32_0 = arith.constant 0 : i32
    return %arg0, %c0_i32 : i32, i32
  }
  func.func @transform_1(%arg0: i32) -> (i32, i32) {
    %c0_i32 = arith.constant 0 : i32
    %c0_i32_0 = arith.constant 0 : i32
    return %arg0, %c0_i32 : i32, i32
  }
  func.func @transform_2(%arg0: i32) -> (i32, i32) {
    %c0_i32 = arith.constant 0 : i32
    %c0_i32_0 = arith.constant 0 : i32
    return %arg0, %c0_i32 : i32, i32
  }
  func.func @transform_3(%arg0: i32) -> (i32, i32) {
    %c0_i32 = arith.constant 0 : i32
    %c0_i32_0 = arith.constant 0 : i32
    return %arg0, %c0_i32 : i32, i32
  }
}

module attributes {stable_mosaic.version = 14 : i64} {
  func.func @body(%arg0: i32, %arg1: memref<1024x16xf32, #tpu.memory_space<vmem>>, %arg2: memref<1024x8xf32, #tpu.memory_space<vmem>>, %arg3: memref<64x64xf32, #tpu.memory_space<vmem>>, %arg4: memref<4x16xf32, #tpu.memory_space<vmem>>, %arg5: memref<4x16xf32, #tpu.memory_space<vmem>>, %arg6: memref<1x16xf32, #tpu.memory_space<vmem>>, %arg7: memref<1x16xf32, #tpu.memory_space<vmem>>, %arg8: memref<1024x72xf32, #tpu.memory_space<vmem>>, %arg9: memref<1024x8xf32, #tpu.memory_space<vmem>>) attributes {dimension_semantics = [#tpu.dimension_semantics<arbitrary>], iteration_bounds = array<i64: 49>, scalar_prefetch = 0 : i64, scratch_operands = 0 : i64, tpu.core_type = #tpu.core_type<tc>, window_params = [{transform_indices = @transform_0, window_bounds = array<i64: 1024, 16>}, {transform_indices = @transform_1, window_bounds = array<i64: 1024, 8>}, {pipeline_mode = #tpu.pipeline_mode<synchronous>, transform_indices = @transform_2, window_bounds = array<i64: 64, 64>}, {pipeline_mode = #tpu.pipeline_mode<synchronous>, transform_indices = @transform_3, window_bounds = array<i64: 4, 16>}, {pipeline_mode = #tpu.pipeline_mode<synchronous>, transform_indices = @transform_4, window_bounds = array<i64: 4, 16>}, {pipeline_mode = #tpu.pipeline_mode<synchronous>, transform_indices = @transform_5, window_bounds = array<i64: 1, 16>}, {pipeline_mode = #tpu.pipeline_mode<synchronous>, transform_indices = @transform_6, window_bounds = array<i64: 1, 16>}, {transform_indices = @transform_7, window_bounds = array<i64: 1024, 72>}, {transform_indices = @transform_8, window_bounds = array<i64: 1024, 8>}]} {
    %get3A = arith.constant 0 : index
    %get3A_0 = arith.constant 0 : index
    %get3A_1 = vector.load %arg1[%get3A, %get3A_0] : memref<1024x16xf32, #tpu.memory_space<vmem>>, vector<1024x16xf32>
    %reshape3A = vector.shape_cast %get3A_1 : vector<1024x16xf32> to vector<1024x4x4xf32>
    %broadcast_in_dim3A = vector.shape_cast %reshape3A : vector<1024x4x4xf32> to vector<1024x4x4x1xf32>
    %broadcast_in_dim3A_2 = vector.shape_cast %reshape3A : vector<1024x4x4xf32> to vector<1024x4x1x4xf32>
    %mul3A = vector.broadcast %broadcast_in_dim3A : vector<1024x4x4x1xf32> to vector<1024x4x4x4xf32>
    %mul3A_3 = vector.broadcast %broadcast_in_dim3A_2 : vector<1024x4x1x4xf32> to vector<1024x4x4x4xf32>
    %mul3A_4 = arith.mulf %mul3A, %mul3A_3 : vector<1024x4x4x4xf32>
    %reshape3A_5 = vector.shape_cast %mul3A_4 : vector<1024x4x4x4xf32> to vector<1024x4x16xf32>
    %reduce_sum3A = arith.constant dense<0.000000e+00> : vector<1024x4xf32>
    %reduce_sum3A_6 = vector.multi_reduction <add>, %reshape3A_5, %reduce_sum3A [2] : vector<1024x4x16xf32> to vector<1024x4xf32>
    %broadcast_in_dim3A_7 = vector.shape_cast %reduce_sum3A_6 : vector<1024x4xf32> to vector<1024x4x1xf32>
    %div3A = arith.constant 1.600000e+01 : f32
    %div3A_8 = vector.broadcast %div3A : f32 to vector<1024x4x1xf32>
    %div3A_9 = arith.divf %broadcast_in_dim3A_7, %div3A_8 : vector<1024x4x1xf32>
    %sub3A = vector.broadcast %div3A_9 : vector<1024x4x1xf32> to vector<1024x4x16xf32>
    %sub3A_10 = arith.subf %reshape3A_5, %sub3A : vector<1024x4x16xf32>
    %integer_pow3A = arith.mulf %sub3A_10, %sub3A_10 : vector<1024x4x16xf32>
    %reduce_sum3A_11 = arith.constant dense<0.000000e+00> : vector<1024x4xf32>
    %reduce_sum3A_12 = vector.multi_reduction <add>, %integer_pow3A, %reduce_sum3A_11 [2] : vector<1024x4x16xf32> to vector<1024x4xf32>
    %broadcast_in_dim3A_13 = vector.shape_cast %reduce_sum3A_12 : vector<1024x4xf32> to vector<1024x4x1xf32>
    %div3A_14 = arith.constant 1.600000e+01 : f32
    %div3A_15 = vector.broadcast %div3A_14 : f32 to vector<1024x4x1xf32>
    %div3A_16 = arith.divf %broadcast_in_dim3A_13, %div3A_15 : vector<1024x4x1xf32>
    %sub3A_17 = vector.broadcast %div3A_9 : vector<1024x4x1xf32> to vector<1024x4x16xf32>
    %sub3A_18 = arith.subf %reshape3A_5, %sub3A_17 : vector<1024x4x16xf32>
    %add3A = arith.constant 9.99999974E-6 : f32
    %add3A_19 = vector.broadcast %add3A : f32 to vector<1024x4x1xf32>
    %add3A_20 = arith.addf %div3A_16, %add3A_19 : vector<1024x4x1xf32>
    %sqrt3A = math.sqrt %add3A_20 : vector<1024x4x1xf32>
    %div3A_21 = vector.broadcast %sqrt3A : vector<1024x4x1xf32> to vector<1024x4x16xf32>
    %div3A_22 = arith.divf %sub3A_18, %div3A_21 : vector<1024x4x16xf32>
    %get3A_23 = arith.constant 0 : index
    %get3A_24 = arith.constant 0 : index
    %get3A_25 = vector.load %arg6[%get3A_23, %get3A_24] : memref<1x16xf32, #tpu.memory_space<vmem>>, vector<1x16xf32>
    %broadcast_in_dim3A_26 = vector.shape_cast %get3A_25 : vector<1x16xf32> to vector<1x1x16xf32>
    %mul3A_27 = vector.broadcast %broadcast_in_dim3A_26 : vector<1x1x16xf32> to vector<1024x4x16xf32>
    %mul3A_28 = arith.mulf %div3A_22, %mul3A_27 : vector<1024x4x16xf32>
    %get3A_29 = arith.constant 0 : index
    %get3A_30 = arith.constant 0 : index
    %get3A_31 = vector.load %arg7[%get3A_29, %get3A_30] : memref<1x16xf32, #tpu.memory_space<vmem>>, vector<1x16xf32>
    %broadcast_in_dim3A_32 = vector.shape_cast %get3A_31 : vector<1x16xf32> to vector<1x1x16xf32>
    %add3A_33 = vector.broadcast %broadcast_in_dim3A_32 : vector<1x1x16xf32> to vector<1024x4x16xf32>
    %add3A_34 = arith.addf %mul3A_28, %add3A_33 : vector<1024x4x16xf32>
    %reshape3A_35 = vector.shape_cast %add3A_34 : vector<1024x4x16xf32> to vector<1024x64xf32>
    %get3A_36 = arith.constant 0 : index
    %get3A_37 = arith.constant 0 : index
    %get3A_38 = vector.load %arg3[%get3A_36, %get3A_37] : memref<64x64xf32, #tpu.memory_space<vmem>>, vector<64x64xf32>
    %dot_general3A = arith.constant dense<0.000000e+00> : vector<1024x64xf32>
    %dot_general3A_39 = tpu.matmul %reshape3A_35, %get3A_38, %dot_general3A {dimension_numbers = #tpu.dot_dimension_numbers<[1], [0], [0], [1], [0, 0, 1, 1], [], []>, transpose_lhs_hint = false} : vector<1024x64xf32>, vector<64x64xf32>, vector<1024x64xf32> -> vector<1024x64xf32>
    %reshape3A_40 = vector.shape_cast %dot_general3A_39 : vector<1024x64xf32> to vector<1024x4x16xf32>
    %get3A_41 = arith.constant 0 : index
    %get3A_42 = arith.constant 0 : index
    %get3A_43 = vector.load %arg4[%get3A_41, %get3A_42] : memref<4x16xf32, #tpu.memory_space<vmem>>, vector<4x16xf32>
    %broadcast_in_dim3A_44 = vector.shape_cast %get3A_43 : vector<4x16xf32> to vector<1x4x16xf32>
    %mul3A_45 = vector.broadcast %broadcast_in_dim3A_44 : vector<1x4x16xf32> to vector<1024x4x16xf32>
    %mul3A_46 = arith.mulf %reshape3A_40, %mul3A_45 : vector<1024x4x16xf32>
    %reduce_sum3A_47 = arith.constant dense<0.000000e+00> : vector<1024x4xf32>
    %reduce_sum3A_48 = vector.multi_reduction <add>, %mul3A_46, %reduce_sum3A_47 [2] : vector<1024x4x16xf32> to vector<1024x4xf32>
    %get3A_49 = arith.constant 0 : index
    %get3A_50 = arith.constant 0 : index
    %get3A_51 = vector.load %arg5[%get3A_49, %get3A_50] : memref<4x16xf32, #tpu.memory_space<vmem>>, vector<4x16xf32>
    %broadcast_in_dim3A_52 = vector.shape_cast %get3A_51 : vector<4x16xf32> to vector<1x4x16xf32>
    %mul3A_53 = vector.broadcast %broadcast_in_dim3A_52 : vector<1x4x16xf32> to vector<1024x4x16xf32>
    %mul3A_54 = arith.mulf %reshape3A_40, %mul3A_53 : vector<1024x4x16xf32>
    %reduce_sum3A_55 = arith.constant dense<0.000000e+00> : vector<1024x4xf32>
    %reduce_sum3A_56 = vector.multi_reduction <add>, %mul3A_54, %reduce_sum3A_55 [2] : vector<1024x4x16xf32> to vector<1024x4xf32>
    %broadcast_in_dim3A_57 = arith.constant 0.000000e+00 : f32
    %broadcast_in_dim3A_58 = vector.broadcast %broadcast_in_dim3A_57 : f32 to vector<1024x4xf32>
    %concatenate3A = tpu.concatenate %dot_general3A_39, %reduce_sum3A_48, %broadcast_in_dim3A_58 in 1 : vector<1024x64xf32>, vector<1024x4xf32>, vector<1024x4xf32> -> vector<1024x72xf32>
    %swap3A = arith.constant 0 : index
    %swap3A_59 = arith.constant 0 : index
    %swap3A_60 = vector.load %arg8[%swap3A, %swap3A_59] : memref<1024x72xf32, #tpu.memory_space<vmem>>, vector<1024x72xf32>
    tpu.vector_store %arg8[%swap3A, %swap3A_59], %concatenate3A {strides = array<i32>} : memref<1024x72xf32, #tpu.memory_space<vmem>>, vector<1024x72xf32>,
    %concatenate3A_61 = tpu.concatenate %reduce_sum3A_56, %broadcast_in_dim3A_58 in 1 : vector<1024x4xf32>, vector<1024x4xf32> -> vector<1024x8xf32>
    %swap3A_62 = arith.constant 0 : index
    %swap3A_63 = arith.constant 0 : index
    %swap3A_64 = vector.load %arg9[%swap3A_62, %swap3A_63] : memref<1024x8xf32, #tpu.memory_space<vmem>>, vector<1024x8xf32>
    tpu.vector_store %arg9[%swap3A_62, %swap3A_63], %concatenate3A_61 {strides = array<i32>} : memref<1024x8xf32, #tpu.memory_space<vmem>>, vector<1024x8xf32>,
    return
  }
  func.func @transform_0(%arg0: i32) -> (i32, i32) {
    %c0_i32 = arith.constant 0 : i32
    %c0_i32_0 = arith.constant 0 : i32
    return %arg0, %c0_i32 : i32, i32
  }
  func.func @transform_1(%arg0: i32) -> (i32, i32) {
    %c0_i32 = arith.constant 0 : i32
    %c0_i32_0 = arith.constant 0 : i32
    return %arg0, %c0_i32 : i32, i32
  }
  func.func @transform_2(%arg0: i32) -> (i32, i32) {
    %c0_i32 = arith.constant 0 : i32
    %c0_i32_0 = arith.constant 0 : i32
    %c0_i32_1 = arith.constant 0 : i32
    return %c0_i32, %c0_i32_0 : i32, i32
  }
  func.func @transform_3(%arg0: i32) -> (i32, i32) {
    %c0_i32 = arith.constant 0 : i32
    %c0_i32_0 = arith.constant 0 : i32
    %c0_i32_1 = arith.constant 0 : i32
    return %c0_i32, %c0_i32_0 : i32, i32
  }
  func.func @transform_4(%arg0: i32) -> (i32, i32) {
    %c0_i32 = arith.constant 0 : i32
    %c0_i32_0 = arith.constant 0 : i32
    %c0_i32_1 = arith.constant 0 : i32
    return %c0_i32, %c0_i32_0 : i32, i32
  }
  func.func @transform_5(%arg0: i32) -> (i32, i32) {
    %c0_i32 = arith.constant 0 : i32
    %c0_i32_0 = arith.constant 0 : i32
    %c0_i32_1 = arith.constant 0 : i32
    return %c0_i32, %c0_i32_0 : i32, i32
  }
  func.func @transform_6(%arg0: i32) -> (i32, i32) {
    %c0_i32 = arith.constant 0 : i32
    %c0_i32_0 = arith.constant 0 : i32
    %c0_i32_1 = arith.constant 0 : i32
    return %c0_i32, %c0_i32_0 : i32, i32
  }
  func.func @transform_7(%arg0: i32) -> (i32, i32) {
    %c0_i32 = arith.constant 0 : i32
    %c0_i32_0 = arith.constant 0 : i32
    return %arg0, %c0_i32 : i32, i32
  }
  func.func @transform_8(%arg0: i32) -> (i32, i32) {
    %c0_i32 = arith.constant 0 : i32
    %c0_i32_0 = arith.constant 0 : i32
    return %arg0, %c0_i32 : i32, i32
  }
}

module attributes {stable_mosaic.version = 14 : i64} {
  func.func @body(%arg0: i32, %arg1: memref<2048x72xf32, #tpu.memory_space<vmem>>, %arg2: memref<2048x8xf32, #tpu.memory_space<vmem>>, %arg3: memref<2048x8xf32, #tpu.memory_space<vmem>>, %arg4: memref<2048x64xf32, #tpu.memory_space<vmem>>) attributes {dimension_semantics = [#tpu.dimension_semantics<arbitrary>], iteration_bounds = array<i64: 392>, scalar_prefetch = 0 : i64, scratch_operands = 0 : i64, tpu.core_type = #tpu.core_type<tc>, window_params = [{transform_indices = @transform_0, window_bounds = array<i64: 2048, 72>}, {transform_indices = @transform_1, window_bounds = array<i64: 2048, 8>}, {transform_indices = @transform_2, window_bounds = array<i64: 2048, 8>}, {transform_indices = @transform_3, window_bounds = array<i64: 2048, 64>}]} {
    %get3A = arith.constant 0 : index
    %get3A_0 = arith.constant 0 : index
    %get3A_1 = vector.load %arg1[%get3A, %get3A_0] : memref<2048x72xf32, #tpu.memory_space<vmem>>, vector<2048x72xf32>
    %get3A_2 = arith.constant 0 : index
    %get3A_3 = arith.constant 0 : index
    %get3A_4 = vector.load %arg2[%get3A_2, %get3A_3] : memref<2048x8xf32, #tpu.memory_space<vmem>>, vector<2048x8xf32>
    %slice3A = vector.extract_strided_slice %get3A_1 {offsets = [0, 64], sizes = [2048, 4], strides = [1, 1]} : vector<2048x72xf32> to vector<2048x4xf32>
    %slice3A_5 = vector.extract_strided_slice %get3A_4 {offsets = [0, 0], sizes = [2048, 4], strides = [1, 1]} : vector<2048x8xf32> to vector<2048x4xf32>
    %add3A = arith.addf %slice3A, %slice3A_5 : vector<2048x4xf32>
    %gt3A = arith.constant 0.000000e+00 : f32
    %gt3A_6 = vector.broadcast %gt3A : f32 to vector<2048x4xf32>
    %gt3A_7 = arith.cmpf ogt, %add3A, %gt3A_6 : vector<2048x4xf32>
    %mul3A = arith.constant 2.000000e-01 : f32
    %mul3A_8 = vector.broadcast %mul3A : f32 to vector<2048x4xf32>
    %mul3A_9 = arith.mulf %mul3A_8, %add3A : vector<2048x4xf32>
    %select_n3A = arith.select %gt3A_7, %add3A, %mul3A_9 : vector<2048x4xi1>, vector<2048x4xf32>
    %exp3A = math.exp %select_n3A : vector<2048x4xf32>
    %broadcast_in_dim3A = arith.constant 0.000000e+00 : f32
    %broadcast_in_dim3A_10 = vector.broadcast %broadcast_in_dim3A : f32 to vector<2048x4xf32>
    %concatenate3A = tpu.concatenate %exp3A, %broadcast_in_dim3A_10 in 1 : vector<2048x4xf32>, vector<2048x4xf32> -> vector<2048x8xf32>
    %swap3A = arith.constant 0 : index
    %swap3A_11 = arith.constant 0 : index
    %swap3A_12 = vector.load %arg3[%swap3A, %swap3A_11] : memref<2048x8xf32, #tpu.memory_space<vmem>>, vector<2048x8xf32>
    tpu.vector_store %arg3[%swap3A, %swap3A_11], %concatenate3A {strides = array<i32>} : memref<2048x8xf32, #tpu.memory_space<vmem>>, vector<2048x8xf32>,
    %slice3A_13 = vector.extract_strided_slice %get3A_1 {offsets = [0, 0], sizes = [2048, 64], strides = [1, 1]} : vector<2048x72xf32> to vector<2048x64xf32>
    %reshape3A = vector.shape_cast %slice3A_13 : vector<2048x64xf32> to vector<2048x4x16xf32>
    %broadcast_in_dim3A_14 = vector.shape_cast %exp3A : vector<2048x4xf32> to vector<2048x4x1xf32>
    %mul3A_15 = vector.broadcast %broadcast_in_dim3A_14 : vector<2048x4x1xf32> to vector<2048x4x16xf32>
    %mul3A_16 = arith.mulf %mul3A_15, %reshape3A : vector<2048x4x16xf32>
    %reshape3A_17 = vector.shape_cast %mul3A_16 : vector<2048x4x16xf32> to vector<2048x64xf32>
    %swap3A_18 = arith.constant 0 : index
    %swap3A_19 = arith.constant 0 : index
    %swap3A_20 = vector.load %arg4[%swap3A_18, %swap3A_19] : memref<2048x64xf32, #tpu.memory_space<vmem>>, vector<2048x64xf32>
    tpu.vector_store %arg4[%swap3A_18, %swap3A_19], %reshape3A_17 {strides = array<i32>} : memref<2048x64xf32, #tpu.memory_space<vmem>>, vector<2048x64xf32>,
    return
  }
  func.func @transform_0(%arg0: i32) -> (i32, i32) {
    %c0_i32 = arith.constant 0 : i32
    %c0_i32_0 = arith.constant 0 : i32
    return %arg0, %c0_i32 : i32, i32
  }
  func.func @transform_1(%arg0: i32) -> (i32, i32) {
    %c0_i32 = arith.constant 0 : i32
    %c0_i32_0 = arith.constant 0 : i32
    return %arg0, %c0_i32 : i32, i32
  }
  func.func @transform_2(%arg0: i32) -> (i32, i32) {
    %c0_i32 = arith.constant 0 : i32
    %c0_i32_0 = arith.constant 0 : i32
    return %arg0, %c0_i32 : i32, i32
  }
  func.func @transform_3(%arg0: i32) -> (i32, i32) {
    %c0_i32 = arith.constant 0 : i32
    %c0_i32_0 = arith.constant 0 : i32
    return %arg0, %c0_i32 : i32, i32
  }
}

module attributes {stable_mosaic.version = 14 : i64} {
  func.func @body(%arg0: i32, %arg1: memref<1024x64xf32, #tpu.memory_space<vmem>>, %arg2: memref<1024x8xf32, #tpu.memory_space<vmem>>, %arg3: memref<64x64xf32, #tpu.memory_space<vmem>>, %arg4: memref<4x16xf32, #tpu.memory_space<vmem>>, %arg5: memref<4x16xf32, #tpu.memory_space<vmem>>, %arg6: memref<1x16xf32, #tpu.memory_space<vmem>>, %arg7: memref<1x16xf32, #tpu.memory_space<vmem>>, %arg8: memref<1024x72xf32, #tpu.memory_space<vmem>>, %arg9: memref<1024x8xf32, #tpu.memory_space<vmem>>) attributes {dimension_semantics = [#tpu.dimension_semantics<arbitrary>], iteration_bounds = array<i64: 49>, scalar_prefetch = 0 : i64, scratch_operands = 0 : i64, tpu.core_type = #tpu.core_type<tc>, window_params = [{transform_indices = @transform_0, window_bounds = array<i64: 1024, 64>}, {transform_indices = @transform_1, window_bounds = array<i64: 1024, 8>}, {pipeline_mode = #tpu.pipeline_mode<synchronous>, transform_indices = @transform_2, window_bounds = array<i64: 64, 64>}, {pipeline_mode = #tpu.pipeline_mode<synchronous>, transform_indices = @transform_3, window_bounds = array<i64: 4, 16>}, {pipeline_mode = #tpu.pipeline_mode<synchronous>, transform_indices = @transform_4, window_bounds = array<i64: 4, 16>}, {pipeline_mode = #tpu.pipeline_mode<synchronous>, transform_indices = @transform_5, window_bounds = array<i64: 1, 16>}, {pipeline_mode = #tpu.pipeline_mode<synchronous>, transform_indices = @transform_6, window_bounds = array<i64: 1, 16>}, {transform_indices = @transform_7, window_bounds = array<i64: 1024, 72>}, {transform_indices = @transform_8, window_bounds = array<i64: 1024, 8>}]} {
    %get3A = arith.constant 0 : index
    %get3A_0 = arith.constant 0 : index
    %get3A_1 = vector.load %arg1[%get3A, %get3A_0] : memref<1024x64xf32, #tpu.memory_space<vmem>>, vector<1024x64xf32>
    %reshape3A = vector.shape_cast %get3A_1 : vector<1024x64xf32> to vector<1024x4x16xf32>
    %get3A_2 = arith.constant 0 : index
    %get3A_3 = arith.constant 0 : index
    %get3A_4 = vector.load %arg2[%get3A_2, %get3A_3] : memref<1024x8xf32, #tpu.memory_space<vmem>>, vector<1024x8xf32>
    %slice3A = vector.extract_strided_slice %get3A_4 {offsets = [0, 0], sizes = [1024, 4], strides = [1, 1]} : vector<1024x8xf32> to vector<1024x4xf32>
    %broadcast_in_dim3A = vector.shape_cast %slice3A : vector<1024x4xf32> to vector<1024x4x1xf32>
    %add3A = arith.constant 9.99999971E-10 : f32
    %add3A_5 = vector.broadcast %add3A : f32 to vector<1024x4x1xf32>
    %add3A_6 = arith.addf %broadcast_in_dim3A, %add3A_5 : vector<1024x4x1xf32>
    %div3A = vector.broadcast %add3A_6 : vector<1024x4x1xf32> to vector<1024x4x16xf32>
    %div3A_7 = arith.divf %reshape3A, %div3A : vector<1024x4x16xf32>
    %neg3A = arith.constant 0.000000e+00 : f32
    %neg3A_8 = vector.broadcast %neg3A : f32 to vector<1024x4x16xf32>
    %neg3A_9 = arith.subf %neg3A_8, %div3A_7 : vector<1024x4x16xf32>
    %exp3A = math.exp %neg3A_9 : vector<1024x4x16xf32>
    %add3A_10 = arith.constant 1.000000e+00 : f32
    %add3A_11 = vector.broadcast %add3A_10 : f32 to vector<1024x4x16xf32>
    %add3A_12 = arith.addf %add3A_11, %exp3A : vector<1024x4x16xf32>
    %div3A_13 = arith.constant 1.000000e+00 : f32
    %div3A_14 = vector.broadcast %div3A_13 : f32 to vector<1024x4x16xf32>
    %div3A_15 = arith.divf %div3A_14, %add3A_12 : vector<1024x4x16xf32>
    %mul3A = arith.mulf %div3A_7, %div3A_15 : vector<1024x4x16xf32>
    %reshape3A_16 = vector.shape_cast %mul3A : vector<1024x4x16xf32> to vector<1024x64xf32>
    %get3A_17 = arith.constant 0 : index
    %get3A_18 = arith.constant 0 : index
    %get3A_19 = vector.load %arg3[%get3A_17, %get3A_18] : memref<64x64xf32, #tpu.memory_space<vmem>>, vector<64x64xf32>
    %dot_general3A = arith.constant dense<0.000000e+00> : vector<1024x64xf32>
    %dot_general3A_20 = tpu.matmul %reshape3A_16, %get3A_19, %dot_general3A {dimension_numbers = #tpu.dot_dimension_numbers<[1], [0], [0], [1], [0, 0, 1, 1], [], []>, transpose_lhs_hint = false} : vector<1024x64xf32>, vector<64x64xf32>, vector<1024x64xf32> -> vector<1024x64xf32>
    %reshape3A_21 = vector.shape_cast %dot_general3A_20 : vector<1024x64xf32> to vector<1024x4x16xf32>
    %get3A_22 = arith.constant 0 : index
    %get3A_23 = arith.constant 0 : index
    %get3A_24 = vector.load %arg4[%get3A_22, %get3A_23] : memref<4x16xf32, #tpu.memory_space<vmem>>, vector<4x16xf32>
    %broadcast_in_dim3A_25 = vector.shape_cast %get3A_24 : vector<4x16xf32> to vector<1x4x16xf32>
    %mul3A_26 = vector.broadcast %broadcast_in_dim3A_25 : vector<1x4x16xf32> to vector<1024x4x16xf32>
    %mul3A_27 = arith.mulf %reshape3A_21, %mul3A_26 : vector<1024x4x16xf32>
    %reduce_sum3A = arith.constant dense<0.000000e+00> : vector<1024x4xf32>
    %reduce_sum3A_28 = vector.multi_reduction <add>, %mul3A_27, %reduce_sum3A [2] : vector<1024x4x16xf32> to vector<1024x4xf32>
    %get3A_29 = arith.constant 0 : index
    %get3A_30 = arith.constant 0 : index
    %get3A_31 = vector.load %arg5[%get3A_29, %get3A_30] : memref<4x16xf32, #tpu.memory_space<vmem>>, vector<4x16xf32>
    %broadcast_in_dim3A_32 = vector.shape_cast %get3A_31 : vector<4x16xf32> to vector<1x4x16xf32>
    %mul3A_33 = vector.broadcast %broadcast_in_dim3A_32 : vector<1x4x16xf32> to vector<1024x4x16xf32>
    %mul3A_34 = arith.mulf %reshape3A_21, %mul3A_33 : vector<1024x4x16xf32>
    %reduce_sum3A_35 = arith.constant dense<0.000000e+00> : vector<1024x4xf32>
    %reduce_sum3A_36 = vector.multi_reduction <add>, %mul3A_34, %reduce_sum3A_35 [2] : vector<1024x4x16xf32> to vector<1024x4xf32>
    %broadcast_in_dim3A_37 = arith.constant 0.000000e+00 : f32
    %broadcast_in_dim3A_38 = vector.broadcast %broadcast_in_dim3A_37 : f32 to vector<1024x4xf32>
    %concatenate3A = tpu.concatenate %dot_general3A_20, %reduce_sum3A_28, %broadcast_in_dim3A_38 in 1 : vector<1024x64xf32>, vector<1024x4xf32>, vector<1024x4xf32> -> vector<1024x72xf32>
    %swap3A = arith.constant 0 : index
    %swap3A_39 = arith.constant 0 : index
    %swap3A_40 = vector.load %arg8[%swap3A, %swap3A_39] : memref<1024x72xf32, #tpu.memory_space<vmem>>, vector<1024x72xf32>
    tpu.vector_store %arg8[%swap3A, %swap3A_39], %concatenate3A {strides = array<i32>} : memref<1024x72xf32, #tpu.memory_space<vmem>>, vector<1024x72xf32>,
    %concatenate3A_41 = tpu.concatenate %reduce_sum3A_36, %broadcast_in_dim3A_38 in 1 : vector<1024x4xf32>, vector<1024x4xf32> -> vector<1024x8xf32>
    %swap3A_42 = arith.constant 0 : index
    %swap3A_43 = arith.constant 0 : index
    %swap3A_44 = vector.load %arg9[%swap3A_42, %swap3A_43] : memref<1024x8xf32, #tpu.memory_space<vmem>>, vector<1024x8xf32>
    tpu.vector_store %arg9[%swap3A_42, %swap3A_43], %concatenate3A_41 {strides = array<i32>} : memref<1024x8xf32, #tpu.memory_space<vmem>>, vector<1024x8xf32>,
    return
  }
  func.func @transform_0(%arg0: i32) -> (i32, i32) {
    %c0_i32 = arith.constant 0 : i32
    %c0_i32_0 = arith.constant 0 : i32
    return %arg0, %c0_i32 : i32, i32
  }
  func.func @transform_1(%arg0: i32) -> (i32, i32) {
    %c0_i32 = arith.constant 0 : i32
    %c0_i32_0 = arith.constant 0 : i32
    return %arg0, %c0_i32 : i32, i32
  }
  func.func @transform_2(%arg0: i32) -> (i32, i32) {
    %c0_i32 = arith.constant 0 : i32
    %c0_i32_0 = arith.constant 0 : i32
    %c0_i32_1 = arith.constant 0 : i32
    return %c0_i32, %c0_i32_0 : i32, i32
  }
  func.func @transform_3(%arg0: i32) -> (i32, i32) {
    %c0_i32 = arith.constant 0 : i32
    %c0_i32_0 = arith.constant 0 : i32
    %c0_i32_1 = arith.constant 0 : i32
    return %c0_i32, %c0_i32_0 : i32, i32
  }
  func.func @transform_4(%arg0: i32) -> (i32, i32) {
    %c0_i32 = arith.constant 0 : i32
    %c0_i32_0 = arith.constant 0 : i32
    %c0_i32_1 = arith.constant 0 : i32
    return %c0_i32, %c0_i32_0 : i32, i32
  }
  func.func @transform_5(%arg0: i32) -> (i32, i32) {
    %c0_i32 = arith.constant 0 : i32
    %c0_i32_0 = arith.constant 0 : i32
    %c0_i32_1 = arith.constant 0 : i32
    return %c0_i32, %c0_i32_0 : i32, i32
  }
  func.func @transform_6(%arg0: i32) -> (i32, i32) {
    %c0_i32 = arith.constant 0 : i32
    %c0_i32_0 = arith.constant 0 : i32
    %c0_i32_1 = arith.constant 0 : i32
    return %c0_i32, %c0_i32_0 : i32, i32
  }
  func.func @transform_7(%arg0: i32) -> (i32, i32) {
    %c0_i32 = arith.constant 0 : i32
    %c0_i32_0 = arith.constant 0 : i32
    return %arg0, %c0_i32 : i32, i32
  }
  func.func @transform_8(%arg0: i32) -> (i32, i32) {
    %c0_i32 = arith.constant 0 : i32
    %c0_i32_0 = arith.constant 0 : i32
    return %arg0, %c0_i32 : i32, i32
  }
}

module attributes {stable_mosaic.version = 14 : i64} {
  func.func @body(%arg0: i32, %arg1: memref<2048xi32, #tpu.memory_space<vmem>>, %arg2: memref<2048xi32, #tpu.memory_space<vmem>>, %arg3: memref<2048xi32, #tpu.memory_space<vmem>>) attributes {dimension_semantics = [#tpu.dimension_semantics<arbitrary>], iteration_bounds = array<i64: 25>, scalar_prefetch = 0 : i64, scratch_operands = 0 : i64, tpu.core_type = #tpu.core_type<tc>, window_params = [{transform_indices = @transform_0, window_bounds = array<i64: 2048>}, {transform_indices = @transform_1, window_bounds = array<i64: 2048>}, {transform_indices = @transform_2, window_bounds = array<i64: 2048>}]} {
    %get3A = arith.constant 0 : index
    %get3A_0 = vector.load %arg1[%get3A] : memref<2048xi32, #tpu.memory_space<vmem>>, vector<2048xi32>
    %lt3A = arith.constant 256 : i32
    %lt3A_1 = vector.broadcast %lt3A : i32 to vector<2048xi32>
    %lt3A_2 = arith.cmpi slt, %get3A_0, %lt3A_1 : vector<2048xi32>
    %jit3A = arith.constant 256 : i32
    %broadcast_in_dim3A = vector.broadcast %jit3A : i32 to vector<2048xi32>
    %select_n3A = arith.select %lt3A_2, %get3A_0, %broadcast_in_dim3A : vector<2048xi1>, vector<2048xi32>
    %swap3A = arith.constant 0 : index
    %swap3A_3 = vector.load %arg2[%swap3A] : memref<2048xi32, #tpu.memory_space<vmem>>, vector<2048xi32>
    tpu.vector_store %arg2[%swap3A], %select_n3A {strides = array<i32>} : memref<2048xi32, #tpu.memory_space<vmem>>, vector<2048xi32>,
    %sub3A = arith.constant 256 : i32
    %sub3A_4 = vector.broadcast %sub3A : i32 to vector<2048xi32>
    %sub3A_5 = arith.subi %get3A_0, %sub3A_4 : vector<2048xi32>
    %jit3A_6 = arith.constant 256 : i32
    %broadcast_in_dim3A_7 = vector.broadcast %jit3A_6 : i32 to vector<2048xi32>
    %select_n3A_8 = arith.select %lt3A_2, %broadcast_in_dim3A_7, %sub3A_5 : vector<2048xi1>, vector<2048xi32>
    %swap3A_9 = arith.constant 0 : index
    %swap3A_10 = vector.load %arg3[%swap3A_9] : memref<2048xi32, #tpu.memory_space<vmem>>, vector<2048xi32>
    tpu.vector_store %arg3[%swap3A_9], %select_n3A_8 {strides = array<i32>} : memref<2048xi32, #tpu.memory_space<vmem>>, vector<2048xi32>,
    return
  }
  func.func @transform_0(%arg0: i32) -> i32 {
    %c0_i32 = arith.constant 0 : i32
    return %arg0 : i32
  }
  func.func @transform_1(%arg0: i32) -> i32 {
    %c0_i32 = arith.constant 0 : i32
    return %arg0 : i32
  }
  func.func @transform_2(%arg0: i32) -> i32 {
    %c0_i32 = arith.constant 0 : i32
    return %arg0 : i32
  }
}

module attributes {stable_mosaic.version = 14 : i64} {
  func.func @body(%arg0: i32, %arg1: memref<1024x64xf32, #tpu.memory_space<vmem>>, %arg2: memref<1024x8xf32, #tpu.memory_space<vmem>>, %arg3: memref<64x64xf32, #tpu.memory_space<vmem>>, %arg4: memref<1x64xf32, #tpu.memory_space<vmem>>, %arg5: memref<1024x8xf32, #tpu.memory_space<vmem>>) attributes {dimension_semantics = [#tpu.dimension_semantics<arbitrary>], iteration_bounds = array<i64: 49>, scalar_prefetch = 0 : i64, scratch_operands = 0 : i64, tpu.core_type = #tpu.core_type<tc>, window_params = [{transform_indices = @transform_0, window_bounds = array<i64: 1024, 64>}, {transform_indices = @transform_1, window_bounds = array<i64: 1024, 8>}, {pipeline_mode = #tpu.pipeline_mode<synchronous>, transform_indices = @transform_2, window_bounds = array<i64: 64, 64>}, {pipeline_mode = #tpu.pipeline_mode<synchronous>, transform_indices = @transform_3, window_bounds = array<i64: 1, 64>}, {transform_indices = @transform_4, window_bounds = array<i64: 1024, 8>}]} {
    %get3A = arith.constant 0 : index
    %get3A_0 = arith.constant 0 : index
    %get3A_1 = vector.load %arg1[%get3A, %get3A_0] : memref<1024x64xf32, #tpu.memory_space<vmem>>, vector<1024x64xf32>
    %reshape3A = vector.shape_cast %get3A_1 : vector<1024x64xf32> to vector<1024x4x16xf32>
    %get3A_2 = arith.constant 0 : index
    %get3A_3 = arith.constant 0 : index
    %get3A_4 = vector.load %arg2[%get3A_2, %get3A_3] : memref<1024x8xf32, #tpu.memory_space<vmem>>, vector<1024x8xf32>
    %slice3A = vector.extract_strided_slice %get3A_4 {offsets = [0, 0], sizes = [1024, 4], strides = [1, 1]} : vector<1024x8xf32> to vector<1024x4xf32>
    %broadcast_in_dim3A = vector.shape_cast %slice3A : vector<1024x4xf32> to vector<1024x4x1xf32>
    %add3A = arith.constant 9.99999971E-10 : f32
    %add3A_5 = vector.broadcast %add3A : f32 to vector<1024x4x1xf32>
    %add3A_6 = arith.addf %broadcast_in_dim3A, %add3A_5 : vector<1024x4x1xf32>
    %div3A = vector.broadcast %add3A_6 : vector<1024x4x1xf32> to vector<1024x4x16xf32>
    %div3A_7 = arith.divf %reshape3A, %div3A : vector<1024x4x16xf32>
    %neg3A = arith.constant 0.000000e+00 : f32
    %neg3A_8 = vector.broadcast %neg3A : f32 to vector<1024x4x16xf32>
    %neg3A_9 = arith.subf %neg3A_8, %div3A_7 : vector<1024x4x16xf32>
    %exp3A = math.exp %neg3A_9 : vector<1024x4x16xf32>
    %add3A_10 = arith.constant 1.000000e+00 : f32
    %add3A_11 = vector.broadcast %add3A_10 : f32 to vector<1024x4x16xf32>
    %add3A_12 = arith.addf %add3A_11, %exp3A : vector<1024x4x16xf32>
    %div3A_13 = arith.constant 1.000000e+00 : f32
    %div3A_14 = vector.broadcast %div3A_13 : f32 to vector<1024x4x16xf32>
    %div3A_15 = arith.divf %div3A_14, %add3A_12 : vector<1024x4x16xf32>
    %mul3A = arith.mulf %div3A_7, %div3A_15 : vector<1024x4x16xf32>
    %reshape3A_16 = vector.shape_cast %mul3A : vector<1024x4x16xf32> to vector<1024x64xf32>
    %get3A_17 = arith.constant 0 : index
    %get3A_18 = arith.constant 0 : index
    %get3A_19 = vector.load %arg3[%get3A_17, %get3A_18] : memref<64x64xf32, #tpu.memory_space<vmem>>, vector<64x64xf32>
    %dot_general3A = arith.constant dense<0.000000e+00> : vector<1024x64xf32>
    %dot_general3A_20 = tpu.matmul %reshape3A_16, %get3A_19, %dot_general3A {dimension_numbers = #tpu.dot_dimension_numbers<[1], [0], [0], [1], [0, 0, 1, 1], [], []>, transpose_lhs_hint = false} : vector<1024x64xf32>, vector<64x64xf32>, vector<1024x64xf32> -> vector<1024x64xf32>
    %neg3A_21 = arith.constant 0.000000e+00 : f32
    %neg3A_22 = vector.broadcast %neg3A_21 : f32 to vector<1024x64xf32>
    %neg3A_23 = arith.subf %neg3A_22, %dot_general3A_20 : vector<1024x64xf32>
    %exp3A_24 = math.exp %neg3A_23 : vector<1024x64xf32>
    %add3A_25 = arith.constant 1.000000e+00 : f32
    %add3A_26 = vector.broadcast %add3A_25 : f32 to vector<1024x64xf32>
    %add3A_27 = arith.addf %add3A_26, %exp3A_24 : vector<1024x64xf32>
    %div3A_28 = arith.constant 1.000000e+00 : f32
    %div3A_29 = vector.broadcast %div3A_28 : f32 to vector<1024x64xf32>
    %div3A_30 = arith.divf %div3A_29, %add3A_27 : vector<1024x64xf32>
    %mul3A_31 = arith.mulf %dot_general3A_20, %div3A_30 : vector<1024x64xf32>
    %get3A_32 = arith.constant 0 : index
    %get3A_33 = arith.constant 0 : index
    %get3A_34 = vector.load %arg4[%get3A_32, %get3A_33] : memref<1x64xf32, #tpu.memory_space<vmem>>, vector<1x64xf32>
    %mul3A_35 = vector.broadcast %get3A_34 : vector<1x64xf32> to vector<1024x64xf32>
    %mul3A_36 = arith.mulf %mul3A_31, %mul3A_35 : vector<1024x64xf32>
    %reduce_sum3A = arith.constant dense<0.000000e+00> : vector<1024xf32>
    %reduce_sum3A_37 = vector.multi_reduction <add>, %mul3A_36, %reduce_sum3A [1] : vector<1024x64xf32> to vector<1024xf32>
    %broadcast_in_dim3A_38 = vector.shape_cast %reduce_sum3A_37 : vector<1024xf32> to vector<1024x1xf32>
    %broadcast_in_dim3A_39 = arith.constant 0.000000e+00 : f32
    %broadcast_in_dim3A_40 = vector.broadcast %broadcast_in_dim3A_39 : f32 to vector<1024x7xf32>
    %concatenate3A = tpu.concatenate %broadcast_in_dim3A_38, %broadcast_in_dim3A_40 in 1 : vector<1024x1xf32>, vector<1024x7xf32> -> vector<1024x8xf32>
    %swap3A = arith.constant 0 : index
    %swap3A_41 = arith.constant 0 : index
    %swap3A_42 = vector.load %arg5[%swap3A, %swap3A_41] : memref<1024x8xf32, #tpu.memory_space<vmem>>, vector<1024x8xf32>
    tpu.vector_store %arg5[%swap3A, %swap3A_41], %concatenate3A {strides = array<i32>} : memref<1024x8xf32, #tpu.memory_space<vmem>>, vector<1024x8xf32>,
    return
  }
  func.func @transform_0(%arg0: i32) -> (i32, i32) {
    %c0_i32 = arith.constant 0 : i32
    %c0_i32_0 = arith.constant 0 : i32
    return %arg0, %c0_i32 : i32, i32
  }
  func.func @transform_1(%arg0: i32) -> (i32, i32) {
    %c0_i32 = arith.constant 0 : i32
    %c0_i32_0 = arith.constant 0 : i32
    return %arg0, %c0_i32 : i32, i32
  }
  func.func @transform_2(%arg0: i32) -> (i32, i32) {
    %c0_i32 = arith.constant 0 : i32
    %c0_i32_0 = arith.constant 0 : i32
    %c0_i32_1 = arith.constant 0 : i32
    return %c0_i32, %c0_i32_0 : i32, i32
  }
  func.func @transform_3(%arg0: i32) -> (i32, i32) {
    %c0_i32 = arith.constant 0 : i32
    %c0_i32_0 = arith.constant 0 : i32
    %c0_i32_1 = arith.constant 0 : i32
    return %c0_i32, %c0_i32_0 : i32, i32
  }
  func.func @transform_4(%arg0: i32) -> (i32, i32) {
    %c0_i32 = arith.constant 0 : i32
    %c0_i32_0 = arith.constant 0 : i32
    return %arg0, %c0_i32 : i32, i32
  }
}

</mosaic_0001>

<sc_bundles>
// kernel: kernel.23.cloned.1.call-start
scs
__scs_entry_jumppad:
0x0: {  	(pc) =	sbr.rel $0x88, $3  }
0x1: {  	(tag) =	ssettag $0x0;
	lr =	simm.s32 $0x1  }
0x2: {  	[smem:$0x3F91] =	sst lr;
	_ =	strace $0xD0000000  }
0x3: {  	_ = 	snop  }
0x4: {  	_ = 	snop  }
0x5: {  	_ = 	snop  }
0x6: {  	_ = 	snop  }
0x7: {  	_ = 	snop  }
__scs_overlays_trampoline_lowered:
0x8: {  	[smem:$0x3FA0] =	sst s0  }
0x9: {  	[smem:$0x3FA1] =	sst s1  }
0xa: {  	[smem:$0x3FA2] =	sst s2  }
0xb: {  	[smem:$0x3FA3] =	sst s3  }
0xc: {  	[smem:$0x3FA4] =	sst s4  }
0xd: {  	[smem:$0x3FA5] =	sst s5  }
0xe: {  	[smem:$0x3FA6] =	sst s6  }
0xf: {  	[smem:$0x3FA7] =	sst s7  }
0x10: {  	[smem:$0x3FA8] =	sst s8  }
0x11: {  	[smem:$0x3FA9] =	sst s9;
	s0 =	simm.s32 @!p0 $0x0  }
0x12: {  	s1 =	sld [smem:$0x3F8F];
	s0 =	simm.s32 @p0 $0x1  }
0x13: {  	[smem:$0x3FAA] =	sst s0;
	s0 =	simm.s32 @!p1 $0x0  }
0x14: {  	s2 =	sld [smem:$0x3F8E];
	s0 =	simm.s32 @p1 $0x1  }
0x15: {  	[smem:$0x3FAB] =	sst s0;
	s0 =	simm.s32 @!p2 $0x0  }
0x16: {  	s3 =	sld [smem:$0x3FDB];
	s0 =	simm.s32 @p2 $0x1  }
0x17: {  	s4 =	simm.s32 $0x1BF5;
	[smem:$0x3FAD] =	sst s0  }
0x18: {  	s0 =	sld [smem:$0x3F90];
	_ =	swait.ge [sflag:s4], $0x0  }
0x19: {  	s7 =	sld [smem:$0x3F91]  }
0x1a: {  	s8 =	sadd.s32 $0xFFFFE003, lr  }
0x1b: {  	s9 =	sadd.s32 $0xFFFFFEF7, lr;
	s5 =	simm.s32 $0xFFFFFFFF;
	p2 =	slt.u32 s8, $0xFFFFF086  }
0x1c: {  	p1 =	slt.u32 s9, $0xF7A;
	s5 =	simm.s32 @!p2 $0x0  }
0x1d: {  	s5 =	simm.s32 @p1 $0x1;
	p0 =	seq.s32 s7, s2  }
0x1e: {  	s7 =	smul.u32 @!p0 $0xF7A, s2;
	p2 =	seq.s32 @!p0 s5, $0x0  }
0x1f: {  	s9 =	smul.u32 $0xF7A, s1;
	s8 =	simm.s32 @!p0 $0x1BF5;
	p2 =	por !p2, p0  }
0x20: {  	[sflag:s8] =	ssyncset.s32 @!p0 $0xFFFFF086;
	s6 =	sadd.s32 @!p0 s3, s7;
	s7 =	simm.s32 @!p0 $0x108  }
0x21: {  	s3 =	sadd.s32 s3, s9;
	s6 =	sadd.s32 @!p0 $0x88, s6;
	s7 =	simm.s32 @p2 $0x1082  }
0x22: {  	[simem:s7], [sflag:s8] =	dma.local @!p0 [hbm:s6], $0xF7A  }
0x23: {  	s9 =	sor.u32 $0xD0000000, s2;
	s6 =	simm.s32 $0x108;
	_ =	swait.ge @!p0 [sflag:s8], $0x0  }
0x24: {  	s3 =	sadd.s32 $0x88, s3;
	s6 =	simm.s32 @!p1 $0x1082;
	[sflag:s4] =	ssyncset.s32 $0xFFFFF086  }
0x25: {  	[simem:s6], [sflag:s4] =	dma.local [hbm:s3], $0xF7A  }
0x26: {  	[smem:$0x3F91] =	sst s1;
	(tag) =	ssettag s2;
	_ =	strace s9  }
0x27: {  	s1 =	sld [smem:$0x3FA1]  }
0x28: {  	s2 =	sld [smem:$0x3FA2]  }
0x29: {  	s4 =	sld [smem:$0x3FA4]  }
0x2a: {  	p0 =	seq.s32 s5, $0x0;
	s5 =	sld [smem:$0x3FA5]  }
0x2b: {  	s6 =	sld [smem:$0x3FA6]  }
0x2c: {  	s7 =	sld [smem:$0x3FA7]  }
0x2d: {  	s3 =	simm.s32 $0x108;
	s8 =	sld [smem:$0x3FA8]  }
0x2e: {  	s3 =	simm.s32 @!p0 $0x1082;
	s9 =	sld [smem:$0x3FA9]  }
0x2f: {  	lr =	sadd.s32 s0, s3;
	s0 =	sld [smem:$0x3FA0]  }
0x30: {  	s3 =	sld [smem:$0x3FA3]  }
0x31: {  	[smem:$0x3FAC] =	sst s10  }
0x32: {  	s10 =	sld [smem:$0x3FAA];
	_ =	sdelay $0x3  }
0x33: {  	p0 =	seq.s32 s10, $0x1;
	s10 =	sld [smem:$0x3FAC];
	_ =	sdelay $0x3  }
0x34: {  	[smem:$0x3FAC] =	sst s10  }
0x35: {  	s10 =	sld [smem:$0x3FAB];
	_ =	sdelay $0x3  }
0x36: {  	p1 =	seq.s32 s10, $0x1;
	s10 =	sld [smem:$0x3FAC];
	_ =	sdelay $0x3  }
0x37: {  	[smem:$0x3FAC] =	sst s10  }
0x38: {  	s10 =	sld [smem:$0x3FAD]  }
0x39: {  	_ = 	snop;
	(pc) =	sbr.ind lr, $3  }
0x3a: {  	_ = 	snop  }
0x3b: {  	_ = 	snop  }
0x3c: {  	p2 =	seq.s32 s10, $0x1;
	s10 =	sld [smem:$0x3FAC]  }
0x3d: {  	_ =	shalt  }
0x3e: {  	_ =	shalt  }
0x3f: {  	_ =	shalt  }
0x40: {  	_ =	shalt  }
0x41: {  	_ =	shalt  }
0x42: {  	_ =	shalt  }
0x43: {  	_ =	shalt  }
0x44: {  	_ =	shalt  }
0x45: {  	_ =	shalt  }
0x46: {  	_ =	shalt  }
0x47: {  	_ =	shalt  }
0x48: {  	_ =	shalt  }
0x49: {  	_ =	shalt  }
0x4a: {  	_ =	shalt  }
0x4b: {  	_ =	shalt  }
0x4c: {  	_ =	shalt  }
0x4d: {  	_ =	shalt  }
0x4e: {  	_ =	shalt  }
0x4f: {  	_ =	shalt  }
0x50: {  	_ =	shalt  }
0x51: {  	_ =	shalt  }
0x52: {  	_ =	shalt  }
0x53: {  	_ =	shalt  }
0x54: {  	_ =	shalt  }
0x55: {  	_ =	shalt  }
0x56: {  	_ =	shalt  }
0x57: {  	_ =	shalt  }
0x58: {  	_ =	shalt  }
0x59: {  	_ =	shalt  }
0x5a: {  	_ =	shalt  }
0x5b: {  	_ =	shalt  }
0x5c: {  	_ =	shalt  }
0x5d: {  	_ =	shalt  }
0x5e: {  	_ =	shalt  }
0x5f: {  	_ =	shalt  }
0x60: {  	_ =	shalt  }
0x61: {  	_ =	shalt  }
0x62: {  	_ =	shalt  }
0x63: {  	_ =	shalt  }
0x64: {  	_ =	shalt  }
0x65: {  	_ =	shalt  }
0x66: {  	_ =	shalt  }
0x67: {  	_ =	shalt  }
0x68: {  	_ =	shalt  }
0x69: {  	_ =	shalt  }
0x6a: {  	_ =	shalt  }
0x6b: {  	_ =	shalt  }
0x6c: {  	_ =	shalt  }
0x6d: {  	_ =	shalt  }
0x6e: {  	_ =	shalt  }
0x6f: {  	_ =	shalt  }
0x70: {  	_ =	shalt  }
0x71: {  	_ =	shalt  }
0x72: {  	_ =	shalt  }
0x73: {  	_ =	shalt  }
0x74: {  	_ =	shalt  }
0x75: {  	_ =	shalt  }
0x76: {  	_ =	shalt  }
0x77: {  	_ =	shalt  }
0x78: {  	_ =	shalt  }
0x79: {  	_ =	shalt  }
0x7a: {  	_ =	shalt  }
0x7b: {  	_ =	shalt  }
0x7c: {  	_ =	shalt  }
0x7d: {  	_ =	shalt  }
0x7e: {  	_ =	shalt  }
0x7f: {  	_ =	shalt  }
0x80: {  	_ =	shalt  }
0x81: {  	_ =	shalt  }
0x82: {  	_ =	shalt  }
0x83: {  	_ =	shalt  }
0x84: {  	_ =	shalt  }
0x85: {  	_ =	shalt  }
0x86: {  	_ =	shalt  }
0x87: {  	_ =	shalt  }
.Lfunc_end0:
.L_simem_size_0:
called_computation_lowered:
.L_overlay_start_0:
0x88: {  	s2 =	sld [smem:$0x3FD9]  }
0x89: {  	s3 =	sld [smem:$0x3FFE];
	_ =	sdelay $0x1  }
0x8a: {  	s1 =	srdreg.scid  }
0x8b: {  	s0 =	sand.u32 $0x1, s1  }
0x8c: {  	s17 =	sshll.u32 s0, $0xA;
	s2 =	sadd.s32 s3, s2  }
0x8d: {  	s2 =	sadd.s32 s2, s17  }
0x8e: {  	[smem:$0x3FB8] =	sst s2  }
0x8f: {  	_ = 	snop  }
0x90: {  	(tm) =	ssettm $0x1  }
0x91: {  	s18 =	sld [smem:$0x3FFB];
	_ =	sdelay $0x3  }
0x92: {  	_ =	strace s18  }
0x93: {  	s2 =	sld [smem:$0x3FFC];
	_ =	sdelay $0x3  }
0x94: {  	_ =	strace s2  }
0x95: {  	s2 =	sld [smem:$0x3FFD];
	_ =	sdelay $0x3  }
0x96: {  	_ =	strace s2  }
0x97: {  	_ =	strace $0x8FFFFFFF  }
0x98: {  	s19 =	sld [smem:$0x3FDB];
	_ =	sdelay $0x1  }
0x99: {  	s20 =	simm.s32 $_scs_section_size  }
0x9a: {  	s4 =	simm.s32 $_size__tile_overlayer_lowered;
	s5 =	simm.s32 $_tile_overlayer_lowered  }
0x9b: {  	s6 =	simm.s32 $0x1BFF;
	s21 =	sshll.u32 s5, $0x1;
	s3 =	sadd.s32 s20, s19  }
0x9c: {  	s22 =	simm.s32 $0x0;
	s4 =	sshll.u32 s4, $0x1;
	s5 =	sadd.s32 s21, s3  }
0x9d: {  	[timem:s22], [sflag:s6] =	dma.local [hbm:s5], s4  }
0x9e: {  	_ =	swait.ge [sflag:s6], s4  }
0x9f: {  	s4 =	ssub.s32 $0x0, s4;
	[sflag:s6] =	ssyncset.done $0x0  }
0xa0: {  	[sflag:s6] =	ssyncadd.s32 s4;
	_ =	sdelay $0x1  }
0xa1: {  	s23 =	simm.s32 $0x1B8B  }
0xa2: {  	_ =	swait.ge [sflag:s23], $0x1  }
0xa3: {  	[sflag:s23] =	ssyncset.done $0x0  }
0xa4: {  	[sflag:s23] =	ssyncadd.s32 $0xFFFFFFFF  }
0xa5: {  	s4 =	sld [smem:$0x0]  }
0xa6: {  	s5 =	sand.u32 $0xFFFFFFFE, s1  }
0xa7: {  	p0 =	sne.s32 s1, s5  }
0xa8: {  	s5 =	sshll.u32 @p0 s5, $0xE  }
0xa9: {  	s5 =	sadd.s32 @p0 $0x11B8D, s5;
	s6 =	sshll.u32 @p0 s4, $0x11  }
0xaa: {  	s5 =	sor.u32 @p0 s6, s5  }
0xab: {  	[sflag:s5] =	ssyncadd.remote.s32 @p0 $0x1;
	_ =	sdelay $0x1  }
0xac: {  	s5 =	simm.s32 @p0 $0x1B8D  }
0xad: {  	_ =	swait.eq @p0 [sflag:s5], $0x1  }
0xae: {  	[sflag:s5] =	ssyncadd.s32 @p0 $0xFFFFFFFF  }
0xaf: {  	s6 =	sshll.u32 @!p0 s1, $0xE  }
0xb0: {  	s6 =	sor.u32 @!p0 $0x4000, s6;
	s5 =	simm.s32 @!p0 $0x1B8D  }
0xb1: {  	s4 =	sshll.u32 @!p0 s4, $0x11;
	s6 =	sadd.s32 @!p0 $0x11B8D, s6;
	_ =	swait.eq @!p0 [sflag:s5], $0x1  }
0xb2: {  	s4 =	sor.u32 @!p0 s4, s6;
	[sflag:s5] =	ssyncadd.s32 @!p0 $0xFFFFFFFF  }
0xb3: {  	s25 =	simm.s32 $0x1B8E;
	s24 =	sld [smem:$0x3FFE];
	[sflag:s4] =	ssyncadd.remote.s32 @!p0 $0x1  }
0xb4: {  	s26 =	simm.s32 $execute0_lowered;
	[smem:$0x3FD2] =	sst s25  }
0xb5: {  	s5 =	sshll.u32 s26, $0x1;
	_ =	strace $0x80000049;
	[dreg:$0x1] =	wrdreg $0xFFFFFFFF  }
0xb6: {  	s28 =	simm.s32 $_size_execute0_lowered;
	s3 =	sadd.s32 s3, s5;
	[dreg:$0x0] =	wrdreg $0x0  }
0xb7: {  	s5 =	sshll.u32 s28, $0x1;
	[dreg:$0x2] =	wrdreg s3  }
0xb8: {  	[dreg:$0x3] =	wrdreg s5  }
0xb9: {  	[dreg:$0x4] =	wrdreg $0xC0  }
0xba: {  	_ =	task [dreg:s22], $0x5FFFF  }
0xbb: {  	[dreg:$0x1] =	wrdreg $0xFFFFFFFF  }
0xbc: {  	[dreg:$0x0] =	wrdreg $0x60  }
0xbd: {  	[dreg:$0x2] =	wrdreg s24  }
0xbe: {  	[dreg:$0x3] =	wrdreg $0x9  }
0xbf: {  	_ =	task.clear_ibuf [dreg:s22], $0x4FFFF;
	_ =	strace $0x90000049  }
0xc0: {  	s29 =	simm.s32 $0x9;
	_ =	strace $0x8000004B  }
0xc1: {  	_ =	swait.ge [sflag:s29], $0x1  }
0xc2: {  	[sflag:s29] =	ssyncadd.s32 $0xFFFFFFFF  }
0xc3: {  	_ =	strace $0x9000004B  }
0xc4: {  	_ =	sfence  }
0xc5: {  	s30 =	sld [smem:$0x0];
	_ =	sdelay $0x2  }
0xc6: {  	s31 =	sshll.u32 s1, $0xD;
	s1 =	sshrl.u32 s1, $0x2  }
0xc7: {  	s4 =	sand.u32 $0x4000, s31;
	s1 =	sadd.s32 s1, s30  }
0xc8: {  	s0 =	sor.u32 s4, s0;
	s1 =	sshll.u32 s1, $0x11  }
0xc9: {  	s0 =	sor.u32 s1, s0  }
0xca: {  	s0 =	sadd.s32 $0x8F2B, s0  }
0xcb: {  	[sflag:s0] =	ssyncadd.remote.s32 $0x1  }
0xcc: {  	_ =	sfence.sel $0xFFFF  }
0xcd: {  	[dreg:$0x0] =	wrdreg $0xFFFFFFFF;
	(pc) =	sbr.abs _section_cstart, $3  }
0xce: {  	[dreg:$0x1] =	wrdreg $0xFFFFFFFF  }
0xcf: {  	_ =	task.clear_ibuf [dreg:s22], $0x2FFFF;
	_ =	strace $0x9FFFFFFF  }
0xd0: {  	(tm) =	ssettm $0x7FFFFFFF  }
0xd1: {  	_ =	shalt  }
tec
execute0_lowered:
.L_overlay_start_1:
0x0: {  	(tag) =	ssettag $0x1  }
0x1: {  	s1 =	srdreg.scid  }
0x2: {  	s0 =	stileid.u32;
	s4 =	rddreg [dreg:$0x0];
	s2 =	simm.s32 $0x0  }
0x3: {  	s9 =	simm.s32 $0x1;
	s3 =	sand.u32 $0x1, s1;
	s5 =	smul.u32 $0xC400, s0  }
0x4: {  	s10 =	simm.s32 $0x0;
	[smem:$0x7FF] =	sst s2;
	s6 =	smul.u32 $0x6200, s3  }
0x5: {  	s1 =	rddreg [dreg:$0x1];
	s7 =	ssub.s32 $0x2, s3;
	_ =	strace $0x8000004A  }
0x6: {  	s3 =	sadd.s32 $0x8200, s4;
	s30 =	sshrl.u32 s7, $0x1;
	s5 =	sadd.s32 s6, s5  }
0x7: {  	s6 =	ssub.s32 s7, s30;
	s7 =	simm.s32 $0x2;
	s8 =	sshrl.u32 s5, $0x3  }
0x8: {  	s5 =	sadd.s32 s5, s4;
	s31 =	sadd.s32 s8, s4;
	s4 =	smax.u32 s6, $0x1  }
0x9: {  	s5 =	sadd.s32 $0x109600, s5;
	s8 =	simm.s32 $0x80;
	s6 =	sadd.s32 $0xF0E00, s31  }
.LBB2_1:
0xa: {  	s11 =	sadd.s32 $0x0, s6  }
0xb: {  	[tilespmem:s2], [sflag:$0x2] =	stream.linear.gather [hbm4b:s11+s2], $0x80, $0x38;
	[tilespmem:$0x480] =	vst v63  }
0xc: {  	_ =	swait.ge [sflag:s7], $0x80  }
0xd: {  	[sflag:s7] =	ssyncset.done $0x0  }
0xe: {  	[sflag:s7] =	ssyncadd.s32 $0xFFFFFF80  }
0xf: {  	[tilespmem:s8], [sflag:$0x1] =	stream.indirect.gather [hbm4b:s3+s8], $0x8, s2, s8, $0xb8;
	[tilespmem:$0x480] =	vst v63  }
0x10: {  	_ =	swait.ge [sflag:s9], $0x400  }
0x11: {  	[sflag:s9] =	ssyncset.done $0x0  }
0x12: {  	[sflag:s9] =	ssyncadd.s32 $0xFFFFFC00  }
0x13: {  	[hbm4b:s5+s2] =	stream.linear.scatter [tilespmem:s8], [sflag:$0x2], $0x400, $0x38;
	[tilespmem:$0x480] =	vst v63  }
0x14: {  	s12 =	simm.s32 $0x10;
	_ =	swait.ge [sflag:s7], $0x400  }
0x15: {  	s13 =	simm.s32 $0x20;
	s11 =	sadd.s32 $0x80, s5;
	[sflag:s7] =	ssyncset.done $0x0  }
.LBB2_2:
0x16: {  	s14 =	sadd.s32 s12, s6  }
0x17: {  	[sflag:s7] =	ssyncadd.s32 $0xFFFFFC00;
	s12 =	smov.u32 s13;
	s15 =	sadd.s32 $0x10, s13  }
0x18: {  	[tilespmem:s2], [sflag:$0x2] =	stream.linear.gather [hbm4b:s14+s2], $0x80, $0x38;
	[tilespmem:$0x480] =	vst v63  }
0x19: {  	p0 =	sne.s32 s13, $0xC30;
	_ =	swait.ge [sflag:s7], $0x80  }
0x1a: {  	[sflag:s7] =	ssyncset.done $0x0  }
0x1b: {  	[sflag:s7] =	ssyncadd.s32 $0xFFFFFF80  }
0x1c: {  	[tilespmem:s8], [sflag:$0x1] =	stream.indirect.gather [hbm4b:s3+s8], $0x8, s2, s8, $0xb8;
	[tilespmem:$0x480] =	vst v63  }
0x1d: {  	_ =	swait.ge [sflag:s9], $0x400  }
.Ltmp0:
0x1e: {  	[sflag:s9] =	ssyncset.done $0x0;
	(pc) =	sbr.rel @p0 .LBB2_2-.Ltmp0, $4  }
0x1f: {  	[sflag:s9] =	ssyncadd.s32 $0xFFFFFC00  }
0x20: {  	[hbm4b:s11+s2] =	stream.linear.scatter [tilespmem:s8], [sflag:$0x2], $0x400, $0x38;
	[tilespmem:$0x480] =	vst v63  }
0x21: {  	_ =	swait.ge [sflag:s7], $0x400  }
0x22: {  	s13 =	smov.u32 s15;
	s11 =	sadd.s32 $0x80, s11;
	[sflag:s7] =	ssyncset.done $0x0  }
0x23: {  	s12 =	sadd.s32 s12, s6;
	[sflag:s7] =	ssyncadd.s32 $0xFFFFFC00  }
0x24: {  	[tilespmem:s2], [sflag:$0x2] =	stream.linear.gather [hbm4b:s12+s2], $0x80, $0x38;
	[tilespmem:$0x480] =	vst v63  }
0x25: {  	_ =	swait.ge [sflag:s7], $0x80  }
0x26: {  	[sflag:s7] =	ssyncset.done $0x0  }
0x27: {  	[sflag:s7] =	ssyncadd.s32 $0xFFFFFF80  }
0x28: {  	[tilespmem:s8], [sflag:$0x1] =	stream.indirect.gather [hbm4b:s3+s8], $0x8, s2, s8, $0xb8;
	[tilespmem:$0x480] =	vst v63  }
0x29: {  	s10 =	sadd.s32 $0x1, s10;
	_ =	swait.ge [sflag:s9], $0x400  }
0x2a: {  	p0 =	sne.s32 s10, s4;
	[sflag:s9] =	ssyncset.done $0x0  }
.Ltmp1:
0x2b: {  	[sflag:s9] =	ssyncadd.s32 $0xFFFFFC00;
	(pc) =	sbr.rel @p0 .LBB2_1-.Ltmp1, $4  }
0x2c: {  	[hbm4b:s11+s2] =	stream.linear.scatter [tilespmem:s8], [sflag:$0x2], $0x400, $0x38;
	[tilespmem:$0x480] =	vst v63  }
0x2d: {  	_ =	swait.ge [sflag:s7], $0x400  }
0x2e: {  	[sflag:s7] =	ssyncset.done $0x0  }
0x2f: {  	[sflag:s7] =	ssyncadd.s32 $0xFFFFFC00  }
0x30: {  	_ =	sfence.sel $0x180000  }
0x31: {  	[bflag:$0x0] =	sbarrier.arrive $0xFFFF  }
0x32: {  	p0 =	sne.s32 s0, $0x0;
	_ =	strace $0x9000004A  }
0x33: {  	s0 =	sadd.s32 @!p0 $0x100000, s1;
	[bflag:$0x2] =	sbarrier.arrive $0xFFFF  }
0x34: {  	[sflag:s0] =	ssyncadd.tile.s32 @!p0 $0x1;
	_ =	shalt  }
.Lfunc_end2:
_tile_overlayer_lowered:
.L_overlay_start_2:
0x35: {  	(tag) =	ssettag $0x2  }
0x36: {  	s0 =	rddreg [dreg:$0x0];
	s2 =	stileid.u32  }
0x37: {  	s1 =	rddreg [dreg:$0x1];
	p0 =	sne.s32 s2, $0x0  }
0x38: {  	s3 =	rddreg [dreg:$0x2];
	[bflag:$0x3] =	sbarrier.arrive $0xFFFF;
	s2 =	simm.s32 @!p0 $0x1C02  }
0x39: {  	[timem:s3], [sflag:s2] =	dma.local @!p0 [hbm:s0], s1  }
0x3a: {  	s0 =	simm.s32 @!p0 $0x2  }
0x3b: {  	_ =	swait.ge @!p0 [sflag:s0], s1  }
0x3c: {  	s1 =	ssub.s32 @!p0 $0x0, s1;
	[sflag:s0] =	ssyncset.done @!p0 $0x0  }
0x3d: {  	[sflag:s0] =	ssyncadd.s32 @!p0 s1  }
0x3e: {  	[bflag:$0x3] =	sbarrier.arrive $0xFFFF  }
0x3f: {  	_ =	shalt  }

// kernel: kernel.26.cloned.1.call-start
scs
__scs_entry_jumppad:
0x0: {  	(pc) =	sbr.rel $0x88, $3  }
0x1: {  	(tag) =	ssettag $0x0;
	lr =	simm.s32 $0x1  }
0x2: {  	[smem:$0x3F91] =	sst lr;
	_ =	strace $0xD0000000  }
0x3: {  	_ = 	snop  }
0x4: {  	_ = 	snop  }
0x5: {  	_ = 	snop  }
0x6: {  	_ = 	snop  }
0x7: {  	_ = 	snop  }
__scs_overlays_trampoline_lowered:
0x8: {  	[smem:$0x3FA0] =	sst s0  }
0x9: {  	[smem:$0x3FA1] =	sst s1  }
0xa: {  	[smem:$0x3FA2] =	sst s2  }
0xb: {  	[smem:$0x3FA3] =	sst s3  }
0xc: {  	[smem:$0x3FA4] =	sst s4  }
0xd: {  	[smem:$0x3FA5] =	sst s5  }
0xe: {  	[smem:$0x3FA6] =	sst s6  }
0xf: {  	[smem:$0x3FA7] =	sst s7  }
0x10: {  	[smem:$0x3FA8] =	sst s8  }
0x11: {  	[smem:$0x3FA9] =	sst s9;
	s0 =	simm.s32 @!p0 $0x0  }
0x12: {  	s1 =	sld [smem:$0x3F8F];
	s0 =	simm.s32 @p0 $0x1  }
0x13: {  	[smem:$0x3FAA] =	sst s0;
	s0 =	simm.s32 @!p1 $0x0  }
0x14: {  	s2 =	sld [smem:$0x3F8E];
	s0 =	simm.s32 @p1 $0x1  }
0x15: {  	[smem:$0x3FAB] =	sst s0;
	s0 =	simm.s32 @!p2 $0x0  }
0x16: {  	s3 =	sld [smem:$0x3FDB];
	s0 =	simm.s32 @p2 $0x1  }
0x17: {  	s4 =	simm.s32 $0x1BF5;
	[smem:$0x3FAD] =	sst s0  }
0x18: {  	s0 =	sld [smem:$0x3F90];
	_ =	swait.ge [sflag:s4], $0x0  }
0x19: {  	s7 =	sld [smem:$0x3F91]  }
0x1a: {  	s8 =	sadd.s32 $0xFFFFE003, lr  }
0x1b: {  	s9 =	sadd.s32 $0xFFFFFEF7, lr;
	s5 =	simm.s32 $0xFFFFFFFF;
	p2 =	slt.u32 s8, $0xFFFFF086  }
0x1c: {  	p1 =	slt.u32 s9, $0xF7A;
	s5 =	simm.s32 @!p2 $0x0  }
0x1d: {  	s5 =	simm.s32 @p1 $0x1;
	p0 =	seq.s32 s7, s2  }
0x1e: {  	s7 =	smul.u32 @!p0 $0xF7A, s2;
	p2 =	seq.s32 @!p0 s5, $0x0  }
0x1f: {  	s9 =	smul.u32 $0xF7A, s1;
	s8 =	simm.s32 @!p0 $0x1BF5;
	p2 =	por !p2, p0  }
0x20: {  	[sflag:s8] =	ssyncset.s32 @!p0 $0xFFFFF086;
	s6 =	sadd.s32 @!p0 s3, s7;
	s7 =	simm.s32 @!p0 $0x108  }
0x21: {  	s3 =	sadd.s32 s3, s9;
	s6 =	sadd.s32 @!p0 $0x88, s6;
	s7 =	simm.s32 @p2 $0x1082  }
0x22: {  	[simem:s7], [sflag:s8] =	dma.local @!p0 [hbm:s6], $0xF7A  }
0x23: {  	s9 =	sor.u32 $0xD0000000, s2;
	s6 =	simm.s32 $0x108;
	_ =	swait.ge @!p0 [sflag:s8], $0x0  }
0x24: {  	s3 =	sadd.s32 $0x88, s3;
	s6 =	simm.s32 @!p1 $0x1082;
	[sflag:s4] =	ssyncset.s32 $0xFFFFF086  }
0x25: {  	[simem:s6], [sflag:s4] =	dma.local [hbm:s3], $0xF7A  }
0x26: {  	[smem:$0x3F91] =	sst s1;
	(tag) =	ssettag s2;
	_ =	strace s9  }
0x27: {  	s1 =	sld [smem:$0x3FA1]  }
0x28: {  	s2 =	sld [smem:$0x3FA2]  }
0x29: {  	s4 =	sld [smem:$0x3FA4]  }
0x2a: {  	p0 =	seq.s32 s5, $0x0;
	s5 =	sld [smem:$0x3FA5]  }
0x2b: {  	s6 =	sld [smem:$0x3FA6]  }
0x2c: {  	s7 =	sld [smem:$0x3FA7]  }
0x2d: {  	s3 =	simm.s32 $0x108;
	s8 =	sld [smem:$0x3FA8]  }
0x2e: {  	s3 =	simm.s32 @!p0 $0x1082;
	s9 =	sld [smem:$0x3FA9]  }
0x2f: {  	lr =	sadd.s32 s0, s3;
	s0 =	sld [smem:$0x3FA0]  }
0x30: {  	s3 =	sld [smem:$0x3FA3]  }
0x31: {  	[smem:$0x3FAC] =	sst s10  }
0x32: {  	s10 =	sld [smem:$0x3FAA];
	_ =	sdelay $0x3  }
0x33: {  	p0 =	seq.s32 s10, $0x1;
	s10 =	sld [smem:$0x3FAC];
	_ =	sdelay $0x3  }
0x34: {  	[smem:$0x3FAC] =	sst s10  }
0x35: {  	s10 =	sld [smem:$0x3FAB];
	_ =	sdelay $0x3  }
0x36: {  	p1 =	seq.s32 s10, $0x1;
	s10 =	sld [smem:$0x3FAC];
	_ =	sdelay $0x3  }
0x37: {  	[smem:$0x3FAC] =	sst s10  }
0x38: {  	s10 =	sld [smem:$0x3FAD]  }
0x39: {  	_ = 	snop;
	(pc) =	sbr.ind lr, $3  }
0x3a: {  	_ = 	snop  }
0x3b: {  	_ = 	snop  }
0x3c: {  	p2 =	seq.s32 s10, $0x1;
	s10 =	sld [smem:$0x3FAC]  }
0x3d: {  	_ =	shalt  }
0x3e: {  	_ =	shalt  }
0x3f: {  	_ =	shalt  }
0x40: {  	_ =	shalt  }
0x41: {  	_ =	shalt  }
0x42: {  	_ =	shalt  }
0x43: {  	_ =	shalt  }
0x44: {  	_ =	shalt  }
0x45: {  	_ =	shalt  }
0x46: {  	_ =	shalt  }
0x47: {  	_ =	shalt  }
0x48: {  	_ =	shalt  }
0x49: {  	_ =	shalt  }
0x4a: {  	_ =	shalt  }
0x4b: {  	_ =	shalt  }
0x4c: {  	_ =	shalt  }
0x4d: {  	_ =	shalt  }
0x4e: {  	_ =	shalt  }
0x4f: {  	_ =	shalt  }
0x50: {  	_ =	shalt  }
0x51: {  	_ =	shalt  }
0x52: {  	_ =	shalt  }
0x53: {  	_ =	shalt  }
0x54: {  	_ =	shalt  }
0x55: {  	_ =	shalt  }
0x56: {  	_ =	shalt  }
0x57: {  	_ =	shalt  }
0x58: {  	_ =	shalt  }
0x59: {  	_ =	shalt  }
0x5a: {  	_ =	shalt  }
0x5b: {  	_ =	shalt  }
0x5c: {  	_ =	shalt  }
0x5d: {  	_ =	shalt  }
0x5e: {  	_ =	shalt  }
0x5f: {  	_ =	shalt  }
0x60: {  	_ =	shalt  }
0x61: {  	_ =	shalt  }
0x62: {  	_ =	shalt  }
0x63: {  	_ =	shalt  }
0x64: {  	_ =	shalt  }
0x65: {  	_ =	shalt  }
0x66: {  	_ =	shalt  }
0x67: {  	_ =	shalt  }
0x68: {  	_ =	shalt  }
0x69: {  	_ =	shalt  }
0x6a: {  	_ =	shalt  }
0x6b: {  	_ =	shalt  }
0x6c: {  	_ =	shalt  }
0x6d: {  	_ =	shalt  }
0x6e: {  	_ =	shalt  }
0x6f: {  	_ =	shalt  }
0x70: {  	_ =	shalt  }
0x71: {  	_ =	shalt  }
0x72: {  	_ =	shalt  }
0x73: {  	_ =	shalt  }
0x74: {  	_ =	shalt  }
0x75: {  	_ =	shalt  }
0x76: {  	_ =	shalt  }
0x77: {  	_ =	shalt  }
0x78: {  	_ =	shalt  }
0x79: {  	_ =	shalt  }
0x7a: {  	_ =	shalt  }
0x7b: {  	_ =	shalt  }
0x7c: {  	_ =	shalt  }
0x7d: {  	_ =	shalt  }
0x7e: {  	_ =	shalt  }
0x7f: {  	_ =	shalt  }
0x80: {  	_ =	shalt  }
0x81: {  	_ =	shalt  }
0x82: {  	_ =	shalt  }
0x83: {  	_ =	shalt  }
0x84: {  	_ =	shalt  }
0x85: {  	_ =	shalt  }
0x86: {  	_ =	shalt  }
0x87: {  	_ =	shalt  }
.Lfunc_end0:
.L_simem_size_0:
called_computation.1_lowered:
.L_overlay_start_0:
0x88: {  	s2 =	sld [smem:$0x3FD9]  }
0x89: {  	s3 =	sld [smem:$0x3FFE];
	_ =	sdelay $0x1  }
0x8a: {  	s1 =	srdreg.scid  }
0x8b: {  	s0 =	sand.u32 $0x1, s1  }
0x8c: {  	s16 =	sshll.u32 s0, $0xA;
	s2 =	sadd.s32 s3, s2  }
0x8d: {  	s2 =	sadd.s32 s2, s16  }
0x8e: {  	[smem:$0x3FB8] =	sst s2  }
0x8f: {  	_ = 	snop  }
0x90: {  	(tm) =	ssettm $0x1  }
0x91: {  	s17 =	sld [smem:$0x3FFB];
	_ =	sdelay $0x3  }
0x92: {  	_ =	strace s17  }
0x93: {  	s2 =	sld [smem:$0x3FFC];
	_ =	sdelay $0x3  }
0x94: {  	_ =	strace s2  }
0x95: {  	s2 =	sld [smem:$0x3FFD];
	_ =	sdelay $0x3  }
0x96: {  	_ =	strace s2  }
0x97: {  	_ =	strace $0x8FFFFFFF  }
0x98: {  	s18 =	sld [smem:$0x3FDB];
	_ =	sdelay $0x1  }
0x99: {  	s19 =	simm.s32 $_scs_section_size  }
0x9a: {  	s4 =	simm.s32 $_size__tile_overlayer_lowered;
	s5 =	simm.s32 $_tile_overlayer_lowered  }
0x9b: {  	s22 =	simm.s32 $0x1BFF;
	s21 =	sshll.u32 s5, $0x1;
	s2 =	sadd.s32 s19, s18  }
0x9c: {  	s6 =	simm.s32 $0x0;
	s20 =	sshll.u32 s4, $0x1;
	s4 =	sadd.s32 s21, s2  }
0x9d: {  	[timem:s6], [sflag:s22] =	dma.local [hbm:s4], s20  }
0x9e: {  	_ =	swait.ge [sflag:s22], s20  }
0x9f: {  	s3 =	ssub.s32 $0x0, s20;
	[sflag:s22] =	ssyncset.done $0x0  }
0xa0: {  	[sflag:s22] =	ssyncadd.s32 s3;
	_ =	sdelay $0x1  }
0xa1: {  	s23 =	simm.s32 $0x1B8B  }
0xa2: {  	_ =	swait.ge [sflag:s23], $0x1  }
0xa3: {  	[sflag:s23] =	ssyncset.done $0x0  }
0xa4: {  	s25 =	simm.s32 $0x1B8E;
	s24 =	sld [smem:$0x3FFE];
	[sflag:s23] =	ssyncadd.s32 $0xFFFFFFFF  }
0xa5: {  	s26 =	simm.s32 $execute0_lowered;
	[smem:$0x3FD2] =	sst s25  }
0xa6: {  	s4 =	sshll.u32 s26, $0x1;
	_ =	strace $0x80000046;
	[dreg:$0x1] =	wrdreg $0xFFFFFFFF  }
0xa7: {  	s28 =	simm.s32 $_size_execute0_lowered;
	s2 =	sadd.s32 s2, s4;
	[dreg:$0x0] =	wrdreg $0x0  }
0xa8: {  	s4 =	sshll.u32 s28, $0x1;
	[dreg:$0x2] =	wrdreg s2  }
0xa9: {  	[dreg:$0x3] =	wrdreg s4  }
0xaa: {  	[dreg:$0x4] =	wrdreg $0xC0  }
0xab: {  	_ =	task [dreg:s6], $0x5FFFF  }
0xac: {  	[dreg:$0x1] =	wrdreg $0xFFFFFFFF  }
0xad: {  	[dreg:$0x0] =	wrdreg $0x60  }
0xae: {  	[dreg:$0x2] =	wrdreg s24  }
0xaf: {  	[dreg:$0x3] =	wrdreg $0xA  }
0xb0: {  	_ =	task.clear_ibuf [dreg:s6], $0x4FFFF;
	_ =	strace $0x90000046  }
0xb1: {  	s29 =	simm.s32 $0xA;
	_ =	strace $0x80000048  }
0xb2: {  	_ =	swait.ge [sflag:s29], $0x1  }
0xb3: {  	[sflag:s29] =	ssyncadd.s32 $0xFFFFFFFF  }
0xb4: {  	_ =	strace $0x90000048  }
0xb5: {  	_ =	sfence  }
0xb6: {  	s30 =	sld [smem:$0x0];
	_ =	sdelay $0x2  }
0xb7: {  	s31 =	sshll.u32 s1, $0xD;
	s1 =	sshrl.u32 s1, $0x2  }
0xb8: {  	s3 =	sand.u32 $0x4000, s31;
	s1 =	sadd.s32 s1, s30  }
0xb9: {  	s0 =	sor.u32 s3, s0;
	s1 =	sshll.u32 s1, $0x11  }
0xba: {  	s0 =	sor.u32 s1, s0  }
0xbb: {  	s0 =	sadd.s32 $0x8F2B, s0  }
0xbc: {  	[sflag:s0] =	ssyncadd.remote.s32 $0x1  }
0xbd: {  	_ =	sfence.sel $0xFFFF  }
0xbe: {  	[dreg:$0x0] =	wrdreg $0xFFFFFFFF;
	(pc) =	sbr.abs _section_cstart, $3  }
0xbf: {  	[dreg:$0x1] =	wrdreg $0xFFFFFFFF  }
0xc0: {  	_ =	task.clear_ibuf [dreg:s6], $0x2FFFF;
	_ =	strace $0x9FFFFFFF  }
0xc1: {  	(tm) =	ssettm $0x7FFFFFFF  }
tec
execute0_lowered:
.L_overlay_start_1:
0x0: {  	(tag) =	ssettag $0x1  }
0x1: {  	s1 =	srdreg.scid  }
0x2: {  	s0 =	stileid.u32;
	s4 =	rddreg [dreg:$0x0];
	s2 =	simm.s32 $0x0  }
0x3: {  	s9 =	simm.s32 $0x1;
	s3 =	sand.u32 $0x1, s1;
	s5 =	smul.u32 $0xC400, s0  }
0x4: {  	s10 =	simm.s32 $0x0;
	[smem:$0x7FF] =	sst s2;
	s6 =	smul.u32 $0x6200, s3  }
0x5: {  	s1 =	rddreg [dreg:$0x1];
	s7 =	ssub.s32 $0x2, s3;
	_ =	strace $0x80000047  }
0x6: {  	s3 =	sadd.s32 $0x8200, s4;
	s30 =	sshrl.u32 s7, $0x1;
	s5 =	sadd.s32 s6, s5  }
0x7: {  	s6 =	ssub.s32 s7, s30;
	s7 =	simm.s32 $0x2;
	s8 =	sshrl.u32 s5, $0x3  }
0x8: {  	s5 =	sadd.s32 s5, s4;
	s31 =	sadd.s32 s8, s4;
	s4 =	smax.u32 s6, $0x1  }
0x9: {  	s5 =	sadd.s32 $0x2CE00, s5;
	s8 =	simm.s32 $0x80;
	s6 =	sadd.s32 $0x14600, s31  }
.LBB2_1:
0xa: {  	s11 =	sadd.s32 $0x0, s6  }
0xb: {  	[tilespmem:s2], [sflag:$0x2] =	stream.linear.gather [hbm4b:s11+s2], $0x80, $0x38;
	[tilespmem:$0x480] =	vst v63  }
0xc: {  	_ =	swait.ge [sflag:s7], $0x80  }
0xd: {  	[sflag:s7] =	ssyncset.done $0x0  }
0xe: {  	[sflag:s7] =	ssyncadd.s32 $0xFFFFFF80  }
0xf: {  	[tilespmem:s8], [sflag:$0x1] =	stream.indirect.gather [hbm4b:s3+s8], $0x8, s2, s8, $0xb8;
	[tilespmem:$0x480] =	vst v63  }
0x10: {  	_ =	swait.ge [sflag:s9], $0x400  }
0x11: {  	[sflag:s9] =	ssyncset.done $0x0  }
0x12: {  	[sflag:s9] =	ssyncadd.s32 $0xFFFFFC00  }
0x13: {  	[hbm4b:s5+s2] =	stream.linear.scatter [tilespmem:s8], [sflag:$0x2], $0x400, $0x38;
	[tilespmem:$0x480] =	vst v63  }
0x14: {  	s12 =	simm.s32 $0x10;
	_ =	swait.ge [sflag:s7], $0x400  }
0x15: {  	s13 =	simm.s32 $0x20;
	s11 =	sadd.s32 $0x80, s5;
	[sflag:s7] =	ssyncset.done $0x0  }
.LBB2_2:
0x16: {  	s14 =	sadd.s32 s12, s6  }
0x17: {  	[sflag:s7] =	ssyncadd.s32 $0xFFFFFC00;
	s12 =	smov.u32 s13;
	s15 =	sadd.s32 $0x10, s13  }
0x18: {  	[tilespmem:s2], [sflag:$0x2] =	stream.linear.gather [hbm4b:s14+s2], $0x80, $0x38;
	[tilespmem:$0x480] =	vst v63  }
0x19: {  	p0 =	sne.s32 s13, $0xC30;
	_ =	swait.ge [sflag:s7], $0x80  }
0x1a: {  	[sflag:s7] =	ssyncset.done $0x0  }
0x1b: {  	[sflag:s7] =	ssyncadd.s32 $0xFFFFFF80  }
0x1c: {  	[tilespmem:s8], [sflag:$0x1] =	stream.indirect.gather [hbm4b:s3+s8], $0x8, s2, s8, $0xb8;
	[tilespmem:$0x480] =	vst v63  }
0x1d: {  	_ =	swait.ge [sflag:s9], $0x400  }
.Ltmp0:
0x1e: {  	[sflag:s9] =	ssyncset.done $0x0;
	(pc) =	sbr.rel @p0 .LBB2_2-.Ltmp0, $4  }
0x1f: {  	[sflag:s9] =	ssyncadd.s32 $0xFFFFFC00  }
0x20: {  	[hbm4b:s11+s2] =	stream.linear.scatter [tilespmem:s8], [sflag:$0x2], $0x400, $0x38;
	[tilespmem:$0x480] =	vst v63  }
0x21: {  	_ =	swait.ge [sflag:s7], $0x400  }
0x22: {  	s13 =	smov.u32 s15;
	s11 =	sadd.s32 $0x80, s11;
	[sflag:s7] =	ssyncset.done $0x0  }
0x23: {  	s12 =	sadd.s32 s12, s6;
	[sflag:s7] =	ssyncadd.s32 $0xFFFFFC00  }
0x24: {  	[tilespmem:s2], [sflag:$0x2] =	stream.linear.gather [hbm4b:s12+s2], $0x80, $0x38;
	[tilespmem:$0x480] =	vst v63  }
0x25: {  	_ =	swait.ge [sflag:s7], $0x80  }
0x26: {  	[sflag:s7] =	ssyncset.done $0x0  }
0x27: {  	[sflag:s7] =	ssyncadd.s32 $0xFFFFFF80  }
0x28: {  	[tilespmem:s8], [sflag:$0x1] =	stream.indirect.gather [hbm4b:s3+s8], $0x8, s2, s8, $0xb8;
	[tilespmem:$0x480] =	vst v63  }
0x29: {  	s10 =	sadd.s32 $0x1, s10;
	_ =	swait.ge [sflag:s9], $0x400  }
0x2a: {  	p0 =	sne.s32 s10, s4;
	[sflag:s9] =	ssyncset.done $0x0  }
.Ltmp1:
0x2b: {  	[sflag:s9] =	ssyncadd.s32 $0xFFFFFC00;
	(pc) =	sbr.rel @p0 .LBB2_1-.Ltmp1, $4  }
0x2c: {  	[hbm4b:s11+s2] =	stream.linear.scatter [tilespmem:s8], [sflag:$0x2], $0x400, $0x38;
	[tilespmem:$0x480] =	vst v63  }
0x2d: {  	_ =	swait.ge [sflag:s7], $0x400  }
0x2e: {  	[sflag:s7] =	ssyncset.done $0x0  }
0x2f: {  	[sflag:s7] =	ssyncadd.s32 $0xFFFFFC00  }
0x30: {  	_ =	sfence.sel $0x180000  }
0x31: {  	[bflag:$0x0] =	sbarrier.arrive $0xFFFF  }
0x32: {  	p0 =	sne.s32 s0, $0x0;
	_ =	strace $0x90000047  }
0x33: {  	s0 =	sadd.s32 @!p0 $0x100000, s1;
	[bflag:$0x2] =	sbarrier.arrive $0xFFFF  }
0x34: {  	[sflag:s0] =	ssyncadd.tile.s32 @!p0 $0x1;
	_ =	shalt  }
.Lfunc_end2:
_tile_overlayer_lowered:
.L_overlay_start_2:
0x35: {  	(tag) =	ssettag $0x2  }
0x36: {  	s0 =	rddreg [dreg:$0x0];
	s2 =	stileid.u32  }
0x37: {  	s1 =	rddreg [dreg:$0x1];
	p0 =	sne.s32 s2, $0x0  }
0x38: {  	s3 =	rddreg [dreg:$0x2];
	[bflag:$0x3] =	sbarrier.arrive $0xFFFF;
	s2 =	simm.s32 @!p0 $0x1C02  }
0x39: {  	[timem:s3], [sflag:s2] =	dma.local @!p0 [hbm:s0], s1  }
0x3a: {  	s0 =	simm.s32 @!p0 $0x2  }
0x3b: {  	_ =	swait.ge @!p0 [sflag:s0], s1  }
0x3c: {  	s1 =	ssub.s32 @!p0 $0x0, s1;
	[sflag:s0] =	ssyncset.done @!p0 $0x0  }
0x3d: {  	[sflag:s0] =	ssyncadd.s32 @!p0 s1  }
0x3e: {  	[bflag:$0x3] =	sbarrier.arrive $0xFFFF  }
0x3f: {  	_ =	shalt  }

// kernel: kernel.29.cloned.1.call-start
scs
__scs_entry_jumppad:
0x0: {  	(pc) =	sbr.rel $0x88, $3  }
0x1: {  	(tag) =	ssettag $0x0;
	lr =	simm.s32 $0x1  }
0x2: {  	[smem:$0x3F91] =	sst lr;
	_ =	strace $0xD0000000  }
0x3: {  	_ = 	snop  }
0x4: {  	_ = 	snop  }
0x5: {  	_ = 	snop  }
0x6: {  	_ = 	snop  }
0x7: {  	_ = 	snop  }
__scs_overlays_trampoline_lowered:
0x8: {  	[smem:$0x3FA0] =	sst s0  }
0x9: {  	[smem:$0x3FA1] =	sst s1  }
0xa: {  	[smem:$0x3FA2] =	sst s2  }
0xb: {  	[smem:$0x3FA3] =	sst s3  }
0xc: {  	[smem:$0x3FA4] =	sst s4  }
0xd: {  	[smem:$0x3FA5] =	sst s5  }
0xe: {  	[smem:$0x3FA6] =	sst s6  }
0xf: {  	[smem:$0x3FA7] =	sst s7  }
0x10: {  	[smem:$0x3FA8] =	sst s8  }
0x11: {  	[smem:$0x3FA9] =	sst s9;
	s0 =	simm.s32 @!p0 $0x0  }
0x12: {  	s1 =	sld [smem:$0x3F8F];
	s0 =	simm.s32 @p0 $0x1  }
0x13: {  	[smem:$0x3FAA] =	sst s0;
	s0 =	simm.s32 @!p1 $0x0  }
0x14: {  	s2 =	sld [smem:$0x3F8E];
	s0 =	simm.s32 @p1 $0x1  }
0x15: {  	[smem:$0x3FAB] =	sst s0;
	s0 =	simm.s32 @!p2 $0x0  }
0x16: {  	s3 =	sld [smem:$0x3FDB];
	s0 =	simm.s32 @p2 $0x1  }
0x17: {  	s4 =	simm.s32 $0x1BF5;
	[smem:$0x3FAD] =	sst s0  }
0x18: {  	s0 =	sld [smem:$0x3F90];
	_ =	swait.ge [sflag:s4], $0x0  }
0x19: {  	s7 =	sld [smem:$0x3F91]  }
0x1a: {  	s8 =	sadd.s32 $0xFFFFE003, lr  }
0x1b: {  	s9 =	sadd.s32 $0xFFFFFEF7, lr;
	s5 =	simm.s32 $0xFFFFFFFF;
	p2 =	slt.u32 s8, $0xFFFFF086  }
0x1c: {  	p1 =	slt.u32 s9, $0xF7A;
	s5 =	simm.s32 @!p2 $0x0  }
0x1d: {  	s5 =	simm.s32 @p1 $0x1;
	p0 =	seq.s32 s7, s2  }
0x1e: {  	s7 =	smul.u32 @!p0 $0xF7A, s2;
	p2 =	seq.s32 @!p0 s5, $0x0  }
0x1f: {  	s9 =	smul.u32 $0xF7A, s1;
	s8 =	simm.s32 @!p0 $0x1BF5;
	p2 =	por !p2, p0  }
0x20: {  	[sflag:s8] =	ssyncset.s32 @!p0 $0xFFFFF086;
	s6 =	sadd.s32 @!p0 s3, s7;
	s7 =	simm.s32 @!p0 $0x108  }
0x21: {  	s3 =	sadd.s32 s3, s9;
	s6 =	sadd.s32 @!p0 $0x88, s6;
	s7 =	simm.s32 @p2 $0x1082  }
0x22: {  	[simem:s7], [sflag:s8] =	dma.local @!p0 [hbm:s6], $0xF7A  }
0x23: {  	s9 =	sor.u32 $0xD0000000, s2;
	s6 =	simm.s32 $0x108;
	_ =	swait.ge @!p0 [sflag:s8], $0x0  }
0x24: {  	s3 =	sadd.s32 $0x88, s3;
	s6 =	simm.s32 @!p1 $0x1082;
	[sflag:s4] =	ssyncset.s32 $0xFFFFF086  }
0x25: {  	[simem:s6], [sflag:s4] =	dma.local [hbm:s3], $0xF7A  }
0x26: {  	[smem:$0x3F91] =	sst s1;
	(tag) =	ssettag s2;
	_ =	strace s9  }
0x27: {  	s1 =	sld [smem:$0x3FA1]  }
0x28: {  	s2 =	sld [smem:$0x3FA2]  }
0x29: {  	s4 =	sld [smem:$0x3FA4]  }
0x2a: {  	p0 =	seq.s32 s5, $0x0;
	s5 =	sld [smem:$0x3FA5]  }
0x2b: {  	s6 =	sld [smem:$0x3FA6]  }
0x2c: {  	s7 =	sld [smem:$0x3FA7]  }
0x2d: {  	s3 =	simm.s32 $0x108;
	s8 =	sld [smem:$0x3FA8]  }
0x2e: {  	s3 =	simm.s32 @!p0 $0x1082;
	s9 =	sld [smem:$0x3FA9]  }
0x2f: {  	lr =	sadd.s32 s0, s3;
	s0 =	sld [smem:$0x3FA0]  }
0x30: {  	s3 =	sld [smem:$0x3FA3]  }
0x31: {  	[smem:$0x3FAC] =	sst s10  }
0x32: {  	s10 =	sld [smem:$0x3FAA];
	_ =	sdelay $0x3  }
0x33: {  	p0 =	seq.s32 s10, $0x1;
	s10 =	sld [smem:$0x3FAC];
	_ =	sdelay $0x3  }
0x34: {  	[smem:$0x3FAC] =	sst s10  }
0x35: {  	s10 =	sld [smem:$0x3FAB];
	_ =	sdelay $0x3  }
0x36: {  	p1 =	seq.s32 s10, $0x1;
	s10 =	sld [smem:$0x3FAC];
	_ =	sdelay $0x3  }
0x37: {  	[smem:$0x3FAC] =	sst s10  }
0x38: {  	s10 =	sld [smem:$0x3FAD]  }
0x39: {  	_ = 	snop;
	(pc) =	sbr.ind lr, $3  }
0x3a: {  	_ = 	snop  }
0x3b: {  	_ = 	snop  }
0x3c: {  	p2 =	seq.s32 s10, $0x1;
	s10 =	sld [smem:$0x3FAC]  }
0x3d: {  	_ =	shalt  }
0x3e: {  	_ =	shalt  }
0x3f: {  	_ =	shalt  }
0x40: {  	_ =	shalt  }
0x41: {  	_ =	shalt  }
0x42: {  	_ =	shalt  }
0x43: {  	_ =	shalt  }
0x44: {  	_ =	shalt  }
0x45: {  	_ =	shalt  }
0x46: {  	_ =	shalt  }
0x47: {  	_ =	shalt  }
0x48: {  	_ =	shalt  }
0x49: {  	_ =	shalt  }
0x4a: {  	_ =	shalt  }
0x4b: {  	_ =	shalt  }
0x4c: {  	_ =	shalt  }
0x4d: {  	_ =	shalt  }
0x4e: {  	_ =	shalt  }
0x4f: {  	_ =	shalt  }
0x50: {  	_ =	shalt  }
0x51: {  	_ =	shalt  }
0x52: {  	_ =	shalt  }
0x53: {  	_ =	shalt  }
0x54: {  	_ =	shalt  }
0x55: {  	_ =	shalt  }
0x56: {  	_ =	shalt  }
0x57: {  	_ =	shalt  }
0x58: {  	_ =	shalt  }
0x59: {  	_ =	shalt  }
0x5a: {  	_ =	shalt  }
0x5b: {  	_ =	shalt  }
0x5c: {  	_ =	shalt  }
0x5d: {  	_ =	shalt  }
0x5e: {  	_ =	shalt  }
0x5f: {  	_ =	shalt  }
0x60: {  	_ =	shalt  }
0x61: {  	_ =	shalt  }
0x62: {  	_ =	shalt  }
0x63: {  	_ =	shalt  }
0x64: {  	_ =	shalt  }
0x65: {  	_ =	shalt  }
0x66: {  	_ =	shalt  }
0x67: {  	_ =	shalt  }
0x68: {  	_ =	shalt  }
0x69: {  	_ =	shalt  }
0x6a: {  	_ =	shalt  }
0x6b: {  	_ =	shalt  }
0x6c: {  	_ =	shalt  }
0x6d: {  	_ =	shalt  }
0x6e: {  	_ =	shalt  }
0x6f: {  	_ =	shalt  }
0x70: {  	_ =	shalt  }
0x71: {  	_ =	shalt  }
0x72: {  	_ =	shalt  }
0x73: {  	_ =	shalt  }
0x74: {  	_ =	shalt  }
0x75: {  	_ =	shalt  }
0x76: {  	_ =	shalt  }
0x77: {  	_ =	shalt  }
0x78: {  	_ =	shalt  }
0x79: {  	_ =	shalt  }
0x7a: {  	_ =	shalt  }
0x7b: {  	_ =	shalt  }
0x7c: {  	_ =	shalt  }
0x7d: {  	_ =	shalt  }
0x7e: {  	_ =	shalt  }
0x7f: {  	_ =	shalt  }
0x80: {  	_ =	shalt  }
0x81: {  	_ =	shalt  }
0x82: {  	_ =	shalt  }
0x83: {  	_ =	shalt  }
0x84: {  	_ =	shalt  }
0x85: {  	_ =	shalt  }
0x86: {  	_ =	shalt  }
0x87: {  	_ =	shalt  }
.Lfunc_end0:
.L_simem_size_0:
called_computation.2_lowered:
.L_overlay_start_0:
0x88: {  	s2 =	sld [smem:$0x3FD9]  }
0x89: {  	s3 =	sld [smem:$0x3FFE];
	_ =	sdelay $0x1  }
0x8a: {  	s1 =	srdreg.scid  }
0x8b: {  	s0 =	sand.u32 $0x1, s1  }
0x8c: {  	s16 =	sshll.u32 s0, $0xA;
	s2 =	sadd.s32 s3, s2  }
0x8d: {  	s2 =	sadd.s32 s2, s16  }
0x8e: {  	[smem:$0x3FB8] =	sst s2  }
0x8f: {  	_ = 	snop  }
0x90: {  	(tm) =	ssettm $0x1  }
0x91: {  	s17 =	sld [smem:$0x3FFB];
	_ =	sdelay $0x3  }
0x92: {  	_ =	strace s17  }
0x93: {  	s2 =	sld [smem:$0x3FFC];
	_ =	sdelay $0x3  }
0x94: {  	_ =	strace s2  }
0x95: {  	s2 =	sld [smem:$0x3FFD];
	_ =	sdelay $0x3  }
0x96: {  	_ =	strace s2  }
0x97: {  	_ =	strace $0x8FFFFFFF  }
0x98: {  	s18 =	sld [smem:$0x3FDB];
	_ =	sdelay $0x1  }
0x99: {  	s19 =	simm.s32 $_scs_section_size  }
0x9a: {  	s4 =	simm.s32 $_size__tile_overlayer_lowered;
	s5 =	simm.s32 $_tile_overlayer_lowered  }
0x9b: {  	s22 =	simm.s32 $0x1BFF;
	s21 =	sshll.u32 s5, $0x1;
	s2 =	sadd.s32 s19, s18  }
0x9c: {  	s6 =	simm.s32 $0x0;
	s20 =	sshll.u32 s4, $0x1;
	s4 =	sadd.s32 s21, s2  }
0x9d: {  	[timem:s6], [sflag:s22] =	dma.local [hbm:s4], s20  }
0x9e: {  	_ =	swait.ge [sflag:s22], s20  }
0x9f: {  	s3 =	ssub.s32 $0x0, s20;
	[sflag:s22] =	ssyncset.done $0x0  }
0xa0: {  	[sflag:s22] =	ssyncadd.s32 s3;
	_ =	sdelay $0x1  }
0xa1: {  	s23 =	simm.s32 $0x1B8B  }
0xa2: {  	_ =	swait.ge [sflag:s23], $0x1  }
0xa3: {  	[sflag:s23] =	ssyncset.done $0x0  }
0xa4: {  	s25 =	simm.s32 $0x1B8E;
	s24 =	sld [smem:$0x3FFE];
	[sflag:s23] =	ssyncadd.s32 $0xFFFFFFFF  }
0xa5: {  	s26 =	simm.s32 $execute0_lowered;
	[smem:$0x3FD2] =	sst s25  }
0xa6: {  	s4 =	sshll.u32 s26, $0x1;
	_ =	strace $0x8000004C;
	[dreg:$0x1] =	wrdreg $0xFFFFFFFF  }
0xa7: {  	s28 =	simm.s32 $_size_execute0_lowered;
	s2 =	sadd.s32 s2, s4;
	[dreg:$0x0] =	wrdreg $0x0  }
0xa8: {  	s4 =	sshll.u32 s28, $0x1;
	[dreg:$0x2] =	wrdreg s2  }
0xa9: {  	[dreg:$0x3] =	wrdreg s4  }
0xaa: {  	[dreg:$0x4] =	wrdreg $0xC0  }
0xab: {  	_ =	task [dreg:s6], $0x5FFFF  }
0xac: {  	[dreg:$0x1] =	wrdreg $0xFFFFFFFF  }
0xad: {  	[dreg:$0x0] =	wrdreg $0x60  }
0xae: {  	[dreg:$0x2] =	wrdreg s24  }
0xaf: {  	[dreg:$0x3] =	wrdreg $0x8800  }
0xb0: {  	[dreg:$0x4] =	wrdreg $0x9  }
0xb1: {  	_ =	task.clear_ibuf [dreg:s6], $0x5FFFF;
	_ =	strace $0x9000004C  }
0xb2: {  	s29 =	simm.s32 $0x9;
	_ =	strace $0x8000004E  }
0xb3: {  	_ =	swait.ge [sflag:s29], $0x1  }
0xb4: {  	[sflag:s29] =	ssyncadd.s32 $0xFFFFFFFF  }
0xb5: {  	_ =	strace $0x9000004E  }
0xb6: {  	_ =	sfence  }
0xb7: {  	s30 =	sld [smem:$0x0];
	_ =	sdelay $0x2  }
0xb8: {  	s31 =	sshll.u32 s1, $0xD;
	s1 =	sshrl.u32 s1, $0x2  }
0xb9: {  	s3 =	sand.u32 $0x4000, s31;
	s1 =	sadd.s32 s1, s30  }
0xba: {  	s0 =	sor.u32 s3, s0;
	s1 =	sshll.u32 s1, $0x11  }
0xbb: {  	s0 =	sor.u32 s1, s0  }
0xbc: {  	s0 =	sadd.s32 $0x8F2B, s0  }
0xbd: {  	[sflag:s0] =	ssyncadd.remote.s32 $0x1  }
0xbe: {  	_ =	sfence.sel $0xFFFF  }
0xbf: {  	[dreg:$0x0] =	wrdreg $0xFFFFFFFF;
	(pc) =	sbr.abs _section_cstart, $3  }
0xc0: {  	[dreg:$0x1] =	wrdreg $0xFFFFFFFF  }
0xc1: {  	_ =	task.clear_ibuf [dreg:s6], $0x2FFFF;
	_ =	strace $0x9FFFFFFF  }
0xc2: {  	(tm) =	ssettm $0x7FFFFFFF  }
0xc3: {  	_ =	shalt  }
tec
execute0_lowered:
.L_overlay_start_1:
0x0: {  	(tag) =	ssettag $0x1  }
0x1: {  	s0 =	srdreg.scid  }
0x2: {  	s11 =	stileid.u32;
	s4 =	rddreg [dreg:$0x0]  }
0x3: {  	s1 =	rddreg [dreg:$0x1];
	s5 =	smul.u32 $0xC400, s11  }
0x4: {  	s2 =	simm.s32 $0x0;
	s13 =	simm.s32 $0x0;
	s7 =	smul.u32 $0x18800, s11  }
0x5: {  	s3 =	sand.u32 $0x1, s0;
	s0 =	rddreg [dreg:$0x2];
	s8 =	smul.u32 $0xC40, s11  }
0x6: {  	[smem:$0x7FF] =	sst s2;
	p0 =	sne.s32 s11, $0x0;
	s6 =	smul.u32 $0xC4000, s3  }
0x7: {  	s11 =	sshll.u32 s11, $0x6;
	s26 =	smul.u32 $0xC400, s3;
	_ =	strace $0x8000004D  }
0x8: {  	s29 =	ssub.s32 $0x2, s3;
	s3 =	sadd.s32 $0x2CE00, s4;
	s11 =	sor.u32 $0x1C01, s11  }
0x9: {  	s10 =	sadd.s32 s7, s4;
	s30 =	sshrl.u32 s29, $0x1;
	s31 =	sshrl.u32 s7, $0x2  }
0xa: {  	s5 =	sadd.s32 s5, s6;
	s28 =	sadd.s32 s8, s26;
	s12 =	sadd.s32 s31, s1  }
0xb: {  	s6 =	sadd.s32 $0x1FE600, s10;
	s8 =	sshrl.u32 @!p0 s1, $0x3;
	s5 =	sshrl.u32 s5, $0x3  }
0xc: {  	s10 =	simm.s32 $0x80;
	s9 =	sadd.s32 s5, s4;
	s4 =	sadd.s32 s28, s4  }
0xd: {  	s12 =	sshrl.u32 s12, $0x3;
	s5 =	ssub.s32 s29, s30;
	s4 =	sadd.s32 $0x39400, s4  }
0xe: {  	s5 =	smax.u32 s5, $0x1;
	s7 =	sadd.s32 $0x1CD600, s9;
	s9 =	simm.s32 $0x1  }
.LBB2_1:
0xf: {  	s14 =	simm.s32 @!p0 $0x1C01  }
0x10: {  	[spmem:s8], [sflag:s14] =	dma.local @!p0 [hbm:s3], $0xC420  }
0x11: {  	s14 =	simm.s32 @!p0 $0x1  }
0x12: {  	_ =	swait.ge @!p0 [sflag:s14], $0xC420  }
0x13: {  	[sflag:s14] =	ssyncset.done @!p0 $0x0  }
0x14: {  	[sflag:s14] =	ssyncadd.s32 @!p0 $0xFFFF3BE0  }
0x15: {  	s31 =	sadd.s32 $0x0, s7;
	[bflag:$0x0] =	sbarrier.arrive $0xFFFF  }
0x16: {  	[tilespmem:s2], [sflag:$0x1] =	stream.linear.gather [hbm4b:s31+s2], $0x80, $0x38;
	[tilespmem:$0x6A90] =	vst v63  }
0x17: {  	_ =	swait.ge [sflag:s9], $0x80  }
0x18: {  	[sflag:s9] =	ssyncset.done $0x0  }
0x19: {  	[sflag:s9] =	ssyncadd.s32 $0xFFFFFF80  }
0x1a: {  	[tilespmem:s10], [sflag:$0x1] =	stream.linear.gather [hbm4b:s6+s2], $0x800, $0x38;
	[tilespmem:$0x6A90] =	vst v63  }
0x1b: {  	_ =	swait.ge [sflag:s9], $0x800  }
0x1c: {  	[sflag:s9] =	ssyncset.done $0x0  }
0x1d: {  	[sflag:s9] =	ssyncadd.s32 $0xFFFFF800  }
0x1e: {  	[spmem:s1] =	stream.indirect.scatter.add.f32 [tilespmem:s10], [sflag:$0x1], $0x10, s2, s10, $0xb8;
	[tilespmem:$0x6A90] =	vst v63  }
0x1f: {  	s15 =	simm.s32 $0x10;
	_ =	swait.ge [sflag:s9], $0x800  }
0x20: {  	s16 =	simm.s32 $0x20;
	s14 =	sadd.s32 $0x100, s6;
	[sflag:s9] =	ssyncset.done $0x0  }
.LBB2_2:
0x21: {  	s17 =	sadd.s32 s15, s7  }
0x22: {  	[sflag:s9] =	ssyncadd.s32 $0xFFFFF800;
	s15 =	smov.u32 s16;
	s18 =	sadd.s32 $0x10, s16  }
0x23: {  	[tilespmem:s2], [sflag:$0x1] =	stream.linear.gather [hbm4b:s17+s2], $0x80, $0x38;
	[tilespmem:$0x6A90] =	vst v63  }
0x24: {  	p1 =	sne.s32 s16, $0x1870;
	_ =	swait.ge [sflag:s9], $0x80  }
0x25: {  	[sflag:s9] =	ssyncset.done $0x0  }
0x26: {  	[sflag:s9] =	ssyncadd.s32 $0xFFFFFF80  }
0x27: {  	[tilespmem:s10], [sflag:$0x1] =	stream.linear.gather [hbm4b:s14+s2], $0x800, $0x38;
	[tilespmem:$0x6A90] =	vst v63  }
0x28: {  	_ =	swait.ge [sflag:s9], $0x800  }
.Ltmp0:
0x29: {  	[sflag:s9] =	ssyncset.done $0x0;
	(pc) =	sbr.rel @p1 .LBB2_2-.Ltmp0, $4  }
0x2a: {  	[sflag:s9] =	ssyncadd.s32 $0xFFFFF800  }
0x2b: {  	[spmem:s1] =	stream.indirect.scatter.add.f32 [tilespmem:s10], [sflag:$0x1], $0x10, s2, s10, $0xb8;
	[tilespmem:$0x6A90] =	vst v63  }
0x2c: {  	_ =	swait.ge [sflag:s9], $0x800  }
0x2d: {  	s16 =	smov.u32 s18;
	s14 =	sadd.s32 $0x100, s14;
	[sflag:s9] =	ssyncset.done $0x0  }
0x2e: {  	s15 =	sadd.s32 s15, s7;
	[sflag:s9] =	ssyncadd.s32 $0xFFFFF800  }
0x2f: {  	[tilespmem:s2], [sflag:$0x1] =	stream.linear.gather [hbm4b:s15+s2], $0x80, $0x38;
	[tilespmem:$0x6A90] =	vst v63  }
0x30: {  	_ =	swait.ge [sflag:s9], $0x80  }
0x31: {  	[sflag:s9] =	ssyncset.done $0x0  }
0x32: {  	[sflag:s9] =	ssyncadd.s32 $0xFFFFFF80  }
0x33: {  	[tilespmem:s10], [sflag:$0x1] =	stream.linear.gather [hbm4b:s14+s2], $0x800, $0x38;
	[tilespmem:$0x6A90] =	vst v63  }
0x34: {  	_ =	swait.ge [sflag:s9], $0x800  }
0x35: {  	[sflag:s9] =	ssyncset.done $0x0  }
0x36: {  	[sflag:s9] =	ssyncadd.s32 $0xFFFFF800  }
0x37: {  	[spmem:s1] =	stream.indirect.scatter.add.f32 [tilespmem:s10], [sflag:$0x1], $0x10, s2, s10, $0xb8;
	[tilespmem:$0x6A90] =	vst v63  }
0x38: {  	_ =	swait.ge [sflag:s9], $0x800  }
0x39: {  	s13 =	sadd.s32 $0x1, s13;
	[sflag:s9] =	ssyncset.done $0x0  }
0x3a: {  	p1 =	sne.s32 s13, s5;
	[sflag:s9] =	ssyncadd.s32 $0xFFFFF800  }
.Ltmp1:
0x3b: {  	[bflag:$0x0] =	sbarrier.arrive $0xFFFF;
	(pc) =	sbr.rel @p1 .LBB2_1-.Ltmp1, $4  }
0x3c: {  	[hbm:s4], [sflag:s11] =	dma.local [spmem:s12], $0xC40  }
0x3d: {  	_ =	swait.ge [sflag:s9], $0xC40  }
0x3e: {  	[sflag:s9] =	ssyncset.done $0x0  }
0x3f: {  	[sflag:s9] =	ssyncadd.s32 $0xFFFFF3C0  }
0x40: {  	_ =	sfence.sel $0x180000  }
0x41: {  	[bflag:$0x0] =	sbarrier.arrive $0xFFFF  }
0x42: {  	_ =	strace $0x9000004D  }
0x43: {  	s0 =	sadd.s32 @!p0 $0x100000, s0;
	[bflag:$0x2] =	sbarrier.arrive $0xFFFF  }
0x44: {  	[sflag:s0] =	ssyncadd.tile.s32 @!p0 $0x1;
	_ =	shalt  }
.Lfunc_end2:
_tile_overlayer_lowered:
.L_overlay_start_2:
0x45: {  	(tag) =	ssettag $0x2  }
0x46: {  	s0 =	rddreg [dreg:$0x0];
	s2 =	stileid.u32  }
0x47: {  	s1 =	rddreg [dreg:$0x1];
	p0 =	sne.s32 s2, $0x0  }
0x48: {  	s3 =	rddreg [dreg:$0x2];
	[bflag:$0x3] =	sbarrier.arrive $0xFFFF;
	s2 =	simm.s32 @!p0 $0x1C01  }
0x49: {  	[timem:s3], [sflag:s2] =	dma.local @!p0 [hbm:s0], s1  }
0x4a: {  	s0 =	simm.s32 @!p0 $0x1  }
0x4b: {  	_ =	swait.ge @!p0 [sflag:s0], s1  }
0x4c: {  	s1 =	ssub.s32 @!p0 $0x0, s1;
	[sflag:s0] =	ssyncset.done @!p0 $0x0  }
0x4d: {  	[sflag:s0] =	ssyncadd.s32 @!p0 s1  }
0x4e: {  	[bflag:$0x3] =	sbarrier.arrive $0xFFFF  }
0x4f: {  	_ =	shalt  }

// kernel: kernel.32.cloned.1.call-start
scs
__scs_entry_jumppad:
0x0: {  	(pc) =	sbr.rel $0x88, $3  }
0x1: {  	(tag) =	ssettag $0x0;
	lr =	simm.s32 $0x1  }
0x2: {  	[smem:$0x3F91] =	sst lr;
	_ =	strace $0xD0000000  }
0x3: {  	_ = 	snop  }
0x4: {  	_ = 	snop  }
0x5: {  	_ = 	snop  }
0x6: {  	_ = 	snop  }
0x7: {  	_ = 	snop  }
__scs_overlays_trampoline_lowered:
0x8: {  	[smem:$0x3FA0] =	sst s0  }
0x9: {  	[smem:$0x3FA1] =	sst s1  }
0xa: {  	[smem:$0x3FA2] =	sst s2  }
0xb: {  	[smem:$0x3FA3] =	sst s3  }
0xc: {  	[smem:$0x3FA4] =	sst s4  }
0xd: {  	[smem:$0x3FA5] =	sst s5  }
0xe: {  	[smem:$0x3FA6] =	sst s6  }
0xf: {  	[smem:$0x3FA7] =	sst s7  }
0x10: {  	[smem:$0x3FA8] =	sst s8  }
0x11: {  	[smem:$0x3FA9] =	sst s9;
	s0 =	simm.s32 @!p0 $0x0  }
0x12: {  	s1 =	sld [smem:$0x3F8F];
	s0 =	simm.s32 @p0 $0x1  }
0x13: {  	[smem:$0x3FAA] =	sst s0;
	s0 =	simm.s32 @!p1 $0x0  }
0x14: {  	s2 =	sld [smem:$0x3F8E];
	s0 =	simm.s32 @p1 $0x1  }
0x15: {  	[smem:$0x3FAB] =	sst s0;
	s0 =	simm.s32 @!p2 $0x0  }
0x16: {  	s3 =	sld [smem:$0x3FDB];
	s0 =	simm.s32 @p2 $0x1  }
0x17: {  	s4 =	simm.s32 $0x1BF5;
	[smem:$0x3FAD] =	sst s0  }
0x18: {  	s0 =	sld [smem:$0x3F90];
	_ =	swait.ge [sflag:s4], $0x0  }
0x19: {  	s7 =	sld [smem:$0x3F91]  }
0x1a: {  	s8 =	sadd.s32 $0xFFFFE003, lr  }
0x1b: {  	s9 =	sadd.s32 $0xFFFFFEF7, lr;
	s5 =	simm.s32 $0xFFFFFFFF;
	p2 =	slt.u32 s8, $0xFFFFF086  }
0x1c: {  	p1 =	slt.u32 s9, $0xF7A;
	s5 =	simm.s32 @!p2 $0x0  }
0x1d: {  	s5 =	simm.s32 @p1 $0x1;
	p0 =	seq.s32 s7, s2  }
0x1e: {  	s7 =	smul.u32 @!p0 $0xF7A, s2;
	p2 =	seq.s32 @!p0 s5, $0x0  }
0x1f: {  	s9 =	smul.u32 $0xF7A, s1;
	s8 =	simm.s32 @!p0 $0x1BF5;
	p2 =	por !p2, p0  }
0x20: {  	[sflag:s8] =	ssyncset.s32 @!p0 $0xFFFFF086;
	s6 =	sadd.s32 @!p0 s3, s7;
	s7 =	simm.s32 @!p0 $0x108  }
0x21: {  	s3 =	sadd.s32 s3, s9;
	s6 =	sadd.s32 @!p0 $0x88, s6;
	s7 =	simm.s32 @p2 $0x1082  }
0x22: {  	[simem:s7], [sflag:s8] =	dma.local @!p0 [hbm:s6], $0xF7A  }
0x23: {  	s9 =	sor.u32 $0xD0000000, s2;
	s6 =	simm.s32 $0x108;
	_ =	swait.ge @!p0 [sflag:s8], $0x0  }
0x24: {  	s3 =	sadd.s32 $0x88, s3;
	s6 =	simm.s32 @!p1 $0x1082;
	[sflag:s4] =	ssyncset.s32 $0xFFFFF086  }
0x25: {  	[simem:s6], [sflag:s4] =	dma.local [hbm:s3], $0xF7A  }
0x26: {  	[smem:$0x3F91] =	sst s1;
	(tag) =	ssettag s2;
	_ =	strace s9  }
0x27: {  	s1 =	sld [smem:$0x3FA1]  }
0x28: {  	s2 =	sld [smem:$0x3FA2]  }
0x29: {  	s4 =	sld [smem:$0x3FA4]  }
0x2a: {  	p0 =	seq.s32 s5, $0x0;
	s5 =	sld [smem:$0x3FA5]  }
0x2b: {  	s6 =	sld [smem:$0x3FA6]  }
0x2c: {  	s7 =	sld [smem:$0x3FA7]  }
0x2d: {  	s3 =	simm.s32 $0x108;
	s8 =	sld [smem:$0x3FA8]  }
0x2e: {  	s3 =	simm.s32 @!p0 $0x1082;
	s9 =	sld [smem:$0x3FA9]  }
0x2f: {  	lr =	sadd.s32 s0, s3;
	s0 =	sld [smem:$0x3FA0]  }
0x30: {  	s3 =	sld [smem:$0x3FA3]  }
0x31: {  	[smem:$0x3FAC] =	sst s10  }
0x32: {  	s10 =	sld [smem:$0x3FAA];
	_ =	sdelay $0x3  }
0x33: {  	p0 =	seq.s32 s10, $0x1;
	s10 =	sld [smem:$0x3FAC];
	_ =	sdelay $0x3  }
0x34: {  	[smem:$0x3FAC] =	sst s10  }
0x35: {  	s10 =	sld [smem:$0x3FAB];
	_ =	sdelay $0x3  }
0x36: {  	p1 =	seq.s32 s10, $0x1;
	s10 =	sld [smem:$0x3FAC];
	_ =	sdelay $0x3  }
0x37: {  	[smem:$0x3FAC] =	sst s10  }
0x38: {  	s10 =	sld [smem:$0x3FAD]  }
0x39: {  	_ = 	snop;
	(pc) =	sbr.ind lr, $3  }
0x3a: {  	_ = 	snop  }
0x3b: {  	_ = 	snop  }
0x3c: {  	p2 =	seq.s32 s10, $0x1;
	s10 =	sld [smem:$0x3FAC]  }
0x3d: {  	_ =	shalt  }
0x3e: {  	_ =	shalt  }
0x3f: {  	_ =	shalt  }
0x40: {  	_ =	shalt  }
0x41: {  	_ =	shalt  }
0x42: {  	_ =	shalt  }
0x43: {  	_ =	shalt  }
0x44: {  	_ =	shalt  }
0x45: {  	_ =	shalt  }
0x46: {  	_ =	shalt  }
0x47: {  	_ =	shalt  }
0x48: {  	_ =	shalt  }
0x49: {  	_ =	shalt  }
0x4a: {  	_ =	shalt  }
0x4b: {  	_ =	shalt  }
0x4c: {  	_ =	shalt  }
0x4d: {  	_ =	shalt  }
0x4e: {  	_ =	shalt  }
0x4f: {  	_ =	shalt  }
0x50: {  	_ =	shalt  }
0x51: {  	_ =	shalt  }
0x52: {  	_ =	shalt  }
0x53: {  	_ =	shalt  }
0x54: {  	_ =	shalt  }
0x55: {  	_ =	shalt  }
0x56: {  	_ =	shalt  }
0x57: {  	_ =	shalt  }
0x58: {  	_ =	shalt  }
0x59: {  	_ =	shalt  }
0x5a: {  	_ =	shalt  }
0x5b: {  	_ =	shalt  }
0x5c: {  	_ =	shalt  }
0x5d: {  	_ =	shalt  }
0x5e: {  	_ =	shalt  }
0x5f: {  	_ =	shalt  }
0x60: {  	_ =	shalt  }
0x61: {  	_ =	shalt  }
0x62: {  	_ =	shalt  }
0x63: {  	_ =	shalt  }
0x64: {  	_ =	shalt  }
0x65: {  	_ =	shalt  }
0x66: {  	_ =	shalt  }
0x67: {  	_ =	shalt  }
0x68: {  	_ =	shalt  }
0x69: {  	_ =	shalt  }
0x6a: {  	_ =	shalt  }
0x6b: {  	_ =	shalt  }
0x6c: {  	_ =	shalt  }
0x6d: {  	_ =	shalt  }
0x6e: {  	_ =	shalt  }
0x6f: {  	_ =	shalt  }
0x70: {  	_ =	shalt  }
0x71: {  	_ =	shalt  }
0x72: {  	_ =	shalt  }
0x73: {  	_ =	shalt  }
0x74: {  	_ =	shalt  }
0x75: {  	_ =	shalt  }
0x76: {  	_ =	shalt  }
0x77: {  	_ =	shalt  }
0x78: {  	_ =	shalt  }
0x79: {  	_ =	shalt  }
0x7a: {  	_ =	shalt  }
0x7b: {  	_ =	shalt  }
0x7c: {  	_ =	shalt  }
0x7d: {  	_ =	shalt  }
0x7e: {  	_ =	shalt  }
0x7f: {  	_ =	shalt  }
0x80: {  	_ =	shalt  }
0x81: {  	_ =	shalt  }
0x82: {  	_ =	shalt  }
0x83: {  	_ =	shalt  }
0x84: {  	_ =	shalt  }
0x85: {  	_ =	shalt  }
0x86: {  	_ =	shalt  }
0x87: {  	_ =	shalt  }
.Lfunc_end0:
.L_simem_size_0:
called_computation.3_lowered:
.L_overlay_start_0:
0x88: {  	s2 =	sld [smem:$0x3FD9]  }
0x89: {  	s3 =	sld [smem:$0x3FFE];
	_ =	sdelay $0x1  }
0x8a: {  	s1 =	srdreg.scid  }
0x8b: {  	s0 =	sand.u32 $0x1, s1  }
0x8c: {  	s17 =	sshll.u32 s0, $0xA;
	s2 =	sadd.s32 s3, s2  }
0x8d: {  	s2 =	sadd.s32 s2, s17  }
0x8e: {  	[smem:$0x3FB8] =	sst s2  }
0x8f: {  	_ = 	snop  }
0x90: {  	(tm) =	ssettm $0x1  }
0x91: {  	s18 =	sld [smem:$0x3FFB];
	_ =	sdelay $0x3  }
0x92: {  	_ =	strace s18  }
0x93: {  	s2 =	sld [smem:$0x3FFC];
	_ =	sdelay $0x3  }
0x94: {  	_ =	strace s2  }
0x95: {  	s2 =	sld [smem:$0x3FFD];
	_ =	sdelay $0x3  }
0x96: {  	_ =	strace s2  }
0x97: {  	_ =	strace $0x8FFFFFFF  }
0x98: {  	s19 =	sld [smem:$0x3FDB];
	_ =	sdelay $0x1  }
0x99: {  	s20 =	simm.s32 $_scs_section_size  }
0x9a: {  	s4 =	simm.s32 $_size__tile_overlayer_lowered;
	s5 =	simm.s32 $_tile_overlayer_lowered  }
0x9b: {  	s6 =	simm.s32 $0x1BFF;
	s21 =	sshll.u32 s5, $0x1;
	s3 =	sadd.s32 s20, s19  }
0x9c: {  	s22 =	simm.s32 $0x0;
	s4 =	sshll.u32 s4, $0x1;
	s5 =	sadd.s32 s21, s3  }
0x9d: {  	[timem:s22], [sflag:s6] =	dma.local [hbm:s5], s4  }
0x9e: {  	_ =	swait.ge [sflag:s6], s4  }
0x9f: {  	s4 =	ssub.s32 $0x0, s4;
	[sflag:s6] =	ssyncset.done $0x0  }
0xa0: {  	[sflag:s6] =	ssyncadd.s32 s4;
	_ =	sdelay $0x1  }
0xa1: {  	s23 =	simm.s32 $0x1B8B  }
0xa2: {  	_ =	swait.ge [sflag:s23], $0x1  }
0xa3: {  	[sflag:s23] =	ssyncset.done $0x0  }
0xa4: {  	[sflag:s23] =	ssyncadd.s32 $0xFFFFFFFF  }
0xa5: {  	s4 =	sld [smem:$0x0]  }
0xa6: {  	s5 =	sand.u32 $0xFFFFFFFE, s1  }
0xa7: {  	p0 =	sne.s32 s1, s5  }
0xa8: {  	s5 =	sshll.u32 @p0 s5, $0xE  }
0xa9: {  	s5 =	sadd.s32 @p0 $0x11B8D, s5;
	s6 =	sshll.u32 @p0 s4, $0x11  }
0xaa: {  	s5 =	sor.u32 @p0 s6, s5  }
0xab: {  	[sflag:s5] =	ssyncadd.remote.s32 @p0 $0x1;
	_ =	sdelay $0x1  }
0xac: {  	s5 =	simm.s32 @p0 $0x1B8D  }
0xad: {  	_ =	swait.eq @p0 [sflag:s5], $0x1  }
0xae: {  	[sflag:s5] =	ssyncadd.s32 @p0 $0xFFFFFFFF  }
0xaf: {  	s6 =	sshll.u32 @!p0 s1, $0xE  }
0xb0: {  	s6 =	sor.u32 @!p0 $0x4000, s6;
	s5 =	simm.s32 @!p0 $0x1B8D  }
0xb1: {  	s4 =	sshll.u32 @!p0 s4, $0x11;
	s6 =	sadd.s32 @!p0 $0x11B8D, s6;
	_ =	swait.eq @!p0 [sflag:s5], $0x1  }
0xb2: {  	s4 =	sor.u32 @!p0 s4, s6;
	[sflag:s5] =	ssyncadd.s32 @!p0 $0xFFFFFFFF  }
0xb3: {  	s25 =	simm.s32 $0x1B8E;
	s24 =	sld [smem:$0x3FFE];
	[sflag:s4] =	ssyncadd.remote.s32 @!p0 $0x1  }
0xb4: {  	s26 =	simm.s32 $execute0_lowered;
	[smem:$0x3FD2] =	sst s25  }
0xb5: {  	s5 =	sshll.u32 s26, $0x1;
	_ =	strace $0x80000052;
	[dreg:$0x1] =	wrdreg $0xFFFFFFFF  }
0xb6: {  	s28 =	simm.s32 $_size_execute0_lowered;
	s3 =	sadd.s32 s3, s5;
	[dreg:$0x0] =	wrdreg $0x0  }
0xb7: {  	s5 =	sshll.u32 s28, $0x1;
	[dreg:$0x2] =	wrdreg s3  }
0xb8: {  	[dreg:$0x3] =	wrdreg s5  }
0xb9: {  	[dreg:$0x4] =	wrdreg $0xC0  }
0xba: {  	_ =	task [dreg:s22], $0x5FFFF  }
0xbb: {  	[dreg:$0x1] =	wrdreg $0xFFFFFFFF  }
0xbc: {  	[dreg:$0x0] =	wrdreg $0x60  }
0xbd: {  	[dreg:$0x2] =	wrdreg s24  }
0xbe: {  	[dreg:$0x3] =	wrdreg $0x9  }
0xbf: {  	_ =	task.clear_ibuf [dreg:s22], $0x4FFFF;
	_ =	strace $0x90000052  }
0xc0: {  	s29 =	simm.s32 $0x9;
	_ =	strace $0x80000054  }
0xc1: {  	_ =	swait.ge [sflag:s29], $0x1  }
0xc2: {  	[sflag:s29] =	ssyncadd.s32 $0xFFFFFFFF  }
0xc3: {  	_ =	strace $0x90000054  }
0xc4: {  	_ =	sfence  }
0xc5: {  	s30 =	sld [smem:$0x0];
	_ =	sdelay $0x2  }
0xc6: {  	s31 =	sshll.u32 s1, $0xD;
	s1 =	sshrl.u32 s1, $0x2  }
0xc7: {  	s4 =	sand.u32 $0x4000, s31;
	s1 =	sadd.s32 s1, s30  }
0xc8: {  	s0 =	sor.u32 s4, s0;
	s1 =	sshll.u32 s1, $0x11  }
0xc9: {  	s0 =	sor.u32 s1, s0  }
0xca: {  	s0 =	sadd.s32 $0x8F2B, s0  }
0xcb: {  	[sflag:s0] =	ssyncadd.remote.s32 $0x1  }
0xcc: {  	_ =	sfence.sel $0xFFFF  }
0xcd: {  	[dreg:$0x0] =	wrdreg $0xFFFFFFFF;
	(pc) =	sbr.abs _section_cstart, $3  }
0xce: {  	[dreg:$0x1] =	wrdreg $0xFFFFFFFF  }
0xcf: {  	_ =	task.clear_ibuf [dreg:s22], $0x2FFFF;
	_ =	strace $0x9FFFFFFF  }
0xd0: {  	(tm) =	ssettm $0x7FFFFFFF  }
0xd1: {  	_ =	shalt  }
tec
execute0_lowered:
.L_overlay_start_1:
0x0: {  	(tag) =	ssettag $0x1  }
0x1: {  	s4 =	rddreg [dreg:$0x0]  }
0x2: {  	s0 =	rddreg [dreg:$0x1];
	s2 =	simm.s32 $0x0;
	s1 =	stileid.u32  }
0x3: {  	s3 =	srdreg.scid;
	s10 =	simm.s32 $0x0;
	s6 =	smul.u32 $0xC400, s1  }
0x4: {  	[smem:$0x7FF] =	sst s2;
	s5 =	sand.u32 $0x1, s3;
	s8 =	smul.u32 $0x6E400, s1  }
0x5: {  	s3 =	sadd.s32 $0x109600, s4;
	s7 =	smul.u32 $0x6200, s5;
	s9 =	ssub.s32 $0x2, s5  }
0x6: {  	_ =	strace $0x80000053;
	s5 =	smul.u32 $0x37200, s5;
	s31 =	sshrl.u32 s9, $0x1  }
0x7: {  	s8 =	sadd.s32 s8, s4;
	s6 =	sadd.s32 s7, s6;
	s7 =	ssub.s32 s9, s31  }
0x8: {  	s5 =	sadd.s32 s5, s8;
	s8 =	simm.s32 $0x80;
	s6 =	sshrl.u32 s6, $0x3  }
0x9: {  	s9 =	simm.s32 $0x1;
	s5 =	sadd.s32 $0x1FE600, s5;
	s6 =	sadd.s32 s6, s4  }
0xa: {  	s4 =	smax.u32 s7, $0x1;
	s7 =	simm.s32 $0x2;
	s6 =	sadd.s32 $0xF0E00, s6  }
.LBB2_1:
0xb: {  	s11 =	sadd.s32 $0x0, s6  }
0xc: {  	[tilespmem:s2], [sflag:$0x2] =	stream.linear.gather [hbm4b:s11+s2], $0x80, $0x38;
	[tilespmem:$0x2480] =	vst v63  }
0xd: {  	_ =	swait.ge [sflag:s7], $0x80  }
0xe: {  	[sflag:s7] =	ssyncset.done $0x0  }
0xf: {  	[sflag:s7] =	ssyncadd.s32 $0xFFFFFF80  }
0x10: {  	[tilespmem:s8], [sflag:$0x1] =	stream.indirect.gather [hbm4b:s3+s8], $0x48, s2, s8, $0xb8;
	[tilespmem:$0x2480] =	vst v63  }
0x11: {  	_ =	swait.ge [sflag:s9], $0x2400  }
0x12: {  	[sflag:s9] =	ssyncset.done $0x0  }
0x13: {  	[sflag:s9] =	ssyncadd.s32 $0xFFFFDC00  }
0x14: {  	[hbm4b:s5+s2] =	stream.linear.scatter [tilespmem:s8], [sflag:$0x2], $0x2400, $0x38;
	[tilespmem:$0x2480] =	vst v63  }
0x15: {  	s12 =	simm.s32 $0x10;
	_ =	swait.ge [sflag:s7], $0x2400  }
0x16: {  	s13 =	simm.s32 $0x20;
	s11 =	sadd.s32 $0x480, s5;
	[sflag:s7] =	ssyncset.done $0x0  }
.LBB2_2:
0x17: {  	s14 =	sadd.s32 s12, s6  }
0x18: {  	[sflag:s7] =	ssyncadd.s32 $0xFFFFDC00;
	s12 =	smov.u32 s13;
	s15 =	sadd.s32 $0x10, s13  }
0x19: {  	[tilespmem:s2], [sflag:$0x2] =	stream.linear.gather [hbm4b:s14+s2], $0x80, $0x38;
	[tilespmem:$0x2480] =	vst v63  }
0x1a: {  	p0 =	sne.s32 s13, $0xC30;
	_ =	swait.ge [sflag:s7], $0x80  }
0x1b: {  	[sflag:s7] =	ssyncset.done $0x0  }
0x1c: {  	[sflag:s7] =	ssyncadd.s32 $0xFFFFFF80  }
0x1d: {  	[tilespmem:s8], [sflag:$0x1] =	stream.indirect.gather [hbm4b:s3+s8], $0x48, s2, s8, $0xb8;
	[tilespmem:$0x2480] =	vst v63  }
0x1e: {  	_ =	swait.ge [sflag:s9], $0x2400  }
.Ltmp0:
0x1f: {  	[sflag:s9] =	ssyncset.done $0x0;
	(pc) =	sbr.rel @p0 .LBB2_2-.Ltmp0, $4  }
0x20: {  	[sflag:s9] =	ssyncadd.s32 $0xFFFFDC00  }
0x21: {  	[hbm4b:s11+s2] =	stream.linear.scatter [tilespmem:s8], [sflag:$0x2], $0x2400, $0x38;
	[tilespmem:$0x2480] =	vst v63  }
0x22: {  	_ =	swait.ge [sflag:s7], $0x2400  }
0x23: {  	s13 =	smov.u32 s15;
	s11 =	sadd.s32 $0x480, s11;
	[sflag:s7] =	ssyncset.done $0x0  }
0x24: {  	s12 =	sadd.s32 s12, s6;
	[sflag:s7] =	ssyncadd.s32 $0xFFFFDC00  }
0x25: {  	[tilespmem:s2], [sflag:$0x2] =	stream.linear.gather [hbm4b:s12+s2], $0x80, $0x38;
	[tilespmem:$0x2480] =	vst v63  }
0x26: {  	_ =	swait.ge [sflag:s7], $0x80  }
0x27: {  	[sflag:s7] =	ssyncset.done $0x0  }
0x28: {  	[sflag:s7] =	ssyncadd.s32 $0xFFFFFF80  }
0x29: {  	[tilespmem:s8], [sflag:$0x1] =	stream.indirect.gather [hbm4b:s3+s8], $0x48, s2, s8, $0xb8;
	[tilespmem:$0x2480] =	vst v63  }
0x2a: {  	s10 =	sadd.s32 $0x1, s10;
	_ =	swait.ge [sflag:s9], $0x2400  }
0x2b: {  	p0 =	sne.s32 s10, s4;
	[sflag:s9] =	ssyncset.done $0x0  }
.Ltmp1:
0x2c: {  	[sflag:s9] =	ssyncadd.s32 $0xFFFFDC00;
	(pc) =	sbr.rel @p0 .LBB2_1-.Ltmp1, $4  }
0x2d: {  	[hbm4b:s11+s2] =	stream.linear.scatter [tilespmem:s8], [sflag:$0x2], $0x2400, $0x38;
	[tilespmem:$0x2480] =	vst v63  }
0x2e: {  	_ =	swait.ge [sflag:s7], $0x2400  }
0x2f: {  	[sflag:s7] =	ssyncset.done $0x0  }
0x30: {  	[sflag:s7] =	ssyncadd.s32 $0xFFFFDC00  }
0x31: {  	_ =	sfence.sel $0x180000  }
0x32: {  	[bflag:$0x0] =	sbarrier.arrive $0xFFFF  }
0x33: {  	p0 =	sne.s32 s1, $0x0;
	_ =	strace $0x90000053  }
0x34: {  	s0 =	sadd.s32 @!p0 $0x100000, s0;
	[bflag:$0x2] =	sbarrier.arrive $0xFFFF  }
0x35: {  	[sflag:s0] =	ssyncadd.tile.s32 @!p0 $0x1;
	_ =	shalt  }
.Lfunc_end2:
_tile_overlayer_lowered:
.L_overlay_start_2:
0x36: {  	(tag) =	ssettag $0x2  }
0x37: {  	s0 =	rddreg [dreg:$0x0];
	s2 =	stileid.u32  }
0x38: {  	s1 =	rddreg [dreg:$0x1];
	p0 =	sne.s32 s2, $0x0  }
0x39: {  	s3 =	rddreg [dreg:$0x2];
	[bflag:$0x3] =	sbarrier.arrive $0xFFFF;
	s2 =	simm.s32 @!p0 $0x1C02  }
0x3a: {  	[timem:s3], [sflag:s2] =	dma.local @!p0 [hbm:s0], s1  }
0x3b: {  	s0 =	simm.s32 @!p0 $0x2  }
0x3c: {  	_ =	swait.ge @!p0 [sflag:s0], s1  }
0x3d: {  	s1 =	ssub.s32 @!p0 $0x0, s1;
	[sflag:s0] =	ssyncset.done @!p0 $0x0  }
0x3e: {  	[sflag:s0] =	ssyncadd.s32 @!p0 s1  }
0x3f: {  	[bflag:$0x3] =	sbarrier.arrive $0xFFFF  }
0x40: {  	_ =	shalt  }

// kernel: kernel.35.cloned.1.call-start
scs
__scs_entry_jumppad:
0x0: {  	(pc) =	sbr.rel $0x88, $3  }
0x1: {  	(tag) =	ssettag $0x0;
	lr =	simm.s32 $0x1  }
0x2: {  	[smem:$0x3F91] =	sst lr;
	_ =	strace $0xD0000000  }
0x3: {  	_ = 	snop  }
0x4: {  	_ = 	snop  }
0x5: {  	_ = 	snop  }
0x6: {  	_ = 	snop  }
0x7: {  	_ = 	snop  }
__scs_overlays_trampoline_lowered:
0x8: {  	[smem:$0x3FA0] =	sst s0  }
0x9: {  	[smem:$0x3FA1] =	sst s1  }
0xa: {  	[smem:$0x3FA2] =	sst s2  }
0xb: {  	[smem:$0x3FA3] =	sst s3  }
0xc: {  	[smem:$0x3FA4] =	sst s4  }
0xd: {  	[smem:$0x3FA5] =	sst s5  }
0xe: {  	[smem:$0x3FA6] =	sst s6  }
0xf: {  	[smem:$0x3FA7] =	sst s7  }
0x10: {  	[smem:$0x3FA8] =	sst s8  }
0x11: {  	[smem:$0x3FA9] =	sst s9;
	s0 =	simm.s32 @!p0 $0x0  }
0x12: {  	s1 =	sld [smem:$0x3F8F];
	s0 =	simm.s32 @p0 $0x1  }
0x13: {  	[smem:$0x3FAA] =	sst s0;
	s0 =	simm.s32 @!p1 $0x0  }
0x14: {  	s2 =	sld [smem:$0x3F8E];
	s0 =	simm.s32 @p1 $0x1  }
0x15: {  	[smem:$0x3FAB] =	sst s0;
	s0 =	simm.s32 @!p2 $0x0  }
0x16: {  	s3 =	sld [smem:$0x3FDB];
	s0 =	simm.s32 @p2 $0x1  }
0x17: {  	s4 =	simm.s32 $0x1BF5;
	[smem:$0x3FAD] =	sst s0  }
0x18: {  	s0 =	sld [smem:$0x3F90];
	_ =	swait.ge [sflag:s4], $0x0  }
0x19: {  	s7 =	sld [smem:$0x3F91]  }
0x1a: {  	s8 =	sadd.s32 $0xFFFFE003, lr  }
0x1b: {  	s9 =	sadd.s32 $0xFFFFFEF7, lr;
	s5 =	simm.s32 $0xFFFFFFFF;
	p2 =	slt.u32 s8, $0xFFFFF086  }
0x1c: {  	p1 =	slt.u32 s9, $0xF7A;
	s5 =	simm.s32 @!p2 $0x0  }
0x1d: {  	s5 =	simm.s32 @p1 $0x1;
	p0 =	seq.s32 s7, s2  }
0x1e: {  	s7 =	smul.u32 @!p0 $0xF7A, s2;
	p2 =	seq.s32 @!p0 s5, $0x0  }
0x1f: {  	s9 =	smul.u32 $0xF7A, s1;
	s8 =	simm.s32 @!p0 $0x1BF5;
	p2 =	por !p2, p0  }
0x20: {  	[sflag:s8] =	ssyncset.s32 @!p0 $0xFFFFF086;
	s6 =	sadd.s32 @!p0 s3, s7;
	s7 =	simm.s32 @!p0 $0x108  }
0x21: {  	s3 =	sadd.s32 s3, s9;
	s6 =	sadd.s32 @!p0 $0x88, s6;
	s7 =	simm.s32 @p2 $0x1082  }
0x22: {  	[simem:s7], [sflag:s8] =	dma.local @!p0 [hbm:s6], $0xF7A  }
0x23: {  	s9 =	sor.u32 $0xD0000000, s2;
	s6 =	simm.s32 $0x108;
	_ =	swait.ge @!p0 [sflag:s8], $0x0  }
0x24: {  	s3 =	sadd.s32 $0x88, s3;
	s6 =	simm.s32 @!p1 $0x1082;
	[sflag:s4] =	ssyncset.s32 $0xFFFFF086  }
0x25: {  	[simem:s6], [sflag:s4] =	dma.local [hbm:s3], $0xF7A  }
0x26: {  	[smem:$0x3F91] =	sst s1;
	(tag) =	ssettag s2;
	_ =	strace s9  }
0x27: {  	s1 =	sld [smem:$0x3FA1]  }
0x28: {  	s2 =	sld [smem:$0x3FA2]  }
0x29: {  	s4 =	sld [smem:$0x3FA4]  }
0x2a: {  	p0 =	seq.s32 s5, $0x0;
	s5 =	sld [smem:$0x3FA5]  }
0x2b: {  	s6 =	sld [smem:$0x3FA6]  }
0x2c: {  	s7 =	sld [smem:$0x3FA7]  }
0x2d: {  	s3 =	simm.s32 $0x108;
	s8 =	sld [smem:$0x3FA8]  }
0x2e: {  	s3 =	simm.s32 @!p0 $0x1082;
	s9 =	sld [smem:$0x3FA9]  }
0x2f: {  	lr =	sadd.s32 s0, s3;
	s0 =	sld [smem:$0x3FA0]  }
0x30: {  	s3 =	sld [smem:$0x3FA3]  }
0x31: {  	[smem:$0x3FAC] =	sst s10  }
0x32: {  	s10 =	sld [smem:$0x3FAA];
	_ =	sdelay $0x3  }
0x33: {  	p0 =	seq.s32 s10, $0x1;
	s10 =	sld [smem:$0x3FAC];
	_ =	sdelay $0x3  }
0x34: {  	[smem:$0x3FAC] =	sst s10  }
0x35: {  	s10 =	sld [smem:$0x3FAB];
	_ =	sdelay $0x3  }
0x36: {  	p1 =	seq.s32 s10, $0x1;
	s10 =	sld [smem:$0x3FAC];
	_ =	sdelay $0x3  }
0x37: {  	[smem:$0x3FAC] =	sst s10  }
0x38: {  	s10 =	sld [smem:$0x3FAD]  }
0x39: {  	_ = 	snop;
	(pc) =	sbr.ind lr, $3  }
0x3a: {  	_ = 	snop  }
0x3b: {  	_ = 	snop  }
0x3c: {  	p2 =	seq.s32 s10, $0x1;
	s10 =	sld [smem:$0x3FAC]  }
0x3d: {  	_ =	shalt  }
0x3e: {  	_ =	shalt  }
0x3f: {  	_ =	shalt  }
0x40: {  	_ =	shalt  }
0x41: {  	_ =	shalt  }
0x42: {  	_ =	shalt  }
0x43: {  	_ =	shalt  }
0x44: {  	_ =	shalt  }
0x45: {  	_ =	shalt  }
0x46: {  	_ =	shalt  }
0x47: {  	_ =	shalt  }
0x48: {  	_ =	shalt  }
0x49: {  	_ =	shalt  }
0x4a: {  	_ =	shalt  }
0x4b: {  	_ =	shalt  }
0x4c: {  	_ =	shalt  }
0x4d: {  	_ =	shalt  }
0x4e: {  	_ =	shalt  }
0x4f: {  	_ =	shalt  }
0x50: {  	_ =	shalt  }
0x51: {  	_ =	shalt  }
0x52: {  	_ =	shalt  }
0x53: {  	_ =	shalt  }
0x54: {  	_ =	shalt  }
0x55: {  	_ =	shalt  }
0x56: {  	_ =	shalt  }
0x57: {  	_ =	shalt  }
0x58: {  	_ =	shalt  }
0x59: {  	_ =	shalt  }
0x5a: {  	_ =	shalt  }
0x5b: {  	_ =	shalt  }
0x5c: {  	_ =	shalt  }
0x5d: {  	_ =	shalt  }
0x5e: {  	_ =	shalt  }
0x5f: {  	_ =	shalt  }
0x60: {  	_ =	shalt  }
0x61: {  	_ =	shalt  }
0x62: {  	_ =	shalt  }
0x63: {  	_ =	shalt  }
0x64: {  	_ =	shalt  }
0x65: {  	_ =	shalt  }
0x66: {  	_ =	shalt  }
0x67: {  	_ =	shalt  }
0x68: {  	_ =	shalt  }
0x69: {  	_ =	shalt  }
0x6a: {  	_ =	shalt  }
0x6b: {  	_ =	shalt  }
0x6c: {  	_ =	shalt  }
0x6d: {  	_ =	shalt  }
0x6e: {  	_ =	shalt  }
0x6f: {  	_ =	shalt  }
0x70: {  	_ =	shalt  }
0x71: {  	_ =	shalt  }
0x72: {  	_ =	shalt  }
0x73: {  	_ =	shalt  }
0x74: {  	_ =	shalt  }
0x75: {  	_ =	shalt  }
0x76: {  	_ =	shalt  }
0x77: {  	_ =	shalt  }
0x78: {  	_ =	shalt  }
0x79: {  	_ =	shalt  }
0x7a: {  	_ =	shalt  }
0x7b: {  	_ =	shalt  }
0x7c: {  	_ =	shalt  }
0x7d: {  	_ =	shalt  }
0x7e: {  	_ =	shalt  }
0x7f: {  	_ =	shalt  }
0x80: {  	_ =	shalt  }
0x81: {  	_ =	shalt  }
0x82: {  	_ =	shalt  }
0x83: {  	_ =	shalt  }
0x84: {  	_ =	shalt  }
0x85: {  	_ =	shalt  }
0x86: {  	_ =	shalt  }
0x87: {  	_ =	shalt  }
.Lfunc_end0:
.L_simem_size_0:
called_computation.4_lowered:
.L_overlay_start_0:
0x88: {  	s2 =	sld [smem:$0x3FD9]  }
0x89: {  	s3 =	sld [smem:$0x3FFE];
	_ =	sdelay $0x1  }
0x8a: {  	s1 =	srdreg.scid  }
0x8b: {  	s0 =	sand.u32 $0x1, s1  }
0x8c: {  	s16 =	sshll.u32 s0, $0xA;
	s2 =	sadd.s32 s3, s2  }
0x8d: {  	s2 =	sadd.s32 s2, s16  }
0x8e: {  	[smem:$0x3FB8] =	sst s2  }
0x8f: {  	_ = 	snop  }
0x90: {  	(tm) =	ssettm $0x1  }
0x91: {  	s17 =	sld [smem:$0x3FFB];
	_ =	sdelay $0x3  }
0x92: {  	_ =	strace s17  }
0x93: {  	s2 =	sld [smem:$0x3FFC];
	_ =	sdelay $0x3  }
0x94: {  	_ =	strace s2  }
0x95: {  	s2 =	sld [smem:$0x3FFD];
	_ =	sdelay $0x3  }
0x96: {  	_ =	strace s2  }
0x97: {  	_ =	strace $0x8FFFFFFF  }
0x98: {  	s18 =	sld [smem:$0x3FDB];
	_ =	sdelay $0x1  }
0x99: {  	s19 =	simm.s32 $_scs_section_size  }
0x9a: {  	s4 =	simm.s32 $_size__tile_overlayer_lowered;
	s5 =	simm.s32 $_tile_overlayer_lowered  }
0x9b: {  	s22 =	simm.s32 $0x1BFF;
	s21 =	sshll.u32 s5, $0x1;
	s2 =	sadd.s32 s19, s18  }
0x9c: {  	s6 =	simm.s32 $0x0;
	s20 =	sshll.u32 s4, $0x1;
	s4 =	sadd.s32 s21, s2  }
0x9d: {  	[timem:s6], [sflag:s22] =	dma.local [hbm:s4], s20  }
0x9e: {  	_ =	swait.ge [sflag:s22], s20  }
0x9f: {  	s3 =	ssub.s32 $0x0, s20;
	[sflag:s22] =	ssyncset.done $0x0  }
0xa0: {  	[sflag:s22] =	ssyncadd.s32 s3;
	_ =	sdelay $0x1  }
0xa1: {  	s23 =	simm.s32 $0x1B8B  }
0xa2: {  	_ =	swait.ge [sflag:s23], $0x1  }
0xa3: {  	[sflag:s23] =	ssyncset.done $0x0  }
0xa4: {  	s25 =	simm.s32 $0x1B8E;
	s24 =	sld [smem:$0x3FFE];
	[sflag:s23] =	ssyncadd.s32 $0xFFFFFFFF  }
0xa5: {  	s26 =	simm.s32 $execute0_lowered;
	[smem:$0x3FD2] =	sst s25  }
0xa6: {  	s4 =	sshll.u32 s26, $0x1;
	_ =	strace $0x8000004F;
	[dreg:$0x1] =	wrdreg $0xFFFFFFFF  }
0xa7: {  	s28 =	simm.s32 $_size_execute0_lowered;
	s2 =	sadd.s32 s2, s4;
	[dreg:$0x0] =	wrdreg $0x0  }
0xa8: {  	s4 =	sshll.u32 s28, $0x1;
	[dreg:$0x2] =	wrdreg s2  }
0xa9: {  	[dreg:$0x3] =	wrdreg s4  }
0xaa: {  	[dreg:$0x4] =	wrdreg $0xC0  }
0xab: {  	_ =	task [dreg:s6], $0x5FFFF  }
0xac: {  	[dreg:$0x1] =	wrdreg $0xFFFFFFFF  }
0xad: {  	[dreg:$0x0] =	wrdreg $0x60  }
0xae: {  	[dreg:$0x2] =	wrdreg s24  }
0xaf: {  	[dreg:$0x3] =	wrdreg $0xA  }
0xb0: {  	_ =	task.clear_ibuf [dreg:s6], $0x4FFFF;
	_ =	strace $0x9000004F  }
0xb1: {  	s29 =	simm.s32 $0xA;
	_ =	strace $0x80000051  }
0xb2: {  	_ =	swait.ge [sflag:s29], $0x1  }
0xb3: {  	[sflag:s29] =	ssyncadd.s32 $0xFFFFFFFF  }
0xb4: {  	_ =	strace $0x90000051  }
0xb5: {  	_ =	sfence  }
0xb6: {  	s30 =	sld [smem:$0x0];
	_ =	sdelay $0x2  }
0xb7: {  	s31 =	sshll.u32 s1, $0xD;
	s1 =	sshrl.u32 s1, $0x2  }
0xb8: {  	s3 =	sand.u32 $0x4000, s31;
	s1 =	sadd.s32 s1, s30  }
0xb9: {  	s0 =	sor.u32 s3, s0;
	s1 =	sshll.u32 s1, $0x11  }
0xba: {  	s0 =	sor.u32 s1, s0  }
0xbb: {  	s0 =	sadd.s32 $0x8F2B, s0  }
0xbc: {  	[sflag:s0] =	ssyncadd.remote.s32 $0x1  }
0xbd: {  	_ =	sfence.sel $0xFFFF  }
0xbe: {  	[dreg:$0x0] =	wrdreg $0xFFFFFFFF;
	(pc) =	sbr.abs _section_cstart, $3  }
0xbf: {  	[dreg:$0x1] =	wrdreg $0xFFFFFFFF  }
0xc0: {  	_ =	task.clear_ibuf [dreg:s6], $0x2FFFF;
	_ =	strace $0x9FFFFFFF  }
0xc1: {  	(tm) =	ssettm $0x7FFFFFFF  }
tec
execute0_lowered:
.L_overlay_start_1:
0x0: {  	(tag) =	ssettag $0x1  }
0x1: {  	s1 =	srdreg.scid  }
0x2: {  	s0 =	stileid.u32;
	s4 =	rddreg [dreg:$0x0];
	s2 =	simm.s32 $0x0  }
0x3: {  	s9 =	simm.s32 $0x1;
	s3 =	sand.u32 $0x1, s1;
	s5 =	smul.u32 $0xC400, s0  }
0x4: {  	s10 =	simm.s32 $0x0;
	[smem:$0x7FF] =	sst s2;
	s6 =	smul.u32 $0x6200, s3  }
0x5: {  	s1 =	rddreg [dreg:$0x1];
	s7 =	ssub.s32 $0x2, s3;
	_ =	strace $0x80000050  }
0x6: {  	s3 =	sadd.s32 $0x8200, s4;
	s30 =	sshrl.u32 s7, $0x1;
	s5 =	sadd.s32 s6, s5  }
0x7: {  	s6 =	ssub.s32 s7, s30;
	s7 =	simm.s32 $0x2;
	s8 =	sshrl.u32 s5, $0x3  }
0x8: {  	s5 =	sadd.s32 s5, s4;
	s31 =	sadd.s32 s8, s4;
	s4 =	smax.u32 s6, $0x1  }
0x9: {  	s5 =	sadd.s32 $0x2CE00, s5;
	s8 =	simm.s32 $0x80;
	s6 =	sadd.s32 $0x14600, s31  }
.LBB2_1:
0xa: {  	s11 =	sadd.s32 $0x0, s6  }
0xb: {  	[tilespmem:s2], [sflag:$0x2] =	stream.linear.gather [hbm4b:s11+s2], $0x80, $0x38;
	[tilespmem:$0x480] =	vst v63  }
0xc: {  	_ =	swait.ge [sflag:s7], $0x80  }
0xd: {  	[sflag:s7] =	ssyncset.done $0x0  }
0xe: {  	[sflag:s7] =	ssyncadd.s32 $0xFFFFFF80  }
0xf: {  	[tilespmem:s8], [sflag:$0x1] =	stream.indirect.gather [hbm4b:s3+s8], $0x8, s2, s8, $0xb8;
	[tilespmem:$0x480] =	vst v63  }
0x10: {  	_ =	swait.ge [sflag:s9], $0x400  }
0x11: {  	[sflag:s9] =	ssyncset.done $0x0  }
0x12: {  	[sflag:s9] =	ssyncadd.s32 $0xFFFFFC00  }
0x13: {  	[hbm4b:s5+s2] =	stream.linear.scatter [tilespmem:s8], [sflag:$0x2], $0x400, $0x38;
	[tilespmem:$0x480] =	vst v63  }
0x14: {  	s12 =	simm.s32 $0x10;
	_ =	swait.ge [sflag:s7], $0x400  }
0x15: {  	s13 =	simm.s32 $0x20;
	s11 =	sadd.s32 $0x80, s5;
	[sflag:s7] =	ssyncset.done $0x0  }
.LBB2_2:
0x16: {  	s14 =	sadd.s32 s12, s6  }
0x17: {  	[sflag:s7] =	ssyncadd.s32 $0xFFFFFC00;
	s12 =	smov.u32 s13;
	s15 =	sadd.s32 $0x10, s13  }
0x18: {  	[tilespmem:s2], [sflag:$0x2] =	stream.linear.gather [hbm4b:s14+s2], $0x80, $0x38;
	[tilespmem:$0x480] =	vst v63  }
0x19: {  	p0 =	sne.s32 s13, $0xC30;
	_ =	swait.ge [sflag:s7], $0x80  }
0x1a: {  	[sflag:s7] =	ssyncset.done $0x0  }
0x1b: {  	[sflag:s7] =	ssyncadd.s32 $0xFFFFFF80  }
0x1c: {  	[tilespmem:s8], [sflag:$0x1] =	stream.indirect.gather [hbm4b:s3+s8], $0x8, s2, s8, $0xb8;
	[tilespmem:$0x480] =	vst v63  }
0x1d: {  	_ =	swait.ge [sflag:s9], $0x400  }
.Ltmp0:
0x1e: {  	[sflag:s9] =	ssyncset.done $0x0;
	(pc) =	sbr.rel @p0 .LBB2_2-.Ltmp0, $4  }
0x1f: {  	[sflag:s9] =	ssyncadd.s32 $0xFFFFFC00  }
0x20: {  	[hbm4b:s11+s2] =	stream.linear.scatter [tilespmem:s8], [sflag:$0x2], $0x400, $0x38;
	[tilespmem:$0x480] =	vst v63  }
0x21: {  	_ =	swait.ge [sflag:s7], $0x400  }
0x22: {  	s13 =	smov.u32 s15;
	s11 =	sadd.s32 $0x80, s11;
	[sflag:s7] =	ssyncset.done $0x0  }
0x23: {  	s12 =	sadd.s32 s12, s6;
	[sflag:s7] =	ssyncadd.s32 $0xFFFFFC00  }
0x24: {  	[tilespmem:s2], [sflag:$0x2] =	stream.linear.gather [hbm4b:s12+s2], $0x80, $0x38;
	[tilespmem:$0x480] =	vst v63  }
0x25: {  	_ =	swait.ge [sflag:s7], $0x80  }
0x26: {  	[sflag:s7] =	ssyncset.done $0x0  }
0x27: {  	[sflag:s7] =	ssyncadd.s32 $0xFFFFFF80  }
0x28: {  	[tilespmem:s8], [sflag:$0x1] =	stream.indirect.gather [hbm4b:s3+s8], $0x8, s2, s8, $0xb8;
	[tilespmem:$0x480] =	vst v63  }
0x29: {  	s10 =	sadd.s32 $0x1, s10;
	_ =	swait.ge [sflag:s9], $0x400  }
0x2a: {  	p0 =	sne.s32 s10, s4;
	[sflag:s9] =	ssyncset.done $0x0  }
.Ltmp1:
0x2b: {  	[sflag:s9] =	ssyncadd.s32 $0xFFFFFC00;
	(pc) =	sbr.rel @p0 .LBB2_1-.Ltmp1, $4  }
0x2c: {  	[hbm4b:s11+s2] =	stream.linear.scatter [tilespmem:s8], [sflag:$0x2], $0x400, $0x38;
	[tilespmem:$0x480] =	vst v63  }
0x2d: {  	_ =	swait.ge [sflag:s7], $0x400  }
0x2e: {  	[sflag:s7] =	ssyncset.done $0x0  }
0x2f: {  	[sflag:s7] =	ssyncadd.s32 $0xFFFFFC00  }
0x30: {  	_ =	sfence.sel $0x180000  }
0x31: {  	[bflag:$0x0] =	sbarrier.arrive $0xFFFF  }
0x32: {  	p0 =	sne.s32 s0, $0x0;
	_ =	strace $0x90000050  }
0x33: {  	s0 =	sadd.s32 @!p0 $0x100000, s1;
	[bflag:$0x2] =	sbarrier.arrive $0xFFFF  }
0x34: {  	[sflag:s0] =	ssyncadd.tile.s32 @!p0 $0x1;
	_ =	shalt  }
.Lfunc_end2:
_tile_overlayer_lowered:
.L_overlay_start_2:
0x35: {  	(tag) =	ssettag $0x2  }
0x36: {  	s0 =	rddreg [dreg:$0x0];
	s2 =	stileid.u32  }
0x37: {  	s1 =	rddreg [dreg:$0x1];
	p0 =	sne.s32 s2, $0x0  }
0x38: {  	s3 =	rddreg [dreg:$0x2];
	[bflag:$0x3] =	sbarrier.arrive $0xFFFF;
	s2 =	simm.s32 @!p0 $0x1C02  }
0x39: {  	[timem:s3], [sflag:s2] =	dma.local @!p0 [hbm:s0], s1  }
0x3a: {  	s0 =	simm.s32 @!p0 $0x2  }
0x3b: {  	_ =	swait.ge @!p0 [sflag:s0], s1  }
0x3c: {  	s1 =	ssub.s32 @!p0 $0x0, s1;
	[sflag:s0] =	ssyncset.done @!p0 $0x0  }
0x3d: {  	[sflag:s0] =	ssyncadd.s32 @!p0 s1  }
0x3e: {  	[bflag:$0x3] =	sbarrier.arrive $0xFFFF  }
0x3f: {  	_ =	shalt  }

// kernel: kernel.38.cloned.1.call-start
scs
__scs_entry_jumppad:
0x0: {  	(pc) =	sbr.rel $0x88, $3  }
0x1: {  	(tag) =	ssettag $0x0;
	lr =	simm.s32 $0x1  }
0x2: {  	[smem:$0x3F91] =	sst lr;
	_ =	strace $0xD0000000  }
0x3: {  	_ = 	snop  }
0x4: {  	_ = 	snop  }
0x5: {  	_ = 	snop  }
0x6: {  	_ = 	snop  }
0x7: {  	_ = 	snop  }
__scs_overlays_trampoline_lowered:
0x8: {  	[smem:$0x3FA0] =	sst s0  }
0x9: {  	[smem:$0x3FA1] =	sst s1  }
0xa: {  	[smem:$0x3FA2] =	sst s2  }
0xb: {  	[smem:$0x3FA3] =	sst s3  }
0xc: {  	[smem:$0x3FA4] =	sst s4  }
0xd: {  	[smem:$0x3FA5] =	sst s5  }
0xe: {  	[smem:$0x3FA6] =	sst s6  }
0xf: {  	[smem:$0x3FA7] =	sst s7  }
0x10: {  	[smem:$0x3FA8] =	sst s8  }
0x11: {  	[smem:$0x3FA9] =	sst s9;
	s0 =	simm.s32 @!p0 $0x0  }
0x12: {  	s1 =	sld [smem:$0x3F8F];
	s0 =	simm.s32 @p0 $0x1  }
0x13: {  	[smem:$0x3FAA] =	sst s0;
	s0 =	simm.s32 @!p1 $0x0  }
0x14: {  	s2 =	sld [smem:$0x3F8E];
	s0 =	simm.s32 @p1 $0x1  }
0x15: {  	[smem:$0x3FAB] =	sst s0;
	s0 =	simm.s32 @!p2 $0x0  }
0x16: {  	s3 =	sld [smem:$0x3FDB];
	s0 =	simm.s32 @p2 $0x1  }
0x17: {  	s4 =	simm.s32 $0x1BF5;
	[smem:$0x3FAD] =	sst s0  }
0x18: {  	s0 =	sld [smem:$0x3F90];
	_ =	swait.ge [sflag:s4], $0x0  }
0x19: {  	s7 =	sld [smem:$0x3F91]  }
0x1a: {  	s8 =	sadd.s32 $0xFFFFE003, lr  }
0x1b: {  	s9 =	sadd.s32 $0xFFFFFEF7, lr;
	s5 =	simm.s32 $0xFFFFFFFF;
	p2 =	slt.u32 s8, $0xFFFFF086  }
0x1c: {  	p1 =	slt.u32 s9, $0xF7A;
	s5 =	simm.s32 @!p2 $0x0  }
0x1d: {  	s5 =	simm.s32 @p1 $0x1;
	p0 =	seq.s32 s7, s2  }
0x1e: {  	s7 =	smul.u32 @!p0 $0xF7A, s2;
	p2 =	seq.s32 @!p0 s5, $0x0  }
0x1f: {  	s9 =	smul.u32 $0xF7A, s1;
	s8 =	simm.s32 @!p0 $0x1BF5;
	p2 =	por !p2, p0  }
0x20: {  	[sflag:s8] =	ssyncset.s32 @!p0 $0xFFFFF086;
	s6 =	sadd.s32 @!p0 s3, s7;
	s7 =	simm.s32 @!p0 $0x108  }
0x21: {  	s3 =	sadd.s32 s3, s9;
	s6 =	sadd.s32 @!p0 $0x88, s6;
	s7 =	simm.s32 @p2 $0x1082  }
0x22: {  	[simem:s7], [sflag:s8] =	dma.local @!p0 [hbm:s6], $0xF7A  }
0x23: {  	s9 =	sor.u32 $0xD0000000, s2;
	s6 =	simm.s32 $0x108;
	_ =	swait.ge @!p0 [sflag:s8], $0x0  }
0x24: {  	s3 =	sadd.s32 $0x88, s3;
	s6 =	simm.s32 @!p1 $0x1082;
	[sflag:s4] =	ssyncset.s32 $0xFFFFF086  }
0x25: {  	[simem:s6], [sflag:s4] =	dma.local [hbm:s3], $0xF7A  }
0x26: {  	[smem:$0x3F91] =	sst s1;
	(tag) =	ssettag s2;
	_ =	strace s9  }
0x27: {  	s1 =	sld [smem:$0x3FA1]  }
0x28: {  	s2 =	sld [smem:$0x3FA2]  }
0x29: {  	s4 =	sld [smem:$0x3FA4]  }
0x2a: {  	p0 =	seq.s32 s5, $0x0;
	s5 =	sld [smem:$0x3FA5]  }
0x2b: {  	s6 =	sld [smem:$0x3FA6]  }
0x2c: {  	s7 =	sld [smem:$0x3FA7]  }
0x2d: {  	s3 =	simm.s32 $0x108;
	s8 =	sld [smem:$0x3FA8]  }
0x2e: {  	s3 =	simm.s32 @!p0 $0x1082;
	s9 =	sld [smem:$0x3FA9]  }
0x2f: {  	lr =	sadd.s32 s0, s3;
	s0 =	sld [smem:$0x3FA0]  }
0x30: {  	s3 =	sld [smem:$0x3FA3]  }
0x31: {  	[smem:$0x3FAC] =	sst s10  }
0x32: {  	s10 =	sld [smem:$0x3FAA];
	_ =	sdelay $0x3  }
0x33: {  	p0 =	seq.s32 s10, $0x1;
	s10 =	sld [smem:$0x3FAC];
	_ =	sdelay $0x3  }
0x34: {  	[smem:$0x3FAC] =	sst s10  }
0x35: {  	s10 =	sld [smem:$0x3FAB];
	_ =	sdelay $0x3  }
0x36: {  	p1 =	seq.s32 s10, $0x1;
	s10 =	sld [smem:$0x3FAC];
	_ =	sdelay $0x3  }
0x37: {  	[smem:$0x3FAC] =	sst s10  }
0x38: {  	s10 =	sld [smem:$0x3FAD]  }
0x39: {  	_ = 	snop;
	(pc) =	sbr.ind lr, $3  }
0x3a: {  	_ = 	snop  }
0x3b: {  	_ = 	snop  }
0x3c: {  	p2 =	seq.s32 s10, $0x1;
	s10 =	sld [smem:$0x3FAC]  }
0x3d: {  	_ =	shalt  }
0x3e: {  	_ =	shalt  }
0x3f: {  	_ =	shalt  }
0x40: {  	_ =	shalt  }
0x41: {  	_ =	shalt  }
0x42: {  	_ =	shalt  }
0x43: {  	_ =	shalt  }
0x44: {  	_ =	shalt  }
0x45: {  	_ =	shalt  }
0x46: {  	_ =	shalt  }
0x47: {  	_ =	shalt  }
0x48: {  	_ =	shalt  }
0x49: {  	_ =	shalt  }
0x4a: {  	_ =	shalt  }
0x4b: {  	_ =	shalt  }
0x4c: {  	_ =	shalt  }
0x4d: {  	_ =	shalt  }
0x4e: {  	_ =	shalt  }
0x4f: {  	_ =	shalt  }
0x50: {  	_ =	shalt  }
0x51: {  	_ =	shalt  }
0x52: {  	_ =	shalt  }
0x53: {  	_ =	shalt  }
0x54: {  	_ =	shalt  }
0x55: {  	_ =	shalt  }
0x56: {  	_ =	shalt  }
0x57: {  	_ =	shalt  }
0x58: {  	_ =	shalt  }
0x59: {  	_ =	shalt  }
0x5a: {  	_ =	shalt  }
0x5b: {  	_ =	shalt  }
0x5c: {  	_ =	shalt  }
0x5d: {  	_ =	shalt  }
0x5e: {  	_ =	shalt  }
0x5f: {  	_ =	shalt  }
0x60: {  	_ =	shalt  }
0x61: {  	_ =	shalt  }
0x62: {  	_ =	shalt  }
0x63: {  	_ =	shalt  }
0x64: {  	_ =	shalt  }
0x65: {  	_ =	shalt  }
0x66: {  	_ =	shalt  }
0x67: {  	_ =	shalt  }
0x68: {  	_ =	shalt  }
0x69: {  	_ =	shalt  }
0x6a: {  	_ =	shalt  }
0x6b: {  	_ =	shalt  }
0x6c: {  	_ =	shalt  }
0x6d: {  	_ =	shalt  }
0x6e: {  	_ =	shalt  }
0x6f: {  	_ =	shalt  }
0x70: {  	_ =	shalt  }
0x71: {  	_ =	shalt  }
0x72: {  	_ =	shalt  }
0x73: {  	_ =	shalt  }
0x74: {  	_ =	shalt  }
0x75: {  	_ =	shalt  }
0x76: {  	_ =	shalt  }
0x77: {  	_ =	shalt  }
0x78: {  	_ =	shalt  }
0x79: {  	_ =	shalt  }
0x7a: {  	_ =	shalt  }
0x7b: {  	_ =	shalt  }
0x7c: {  	_ =	shalt  }
0x7d: {  	_ =	shalt  }
0x7e: {  	_ =	shalt  }
0x7f: {  	_ =	shalt  }
0x80: {  	_ =	shalt  }
0x81: {  	_ =	shalt  }
0x82: {  	_ =	shalt  }
0x83: {  	_ =	shalt  }
0x84: {  	_ =	shalt  }
0x85: {  	_ =	shalt  }
0x86: {  	_ =	shalt  }
0x87: {  	_ =	shalt  }
.Lfunc_end0:
.L_simem_size_0:
called_computation.5_lowered:
.L_overlay_start_0:
0x88: {  	s2 =	sld [smem:$0x3FD9]  }
0x89: {  	s3 =	sld [smem:$0x3FFE];
	_ =	sdelay $0x1  }
0x8a: {  	s1 =	srdreg.scid  }
0x8b: {  	s0 =	sand.u32 $0x1, s1  }
0x8c: {  	s17 =	sshll.u32 s0, $0xA;
	s2 =	sadd.s32 s3, s2  }
0x8d: {  	s2 =	sadd.s32 s2, s17  }
0x8e: {  	[smem:$0x3FB8] =	sst s2  }
0x8f: {  	_ = 	snop  }
0x90: {  	(tm) =	ssettm $0x1  }
0x91: {  	s18 =	sld [smem:$0x3FFB];
	_ =	sdelay $0x3  }
0x92: {  	_ =	strace s18  }
0x93: {  	s2 =	sld [smem:$0x3FFC];
	_ =	sdelay $0x3  }
0x94: {  	_ =	strace s2  }
0x95: {  	s2 =	sld [smem:$0x3FFD];
	_ =	sdelay $0x3  }
0x96: {  	_ =	strace s2  }
0x97: {  	_ =	strace $0x8FFFFFFF  }
0x98: {  	s19 =	sld [smem:$0x3FDB];
	_ =	sdelay $0x1  }
0x99: {  	s20 =	simm.s32 $_scs_section_size  }
0x9a: {  	s4 =	simm.s32 $_size__tile_overlayer_lowered;
	s5 =	simm.s32 $_tile_overlayer_lowered  }
0x9b: {  	s6 =	simm.s32 $0x1BFF;
	s21 =	sshll.u32 s5, $0x1;
	s3 =	sadd.s32 s20, s19  }
0x9c: {  	s22 =	simm.s32 $0x0;
	s4 =	sshll.u32 s4, $0x1;
	s5 =	sadd.s32 s21, s3  }
0x9d: {  	[timem:s22], [sflag:s6] =	dma.local [hbm:s5], s4  }
0x9e: {  	_ =	swait.ge [sflag:s6], s4  }
0x9f: {  	s4 =	ssub.s32 $0x0, s4;
	[sflag:s6] =	ssyncset.done $0x0  }
0xa0: {  	[sflag:s6] =	ssyncadd.s32 s4;
	_ =	sdelay $0x1  }
0xa1: {  	s23 =	simm.s32 $0x1B8B  }
0xa2: {  	_ =	swait.ge [sflag:s23], $0x1  }
0xa3: {  	[sflag:s23] =	ssyncset.done $0x0  }
0xa4: {  	[sflag:s23] =	ssyncadd.s32 $0xFFFFFFFF  }
0xa5: {  	s4 =	sld [smem:$0x0]  }
0xa6: {  	s5 =	sand.u32 $0xFFFFFFFE, s1  }
0xa7: {  	p0 =	sne.s32 s1, s5  }
0xa8: {  	s5 =	sshll.u32 @p0 s5, $0xE  }
0xa9: {  	s5 =	sadd.s32 @p0 $0x11B8D, s5;
	s6 =	sshll.u32 @p0 s4, $0x11  }
0xaa: {  	s5 =	sor.u32 @p0 s6, s5  }
0xab: {  	[sflag:s5] =	ssyncadd.remote.s32 @p0 $0x1;
	_ =	sdelay $0x1  }
0xac: {  	s5 =	simm.s32 @p0 $0x1B8D  }
0xad: {  	_ =	swait.eq @p0 [sflag:s5], $0x1  }
0xae: {  	[sflag:s5] =	ssyncadd.s32 @p0 $0xFFFFFFFF  }
0xaf: {  	s6 =	sshll.u32 @!p0 s1, $0xE  }
0xb0: {  	s6 =	sor.u32 @!p0 $0x4000, s6;
	s5 =	simm.s32 @!p0 $0x1B8D  }
0xb1: {  	s4 =	sshll.u32 @!p0 s4, $0x11;
	s6 =	sadd.s32 @!p0 $0x11B8D, s6;
	_ =	swait.eq @!p0 [sflag:s5], $0x1  }
0xb2: {  	s4 =	sor.u32 @!p0 s4, s6;
	[sflag:s5] =	ssyncadd.s32 @!p0 $0xFFFFFFFF  }
0xb3: {  	s25 =	simm.s32 $0x1B8E;
	s24 =	sld [smem:$0x3FFE];
	[sflag:s4] =	ssyncadd.remote.s32 @!p0 $0x1  }
0xb4: {  	s26 =	simm.s32 $execute0_lowered;
	[smem:$0x3FD2] =	sst s25  }
0xb5: {  	s5 =	sshll.u32 s26, $0x1;
	_ =	strace $0x80000058;
	[dreg:$0x1] =	wrdreg $0xFFFFFFFF  }
0xb6: {  	s28 =	simm.s32 $_size_execute0_lowered;
	s3 =	sadd.s32 s3, s5;
	[dreg:$0x0] =	wrdreg $0x0  }
0xb7: {  	s5 =	sshll.u32 s28, $0x1;
	[dreg:$0x2] =	wrdreg s3  }
0xb8: {  	[dreg:$0x3] =	wrdreg s5  }
0xb9: {  	[dreg:$0x4] =	wrdreg $0xC0  }
0xba: {  	_ =	task [dreg:s22], $0x5FFFF  }
0xbb: {  	[dreg:$0x1] =	wrdreg $0xFFFFFFFF  }
0xbc: {  	[dreg:$0x0] =	wrdreg $0x60  }
0xbd: {  	[dreg:$0x2] =	wrdreg s24  }
0xbe: {  	[dreg:$0x3] =	wrdreg $0x4800  }
0xbf: {  	[dreg:$0x4] =	wrdreg $0x9  }
0xc0: {  	_ =	task.clear_ibuf [dreg:s22], $0x5FFFF;
	_ =	strace $0x90000058  }
0xc1: {  	s29 =	simm.s32 $0x9;
	_ =	strace $0x8000005A  }
0xc2: {  	_ =	swait.ge [sflag:s29], $0x1  }
0xc3: {  	[sflag:s29] =	ssyncadd.s32 $0xFFFFFFFF  }
0xc4: {  	_ =	strace $0x9000005A  }
0xc5: {  	_ =	sfence  }
0xc6: {  	s30 =	sld [smem:$0x0];
	_ =	sdelay $0x2  }
0xc7: {  	s31 =	sshll.u32 s1, $0xD;
	s1 =	sshrl.u32 s1, $0x2  }
0xc8: {  	s4 =	sand.u32 $0x4000, s31;
	s1 =	sadd.s32 s1, s30  }
0xc9: {  	s0 =	sor.u32 s4, s0;
	s1 =	sshll.u32 s1, $0x11  }
0xca: {  	s0 =	sor.u32 s1, s0  }
0xcb: {  	s0 =	sadd.s32 $0x8F2B, s0  }
0xcc: {  	[sflag:s0] =	ssyncadd.remote.s32 $0x1  }
0xcd: {  	_ =	sfence.sel $0xFFFF  }
0xce: {  	[dreg:$0x0] =	wrdreg $0xFFFFFFFF;
	(pc) =	sbr.abs _section_cstart, $3  }
0xcf: {  	[dreg:$0x1] =	wrdreg $0xFFFFFFFF  }
0xd0: {  	_ =	task.clear_ibuf [dreg:s22], $0x2FFFF;
	_ =	strace $0x9FFFFFFF  }
0xd1: {  	(tm) =	ssettm $0x7FFFFFFF  }
tec
execute0_lowered:
.L_overlay_start_1:
0x0: {  	(tag) =	ssettag $0x1  }
0x1: {  	s0 =	srdreg.scid;
	s5 =	rddreg [dreg:$0x0]  }
0x2: {  	s11 =	stileid.u32;
	s1 =	rddreg [dreg:$0x1]  }
0x3: {  	s2 =	simm.s32 $0x0;
	s13 =	simm.s32 $0x0;
	s6 =	smul.u32 $0xC400, s11  }
0x4: {  	s3 =	sand.u32 $0x1, s0;
	s0 =	rddreg [dreg:$0x2];
	s7 =	smul.u32 $0x620, s11  }
0x5: {  	[smem:$0x7FF] =	sst s2;
	p0 =	sne.s32 s11, $0x0;
	s4 =	smul.u32 $0xC4000, s3  }
0x6: {  	s11 =	sshll.u32 s11, $0x6;
	_ =	strace $0x80000059;
	s30 =	smul.u32 $0x6200, s3  }
0x7: {  	s10 =	ssub.s32 $0x2, s3;
	s3 =	sadd.s32 $0x8200, s5;
	s11 =	sor.u32 $0x1C01, s11  }
0x8: {  	s9 =	sadd.s32 s6, s5;
	s7 =	sadd.s32 s7, s5;
	s4 =	sadd.s32 s6, s4  }
0x9: {  	s31 =	sshrl.u32 s10, $0x1;
	s6 =	sshrl.u32 s6, $0x2;
	s4 =	sshrl.u32 s4, $0x3  }
0xa: {  	s12 =	sadd.s32 s6, s1;
	s6 =	sadd.s32 $0x109600, s9;
	s9 =	simm.s32 $0x1  }
0xb: {  	s8 =	sadd.s32 s4, s5;
	s4 =	sadd.s32 s30, s7;
	s5 =	ssub.s32 s10, s31  }
0xc: {  	s10 =	simm.s32 $0x80;
	s12 =	sshrl.u32 s12, $0x3;
	s4 =	sadd.s32 $0xC0000, s4  }
0xd: {  	s5 =	smax.u32 s5, $0x1;
	s7 =	sadd.s32 $0x1CD600, s8;
	s8 =	sshrl.u32 @!p0 s1, $0x3  }
.LBB2_1:
0xe: {  	s14 =	simm.s32 @!p0 $0x1C01  }
0xf: {  	[spmem:s8], [sflag:s14] =	dma.local @!p0 [hbm:s3], $0x6210  }
0x10: {  	s14 =	simm.s32 @!p0 $0x1  }
0x11: {  	_ =	swait.ge @!p0 [sflag:s14], $0x6210  }
0x12: {  	[sflag:s14] =	ssyncset.done @!p0 $0x0  }
0x13: {  	[sflag:s14] =	ssyncadd.s32 @!p0 $0xFFFF9DF0  }
0x14: {  	s31 =	sadd.s32 $0x0, s7;
	[bflag:$0x0] =	sbarrier.arrive $0xFFFF  }
0x15: {  	[tilespmem:s2], [sflag:$0x1] =	stream.linear.gather [hbm4b:s31+s2], $0x80, $0x38;
	[tilespmem:$0x3588] =	vst v63  }
0x16: {  	_ =	swait.ge [sflag:s9], $0x80  }
0x17: {  	[sflag:s9] =	ssyncset.done $0x0  }
0x18: {  	[sflag:s9] =	ssyncadd.s32 $0xFFFFFF80  }
0x19: {  	[tilespmem:s10], [sflag:$0x1] =	stream.linear.gather [hbm4b:s6+s2], $0x400, $0x38;
	[tilespmem:$0x3588] =	vst v63  }
0x1a: {  	_ =	swait.ge [sflag:s9], $0x400  }
0x1b: {  	[sflag:s9] =	ssyncset.done $0x0  }
0x1c: {  	[sflag:s9] =	ssyncadd.s32 $0xFFFFFC00  }
0x1d: {  	[spmem:s1] =	stream.indirect.scatter.add.f32 [tilespmem:s10], [sflag:$0x1], $0x8, s2, s10, $0xb8;
	[tilespmem:$0x3588] =	vst v63  }
0x1e: {  	s15 =	simm.s32 $0x10;
	_ =	swait.ge [sflag:s9], $0x400  }
0x1f: {  	s16 =	simm.s32 $0x20;
	s14 =	sadd.s32 $0x80, s6;
	[sflag:s9] =	ssyncset.done $0x0  }
.LBB2_2:
0x20: {  	s17 =	sadd.s32 s15, s7  }
0x21: {  	[sflag:s9] =	ssyncadd.s32 $0xFFFFFC00;
	s15 =	smov.u32 s16;
	s18 =	sadd.s32 $0x10, s16  }
0x22: {  	[tilespmem:s2], [sflag:$0x1] =	stream.linear.gather [hbm4b:s17+s2], $0x80, $0x38;
	[tilespmem:$0x3588] =	vst v63  }
0x23: {  	p1 =	sne.s32 s16, $0x1870;
	_ =	swait.ge [sflag:s9], $0x80  }
0x24: {  	[sflag:s9] =	ssyncset.done $0x0  }
0x25: {  	[sflag:s9] =	ssyncadd.s32 $0xFFFFFF80  }
0x26: {  	[tilespmem:s10], [sflag:$0x1] =	stream.linear.gather [hbm4b:s14+s2], $0x400, $0x38;
	[tilespmem:$0x3588] =	vst v63  }
0x27: {  	_ =	swait.ge [sflag:s9], $0x400  }
.Ltmp0:
0x28: {  	[sflag:s9] =	ssyncset.done $0x0;
	(pc) =	sbr.rel @p1 .LBB2_2-.Ltmp0, $4  }
0x29: {  	[sflag:s9] =	ssyncadd.s32 $0xFFFFFC00  }
0x2a: {  	[spmem:s1] =	stream.indirect.scatter.add.f32 [tilespmem:s10], [sflag:$0x1], $0x8, s2, s10, $0xb8;
	[tilespmem:$0x3588] =	vst v63  }
0x2b: {  	_ =	swait.ge [sflag:s9], $0x400  }
0x2c: {  	s16 =	smov.u32 s18;
	s14 =	sadd.s32 $0x80, s14;
	[sflag:s9] =	ssyncset.done $0x0  }
0x2d: {  	s15 =	sadd.s32 s15, s7;
	[sflag:s9] =	ssyncadd.s32 $0xFFFFFC00  }
0x2e: {  	[tilespmem:s2], [sflag:$0x1] =	stream.linear.gather [hbm4b:s15+s2], $0x80, $0x38;
	[tilespmem:$0x3588] =	vst v63  }
0x2f: {  	_ =	swait.ge [sflag:s9], $0x80  }
0x30: {  	[sflag:s9] =	ssyncset.done $0x0  }
0x31: {  	[sflag:s9] =	ssyncadd.s32 $0xFFFFFF80  }
0x32: {  	[tilespmem:s10], [sflag:$0x1] =	stream.linear.gather [hbm4b:s14+s2], $0x400, $0x38;
	[tilespmem:$0x3588] =	vst v63  }
0x33: {  	_ =	swait.ge [sflag:s9], $0x400  }
0x34: {  	[sflag:s9] =	ssyncset.done $0x0  }
0x35: {  	[sflag:s9] =	ssyncadd.s32 $0xFFFFFC00  }
0x36: {  	[spmem:s1] =	stream.indirect.scatter.add.f32 [tilespmem:s10], [sflag:$0x1], $0x8, s2, s10, $0xb8;
	[tilespmem:$0x3588] =	vst v63  }
0x37: {  	_ =	swait.ge [sflag:s9], $0x400  }
0x38: {  	s13 =	sadd.s32 $0x1, s13;
	[sflag:s9] =	ssyncset.done $0x0  }
0x39: {  	p1 =	sne.s32 s13, s5;
	[sflag:s9] =	ssyncadd.s32 $0xFFFFFC00  }
.Ltmp1:
0x3a: {  	[bflag:$0x0] =	sbarrier.arrive $0xFFFF;
	(pc) =	sbr.rel @p1 .LBB2_1-.Ltmp1, $4  }
0x3b: {  	[hbm:s4], [sflag:s11] =	dma.local [spmem:s12], $0x620  }
0x3c: {  	_ =	swait.ge [sflag:s9], $0x620  }
0x3d: {  	[sflag:s9] =	ssyncset.done $0x0  }
0x3e: {  	[sflag:s9] =	ssyncadd.s32 $0xFFFFF9E0  }
0x3f: {  	_ =	sfence.sel $0x180000  }
0x40: {  	[bflag:$0x0] =	sbarrier.arrive $0xFFFF  }
0x41: {  	_ =	strace $0x90000059  }
0x42: {  	s0 =	sadd.s32 @!p0 $0x100000, s0;
	[bflag:$0x2] =	sbarrier.arrive $0xFFFF  }
0x43: {  	[sflag:s0] =	ssyncadd.tile.s32 @!p0 $0x1;
	_ =	shalt  }
.Lfunc_end2:
_tile_overlayer_lowered:
.L_overlay_start_2:
0x44: {  	(tag) =	ssettag $0x2  }
0x45: {  	s0 =	rddreg [dreg:$0x0];
	s2 =	stileid.u32  }
0x46: {  	s1 =	rddreg [dreg:$0x1];
	p0 =	sne.s32 s2, $0x0  }
0x47: {  	s3 =	rddreg [dreg:$0x2];
	[bflag:$0x3] =	sbarrier.arrive $0xFFFF;
	s2 =	simm.s32 @!p0 $0x1C01  }
0x48: {  	[timem:s3], [sflag:s2] =	dma.local @!p0 [hbm:s0], s1  }
0x49: {  	s0 =	simm.s32 @!p0 $0x1  }
0x4a: {  	_ =	swait.ge @!p0 [sflag:s0], s1  }
0x4b: {  	s1 =	ssub.s32 @!p0 $0x0, s1;
	[sflag:s0] =	ssyncset.done @!p0 $0x0  }
0x4c: {  	[sflag:s0] =	ssyncadd.s32 @!p0 s1  }
0x4d: {  	[bflag:$0x3] =	sbarrier.arrive $0xFFFF  }
0x4e: {  	_ =	shalt  }

// kernel: kernel.41.cloned.1.call-start
scs
__scs_entry_jumppad:
0x0: {  	(pc) =	sbr.rel $0x88, $3  }
0x1: {  	(tag) =	ssettag $0x0;
	lr =	simm.s32 $0x1  }
0x2: {  	[smem:$0x3F91] =	sst lr;
	_ =	strace $0xD0000000  }
0x3: {  	_ = 	snop  }
0x4: {  	_ = 	snop  }
0x5: {  	_ = 	snop  }
0x6: {  	_ = 	snop  }
0x7: {  	_ = 	snop  }
__scs_overlays_trampoline_lowered:
0x8: {  	[smem:$0x3FA0] =	sst s0  }
0x9: {  	[smem:$0x3FA1] =	sst s1  }
0xa: {  	[smem:$0x3FA2] =	sst s2  }
0xb: {  	[smem:$0x3FA3] =	sst s3  }
0xc: {  	[smem:$0x3FA4] =	sst s4  }
0xd: {  	[smem:$0x3FA5] =	sst s5  }
0xe: {  	[smem:$0x3FA6] =	sst s6  }
0xf: {  	[smem:$0x3FA7] =	sst s7  }
0x10: {  	[smem:$0x3FA8] =	sst s8  }
0x11: {  	[smem:$0x3FA9] =	sst s9;
	s0 =	simm.s32 @!p0 $0x0  }
0x12: {  	s1 =	sld [smem:$0x3F8F];
	s0 =	simm.s32 @p0 $0x1  }
0x13: {  	[smem:$0x3FAA] =	sst s0;
	s0 =	simm.s32 @!p1 $0x0  }
0x14: {  	s2 =	sld [smem:$0x3F8E];
	s0 =	simm.s32 @p1 $0x1  }
0x15: {  	[smem:$0x3FAB] =	sst s0;
	s0 =	simm.s32 @!p2 $0x0  }
0x16: {  	s3 =	sld [smem:$0x3FDB];
	s0 =	simm.s32 @p2 $0x1  }
0x17: {  	s4 =	simm.s32 $0x1BF5;
	[smem:$0x3FAD] =	sst s0  }
0x18: {  	s0 =	sld [smem:$0x3F90];
	_ =	swait.ge [sflag:s4], $0x0  }
0x19: {  	s7 =	sld [smem:$0x3F91]  }
0x1a: {  	s8 =	sadd.s32 $0xFFFFE003, lr  }
0x1b: {  	s9 =	sadd.s32 $0xFFFFFEF7, lr;
	s5 =	simm.s32 $0xFFFFFFFF;
	p2 =	slt.u32 s8, $0xFFFFF086  }
0x1c: {  	p1 =	slt.u32 s9, $0xF7A;
	s5 =	simm.s32 @!p2 $0x0  }
0x1d: {  	s5 =	simm.s32 @p1 $0x1;
	p0 =	seq.s32 s7, s2  }
0x1e: {  	s7 =	smul.u32 @!p0 $0xF7A, s2;
	p2 =	seq.s32 @!p0 s5, $0x0  }
0x1f: {  	s9 =	smul.u32 $0xF7A, s1;
	s8 =	simm.s32 @!p0 $0x1BF5;
	p2 =	por !p2, p0  }
0x20: {  	[sflag:s8] =	ssyncset.s32 @!p0 $0xFFFFF086;
	s6 =	sadd.s32 @!p0 s3, s7;
	s7 =	simm.s32 @!p0 $0x108  }
0x21: {  	s3 =	sadd.s32 s3, s9;
	s6 =	sadd.s32 @!p0 $0x88, s6;
	s7 =	simm.s32 @p2 $0x1082  }
0x22: {  	[simem:s7], [sflag:s8] =	dma.local @!p0 [hbm:s6], $0xF7A  }
0x23: {  	s9 =	sor.u32 $0xD0000000, s2;
	s6 =	simm.s32 $0x108;
	_ =	swait.ge @!p0 [sflag:s8], $0x0  }
0x24: {  	s3 =	sadd.s32 $0x88, s3;
	s6 =	simm.s32 @!p1 $0x1082;
	[sflag:s4] =	ssyncset.s32 $0xFFFFF086  }
0x25: {  	[simem:s6], [sflag:s4] =	dma.local [hbm:s3], $0xF7A  }
0x26: {  	[smem:$0x3F91] =	sst s1;
	(tag) =	ssettag s2;
	_ =	strace s9  }
0x27: {  	s1 =	sld [smem:$0x3FA1]  }
0x28: {  	s2 =	sld [smem:$0x3FA2]  }
0x29: {  	s4 =	sld [smem:$0x3FA4]  }
0x2a: {  	p0 =	seq.s32 s5, $0x0;
	s5 =	sld [smem:$0x3FA5]  }
0x2b: {  	s6 =	sld [smem:$0x3FA6]  }
0x2c: {  	s7 =	sld [smem:$0x3FA7]  }
0x2d: {  	s3 =	simm.s32 $0x108;
	s8 =	sld [smem:$0x3FA8]  }
0x2e: {  	s3 =	simm.s32 @!p0 $0x1082;
	s9 =	sld [smem:$0x3FA9]  }
0x2f: {  	lr =	sadd.s32 s0, s3;
	s0 =	sld [smem:$0x3FA0]  }
0x30: {  	s3 =	sld [smem:$0x3FA3]  }
0x31: {  	[smem:$0x3FAC] =	sst s10  }
0x32: {  	s10 =	sld [smem:$0x3FAA];
	_ =	sdelay $0x3  }
0x33: {  	p0 =	seq.s32 s10, $0x1;
	s10 =	sld [smem:$0x3FAC];
	_ =	sdelay $0x3  }
0x34: {  	[smem:$0x3FAC] =	sst s10  }
0x35: {  	s10 =	sld [smem:$0x3FAB];
	_ =	sdelay $0x3  }
0x36: {  	p1 =	seq.s32 s10, $0x1;
	s10 =	sld [smem:$0x3FAC];
	_ =	sdelay $0x3  }
0x37: {  	[smem:$0x3FAC] =	sst s10  }
0x38: {  	s10 =	sld [smem:$0x3FAD]  }
0x39: {  	_ = 	snop;
	(pc) =	sbr.ind lr, $3  }
0x3a: {  	_ = 	snop  }
0x3b: {  	_ = 	snop  }
0x3c: {  	p2 =	seq.s32 s10, $0x1;
	s10 =	sld [smem:$0x3FAC]  }
0x3d: {  	_ =	shalt  }
0x3e: {  	_ =	shalt  }
0x3f: {  	_ =	shalt  }
0x40: {  	_ =	shalt  }
0x41: {  	_ =	shalt  }
0x42: {  	_ =	shalt  }
0x43: {  	_ =	shalt  }
0x44: {  	_ =	shalt  }
0x45: {  	_ =	shalt  }
0x46: {  	_ =	shalt  }
0x47: {  	_ =	shalt  }
0x48: {  	_ =	shalt  }
0x49: {  	_ =	shalt  }
0x4a: {  	_ =	shalt  }
0x4b: {  	_ =	shalt  }
0x4c: {  	_ =	shalt  }
0x4d: {  	_ =	shalt  }
0x4e: {  	_ =	shalt  }
0x4f: {  	_ =	shalt  }
0x50: {  	_ =	shalt  }
0x51: {  	_ =	shalt  }
0x52: {  	_ =	shalt  }
0x53: {  	_ =	shalt  }
0x54: {  	_ =	shalt  }
0x55: {  	_ =	shalt  }
0x56: {  	_ =	shalt  }
0x57: {  	_ =	shalt  }
0x58: {  	_ =	shalt  }
0x59: {  	_ =	shalt  }
0x5a: {  	_ =	shalt  }
0x5b: {  	_ =	shalt  }
0x5c: {  	_ =	shalt  }
0x5d: {  	_ =	shalt  }
0x5e: {  	_ =	shalt  }
0x5f: {  	_ =	shalt  }
0x60: {  	_ =	shalt  }
0x61: {  	_ =	shalt  }
0x62: {  	_ =	shalt  }
0x63: {  	_ =	shalt  }
0x64: {  	_ =	shalt  }
0x65: {  	_ =	shalt  }
0x66: {  	_ =	shalt  }
0x67: {  	_ =	shalt  }
0x68: {  	_ =	shalt  }
0x69: {  	_ =	shalt  }
0x6a: {  	_ =	shalt  }
0x6b: {  	_ =	shalt  }
0x6c: {  	_ =	shalt  }
0x6d: {  	_ =	shalt  }
0x6e: {  	_ =	shalt  }
0x6f: {  	_ =	shalt  }
0x70: {  	_ =	shalt  }
0x71: {  	_ =	shalt  }
0x72: {  	_ =	shalt  }
0x73: {  	_ =	shalt  }
0x74: {  	_ =	shalt  }
0x75: {  	_ =	shalt  }
0x76: {  	_ =	shalt  }
0x77: {  	_ =	shalt  }
0x78: {  	_ =	shalt  }
0x79: {  	_ =	shalt  }
0x7a: {  	_ =	shalt  }
0x7b: {  	_ =	shalt  }
0x7c: {  	_ =	shalt  }
0x7d: {  	_ =	shalt  }
0x7e: {  	_ =	shalt  }
0x7f: {  	_ =	shalt  }
0x80: {  	_ =	shalt  }
0x81: {  	_ =	shalt  }
0x82: {  	_ =	shalt  }
0x83: {  	_ =	shalt  }
0x84: {  	_ =	shalt  }
0x85: {  	_ =	shalt  }
0x86: {  	_ =	shalt  }
0x87: {  	_ =	shalt  }
.Lfunc_end0:
.L_simem_size_0:
called_computation.6_lowered:
.L_overlay_start_0:
0x88: {  	s2 =	sld [smem:$0x3FD9]  }
0x89: {  	s3 =	sld [smem:$0x3FFE];
	_ =	sdelay $0x1  }
0x8a: {  	s1 =	srdreg.scid  }
0x8b: {  	s0 =	sand.u32 $0x1, s1  }
0x8c: {  	s16 =	sshll.u32 s0, $0xA;
	s2 =	sadd.s32 s3, s2  }
0x8d: {  	s2 =	sadd.s32 s2, s16  }
0x8e: {  	[smem:$0x3FB8] =	sst s2  }
0x8f: {  	_ = 	snop  }
0x90: {  	(tm) =	ssettm $0x1  }
0x91: {  	s17 =	sld [smem:$0x3FFB];
	_ =	sdelay $0x3  }
0x92: {  	_ =	strace s17  }
0x93: {  	s2 =	sld [smem:$0x3FFC];
	_ =	sdelay $0x3  }
0x94: {  	_ =	strace s2  }
0x95: {  	s2 =	sld [smem:$0x3FFD];
	_ =	sdelay $0x3  }
0x96: {  	_ =	strace s2  }
0x97: {  	_ =	strace $0x8FFFFFFF  }
0x98: {  	s18 =	sld [smem:$0x3FDB];
	_ =	sdelay $0x1  }
0x99: {  	s19 =	simm.s32 $_scs_section_size  }
0x9a: {  	s4 =	simm.s32 $_size__tile_overlayer_lowered;
	s5 =	simm.s32 $_tile_overlayer_lowered  }
0x9b: {  	s22 =	simm.s32 $0x1BFF;
	s21 =	sshll.u32 s5, $0x1;
	s2 =	sadd.s32 s19, s18  }
0x9c: {  	s6 =	simm.s32 $0x0;
	s20 =	sshll.u32 s4, $0x1;
	s4 =	sadd.s32 s21, s2  }
0x9d: {  	[timem:s6], [sflag:s22] =	dma.local [hbm:s4], s20  }
0x9e: {  	_ =	swait.ge [sflag:s22], s20  }
0x9f: {  	s3 =	ssub.s32 $0x0, s20;
	[sflag:s22] =	ssyncset.done $0x0  }
0xa0: {  	[sflag:s22] =	ssyncadd.s32 s3;
	_ =	sdelay $0x1  }
0xa1: {  	s23 =	simm.s32 $0x1B8B  }
0xa2: {  	_ =	swait.ge [sflag:s23], $0x1  }
0xa3: {  	[sflag:s23] =	ssyncset.done $0x0  }
0xa4: {  	s25 =	simm.s32 $0x1B8E;
	s24 =	sld [smem:$0x3FFE];
	[sflag:s23] =	ssyncadd.s32 $0xFFFFFFFF  }
0xa5: {  	s26 =	simm.s32 $execute0_lowered;
	[smem:$0x3FD2] =	sst s25  }
0xa6: {  	s4 =	sshll.u32 s26, $0x1;
	_ =	strace $0x80000055;
	[dreg:$0x1] =	wrdreg $0xFFFFFFFF  }
0xa7: {  	s28 =	simm.s32 $_size_execute0_lowered;
	s2 =	sadd.s32 s2, s4;
	[dreg:$0x0] =	wrdreg $0x0  }
0xa8: {  	s4 =	sshll.u32 s28, $0x1;
	[dreg:$0x2] =	wrdreg s2  }
0xa9: {  	[dreg:$0x3] =	wrdreg s4  }
0xaa: {  	[dreg:$0x4] =	wrdreg $0xC0  }
0xab: {  	_ =	task [dreg:s6], $0x5FFFF  }
0xac: {  	[dreg:$0x1] =	wrdreg $0xFFFFFFFF  }
0xad: {  	[dreg:$0x0] =	wrdreg $0x60  }
0xae: {  	[dreg:$0x2] =	wrdreg s24  }
0xaf: {  	[dreg:$0x3] =	wrdreg $0x20800  }
0xb0: {  	[dreg:$0x4] =	wrdreg $0xA  }
0xb1: {  	_ =	task.clear_ibuf [dreg:s6], $0x5FFFF;
	_ =	strace $0x90000055  }
0xb2: {  	s29 =	simm.s32 $0xA;
	_ =	strace $0x80000057  }
0xb3: {  	_ =	swait.ge [sflag:s29], $0x1  }
0xb4: {  	[sflag:s29] =	ssyncadd.s32 $0xFFFFFFFF  }
0xb5: {  	_ =	strace $0x90000057  }
0xb6: {  	_ =	sfence  }
0xb7: {  	s30 =	sld [smem:$0x0];
	_ =	sdelay $0x2  }
0xb8: {  	s31 =	sshll.u32 s1, $0xD;
	s1 =	sshrl.u32 s1, $0x2  }
0xb9: {  	s3 =	sand.u32 $0x4000, s31;
	s1 =	sadd.s32 s1, s30  }
0xba: {  	s0 =	sor.u32 s3, s0;
	s1 =	sshll.u32 s1, $0x11  }
0xbb: {  	s0 =	sor.u32 s1, s0  }
0xbc: {  	s0 =	sadd.s32 $0x8F2B, s0  }
0xbd: {  	[sflag:s0] =	ssyncadd.remote.s32 $0x1  }
0xbe: {  	_ =	sfence.sel $0xFFFF  }
0xbf: {  	[dreg:$0x0] =	wrdreg $0xFFFFFFFF;
	(pc) =	sbr.abs _section_cstart, $3  }
0xc0: {  	[dreg:$0x1] =	wrdreg $0xFFFFFFFF  }
0xc1: {  	_ =	task.clear_ibuf [dreg:s6], $0x2FFFF;
	_ =	strace $0x9FFFFFFF  }
0xc2: {  	(tm) =	ssettm $0x7FFFFFFF  }
0xc3: {  	_ =	shalt  }
tec
execute0_lowered:
.L_overlay_start_1:
0x0: {  	(tag) =	ssettag $0x1  }
0x1: {  	s0 =	srdreg.scid  }
0x2: {  	s11 =	stileid.u32;
	s4 =	rddreg [dreg:$0x0]  }
0x3: {  	s1 =	rddreg [dreg:$0x1];
	s5 =	smul.u32 $0xC400, s11  }
0x4: {  	s2 =	simm.s32 $0x0;
	s13 =	simm.s32 $0x0;
	s7 =	smul.u32 $0x62000, s11  }
0x5: {  	s3 =	sand.u32 $0x1, s0;
	s0 =	rddreg [dreg:$0x2];
	s8 =	smul.u32 $0x3100, s11  }
0x6: {  	[smem:$0x7FF] =	sst s2;
	p0 =	sne.s32 s11, $0x0;
	s6 =	smul.u32 $0xC4000, s3  }
0x7: {  	s11 =	sshll.u32 s11, $0x6;
	s26 =	smul.u32 $0x31000, s3;
	_ =	strace $0x80000056  }
0x8: {  	s29 =	ssub.s32 $0x2, s3;
	s3 =	sadd.s32 $0x2CE00, s4;
	s11 =	sor.u32 $0x1C01, s11  }
0x9: {  	s10 =	sadd.s32 s7, s4;
	s30 =	sshrl.u32 s29, $0x1;
	s31 =	sshrl.u32 s7, $0x2  }
0xa: {  	s5 =	sadd.s32 s5, s6;
	s28 =	sadd.s32 s8, s26;
	s12 =	sadd.s32 s31, s1  }
0xb: {  	s6 =	sadd.s32 $0x1FE600, s10;
	s8 =	sshrl.u32 @!p0 s1, $0x3;
	s5 =	sshrl.u32 s5, $0x3  }
0xc: {  	s10 =	simm.s32 $0x80;
	s9 =	sadd.s32 s5, s4;
	s4 =	sadd.s32 s28, s4  }
0xd: {  	s12 =	sshrl.u32 s12, $0x3;
	s5 =	ssub.s32 s29, s30;
	s4 =	sadd.s32 $0x5E000, s4  }
0xe: {  	s5 =	smax.u32 s5, $0x1;
	s7 =	sadd.s32 $0x1CD600, s9;
	s9 =	simm.s32 $0x1  }
.LBB2_1:
0xf: {  	s14 =	simm.s32 @!p0 $0x1C01  }
0x10: {  	[spmem:s8], [sflag:s14] =	dma.local @!p0 [hbm:s3], $0x31080  }
0x11: {  	s14 =	simm.s32 @!p0 $0x1  }
0x12: {  	_ =	swait.ge @!p0 [sflag:s14], $0x31080  }
0x13: {  	[sflag:s14] =	ssyncset.done @!p0 $0x0  }
0x14: {  	[sflag:s14] =	ssyncadd.s32 @!p0 $0xFFFCEF80  }
0x15: {  	s31 =	sadd.s32 $0x0, s7;
	[bflag:$0x0] =	sbarrier.arrive $0xFFFF  }
0x16: {  	[tilespmem:s2], [sflag:$0x1] =	stream.linear.gather [hbm4b:s31+s2], $0x80, $0x38;
	[tilespmem:$0x1A8C0] =	vst v63  }
0x17: {  	_ =	swait.ge [sflag:s9], $0x80  }
0x18: {  	[sflag:s9] =	ssyncset.done $0x0  }
0x19: {  	[sflag:s9] =	ssyncadd.s32 $0xFFFFFF80  }
0x1a: {  	[tilespmem:s10], [sflag:$0x1] =	stream.linear.gather [hbm4b:s6+s2], $0x2000, $0x38;
	[tilespmem:$0x1A8C0] =	vst v63  }
0x1b: {  	_ =	swait.ge [sflag:s9], $0x2000  }
0x1c: {  	[sflag:s9] =	ssyncset.done $0x0  }
0x1d: {  	[sflag:s9] =	ssyncadd.s32 $0xFFFFE000  }
0x1e: {  	[spmem:s1] =	stream.indirect.scatter.add.f32 [tilespmem:s10], [sflag:$0x1], $0x40, s2, s10, $0xb8;
	[tilespmem:$0x1A8C0] =	vst v63  }
0x1f: {  	s15 =	simm.s32 $0x10;
	_ =	swait.ge [sflag:s9], $0x2000  }
0x20: {  	s16 =	simm.s32 $0x20;
	s14 =	sadd.s32 $0x400, s6;
	[sflag:s9] =	ssyncset.done $0x0  }
.LBB2_2:
0x21: {  	s17 =	sadd.s32 s15, s7  }
0x22: {  	[sflag:s9] =	ssyncadd.s32 $0xFFFFE000;
	s15 =	smov.u32 s16;
	s18 =	sadd.s32 $0x10, s16  }
0x23: {  	[tilespmem:s2], [sflag:$0x1] =	stream.linear.gather [hbm4b:s17+s2], $0x80, $0x38;
	[tilespmem:$0x1A8C0] =	vst v63  }
0x24: {  	p1 =	sne.s32 s16, $0x1870;
	_ =	swait.ge [sflag:s9], $0x80  }
0x25: {  	[sflag:s9] =	ssyncset.done $0x0  }
0x26: {  	[sflag:s9] =	ssyncadd.s32 $0xFFFFFF80  }
0x27: {  	[tilespmem:s10], [sflag:$0x1] =	stream.linear.gather [hbm4b:s14+s2], $0x2000, $0x38;
	[tilespmem:$0x1A8C0] =	vst v63  }
0x28: {  	_ =	swait.ge [sflag:s9], $0x2000  }
.Ltmp0:
0x29: {  	[sflag:s9] =	ssyncset.done $0x0;
	(pc) =	sbr.rel @p1 .LBB2_2-.Ltmp0, $4  }
0x2a: {  	[sflag:s9] =	ssyncadd.s32 $0xFFFFE000  }
0x2b: {  	[spmem:s1] =	stream.indirect.scatter.add.f32 [tilespmem:s10], [sflag:$0x1], $0x40, s2, s10, $0xb8;
	[tilespmem:$0x1A8C0] =	vst v63  }
0x2c: {  	_ =	swait.ge [sflag:s9], $0x2000  }
0x2d: {  	s16 =	smov.u32 s18;
	s14 =	sadd.s32 $0x400, s14;
	[sflag:s9] =	ssyncset.done $0x0  }
0x2e: {  	s15 =	sadd.s32 s15, s7;
	[sflag:s9] =	ssyncadd.s32 $0xFFFFE000  }
0x2f: {  	[tilespmem:s2], [sflag:$0x1] =	stream.linear.gather [hbm4b:s15+s2], $0x80, $0x38;
	[tilespmem:$0x1A8C0] =	vst v63  }
0x30: {  	_ =	swait.ge [sflag:s9], $0x80  }
0x31: {  	[sflag:s9] =	ssyncset.done $0x0  }
0x32: {  	[sflag:s9] =	ssyncadd.s32 $0xFFFFFF80  }
0x33: {  	[tilespmem:s10], [sflag:$0x1] =	stream.linear.gather [hbm4b:s14+s2], $0x2000, $0x38;
	[tilespmem:$0x1A8C0] =	vst v63  }
0x34: {  	_ =	swait.ge [sflag:s9], $0x2000  }
0x35: {  	[sflag:s9] =	ssyncset.done $0x0  }
0x36: {  	[sflag:s9] =	ssyncadd.s32 $0xFFFFE000  }
0x37: {  	[spmem:s1] =	stream.indirect.scatter.add.f32 [tilespmem:s10], [sflag:$0x1], $0x40, s2, s10, $0xb8;
	[tilespmem:$0x1A8C0] =	vst v63  }
0x38: {  	_ =	swait.ge [sflag:s9], $0x2000  }
0x39: {  	s13 =	sadd.s32 $0x1, s13;
	[sflag:s9] =	ssyncset.done $0x0  }
0x3a: {  	p1 =	sne.s32 s13, s5;
	[sflag:s9] =	ssyncadd.s32 $0xFFFFE000  }
.Ltmp1:
0x3b: {  	[bflag:$0x0] =	sbarrier.arrive $0xFFFF;
	(pc) =	sbr.rel @p1 .LBB2_1-.Ltmp1, $4  }
0x3c: {  	[hbm:s4], [sflag:s11] =	dma.local [spmem:s12], $0x3100  }
0x3d: {  	_ =	swait.ge [sflag:s9], $0x3100  }
0x3e: {  	[sflag:s9] =	ssyncset.done $0x0  }
0x3f: {  	[sflag:s9] =	ssyncadd.s32 $0xFFFFCF00  }
0x40: {  	_ =	sfence.sel $0x180000  }
0x41: {  	[bflag:$0x0] =	sbarrier.arrive $0xFFFF  }
0x42: {  	_ =	strace $0x90000056  }
0x43: {  	s0 =	sadd.s32 @!p0 $0x100000, s0;
	[bflag:$0x2] =	sbarrier.arrive $0xFFFF  }
0x44: {  	[sflag:s0] =	ssyncadd.tile.s32 @!p0 $0x1;
	_ =	shalt  }
.Lfunc_end2:
_tile_overlayer_lowered:
.L_overlay_start_2:
0x45: {  	(tag) =	ssettag $0x2  }
0x46: {  	s0 =	rddreg [dreg:$0x0];
	s2 =	stileid.u32  }
0x47: {  	s1 =	rddreg [dreg:$0x1];
	p0 =	sne.s32 s2, $0x0  }
0x48: {  	s3 =	rddreg [dreg:$0x2];
	[bflag:$0x3] =	sbarrier.arrive $0xFFFF;
	s2 =	simm.s32 @!p0 $0x1C01  }
0x49: {  	[timem:s3], [sflag:s2] =	dma.local @!p0 [hbm:s0], s1  }
0x4a: {  	s0 =	simm.s32 @!p0 $0x1  }
0x4b: {  	_ =	swait.ge @!p0 [sflag:s0], s1  }
0x4c: {  	s1 =	ssub.s32 @!p0 $0x0, s1;
	[sflag:s0] =	ssyncset.done @!p0 $0x0  }
0x4d: {  	[sflag:s0] =	ssyncadd.s32 @!p0 s1  }
0x4e: {  	[bflag:$0x3] =	sbarrier.arrive $0xFFFF  }
0x4f: {  	_ =	shalt  }

// kernel: kernel.44.cloned.1.call-start
scs
__scs_entry_jumppad:
0x0: {  	(pc) =	sbr.rel $0x88, $3  }
0x1: {  	(tag) =	ssettag $0x0;
	lr =	simm.s32 $0x1  }
0x2: {  	[smem:$0x3F91] =	sst lr;
	_ =	strace $0xD0000000  }
0x3: {  	_ = 	snop  }
0x4: {  	_ = 	snop  }
0x5: {  	_ = 	snop  }
0x6: {  	_ = 	snop  }
0x7: {  	_ = 	snop  }
__scs_overlays_trampoline_lowered:
0x8: {  	[smem:$0x3FA0] =	sst s0  }
0x9: {  	[smem:$0x3FA1] =	sst s1  }
0xa: {  	[smem:$0x3FA2] =	sst s2  }
0xb: {  	[smem:$0x3FA3] =	sst s3  }
0xc: {  	[smem:$0x3FA4] =	sst s4  }
0xd: {  	[smem:$0x3FA5] =	sst s5  }
0xe: {  	[smem:$0x3FA6] =	sst s6  }
0xf: {  	[smem:$0x3FA7] =	sst s7  }
0x10: {  	[smem:$0x3FA8] =	sst s8  }
0x11: {  	[smem:$0x3FA9] =	sst s9;
	s0 =	simm.s32 @!p0 $0x0  }
0x12: {  	s1 =	sld [smem:$0x3F8F];
	s0 =	simm.s32 @p0 $0x1  }
0x13: {  	[smem:$0x3FAA] =	sst s0;
	s0 =	simm.s32 @!p1 $0x0  }
0x14: {  	s2 =	sld [smem:$0x3F8E];
	s0 =	simm.s32 @p1 $0x1  }
0x15: {  	[smem:$0x3FAB] =	sst s0;
	s0 =	simm.s32 @!p2 $0x0  }
0x16: {  	s3 =	sld [smem:$0x3FDB];
	s0 =	simm.s32 @p2 $0x1  }
0x17: {  	s4 =	simm.s32 $0x1BF5;
	[smem:$0x3FAD] =	sst s0  }
0x18: {  	s0 =	sld [smem:$0x3F90];
	_ =	swait.ge [sflag:s4], $0x0  }
0x19: {  	s7 =	sld [smem:$0x3F91]  }
0x1a: {  	s8 =	sadd.s32 $0xFFFFE003, lr  }
0x1b: {  	s9 =	sadd.s32 $0xFFFFFEF7, lr;
	s5 =	simm.s32 $0xFFFFFFFF;
	p2 =	slt.u32 s8, $0xFFFFF086  }
0x1c: {  	p1 =	slt.u32 s9, $0xF7A;
	s5 =	simm.s32 @!p2 $0x0  }
0x1d: {  	s5 =	simm.s32 @p1 $0x1;
	p0 =	seq.s32 s7, s2  }
0x1e: {  	s7 =	smul.u32 @!p0 $0xF7A, s2;
	p2 =	seq.s32 @!p0 s5, $0x0  }
0x1f: {  	s9 =	smul.u32 $0xF7A, s1;
	s8 =	simm.s32 @!p0 $0x1BF5;
	p2 =	por !p2, p0  }
0x20: {  	[sflag:s8] =	ssyncset.s32 @!p0 $0xFFFFF086;
	s6 =	sadd.s32 @!p0 s3, s7;
	s7 =	simm.s32 @!p0 $0x108  }
0x21: {  	s3 =	sadd.s32 s3, s9;
	s6 =	sadd.s32 @!p0 $0x88, s6;
	s7 =	simm.s32 @p2 $0x1082  }
0x22: {  	[simem:s7], [sflag:s8] =	dma.local @!p0 [hbm:s6], $0xF7A  }
0x23: {  	s9 =	sor.u32 $0xD0000000, s2;
	s6 =	simm.s32 $0x108;
	_ =	swait.ge @!p0 [sflag:s8], $0x0  }
0x24: {  	s3 =	sadd.s32 $0x88, s3;
	s6 =	simm.s32 @!p1 $0x1082;
	[sflag:s4] =	ssyncset.s32 $0xFFFFF086  }
0x25: {  	[simem:s6], [sflag:s4] =	dma.local [hbm:s3], $0xF7A  }
0x26: {  	[smem:$0x3F91] =	sst s1;
	(tag) =	ssettag s2;
	_ =	strace s9  }
0x27: {  	s1 =	sld [smem:$0x3FA1]  }
0x28: {  	s2 =	sld [smem:$0x3FA2]  }
0x29: {  	s4 =	sld [smem:$0x3FA4]  }
0x2a: {  	p0 =	seq.s32 s5, $0x0;
	s5 =	sld [smem:$0x3FA5]  }
0x2b: {  	s6 =	sld [smem:$0x3FA6]  }
0x2c: {  	s7 =	sld [smem:$0x3FA7]  }
0x2d: {  	s3 =	simm.s32 $0x108;
	s8 =	sld [smem:$0x3FA8]  }
0x2e: {  	s3 =	simm.s32 @!p0 $0x1082;
	s9 =	sld [smem:$0x3FA9]  }
0x2f: {  	lr =	sadd.s32 s0, s3;
	s0 =	sld [smem:$0x3FA0]  }
0x30: {  	s3 =	sld [smem:$0x3FA3]  }
0x31: {  	[smem:$0x3FAC] =	sst s10  }
0x32: {  	s10 =	sld [smem:$0x3FAA];
	_ =	sdelay $0x3  }
0x33: {  	p0 =	seq.s32 s10, $0x1;
	s10 =	sld [smem:$0x3FAC];
	_ =	sdelay $0x3  }
0x34: {  	[smem:$0x3FAC] =	sst s10  }
0x35: {  	s10 =	sld [smem:$0x3FAB];
	_ =	sdelay $0x3  }
0x36: {  	p1 =	seq.s32 s10, $0x1;
	s10 =	sld [smem:$0x3FAC];
	_ =	sdelay $0x3  }
0x37: {  	[smem:$0x3FAC] =	sst s10  }
0x38: {  	s10 =	sld [smem:$0x3FAD]  }
0x39: {  	_ = 	snop;
	(pc) =	sbr.ind lr, $3  }
0x3a: {  	_ = 	snop  }
0x3b: {  	_ = 	snop  }
0x3c: {  	p2 =	seq.s32 s10, $0x1;
	s10 =	sld [smem:$0x3FAC]  }
0x3d: {  	_ =	shalt  }
0x3e: {  	_ =	shalt  }
0x3f: {  	_ =	shalt  }
0x40: {  	_ =	shalt  }
0x41: {  	_ =	shalt  }
0x42: {  	_ =	shalt  }
0x43: {  	_ =	shalt  }
0x44: {  	_ =	shalt  }
0x45: {  	_ =	shalt  }
0x46: {  	_ =	shalt  }
0x47: {  	_ =	shalt  }
0x48: {  	_ =	shalt  }
0x49: {  	_ =	shalt  }
0x4a: {  	_ =	shalt  }
0x4b: {  	_ =	shalt  }
0x4c: {  	_ =	shalt  }
0x4d: {  	_ =	shalt  }
0x4e: {  	_ =	shalt  }
0x4f: {  	_ =	shalt  }
0x50: {  	_ =	shalt  }
0x51: {  	_ =	shalt  }
0x52: {  	_ =	shalt  }
0x53: {  	_ =	shalt  }
0x54: {  	_ =	shalt  }
0x55: {  	_ =	shalt  }
0x56: {  	_ =	shalt  }
0x57: {  	_ =	shalt  }
0x58: {  	_ =	shalt  }
0x59: {  	_ =	shalt  }
0x5a: {  	_ =	shalt  }
0x5b: {  	_ =	shalt  }
0x5c: {  	_ =	shalt  }
0x5d: {  	_ =	shalt  }
0x5e: {  	_ =	shalt  }
0x5f: {  	_ =	shalt  }
0x60: {  	_ =	shalt  }
0x61: {  	_ =	shalt  }
0x62: {  	_ =	shalt  }
0x63: {  	_ =	shalt  }
0x64: {  	_ =	shalt  }
0x65: {  	_ =	shalt  }
0x66: {  	_ =	shalt  }
0x67: {  	_ =	shalt  }
0x68: {  	_ =	shalt  }
0x69: {  	_ =	shalt  }
0x6a: {  	_ =	shalt  }
0x6b: {  	_ =	shalt  }
0x6c: {  	_ =	shalt  }
0x6d: {  	_ =	shalt  }
0x6e: {  	_ =	shalt  }
0x6f: {  	_ =	shalt  }
0x70: {  	_ =	shalt  }
0x71: {  	_ =	shalt  }
0x72: {  	_ =	shalt  }
0x73: {  	_ =	shalt  }
0x74: {  	_ =	shalt  }
0x75: {  	_ =	shalt  }
0x76: {  	_ =	shalt  }
0x77: {  	_ =	shalt  }
0x78: {  	_ =	shalt  }
0x79: {  	_ =	shalt  }
0x7a: {  	_ =	shalt  }
0x7b: {  	_ =	shalt  }
0x7c: {  	_ =	shalt  }
0x7d: {  	_ =	shalt  }
0x7e: {  	_ =	shalt  }
0x7f: {  	_ =	shalt  }
0x80: {  	_ =	shalt  }
0x81: {  	_ =	shalt  }
0x82: {  	_ =	shalt  }
0x83: {  	_ =	shalt  }
0x84: {  	_ =	shalt  }
0x85: {  	_ =	shalt  }
0x86: {  	_ =	shalt  }
0x87: {  	_ =	shalt  }
.Lfunc_end0:
.L_simem_size_0:
called_computation.7_lowered:
.L_overlay_start_0:
0x88: {  	s2 =	sld [smem:$0x3FD9]  }
0x89: {  	s3 =	sld [smem:$0x3FFE];
	_ =	sdelay $0x1  }
0x8a: {  	s1 =	srdreg.scid  }
0x8b: {  	s0 =	sand.u32 $0x1, s1  }
0x8c: {  	s16 =	sshll.u32 s0, $0xA;
	s2 =	sadd.s32 s3, s2  }
0x8d: {  	s2 =	sadd.s32 s2, s16  }
0x8e: {  	[smem:$0x3FB8] =	sst s2  }
0x8f: {  	_ = 	snop  }
0x90: {  	(tm) =	ssettm $0x1  }
0x91: {  	s17 =	sld [smem:$0x3FFB];
	_ =	sdelay $0x3  }
0x92: {  	_ =	strace s17  }
0x93: {  	s2 =	sld [smem:$0x3FFC];
	_ =	sdelay $0x3  }
0x94: {  	_ =	strace s2  }
0x95: {  	s2 =	sld [smem:$0x3FFD];
	_ =	sdelay $0x3  }
0x96: {  	_ =	strace s2  }
0x97: {  	_ =	strace $0x8FFFFFFF  }
0x98: {  	s18 =	sld [smem:$0x3FDB];
	_ =	sdelay $0x1  }
0x99: {  	s19 =	simm.s32 $_scs_section_size  }
0x9a: {  	s4 =	simm.s32 $_size__tile_overlayer_lowered;
	s5 =	simm.s32 $_tile_overlayer_lowered  }
0x9b: {  	s22 =	simm.s32 $0x1BFF;
	s21 =	sshll.u32 s5, $0x1;
	s2 =	sadd.s32 s19, s18  }
0x9c: {  	s6 =	simm.s32 $0x0;
	s20 =	sshll.u32 s4, $0x1;
	s4 =	sadd.s32 s21, s2  }
0x9d: {  	[timem:s6], [sflag:s22] =	dma.local [hbm:s4], s20  }
0x9e: {  	_ =	swait.ge [sflag:s22], s20  }
0x9f: {  	s3 =	ssub.s32 $0x0, s20;
	[sflag:s22] =	ssyncset.done $0x0  }
0xa0: {  	[sflag:s22] =	ssyncadd.s32 s3;
	_ =	sdelay $0x1  }
0xa1: {  	s23 =	simm.s32 $0x1B8B  }
0xa2: {  	_ =	swait.ge [sflag:s23], $0x1  }
0xa3: {  	[sflag:s23] =	ssyncset.done $0x0  }
0xa4: {  	s25 =	simm.s32 $0x1B8E;
	s24 =	sld [smem:$0x3FFE];
	[sflag:s23] =	ssyncadd.s32 $0xFFFFFFFF  }
0xa5: {  	s26 =	simm.s32 $execute0_lowered;
	[smem:$0x3FD2] =	sst s25  }
0xa6: {  	s4 =	sshll.u32 s26, $0x1;
	_ =	strace $0x8000005B;
	[dreg:$0x1] =	wrdreg $0xFFFFFFFF  }
0xa7: {  	s28 =	simm.s32 $_size_execute0_lowered;
	s2 =	sadd.s32 s2, s4;
	[dreg:$0x0] =	wrdreg $0x0  }
0xa8: {  	s4 =	sshll.u32 s28, $0x1;
	[dreg:$0x2] =	wrdreg s2  }
0xa9: {  	[dreg:$0x3] =	wrdreg s4  }
0xaa: {  	[dreg:$0x4] =	wrdreg $0xC0  }
0xab: {  	_ =	task [dreg:s6], $0x5FFFF  }
0xac: {  	[dreg:$0x1] =	wrdreg $0xFFFFFFFF  }
0xad: {  	[dreg:$0x0] =	wrdreg $0x60  }
0xae: {  	[dreg:$0x2] =	wrdreg s24  }
0xaf: {  	[dreg:$0x3] =	wrdreg $0x9  }
0xb0: {  	_ =	task.clear_ibuf [dreg:s6], $0x4FFFF;
	_ =	strace $0x9000005B  }
0xb1: {  	s29 =	simm.s32 $0x9;
	_ =	strace $0x8000005D  }
0xb2: {  	_ =	swait.ge [sflag:s29], $0x1  }
0xb3: {  	[sflag:s29] =	ssyncadd.s32 $0xFFFFFFFF  }
0xb4: {  	_ =	strace $0x9000005D  }
0xb5: {  	_ =	sfence  }
0xb6: {  	s30 =	sld [smem:$0x0];
	_ =	sdelay $0x2  }
0xb7: {  	s31 =	sshll.u32 s1, $0xD;
	s1 =	sshrl.u32 s1, $0x2  }
0xb8: {  	s3 =	sand.u32 $0x4000, s31;
	s1 =	sadd.s32 s1, s30  }
0xb9: {  	s0 =	sor.u32 s3, s0;
	s1 =	sshll.u32 s1, $0x11  }
0xba: {  	s0 =	sor.u32 s1, s0  }
0xbb: {  	s0 =	sadd.s32 $0x8F2B, s0  }
0xbc: {  	[sflag:s0] =	ssyncadd.remote.s32 $0x1  }
0xbd: {  	_ =	sfence.sel $0xFFFF  }
0xbe: {  	[dreg:$0x0] =	wrdreg $0xFFFFFFFF;
	(pc) =	sbr.abs _section_cstart, $3  }
0xbf: {  	[dreg:$0x1] =	wrdreg $0xFFFFFFFF  }
0xc0: {  	_ =	task.clear_ibuf [dreg:s6], $0x2FFFF;
	_ =	strace $0x9FFFFFFF  }
0xc1: {  	(tm) =	ssettm $0x7FFFFFFF  }
tec
execute0_lowered:
.L_overlay_start_1:
0x0: {  	(tag) =	ssettag $0x1  }
0x1: {  	s4 =	rddreg [dreg:$0x0]  }
0x2: {  	s0 =	rddreg [dreg:$0x1];
	s2 =	simm.s32 $0x0;
	s1 =	stileid.u32  }
0x3: {  	s3 =	srdreg.scid;
	s10 =	simm.s32 $0x0;
	s6 =	smul.u32 $0xC400, s1  }
0x4: {  	[smem:$0x7FF] =	sst s2;
	s5 =	sand.u32 $0x1, s3;
	s8 =	smul.u32 $0x6E400, s1  }
0x5: {  	s3 =	sadd.s32 $0x5E000, s4;
	s7 =	smul.u32 $0x6200, s5;
	s9 =	ssub.s32 $0x2, s5  }
0x6: {  	_ =	strace $0x8000005C;
	s5 =	smul.u32 $0x37200, s5;
	s31 =	sshrl.u32 s9, $0x1  }
0x7: {  	s8 =	sadd.s32 s8, s4;
	s6 =	sadd.s32 s7, s6;
	s7 =	ssub.s32 s9, s31  }
0x8: {  	s5 =	sadd.s32 s5, s8;
	s8 =	simm.s32 $0x80;
	s6 =	sshrl.u32 s6, $0x3  }
0x9: {  	s9 =	simm.s32 $0x1;
	s5 =	sadd.s32 $0x44A600, s5;
	s6 =	sadd.s32 s6, s4  }
0xa: {  	s4 =	smax.u32 s7, $0x1;
	s7 =	simm.s32 $0x2;
	s6 =	sadd.s32 $0xF0E00, s6  }
.LBB2_1:
0xb: {  	s11 =	sadd.s32 $0x0, s6  }
0xc: {  	[tilespmem:s2], [sflag:$0x2] =	stream.linear.gather [hbm4b:s11+s2], $0x80, $0x38;
	[tilespmem:$0x2480] =	vst v63  }
0xd: {  	_ =	swait.ge [sflag:s7], $0x80  }
0xe: {  	[sflag:s7] =	ssyncset.done $0x0  }
0xf: {  	[sflag:s7] =	ssyncadd.s32 $0xFFFFFF80  }
0x10: {  	[tilespmem:s8], [sflag:$0x1] =	stream.indirect.gather [hbm4b:s3+s8], $0x48, s2, s8, $0xb8;
	[tilespmem:$0x2480] =	vst v63  }
0x11: {  	_ =	swait.ge [sflag:s9], $0x2400  }
0x12: {  	[sflag:s9] =	ssyncset.done $0x0  }
0x13: {  	[sflag:s9] =	ssyncadd.s32 $0xFFFFDC00  }
0x14: {  	[hbm4b:s5+s2] =	stream.linear.scatter [tilespmem:s8], [sflag:$0x2], $0x2400, $0x38;
	[tilespmem:$0x2480] =	vst v63  }
0x15: {  	s12 =	simm.s32 $0x10;
	_ =	swait.ge [sflag:s7], $0x2400  }
0x16: {  	s13 =	simm.s32 $0x20;
	s11 =	sadd.s32 $0x480, s5;
	[sflag:s7] =	ssyncset.done $0x0  }
.LBB2_2:
0x17: {  	s14 =	sadd.s32 s12, s6  }
0x18: {  	[sflag:s7] =	ssyncadd.s32 $0xFFFFDC00;
	s12 =	smov.u32 s13;
	s15 =	sadd.s32 $0x10, s13  }
0x19: {  	[tilespmem:s2], [sflag:$0x2] =	stream.linear.gather [hbm4b:s14+s2], $0x80, $0x38;
	[tilespmem:$0x2480] =	vst v63  }
0x1a: {  	p0 =	sne.s32 s13, $0xC30;
	_ =	swait.ge [sflag:s7], $0x80  }
0x1b: {  	[sflag:s7] =	ssyncset.done $0x0  }
0x1c: {  	[sflag:s7] =	ssyncadd.s32 $0xFFFFFF80  }
0x1d: {  	[tilespmem:s8], [sflag:$0x1] =	stream.indirect.gather [hbm4b:s3+s8], $0x48, s2, s8, $0xb8;
	[tilespmem:$0x2480] =	vst v63  }
0x1e: {  	_ =	swait.ge [sflag:s9], $0x2400  }
.Ltmp0:
0x1f: {  	[sflag:s9] =	ssyncset.done $0x0;
	(pc) =	sbr.rel @p0 .LBB2_2-.Ltmp0, $4  }
0x20: {  	[sflag:s9] =	ssyncadd.s32 $0xFFFFDC00  }
0x21: {  	[hbm4b:s11+s2] =	stream.linear.scatter [tilespmem:s8], [sflag:$0x2], $0x2400, $0x38;
	[tilespmem:$0x2480] =	vst v63  }
0x22: {  	_ =	swait.ge [sflag:s7], $0x2400  }
0x23: {  	s13 =	smov.u32 s15;
	s11 =	sadd.s32 $0x480, s11;
	[sflag:s7] =	ssyncset.done $0x0  }
0x24: {  	s12 =	sadd.s32 s12, s6;
	[sflag:s7] =	ssyncadd.s32 $0xFFFFDC00  }
0x25: {  	[tilespmem:s2], [sflag:$0x2] =	stream.linear.gather [hbm4b:s12+s2], $0x80, $0x38;
	[tilespmem:$0x2480] =	vst v63  }
0x26: {  	_ =	swait.ge [sflag:s7], $0x80  }
0x27: {  	[sflag:s7] =	ssyncset.done $0x0  }
0x28: {  	[sflag:s7] =	ssyncadd.s32 $0xFFFFFF80  }
0x29: {  	[tilespmem:s8], [sflag:$0x1] =	stream.indirect.gather [hbm4b:s3+s8], $0x48, s2, s8, $0xb8;
	[tilespmem:$0x2480] =	vst v63  }
0x2a: {  	s10 =	sadd.s32 $0x1, s10;
	_ =	swait.ge [sflag:s9], $0x2400  }
0x2b: {  	p0 =	sne.s32 s10, s4;
	[sflag:s9] =	ssyncset.done $0x0  }
.Ltmp1:
0x2c: {  	[sflag:s9] =	ssyncadd.s32 $0xFFFFDC00;
	(pc) =	sbr.rel @p0 .LBB2_1-.Ltmp1, $4  }
0x2d: {  	[hbm4b:s11+s2] =	stream.linear.scatter [tilespmem:s8], [sflag:$0x2], $0x2400, $0x38;
	[tilespmem:$0x2480] =	vst v63  }
0x2e: {  	_ =	swait.ge [sflag:s7], $0x2400  }
0x2f: {  	[sflag:s7] =	ssyncset.done $0x0  }
0x30: {  	[sflag:s7] =	ssyncadd.s32 $0xFFFFDC00  }
0x31: {  	_ =	sfence.sel $0x180000  }
0x32: {  	[bflag:$0x0] =	sbarrier.arrive $0xFFFF  }
0x33: {  	p0 =	sne.s32 s1, $0x0;
	_ =	strace $0x9000005C  }
0x34: {  	s0 =	sadd.s32 @!p0 $0x100000, s0;
	[bflag:$0x2] =	sbarrier.arrive $0xFFFF  }
0x35: {  	[sflag:s0] =	ssyncadd.tile.s32 @!p0 $0x1;
	_ =	shalt  }
.Lfunc_end2:
_tile_overlayer_lowered:
.L_overlay_start_2:
0x36: {  	(tag) =	ssettag $0x2  }
0x37: {  	s0 =	rddreg [dreg:$0x0];
	s2 =	stileid.u32  }
0x38: {  	s1 =	rddreg [dreg:$0x1];
	p0 =	sne.s32 s2, $0x0  }
0x39: {  	s3 =	rddreg [dreg:$0x2];
	[bflag:$0x3] =	sbarrier.arrive $0xFFFF;
	s2 =	simm.s32 @!p0 $0x1C02  }
0x3a: {  	[timem:s3], [sflag:s2] =	dma.local @!p0 [hbm:s0], s1  }
0x3b: {  	s0 =	simm.s32 @!p0 $0x2  }
0x3c: {  	_ =	swait.ge @!p0 [sflag:s0], s1  }
0x3d: {  	s1 =	ssub.s32 @!p0 $0x0, s1;
	[sflag:s0] =	ssyncset.done @!p0 $0x0  }
0x3e: {  	[sflag:s0] =	ssyncadd.s32 @!p0 s1  }
0x3f: {  	[bflag:$0x3] =	sbarrier.arrive $0xFFFF  }
0x40: {  	_ =	shalt  }

// kernel: kernel.47.cloned.1.call-start
scs
__scs_entry_jumppad:
0x0: {  	(pc) =	sbr.rel $0x88, $3  }
0x1: {  	(tag) =	ssettag $0x0;
	lr =	simm.s32 $0x1  }
0x2: {  	[smem:$0x3F91] =	sst lr;
	_ =	strace $0xD0000000  }
0x3: {  	_ = 	snop  }
0x4: {  	_ = 	snop  }
0x5: {  	_ = 	snop  }
0x6: {  	_ = 	snop  }
0x7: {  	_ = 	snop  }
__scs_overlays_trampoline_lowered:
0x8: {  	[smem:$0x3FA0] =	sst s0  }
0x9: {  	[smem:$0x3FA1] =	sst s1  }
0xa: {  	[smem:$0x3FA2] =	sst s2  }
0xb: {  	[smem:$0x3FA3] =	sst s3  }
0xc: {  	[smem:$0x3FA4] =	sst s4  }
0xd: {  	[smem:$0x3FA5] =	sst s5  }
0xe: {  	[smem:$0x3FA6] =	sst s6  }
0xf: {  	[smem:$0x3FA7] =	sst s7  }
0x10: {  	[smem:$0x3FA8] =	sst s8  }
0x11: {  	[smem:$0x3FA9] =	sst s9;
	s0 =	simm.s32 @!p0 $0x0  }
0x12: {  	s1 =	sld [smem:$0x3F8F];
	s0 =	simm.s32 @p0 $0x1  }
0x13: {  	[smem:$0x3FAA] =	sst s0;
	s0 =	simm.s32 @!p1 $0x0  }
0x14: {  	s2 =	sld [smem:$0x3F8E];
	s0 =	simm.s32 @p1 $0x1  }
0x15: {  	[smem:$0x3FAB] =	sst s0;
	s0 =	simm.s32 @!p2 $0x0  }
0x16: {  	s3 =	sld [smem:$0x3FDB];
	s0 =	simm.s32 @p2 $0x1  }
0x17: {  	s4 =	simm.s32 $0x1BF5;
	[smem:$0x3FAD] =	sst s0  }
0x18: {  	s0 =	sld [smem:$0x3F90];
	_ =	swait.ge [sflag:s4], $0x0  }
0x19: {  	s7 =	sld [smem:$0x3F91]  }
0x1a: {  	s8 =	sadd.s32 $0xFFFFE003, lr  }
0x1b: {  	s9 =	sadd.s32 $0xFFFFFEF7, lr;
	s5 =	simm.s32 $0xFFFFFFFF;
	p2 =	slt.u32 s8, $0xFFFFF086  }
0x1c: {  	p1 =	slt.u32 s9, $0xF7A;
	s5 =	simm.s32 @!p2 $0x0  }
0x1d: {  	s5 =	simm.s32 @p1 $0x1;
	p0 =	seq.s32 s7, s2  }
0x1e: {  	s7 =	smul.u32 @!p0 $0xF7A, s2;
	p2 =	seq.s32 @!p0 s5, $0x0  }
0x1f: {  	s9 =	smul.u32 $0xF7A, s1;
	s8 =	simm.s32 @!p0 $0x1BF5;
	p2 =	por !p2, p0  }
0x20: {  	[sflag:s8] =	ssyncset.s32 @!p0 $0xFFFFF086;
	s6 =	sadd.s32 @!p0 s3, s7;
	s7 =	simm.s32 @!p0 $0x108  }
0x21: {  	s3 =	sadd.s32 s3, s9;
	s6 =	sadd.s32 @!p0 $0x88, s6;
	s7 =	simm.s32 @p2 $0x1082  }
0x22: {  	[simem:s7], [sflag:s8] =	dma.local @!p0 [hbm:s6], $0xF7A  }
0x23: {  	s9 =	sor.u32 $0xD0000000, s2;
	s6 =	simm.s32 $0x108;
	_ =	swait.ge @!p0 [sflag:s8], $0x0  }
0x24: {  	s3 =	sadd.s32 $0x88, s3;
	s6 =	simm.s32 @!p1 $0x1082;
	[sflag:s4] =	ssyncset.s32 $0xFFFFF086  }
0x25: {  	[simem:s6], [sflag:s4] =	dma.local [hbm:s3], $0xF7A  }
0x26: {  	[smem:$0x3F91] =	sst s1;
	(tag) =	ssettag s2;
	_ =	strace s9  }
0x27: {  	s1 =	sld [smem:$0x3FA1]  }
0x28: {  	s2 =	sld [smem:$0x3FA2]  }
0x29: {  	s4 =	sld [smem:$0x3FA4]  }
0x2a: {  	p0 =	seq.s32 s5, $0x0;
	s5 =	sld [smem:$0x3FA5]  }
0x2b: {  	s6 =	sld [smem:$0x3FA6]  }
0x2c: {  	s7 =	sld [smem:$0x3FA7]  }
0x2d: {  	s3 =	simm.s32 $0x108;
	s8 =	sld [smem:$0x3FA8]  }
0x2e: {  	s3 =	simm.s32 @!p0 $0x1082;
	s9 =	sld [smem:$0x3FA9]  }
0x2f: {  	lr =	sadd.s32 s0, s3;
	s0 =	sld [smem:$0x3FA0]  }
0x30: {  	s3 =	sld [smem:$0x3FA3]  }
0x31: {  	[smem:$0x3FAC] =	sst s10  }
0x32: {  	s10 =	sld [smem:$0x3FAA];
	_ =	sdelay $0x3  }
0x33: {  	p0 =	seq.s32 s10, $0x1;
	s10 =	sld [smem:$0x3FAC];
	_ =	sdelay $0x3  }
0x34: {  	[smem:$0x3FAC] =	sst s10  }
0x35: {  	s10 =	sld [smem:$0x3FAB];
	_ =	sdelay $0x3  }
0x36: {  	p1 =	seq.s32 s10, $0x1;
	s10 =	sld [smem:$0x3FAC];
	_ =	sdelay $0x3  }
0x37: {  	[smem:$0x3FAC] =	sst s10  }
0x38: {  	s10 =	sld [smem:$0x3FAD]  }
0x39: {  	_ = 	snop;
	(pc) =	sbr.ind lr, $3  }
0x3a: {  	_ = 	snop  }
0x3b: {  	_ = 	snop  }
0x3c: {  	p2 =	seq.s32 s10, $0x1;
	s10 =	sld [smem:$0x3FAC]  }
0x3d: {  	_ =	shalt  }
0x3e: {  	_ =	shalt  }
0x3f: {  	_ =	shalt  }
0x40: {  	_ =	shalt  }
0x41: {  	_ =	shalt  }
0x42: {  	_ =	shalt  }
0x43: {  	_ =	shalt  }
0x44: {  	_ =	shalt  }
0x45: {  	_ =	shalt  }
0x46: {  	_ =	shalt  }
0x47: {  	_ =	shalt  }
0x48: {  	_ =	shalt  }
0x49: {  	_ =	shalt  }
0x4a: {  	_ =	shalt  }
0x4b: {  	_ =	shalt  }
0x4c: {  	_ =	shalt  }
0x4d: {  	_ =	shalt  }
0x4e: {  	_ =	shalt  }
0x4f: {  	_ =	shalt  }
0x50: {  	_ =	shalt  }
0x51: {  	_ =	shalt  }
0x52: {  	_ =	shalt  }
0x53: {  	_ =	shalt  }
0x54: {  	_ =	shalt  }
0x55: {  	_ =	shalt  }
0x56: {  	_ =	shalt  }
0x57: {  	_ =	shalt  }
0x58: {  	_ =	shalt  }
0x59: {  	_ =	shalt  }
0x5a: {  	_ =	shalt  }
0x5b: {  	_ =	shalt  }
0x5c: {  	_ =	shalt  }
0x5d: {  	_ =	shalt  }
0x5e: {  	_ =	shalt  }
0x5f: {  	_ =	shalt  }
0x60: {  	_ =	shalt  }
0x61: {  	_ =	shalt  }
0x62: {  	_ =	shalt  }
0x63: {  	_ =	shalt  }
0x64: {  	_ =	shalt  }
0x65: {  	_ =	shalt  }
0x66: {  	_ =	shalt  }
0x67: {  	_ =	shalt  }
0x68: {  	_ =	shalt  }
0x69: {  	_ =	shalt  }
0x6a: {  	_ =	shalt  }
0x6b: {  	_ =	shalt  }
0x6c: {  	_ =	shalt  }
0x6d: {  	_ =	shalt  }
0x6e: {  	_ =	shalt  }
0x6f: {  	_ =	shalt  }
0x70: {  	_ =	shalt  }
0x71: {  	_ =	shalt  }
0x72: {  	_ =	shalt  }
0x73: {  	_ =	shalt  }
0x74: {  	_ =	shalt  }
0x75: {  	_ =	shalt  }
0x76: {  	_ =	shalt  }
0x77: {  	_ =	shalt  }
0x78: {  	_ =	shalt  }
0x79: {  	_ =	shalt  }
0x7a: {  	_ =	shalt  }
0x7b: {  	_ =	shalt  }
0x7c: {  	_ =	shalt  }
0x7d: {  	_ =	shalt  }
0x7e: {  	_ =	shalt  }
0x7f: {  	_ =	shalt  }
0x80: {  	_ =	shalt  }
0x81: {  	_ =	shalt  }
0x82: {  	_ =	shalt  }
0x83: {  	_ =	shalt  }
0x84: {  	_ =	shalt  }
0x85: {  	_ =	shalt  }
0x86: {  	_ =	shalt  }
0x87: {  	_ =	shalt  }
.Lfunc_end0:
.L_simem_size_0:
called_computation.8_lowered:
.L_overlay_start_0:
0x88: {  	s2 =	sld [smem:$0x3FD9]  }
0x89: {  	s3 =	sld [smem:$0x3FFE];
	_ =	sdelay $0x1  }
0x8a: {  	s1 =	srdreg.scid  }
0x8b: {  	s0 =	sand.u32 $0x1, s1  }
0x8c: {  	s17 =	sshll.u32 s0, $0xA;
	s2 =	sadd.s32 s3, s2  }
0x8d: {  	s2 =	sadd.s32 s2, s17  }
0x8e: {  	[smem:$0x3FB8] =	sst s2  }
0x8f: {  	_ = 	snop  }
0x90: {  	(tm) =	ssettm $0x1  }
0x91: {  	s18 =	sld [smem:$0x3FFB];
	_ =	sdelay $0x3  }
0x92: {  	_ =	strace s18  }
0x93: {  	s2 =	sld [smem:$0x3FFC];
	_ =	sdelay $0x3  }
0x94: {  	_ =	strace s2  }
0x95: {  	s2 =	sld [smem:$0x3FFD];
	_ =	sdelay $0x3  }
0x96: {  	_ =	strace s2  }
0x97: {  	_ =	strace $0x8FFFFFFF  }
0x98: {  	s19 =	sld [smem:$0x3FDB];
	_ =	sdelay $0x1  }
0x99: {  	s20 =	simm.s32 $_scs_section_size  }
0x9a: {  	s4 =	simm.s32 $_size__tile_overlayer_lowered;
	s5 =	simm.s32 $_tile_overlayer_lowered  }
0x9b: {  	s6 =	simm.s32 $0x1BFF;
	s21 =	sshll.u32 s5, $0x1;
	s3 =	sadd.s32 s20, s19  }
0x9c: {  	s22 =	simm.s32 $0x0;
	s4 =	sshll.u32 s4, $0x1;
	s5 =	sadd.s32 s21, s3  }
0x9d: {  	[timem:s22], [sflag:s6] =	dma.local [hbm:s5], s4  }
0x9e: {  	_ =	swait.ge [sflag:s6], s4  }
0x9f: {  	s4 =	ssub.s32 $0x0, s4;
	[sflag:s6] =	ssyncset.done $0x0  }
0xa0: {  	[sflag:s6] =	ssyncadd.s32 s4;
	_ =	sdelay $0x1  }
0xa1: {  	s23 =	simm.s32 $0x1B8B  }
0xa2: {  	_ =	swait.ge [sflag:s23], $0x1  }
0xa3: {  	[sflag:s23] =	ssyncset.done $0x0  }
0xa4: {  	[sflag:s23] =	ssyncadd.s32 $0xFFFFFFFF  }
0xa5: {  	s4 =	sld [smem:$0x0]  }
0xa6: {  	s5 =	sand.u32 $0xFFFFFFFE, s1  }
0xa7: {  	p0 =	sne.s32 s1, s5  }
0xa8: {  	s5 =	sshll.u32 @p0 s5, $0xE  }
0xa9: {  	s5 =	sadd.s32 @p0 $0x11B8D, s5;
	s6 =	sshll.u32 @p0 s4, $0x11  }
0xaa: {  	s5 =	sor.u32 @p0 s6, s5  }
0xab: {  	[sflag:s5] =	ssyncadd.remote.s32 @p0 $0x1;
	_ =	sdelay $0x1  }
0xac: {  	s5 =	simm.s32 @p0 $0x1B8D  }
0xad: {  	_ =	swait.eq @p0 [sflag:s5], $0x1  }
0xae: {  	[sflag:s5] =	ssyncadd.s32 @p0 $0xFFFFFFFF  }
0xaf: {  	s6 =	sshll.u32 @!p0 s1, $0xE  }
0xb0: {  	s6 =	sor.u32 @!p0 $0x4000, s6;
	s5 =	simm.s32 @!p0 $0x1B8D  }
0xb1: {  	s4 =	sshll.u32 @!p0 s4, $0x11;
	s6 =	sadd.s32 @!p0 $0x11B8D, s6;
	_ =	swait.eq @!p0 [sflag:s5], $0x1  }
0xb2: {  	s4 =	sor.u32 @!p0 s4, s6;
	[sflag:s5] =	ssyncadd.s32 @!p0 $0xFFFFFFFF  }
0xb3: {  	s25 =	simm.s32 $0x1B8E;
	s24 =	sld [smem:$0x3FFE];
	[sflag:s4] =	ssyncadd.remote.s32 @!p0 $0x1  }
0xb4: {  	s26 =	simm.s32 $execute0_lowered;
	[smem:$0x3FD2] =	sst s25  }
0xb5: {  	s5 =	sshll.u32 s26, $0x1;
	_ =	strace $0x8000005E;
	[dreg:$0x1] =	wrdreg $0xFFFFFFFF  }
0xb6: {  	s28 =	simm.s32 $_size_execute0_lowered;
	s3 =	sadd.s32 s3, s5;
	[dreg:$0x0] =	wrdreg $0x0  }
0xb7: {  	s5 =	sshll.u32 s28, $0x1;
	[dreg:$0x2] =	wrdreg s3  }
0xb8: {  	[dreg:$0x3] =	wrdreg s5  }
0xb9: {  	[dreg:$0x4] =	wrdreg $0xC0  }
0xba: {  	_ =	task [dreg:s22], $0x5FFFF  }
0xbb: {  	[dreg:$0x1] =	wrdreg $0xFFFFFFFF  }
0xbc: {  	[dreg:$0x0] =	wrdreg $0x60  }
0xbd: {  	[dreg:$0x2] =	wrdreg s24  }
0xbe: {  	[dreg:$0x3] =	wrdreg $0xA  }
0xbf: {  	_ =	task.clear_ibuf [dreg:s22], $0x4FFFF;
	_ =	strace $0x9000005E  }
0xc0: {  	s29 =	simm.s32 $0xA;
	_ =	strace $0x80000060  }
0xc1: {  	_ =	swait.ge [sflag:s29], $0x1  }
0xc2: {  	[sflag:s29] =	ssyncadd.s32 $0xFFFFFFFF  }
0xc3: {  	_ =	strace $0x90000060  }
0xc4: {  	_ =	sfence  }
0xc5: {  	s30 =	sld [smem:$0x0];
	_ =	sdelay $0x2  }
0xc6: {  	s31 =	sshll.u32 s1, $0xD;
	s1 =	sshrl.u32 s1, $0x2  }
0xc7: {  	s4 =	sand.u32 $0x4000, s31;
	s1 =	sadd.s32 s1, s30  }
0xc8: {  	s0 =	sor.u32 s4, s0;
	s1 =	sshll.u32 s1, $0x11  }
0xc9: {  	s0 =	sor.u32 s1, s0  }
0xca: {  	s0 =	sadd.s32 $0x8F2B, s0  }
0xcb: {  	[sflag:s0] =	ssyncadd.remote.s32 $0x1  }
0xcc: {  	_ =	sfence.sel $0xFFFF  }
0xcd: {  	[dreg:$0x0] =	wrdreg $0xFFFFFFFF;
	(pc) =	sbr.abs _section_cstart, $3  }
0xce: {  	[dreg:$0x1] =	wrdreg $0xFFFFFFFF  }
0xcf: {  	_ =	task.clear_ibuf [dreg:s22], $0x2FFFF;
	_ =	strace $0x9FFFFFFF  }
0xd0: {  	(tm) =	ssettm $0x7FFFFFFF  }
0xd1: {  	_ =	shalt  }
tec
execute0_lowered:
.L_overlay_start_1:
0x0: {  	(tag) =	ssettag $0x1  }
0x1: {  	s1 =	srdreg.scid  }
0x2: {  	s0 =	stileid.u32;
	s4 =	rddreg [dreg:$0x0];
	s2 =	simm.s32 $0x0  }
0x3: {  	s9 =	simm.s32 $0x1;
	s3 =	sand.u32 $0x1, s1;
	s5 =	smul.u32 $0xC400, s0  }
0x4: {  	s10 =	simm.s32 $0x0;
	[smem:$0x7FF] =	sst s2;
	s6 =	smul.u32 $0x6200, s3  }
0x5: {  	s1 =	rddreg [dreg:$0x1];
	s7 =	ssub.s32 $0x2, s3;
	_ =	strace $0x8000005F  }
0x6: {  	s3 =	sadd.s32 $0xCC400, s4;
	s30 =	sshrl.u32 s7, $0x1;
	s5 =	sadd.s32 s6, s5  }
0x7: {  	s6 =	ssub.s32 s7, s30;
	s7 =	simm.s32 $0x2;
	s8 =	sshrl.u32 s5, $0x3  }
0x8: {  	s5 =	sadd.s32 s5, s4;
	s31 =	sadd.s32 s8, s4;
	s4 =	smax.u32 s6, $0x1  }
0x9: {  	s5 =	sadd.s32 $0x109600, s5;
	s8 =	simm.s32 $0x80;
	s6 =	sadd.s32 $0x14600, s31  }
.LBB2_1:
0xa: {  	s11 =	sadd.s32 $0x0, s6  }
0xb: {  	[tilespmem:s2], [sflag:$0x2] =	stream.linear.gather [hbm4b:s11+s2], $0x80, $0x38;
	[tilespmem:$0x480] =	vst v63  }
0xc: {  	_ =	swait.ge [sflag:s7], $0x80  }
0xd: {  	[sflag:s7] =	ssyncset.done $0x0  }
0xe: {  	[sflag:s7] =	ssyncadd.s32 $0xFFFFFF80  }
0xf: {  	[tilespmem:s8], [sflag:$0x1] =	stream.indirect.gather [hbm4b:s3+s8], $0x8, s2, s8, $0xb8;
	[tilespmem:$0x480] =	vst v63  }
0x10: {  	_ =	swait.ge [sflag:s9], $0x400  }
0x11: {  	[sflag:s9] =	ssyncset.done $0x0  }
0x12: {  	[sflag:s9] =	ssyncadd.s32 $0xFFFFFC00  }
0x13: {  	[hbm4b:s5+s2] =	stream.linear.scatter [tilespmem:s8], [sflag:$0x2], $0x400, $0x38;
	[tilespmem:$0x480] =	vst v63  }
0x14: {  	s12 =	simm.s32 $0x10;
	_ =	swait.ge [sflag:s7], $0x400  }
0x15: {  	s13 =	simm.s32 $0x20;
	s11 =	sadd.s32 $0x80, s5;
	[sflag:s7] =	ssyncset.done $0x0  }
.LBB2_2:
0x16: {  	s14 =	sadd.s32 s12, s6  }
0x17: {  	[sflag:s7] =	ssyncadd.s32 $0xFFFFFC00;
	s12 =	smov.u32 s13;
	s15 =	sadd.s32 $0x10, s13  }
0x18: {  	[tilespmem:s2], [sflag:$0x2] =	stream.linear.gather [hbm4b:s14+s2], $0x80, $0x38;
	[tilespmem:$0x480] =	vst v63  }
0x19: {  	p0 =	sne.s32 s13, $0xC30;
	_ =	swait.ge [sflag:s7], $0x80  }
0x1a: {  	[sflag:s7] =	ssyncset.done $0x0  }
0x1b: {  	[sflag:s7] =	ssyncadd.s32 $0xFFFFFF80  }
0x1c: {  	[tilespmem:s8], [sflag:$0x1] =	stream.indirect.gather [hbm4b:s3+s8], $0x8, s2, s8, $0xb8;
	[tilespmem:$0x480] =	vst v63  }
0x1d: {  	_ =	swait.ge [sflag:s9], $0x400  }
.Ltmp0:
0x1e: {  	[sflag:s9] =	ssyncset.done $0x0;
	(pc) =	sbr.rel @p0 .LBB2_2-.Ltmp0, $4  }
0x1f: {  	[sflag:s9] =	ssyncadd.s32 $0xFFFFFC00  }
0x20: {  	[hbm4b:s11+s2] =	stream.linear.scatter [tilespmem:s8], [sflag:$0x2], $0x400, $0x38;
	[tilespmem:$0x480] =	vst v63  }
0x21: {  	_ =	swait.ge [sflag:s7], $0x400  }
0x22: {  	s13 =	smov.u32 s15;
	s11 =	sadd.s32 $0x80, s11;
	[sflag:s7] =	ssyncset.done $0x0  }
0x23: {  	s12 =	sadd.s32 s12, s6;
	[sflag:s7] =	ssyncadd.s32 $0xFFFFFC00  }
0x24: {  	[tilespmem:s2], [sflag:$0x2] =	stream.linear.gather [hbm4b:s12+s2], $0x80, $0x38;
	[tilespmem:$0x480] =	vst v63  }
0x25: {  	_ =	swait.ge [sflag:s7], $0x80  }
0x26: {  	[sflag:s7] =	ssyncset.done $0x0  }
0x27: {  	[sflag:s7] =	ssyncadd.s32 $0xFFFFFF80  }
0x28: {  	[tilespmem:s8], [sflag:$0x1] =	stream.indirect.gather [hbm4b:s3+s8], $0x8, s2, s8, $0xb8;
	[tilespmem:$0x480] =	vst v63  }
0x29: {  	s10 =	sadd.s32 $0x1, s10;
	_ =	swait.ge [sflag:s9], $0x400  }
0x2a: {  	p0 =	sne.s32 s10, s4;
	[sflag:s9] =	ssyncset.done $0x0  }
.Ltmp1:
0x2b: {  	[sflag:s9] =	ssyncadd.s32 $0xFFFFFC00;
	(pc) =	sbr.rel @p0 .LBB2_1-.Ltmp1, $4  }
0x2c: {  	[hbm4b:s11+s2] =	stream.linear.scatter [tilespmem:s8], [sflag:$0x2], $0x400, $0x38;
	[tilespmem:$0x480] =	vst v63  }
0x2d: {  	_ =	swait.ge [sflag:s7], $0x400  }
0x2e: {  	[sflag:s7] =	ssyncset.done $0x0  }
0x2f: {  	[sflag:s7] =	ssyncadd.s32 $0xFFFFFC00  }
0x30: {  	_ =	sfence.sel $0x180000  }
0x31: {  	[bflag:$0x0] =	sbarrier.arrive $0xFFFF  }
0x32: {  	p0 =	sne.s32 s0, $0x0;
	_ =	strace $0x9000005F  }
0x33: {  	s0 =	sadd.s32 @!p0 $0x100000, s1;
	[bflag:$0x2] =	sbarrier.arrive $0xFFFF  }
0x34: {  	[sflag:s0] =	ssyncadd.tile.s32 @!p0 $0x1;
	_ =	shalt  }
.Lfunc_end2:
_tile_overlayer_lowered:
.L_overlay_start_2:
0x35: {  	(tag) =	ssettag $0x2  }
0x36: {  	s0 =	rddreg [dreg:$0x0];
	s2 =	stileid.u32  }
0x37: {  	s1 =	rddreg [dreg:$0x1];
	p0 =	sne.s32 s2, $0x0  }
0x38: {  	s3 =	rddreg [dreg:$0x2];
	[bflag:$0x3] =	sbarrier.arrive $0xFFFF;
	s2 =	simm.s32 @!p0 $0x1C02  }
0x39: {  	[timem:s3], [sflag:s2] =	dma.local @!p0 [hbm:s0], s1  }
0x3a: {  	s0 =	simm.s32 @!p0 $0x2  }
0x3b: {  	_ =	swait.ge @!p0 [sflag:s0], s1  }
0x3c: {  	s1 =	ssub.s32 @!p0 $0x0, s1;
	[sflag:s0] =	ssyncset.done @!p0 $0x0  }
0x3d: {  	[sflag:s0] =	ssyncadd.s32 @!p0 s1  }
0x3e: {  	[bflag:$0x3] =	sbarrier.arrive $0xFFFF  }
0x3f: {  	_ =	shalt  }

// kernel: kernel.50.cloned.1.call-start
scs
__scs_entry_jumppad:
0x0: {  	(pc) =	sbr.rel $0x88, $3  }
0x1: {  	(tag) =	ssettag $0x0;
	lr =	simm.s32 $0x1  }
0x2: {  	[smem:$0x3F91] =	sst lr;
	_ =	strace $0xD0000000  }
0x3: {  	_ = 	snop  }
0x4: {  	_ = 	snop  }
0x5: {  	_ = 	snop  }
0x6: {  	_ = 	snop  }
0x7: {  	_ = 	snop  }
__scs_overlays_trampoline_lowered:
0x8: {  	[smem:$0x3FA0] =	sst s0  }
0x9: {  	[smem:$0x3FA1] =	sst s1  }
0xa: {  	[smem:$0x3FA2] =	sst s2  }
0xb: {  	[smem:$0x3FA3] =	sst s3  }
0xc: {  	[smem:$0x3FA4] =	sst s4  }
0xd: {  	[smem:$0x3FA5] =	sst s5  }
0xe: {  	[smem:$0x3FA6] =	sst s6  }
0xf: {  	[smem:$0x3FA7] =	sst s7  }
0x10: {  	[smem:$0x3FA8] =	sst s8  }
0x11: {  	[smem:$0x3FA9] =	sst s9;
	s0 =	simm.s32 @!p0 $0x0  }
0x12: {  	s1 =	sld [smem:$0x3F8F];
	s0 =	simm.s32 @p0 $0x1  }
0x13: {  	[smem:$0x3FAA] =	sst s0;
	s0 =	simm.s32 @!p1 $0x0  }
0x14: {  	s2 =	sld [smem:$0x3F8E];
	s0 =	simm.s32 @p1 $0x1  }
0x15: {  	[smem:$0x3FAB] =	sst s0;
	s0 =	simm.s32 @!p2 $0x0  }
0x16: {  	s3 =	sld [smem:$0x3FDB];
	s0 =	simm.s32 @p2 $0x1  }
0x17: {  	s4 =	simm.s32 $0x1BF5;
	[smem:$0x3FAD] =	sst s0  }
0x18: {  	s0 =	sld [smem:$0x3F90];
	_ =	swait.ge [sflag:s4], $0x0  }
0x19: {  	s7 =	sld [smem:$0x3F91]  }
0x1a: {  	s8 =	sadd.s32 $0xFFFFE003, lr  }
0x1b: {  	s9 =	sadd.s32 $0xFFFFFEF7, lr;
	s5 =	simm.s32 $0xFFFFFFFF;
	p2 =	slt.u32 s8, $0xFFFFF086  }
0x1c: {  	p1 =	slt.u32 s9, $0xF7A;
	s5 =	simm.s32 @!p2 $0x0  }
0x1d: {  	s5 =	simm.s32 @p1 $0x1;
	p0 =	seq.s32 s7, s2  }
0x1e: {  	s7 =	smul.u32 @!p0 $0xF7A, s2;
	p2 =	seq.s32 @!p0 s5, $0x0  }
0x1f: {  	s9 =	smul.u32 $0xF7A, s1;
	s8 =	simm.s32 @!p0 $0x1BF5;
	p2 =	por !p2, p0  }
0x20: {  	[sflag:s8] =	ssyncset.s32 @!p0 $0xFFFFF086;
	s6 =	sadd.s32 @!p0 s3, s7;
	s7 =	simm.s32 @!p0 $0x108  }
0x21: {  	s3 =	sadd.s32 s3, s9;
	s6 =	sadd.s32 @!p0 $0x88, s6;
	s7 =	simm.s32 @p2 $0x1082  }
0x22: {  	[simem:s7], [sflag:s8] =	dma.local @!p0 [hbm:s6], $0xF7A  }
0x23: {  	s9 =	sor.u32 $0xD0000000, s2;
	s6 =	simm.s32 $0x108;
	_ =	swait.ge @!p0 [sflag:s8], $0x0  }
0x24: {  	s3 =	sadd.s32 $0x88, s3;
	s6 =	simm.s32 @!p1 $0x1082;
	[sflag:s4] =	ssyncset.s32 $0xFFFFF086  }
0x25: {  	[simem:s6], [sflag:s4] =	dma.local [hbm:s3], $0xF7A  }
0x26: {  	[smem:$0x3F91] =	sst s1;
	(tag) =	ssettag s2;
	_ =	strace s9  }
0x27: {  	s1 =	sld [smem:$0x3FA1]  }
0x28: {  	s2 =	sld [smem:$0x3FA2]  }
0x29: {  	s4 =	sld [smem:$0x3FA4]  }
0x2a: {  	p0 =	seq.s32 s5, $0x0;
	s5 =	sld [smem:$0x3FA5]  }
0x2b: {  	s6 =	sld [smem:$0x3FA6]  }
0x2c: {  	s7 =	sld [smem:$0x3FA7]  }
0x2d: {  	s3 =	simm.s32 $0x108;
	s8 =	sld [smem:$0x3FA8]  }
0x2e: {  	s3 =	simm.s32 @!p0 $0x1082;
	s9 =	sld [smem:$0x3FA9]  }
0x2f: {  	lr =	sadd.s32 s0, s3;
	s0 =	sld [smem:$0x3FA0]  }
0x30: {  	s3 =	sld [smem:$0x3FA3]  }
0x31: {  	[smem:$0x3FAC] =	sst s10  }
0x32: {  	s10 =	sld [smem:$0x3FAA];
	_ =	sdelay $0x3  }
0x33: {  	p0 =	seq.s32 s10, $0x1;
	s10 =	sld [smem:$0x3FAC];
	_ =	sdelay $0x3  }
0x34: {  	[smem:$0x3FAC] =	sst s10  }
0x35: {  	s10 =	sld [smem:$0x3FAB];
	_ =	sdelay $0x3  }
0x36: {  	p1 =	seq.s32 s10, $0x1;
	s10 =	sld [smem:$0x3FAC];
	_ =	sdelay $0x3  }
0x37: {  	[smem:$0x3FAC] =	sst s10  }
0x38: {  	s10 =	sld [smem:$0x3FAD]  }
0x39: {  	_ = 	snop;
	(pc) =	sbr.ind lr, $3  }
0x3a: {  	_ = 	snop  }
0x3b: {  	_ = 	snop  }
0x3c: {  	p2 =	seq.s32 s10, $0x1;
	s10 =	sld [smem:$0x3FAC]  }
0x3d: {  	_ =	shalt  }
0x3e: {  	_ =	shalt  }
0x3f: {  	_ =	shalt  }
0x40: {  	_ =	shalt  }
0x41: {  	_ =	shalt  }
0x42: {  	_ =	shalt  }
0x43: {  	_ =	shalt  }
0x44: {  	_ =	shalt  }
0x45: {  	_ =	shalt  }
0x46: {  	_ =	shalt  }
0x47: {  	_ =	shalt  }
0x48: {  	_ =	shalt  }
0x49: {  	_ =	shalt  }
0x4a: {  	_ =	shalt  }
0x4b: {  	_ =	shalt  }
0x4c: {  	_ =	shalt  }
0x4d: {  	_ =	shalt  }
0x4e: {  	_ =	shalt  }
0x4f: {  	_ =	shalt  }
0x50: {  	_ =	shalt  }
0x51: {  	_ =	shalt  }
0x52: {  	_ =	shalt  }
0x53: {  	_ =	shalt  }
0x54: {  	_ =	shalt  }
0x55: {  	_ =	shalt  }
0x56: {  	_ =	shalt  }
0x57: {  	_ =	shalt  }
0x58: {  	_ =	shalt  }
0x59: {  	_ =	shalt  }
0x5a: {  	_ =	shalt  }
0x5b: {  	_ =	shalt  }
0x5c: {  	_ =	shalt  }
0x5d: {  	_ =	shalt  }
0x5e: {  	_ =	shalt  }
0x5f: {  	_ =	shalt  }
0x60: {  	_ =	shalt  }
0x61: {  	_ =	shalt  }
0x62: {  	_ =	shalt  }
0x63: {  	_ =	shalt  }
0x64: {  	_ =	shalt  }
0x65: {  	_ =	shalt  }
0x66: {  	_ =	shalt  }
0x67: {  	_ =	shalt  }
0x68: {  	_ =	shalt  }
0x69: {  	_ =	shalt  }
0x6a: {  	_ =	shalt  }
0x6b: {  	_ =	shalt  }
0x6c: {  	_ =	shalt  }
0x6d: {  	_ =	shalt  }
0x6e: {  	_ =	shalt  }
0x6f: {  	_ =	shalt  }
0x70: {  	_ =	shalt  }
0x71: {  	_ =	shalt  }
0x72: {  	_ =	shalt  }
0x73: {  	_ =	shalt  }
0x74: {  	_ =	shalt  }
0x75: {  	_ =	shalt  }
0x76: {  	_ =	shalt  }
0x77: {  	_ =	shalt  }
0x78: {  	_ =	shalt  }
0x79: {  	_ =	shalt  }
0x7a: {  	_ =	shalt  }
0x7b: {  	_ =	shalt  }
0x7c: {  	_ =	shalt  }
0x7d: {  	_ =	shalt  }
0x7e: {  	_ =	shalt  }
0x7f: {  	_ =	shalt  }
0x80: {  	_ =	shalt  }
0x81: {  	_ =	shalt  }
0x82: {  	_ =	shalt  }
0x83: {  	_ =	shalt  }
0x84: {  	_ =	shalt  }
0x85: {  	_ =	shalt  }
0x86: {  	_ =	shalt  }
0x87: {  	_ =	shalt  }
.Lfunc_end0:
.L_simem_size_0:
called_computation.9_lowered:
.L_overlay_start_0:
0x88: {  	s2 =	sld [smem:$0x3FD9]  }
0x89: {  	s3 =	sld [smem:$0x3FFE];
	_ =	sdelay $0x1  }
0x8a: {  	s1 =	srdreg.scid  }
0x8b: {  	s0 =	sand.u32 $0x1, s1  }
0x8c: {  	s17 =	sshll.u32 s0, $0xA;
	s2 =	sadd.s32 s3, s2  }
0x8d: {  	s2 =	sadd.s32 s2, s17  }
0x8e: {  	[smem:$0x3FB8] =	sst s2  }
0x8f: {  	_ = 	snop  }
0x90: {  	(tm) =	ssettm $0x1  }
0x91: {  	s18 =	sld [smem:$0x3FFB];
	_ =	sdelay $0x3  }
0x92: {  	_ =	strace s18  }
0x93: {  	s2 =	sld [smem:$0x3FFC];
	_ =	sdelay $0x3  }
0x94: {  	_ =	strace s2  }
0x95: {  	s2 =	sld [smem:$0x3FFD];
	_ =	sdelay $0x3  }
0x96: {  	_ =	strace s2  }
0x97: {  	_ =	strace $0x8FFFFFFF  }
0x98: {  	s19 =	sld [smem:$0x3FDB];
	_ =	sdelay $0x1  }
0x99: {  	s20 =	simm.s32 $_scs_section_size  }
0x9a: {  	s4 =	simm.s32 $_size__tile_overlayer_lowered;
	s5 =	simm.s32 $_tile_overlayer_lowered  }
0x9b: {  	s6 =	simm.s32 $0x1BFF;
	s21 =	sshll.u32 s5, $0x1;
	s3 =	sadd.s32 s20, s19  }
0x9c: {  	s22 =	simm.s32 $0x0;
	s4 =	sshll.u32 s4, $0x1;
	s5 =	sadd.s32 s21, s3  }
0x9d: {  	[timem:s22], [sflag:s6] =	dma.local [hbm:s5], s4  }
0x9e: {  	_ =	swait.ge [sflag:s6], s4  }
0x9f: {  	s4 =	ssub.s32 $0x0, s4;
	[sflag:s6] =	ssyncset.done $0x0  }
0xa0: {  	[sflag:s6] =	ssyncadd.s32 s4;
	_ =	sdelay $0x1  }
0xa1: {  	s23 =	simm.s32 $0x1B8B  }
0xa2: {  	_ =	swait.ge [sflag:s23], $0x1  }
0xa3: {  	[sflag:s23] =	ssyncset.done $0x0  }
0xa4: {  	[sflag:s23] =	ssyncadd.s32 $0xFFFFFFFF  }
0xa5: {  	s4 =	sld [smem:$0x0]  }
0xa6: {  	s5 =	sand.u32 $0xFFFFFFFE, s1  }
0xa7: {  	p0 =	sne.s32 s1, s5  }
0xa8: {  	s5 =	sshll.u32 @p0 s5, $0xE  }
0xa9: {  	s5 =	sadd.s32 @p0 $0x11B8D, s5;
	s6 =	sshll.u32 @p0 s4, $0x11  }
0xaa: {  	s5 =	sor.u32 @p0 s6, s5  }
0xab: {  	[sflag:s5] =	ssyncadd.remote.s32 @p0 $0x1;
	_ =	sdelay $0x1  }
0xac: {  	s5 =	simm.s32 @p0 $0x1B8D  }
0xad: {  	_ =	swait.eq @p0 [sflag:s5], $0x1  }
0xae: {  	[sflag:s5] =	ssyncadd.s32 @p0 $0xFFFFFFFF  }
0xaf: {  	s6 =	sshll.u32 @!p0 s1, $0xE  }
0xb0: {  	s6 =	sor.u32 @!p0 $0x4000, s6;
	s5 =	simm.s32 @!p0 $0x1B8D  }
0xb1: {  	s4 =	sshll.u32 @!p0 s4, $0x11;
	s6 =	sadd.s32 @!p0 $0x11B8D, s6;
	_ =	swait.eq @!p0 [sflag:s5], $0x1  }
0xb2: {  	s4 =	sor.u32 @!p0 s4, s6;
	[sflag:s5] =	ssyncadd.s32 @!p0 $0xFFFFFFFF  }
0xb3: {  	s25 =	simm.s32 $0x1B8E;
	s24 =	sld [smem:$0x3FFE];
	[sflag:s4] =	ssyncadd.remote.s32 @!p0 $0x1  }
0xb4: {  	s26 =	simm.s32 $execute0_lowered;
	[smem:$0x3FD2] =	sst s25  }
0xb5: {  	s5 =	sshll.u32 s26, $0x1;
	_ =	strace $0x80000064;
	[dreg:$0x1] =	wrdreg $0xFFFFFFFF  }
0xb6: {  	s28 =	simm.s32 $_size_execute0_lowered;
	s3 =	sadd.s32 s3, s5;
	[dreg:$0x0] =	wrdreg $0x0  }
0xb7: {  	s5 =	sshll.u32 s28, $0x1;
	[dreg:$0x2] =	wrdreg s3  }
0xb8: {  	[dreg:$0x3] =	wrdreg s5  }
0xb9: {  	[dreg:$0x4] =	wrdreg $0xC0  }
0xba: {  	_ =	task [dreg:s22], $0x5FFFF  }
0xbb: {  	[dreg:$0x1] =	wrdreg $0xFFFFFFFF  }
0xbc: {  	[dreg:$0x0] =	wrdreg $0x60  }
0xbd: {  	[dreg:$0x2] =	wrdreg s24  }
0xbe: {  	[dreg:$0x3] =	wrdreg $0x4800  }
0xbf: {  	[dreg:$0x4] =	wrdreg $0x9  }
0xc0: {  	_ =	task.clear_ibuf [dreg:s22], $0x5FFFF;
	_ =	strace $0x90000064  }
0xc1: {  	s29 =	simm.s32 $0x9;
	_ =	strace $0x80000066  }
0xc2: {  	_ =	swait.ge [sflag:s29], $0x1  }
0xc3: {  	[sflag:s29] =	ssyncadd.s32 $0xFFFFFFFF  }
0xc4: {  	_ =	strace $0x90000066  }
0xc5: {  	_ =	sfence  }
0xc6: {  	s30 =	sld [smem:$0x0];
	_ =	sdelay $0x2  }
0xc7: {  	s31 =	sshll.u32 s1, $0xD;
	s1 =	sshrl.u32 s1, $0x2  }
0xc8: {  	s4 =	sand.u32 $0x4000, s31;
	s1 =	sadd.s32 s1, s30  }
0xc9: {  	s0 =	sor.u32 s4, s0;
	s1 =	sshll.u32 s1, $0x11  }
0xca: {  	s0 =	sor.u32 s1, s0  }
0xcb: {  	s0 =	sadd.s32 $0x8F2B, s0  }
0xcc: {  	[sflag:s0] =	ssyncadd.remote.s32 $0x1  }
0xcd: {  	_ =	sfence.sel $0xFFFF  }
0xce: {  	[dreg:$0x0] =	wrdreg $0xFFFFFFFF;
	(pc) =	sbr.abs _section_cstart, $3  }
0xcf: {  	[dreg:$0x1] =	wrdreg $0xFFFFFFFF  }
0xd0: {  	_ =	task.clear_ibuf [dreg:s22], $0x2FFFF;
	_ =	strace $0x9FFFFFFF  }
0xd1: {  	(tm) =	ssettm $0x7FFFFFFF  }
tec
execute0_lowered:
.L_overlay_start_1:
0x0: {  	(tag) =	ssettag $0x1  }
0x1: {  	s0 =	srdreg.scid;
	s5 =	rddreg [dreg:$0x0]  }
0x2: {  	s11 =	stileid.u32;
	s1 =	rddreg [dreg:$0x1]  }
0x3: {  	s2 =	simm.s32 $0x0;
	s13 =	simm.s32 $0x0;
	s6 =	smul.u32 $0xC400, s11  }
0x4: {  	s3 =	sand.u32 $0x1, s0;
	s0 =	rddreg [dreg:$0x2];
	s7 =	smul.u32 $0x620, s11  }
0x5: {  	[smem:$0x7FF] =	sst s2;
	p0 =	sne.s32 s11, $0x0;
	s4 =	smul.u32 $0xC4000, s3  }
0x6: {  	s11 =	sshll.u32 s11, $0x6;
	_ =	strace $0x80000065;
	s30 =	smul.u32 $0x6200, s3  }
0x7: {  	s10 =	ssub.s32 $0x2, s3;
	s3 =	sadd.s32 $0x8200, s5;
	s11 =	sor.u32 $0x1C01, s11  }
0x8: {  	s9 =	sadd.s32 s6, s5;
	s7 =	sadd.s32 s7, s5;
	s4 =	sadd.s32 s6, s4  }
0x9: {  	s31 =	sshrl.u32 s10, $0x1;
	s6 =	sshrl.u32 s6, $0x2;
	s4 =	sshrl.u32 s4, $0x3  }
0xa: {  	s12 =	sadd.s32 s6, s1;
	s6 =	sadd.s32 $0xC0000, s9;
	s9 =	simm.s32 $0x1  }
0xb: {  	s8 =	sadd.s32 s4, s5;
	s4 =	sadd.s32 s30, s7;
	s5 =	ssub.s32 s10, s31  }
0xc: {  	s10 =	simm.s32 $0x80;
	s12 =	sshrl.u32 s12, $0x3;
	s4 =	sadd.s32 $0xE600, s4  }
0xd: {  	s5 =	smax.u32 s5, $0x1;
	s7 =	sadd.s32 $0x1CD600, s8;
	s8 =	sshrl.u32 @!p0 s1, $0x3  }
.LBB2_1:
0xe: {  	s14 =	simm.s32 @!p0 $0x1C01  }
0xf: {  	[spmem:s8], [sflag:s14] =	dma.local @!p0 [hbm:s3], $0x6210  }
0x10: {  	s14 =	simm.s32 @!p0 $0x1  }
0x11: {  	_ =	swait.ge @!p0 [sflag:s14], $0x6210  }
0x12: {  	[sflag:s14] =	ssyncset.done @!p0 $0x0  }
0x13: {  	[sflag:s14] =	ssyncadd.s32 @!p0 $0xFFFF9DF0  }
0x14: {  	s31 =	sadd.s32 $0x0, s7;
	[bflag:$0x0] =	sbarrier.arrive $0xFFFF  }
0x15: {  	[tilespmem:s2], [sflag:$0x1] =	stream.linear.gather [hbm4b:s31+s2], $0x80, $0x38;
	[tilespmem:$0x3588] =	vst v63  }
0x16: {  	_ =	swait.ge [sflag:s9], $0x80  }
0x17: {  	[sflag:s9] =	ssyncset.done $0x0  }
0x18: {  	[sflag:s9] =	ssyncadd.s32 $0xFFFFFF80  }
0x19: {  	[tilespmem:s10], [sflag:$0x1] =	stream.linear.gather [hbm4b:s6+s2], $0x400, $0x38;
	[tilespmem:$0x3588] =	vst v63  }
0x1a: {  	_ =	swait.ge [sflag:s9], $0x400  }
0x1b: {  	[sflag:s9] =	ssyncset.done $0x0  }
0x1c: {  	[sflag:s9] =	ssyncadd.s32 $0xFFFFFC00  }
0x1d: {  	[spmem:s1] =	stream.indirect.scatter.add.f32 [tilespmem:s10], [sflag:$0x1], $0x8, s2, s10, $0xb8;
	[tilespmem:$0x3588] =	vst v63  }
0x1e: {  	s15 =	simm.s32 $0x10;
	_ =	swait.ge [sflag:s9], $0x400  }
0x1f: {  	s16 =	simm.s32 $0x20;
	s14 =	sadd.s32 $0x80, s6;
	[sflag:s9] =	ssyncset.done $0x0  }
.LBB2_2:
0x20: {  	s17 =	sadd.s32 s15, s7  }
0x21: {  	[sflag:s9] =	ssyncadd.s32 $0xFFFFFC00;
	s15 =	smov.u32 s16;
	s18 =	sadd.s32 $0x10, s16  }
0x22: {  	[tilespmem:s2], [sflag:$0x1] =	stream.linear.gather [hbm4b:s17+s2], $0x80, $0x38;
	[tilespmem:$0x3588] =	vst v63  }
0x23: {  	p1 =	sne.s32 s16, $0x1870;
	_ =	swait.ge [sflag:s9], $0x80  }
0x24: {  	[sflag:s9] =	ssyncset.done $0x0  }
0x25: {  	[sflag:s9] =	ssyncadd.s32 $0xFFFFFF80  }
0x26: {  	[tilespmem:s10], [sflag:$0x1] =	stream.linear.gather [hbm4b:s14+s2], $0x400, $0x38;
	[tilespmem:$0x3588] =	vst v63  }
0x27: {  	_ =	swait.ge [sflag:s9], $0x400  }
.Ltmp0:
0x28: {  	[sflag:s9] =	ssyncset.done $0x0;
	(pc) =	sbr.rel @p1 .LBB2_2-.Ltmp0, $4  }
0x29: {  	[sflag:s9] =	ssyncadd.s32 $0xFFFFFC00  }
0x2a: {  	[spmem:s1] =	stream.indirect.scatter.add.f32 [tilespmem:s10], [sflag:$0x1], $0x8, s2, s10, $0xb8;
	[tilespmem:$0x3588] =	vst v63  }
0x2b: {  	_ =	swait.ge [sflag:s9], $0x400  }
0x2c: {  	s16 =	smov.u32 s18;
	s14 =	sadd.s32 $0x80, s14;
	[sflag:s9] =	ssyncset.done $0x0  }
0x2d: {  	s15 =	sadd.s32 s15, s7;
	[sflag:s9] =	ssyncadd.s32 $0xFFFFFC00  }
0x2e: {  	[tilespmem:s2], [sflag:$0x1] =	stream.linear.gather [hbm4b:s15+s2], $0x80, $0x38;
	[tilespmem:$0x3588] =	vst v63  }
0x2f: {  	_ =	swait.ge [sflag:s9], $0x80  }
0x30: {  	[sflag:s9] =	ssyncset.done $0x0  }
0x31: {  	[sflag:s9] =	ssyncadd.s32 $0xFFFFFF80  }
0x32: {  	[tilespmem:s10], [sflag:$0x1] =	stream.linear.gather [hbm4b:s14+s2], $0x400, $0x38;
	[tilespmem:$0x3588] =	vst v63  }
0x33: {  	_ =	swait.ge [sflag:s9], $0x400  }
0x34: {  	[sflag:s9] =	ssyncset.done $0x0  }
0x35: {  	[sflag:s9] =	ssyncadd.s32 $0xFFFFFC00  }
0x36: {  	[spmem:s1] =	stream.indirect.scatter.add.f32 [tilespmem:s10], [sflag:$0x1], $0x8, s2, s10, $0xb8;
	[tilespmem:$0x3588] =	vst v63  }
0x37: {  	_ =	swait.ge [sflag:s9], $0x400  }
0x38: {  	s13 =	sadd.s32 $0x1, s13;
	[sflag:s9] =	ssyncset.done $0x0  }
0x39: {  	p1 =	sne.s32 s13, s5;
	[sflag:s9] =	ssyncadd.s32 $0xFFFFFC00  }
.Ltmp1:
0x3a: {  	[bflag:$0x0] =	sbarrier.arrive $0xFFFF;
	(pc) =	sbr.rel @p1 .LBB2_1-.Ltmp1, $4  }
0x3b: {  	[hbm:s4], [sflag:s11] =	dma.local [spmem:s12], $0x620  }
0x3c: {  	_ =	swait.ge [sflag:s9], $0x620  }
0x3d: {  	[sflag:s9] =	ssyncset.done $0x0  }
0x3e: {  	[sflag:s9] =	ssyncadd.s32 $0xFFFFF9E0  }
0x3f: {  	_ =	sfence.sel $0x180000  }
0x40: {  	[bflag:$0x0] =	sbarrier.arrive $0xFFFF  }
0x41: {  	_ =	strace $0x90000065  }
0x42: {  	s0 =	sadd.s32 @!p0 $0x100000, s0;
	[bflag:$0x2] =	sbarrier.arrive $0xFFFF  }
0x43: {  	[sflag:s0] =	ssyncadd.tile.s32 @!p0 $0x1;
	_ =	shalt  }
.Lfunc_end2:
_tile_overlayer_lowered:
.L_overlay_start_2:
0x44: {  	(tag) =	ssettag $0x2  }
0x45: {  	s0 =	rddreg [dreg:$0x0];
	s2 =	stileid.u32  }
0x46: {  	s1 =	rddreg [dreg:$0x1];
	p0 =	sne.s32 s2, $0x0  }
0x47: {  	s3 =	rddreg [dreg:$0x2];
	[bflag:$0x3] =	sbarrier.arrive $0xFFFF;
	s2 =	simm.s32 @!p0 $0x1C01  }
0x48: {  	[timem:s3], [sflag:s2] =	dma.local @!p0 [hbm:s0], s1  }
0x49: {  	s0 =	simm.s32 @!p0 $0x1  }
0x4a: {  	_ =	swait.ge @!p0 [sflag:s0], s1  }
0x4b: {  	s1 =	ssub.s32 @!p0 $0x0, s1;
	[sflag:s0] =	ssyncset.done @!p0 $0x0  }
0x4c: {  	[sflag:s0] =	ssyncadd.s32 @!p0 s1  }
0x4d: {  	[bflag:$0x3] =	sbarrier.arrive $0xFFFF  }
0x4e: {  	_ =	shalt  }

// kernel: kernel.53.cloned.1.call-start
scs
__scs_entry_jumppad:
0x0: {  	(pc) =	sbr.rel $0x88, $3  }
0x1: {  	(tag) =	ssettag $0x0;
	lr =	simm.s32 $0x1  }
0x2: {  	[smem:$0x3F91] =	sst lr;
	_ =	strace $0xD0000000  }
0x3: {  	_ = 	snop  }
0x4: {  	_ = 	snop  }
0x5: {  	_ = 	snop  }
0x6: {  	_ = 	snop  }
0x7: {  	_ = 	snop  }
__scs_overlays_trampoline_lowered:
0x8: {  	[smem:$0x3FA0] =	sst s0  }
0x9: {  	[smem:$0x3FA1] =	sst s1  }
0xa: {  	[smem:$0x3FA2] =	sst s2  }
0xb: {  	[smem:$0x3FA3] =	sst s3  }
0xc: {  	[smem:$0x3FA4] =	sst s4  }
0xd: {  	[smem:$0x3FA5] =	sst s5  }
0xe: {  	[smem:$0x3FA6] =	sst s6  }
0xf: {  	[smem:$0x3FA7] =	sst s7  }
0x10: {  	[smem:$0x3FA8] =	sst s8  }
0x11: {  	[smem:$0x3FA9] =	sst s9;
	s0 =	simm.s32 @!p0 $0x0  }
0x12: {  	s1 =	sld [smem:$0x3F8F];
	s0 =	simm.s32 @p0 $0x1  }
0x13: {  	[smem:$0x3FAA] =	sst s0;
	s0 =	simm.s32 @!p1 $0x0  }
0x14: {  	s2 =	sld [smem:$0x3F8E];
	s0 =	simm.s32 @p1 $0x1  }
0x15: {  	[smem:$0x3FAB] =	sst s0;
	s0 =	simm.s32 @!p2 $0x0  }
0x16: {  	s3 =	sld [smem:$0x3FDB];
	s0 =	simm.s32 @p2 $0x1  }
0x17: {  	s4 =	simm.s32 $0x1BF5;
	[smem:$0x3FAD] =	sst s0  }
0x18: {  	s0 =	sld [smem:$0x3F90];
	_ =	swait.ge [sflag:s4], $0x0  }
0x19: {  	s7 =	sld [smem:$0x3F91]  }
0x1a: {  	s8 =	sadd.s32 $0xFFFFE003, lr  }
0x1b: {  	s9 =	sadd.s32 $0xFFFFFEF7, lr;
	s5 =	simm.s32 $0xFFFFFFFF;
	p2 =	slt.u32 s8, $0xFFFFF086  }
0x1c: {  	p1 =	slt.u32 s9, $0xF7A;
	s5 =	simm.s32 @!p2 $0x0  }
0x1d: {  	s5 =	simm.s32 @p1 $0x1;
	p0 =	seq.s32 s7, s2  }
0x1e: {  	s7 =	smul.u32 @!p0 $0xF7A, s2;
	p2 =	seq.s32 @!p0 s5, $0x0  }
0x1f: {  	s9 =	smul.u32 $0xF7A, s1;
	s8 =	simm.s32 @!p0 $0x1BF5;
	p2 =	por !p2, p0  }
0x20: {  	[sflag:s8] =	ssyncset.s32 @!p0 $0xFFFFF086;
	s6 =	sadd.s32 @!p0 s3, s7;
	s7 =	simm.s32 @!p0 $0x108  }
0x21: {  	s3 =	sadd.s32 s3, s9;
	s6 =	sadd.s32 @!p0 $0x88, s6;
	s7 =	simm.s32 @p2 $0x1082  }
0x22: {  	[simem:s7], [sflag:s8] =	dma.local @!p0 [hbm:s6], $0xF7A  }
0x23: {  	s9 =	sor.u32 $0xD0000000, s2;
	s6 =	simm.s32 $0x108;
	_ =	swait.ge @!p0 [sflag:s8], $0x0  }
0x24: {  	s3 =	sadd.s32 $0x88, s3;
	s6 =	simm.s32 @!p1 $0x1082;
	[sflag:s4] =	ssyncset.s32 $0xFFFFF086  }
0x25: {  	[simem:s6], [sflag:s4] =	dma.local [hbm:s3], $0xF7A  }
0x26: {  	[smem:$0x3F91] =	sst s1;
	(tag) =	ssettag s2;
	_ =	strace s9  }
0x27: {  	s1 =	sld [smem:$0x3FA1]  }
0x28: {  	s2 =	sld [smem:$0x3FA2]  }
0x29: {  	s4 =	sld [smem:$0x3FA4]  }
0x2a: {  	p0 =	seq.s32 s5, $0x0;
	s5 =	sld [smem:$0x3FA5]  }
0x2b: {  	s6 =	sld [smem:$0x3FA6]  }
0x2c: {  	s7 =	sld [smem:$0x3FA7]  }
0x2d: {  	s3 =	simm.s32 $0x108;
	s8 =	sld [smem:$0x3FA8]  }
0x2e: {  	s3 =	simm.s32 @!p0 $0x1082;
	s9 =	sld [smem:$0x3FA9]  }
0x2f: {  	lr =	sadd.s32 s0, s3;
	s0 =	sld [smem:$0x3FA0]  }
0x30: {  	s3 =	sld [smem:$0x3FA3]  }
0x31: {  	[smem:$0x3FAC] =	sst s10  }
0x32: {  	s10 =	sld [smem:$0x3FAA];
	_ =	sdelay $0x3  }
0x33: {  	p0 =	seq.s32 s10, $0x1;
	s10 =	sld [smem:$0x3FAC];
	_ =	sdelay $0x3  }
0x34: {  	[smem:$0x3FAC] =	sst s10  }
0x35: {  	s10 =	sld [smem:$0x3FAB];
	_ =	sdelay $0x3  }
0x36: {  	p1 =	seq.s32 s10, $0x1;
	s10 =	sld [smem:$0x3FAC];
	_ =	sdelay $0x3  }
0x37: {  	[smem:$0x3FAC] =	sst s10  }
0x38: {  	s10 =	sld [smem:$0x3FAD]  }
0x39: {  	_ = 	snop;
	(pc) =	sbr.ind lr, $3  }
0x3a: {  	_ = 	snop  }
0x3b: {  	_ = 	snop  }
0x3c: {  	p2 =	seq.s32 s10, $0x1;
	s10 =	sld [smem:$0x3FAC]  }
0x3d: {  	_ =	shalt  }
0x3e: {  	_ =	shalt  }
0x3f: {  	_ =	shalt  }
0x40: {  	_ =	shalt  }
0x41: {  	_ =	shalt  }
0x42: {  	_ =	shalt  }
0x43: {  	_ =	shalt  }
0x44: {  	_ =	shalt  }
0x45: {  	_ =	shalt  }
0x46: {  	_ =	shalt  }
0x47: {  	_ =	shalt  }
0x48: {  	_ =	shalt  }
0x49: {  	_ =	shalt  }
0x4a: {  	_ =	shalt  }
0x4b: {  	_ =	shalt  }
0x4c: {  	_ =	shalt  }
0x4d: {  	_ =	shalt  }
0x4e: {  	_ =	shalt  }
0x4f: {  	_ =	shalt  }
0x50: {  	_ =	shalt  }
0x51: {  	_ =	shalt  }
0x52: {  	_ =	shalt  }
0x53: {  	_ =	shalt  }
0x54: {  	_ =	shalt  }
0x55: {  	_ =	shalt  }
0x56: {  	_ =	shalt  }
0x57: {  	_ =	shalt  }
0x58: {  	_ =	shalt  }
0x59: {  	_ =	shalt  }
0x5a: {  	_ =	shalt  }
0x5b: {  	_ =	shalt  }
0x5c: {  	_ =	shalt  }
0x5d: {  	_ =	shalt  }
0x5e: {  	_ =	shalt  }
0x5f: {  	_ =	shalt  }
0x60: {  	_ =	shalt  }
0x61: {  	_ =	shalt  }
0x62: {  	_ =	shalt  }
0x63: {  	_ =	shalt  }
0x64: {  	_ =	shalt  }
0x65: {  	_ =	shalt  }
0x66: {  	_ =	shalt  }
0x67: {  	_ =	shalt  }
0x68: {  	_ =	shalt  }
0x69: {  	_ =	shalt  }
0x6a: {  	_ =	shalt  }
0x6b: {  	_ =	shalt  }
0x6c: {  	_ =	shalt  }
0x6d: {  	_ =	shalt  }
0x6e: {  	_ =	shalt  }
0x6f: {  	_ =	shalt  }
0x70: {  	_ =	shalt  }
0x71: {  	_ =	shalt  }
0x72: {  	_ =	shalt  }
0x73: {  	_ =	shalt  }
0x74: {  	_ =	shalt  }
0x75: {  	_ =	shalt  }
0x76: {  	_ =	shalt  }
0x77: {  	_ =	shalt  }
0x78: {  	_ =	shalt  }
0x79: {  	_ =	shalt  }
0x7a: {  	_ =	shalt  }
0x7b: {  	_ =	shalt  }
0x7c: {  	_ =	shalt  }
0x7d: {  	_ =	shalt  }
0x7e: {  	_ =	shalt  }
0x7f: {  	_ =	shalt  }
0x80: {  	_ =	shalt  }
0x81: {  	_ =	shalt  }
0x82: {  	_ =	shalt  }
0x83: {  	_ =	shalt  }
0x84: {  	_ =	shalt  }
0x85: {  	_ =	shalt  }
0x86: {  	_ =	shalt  }
0x87: {  	_ =	shalt  }
.Lfunc_end0:
.L_simem_size_0:
called_computation.10_lowered:
.L_overlay_start_0:
0x88: {  	s2 =	sld [smem:$0x3FD9]  }
0x89: {  	s3 =	sld [smem:$0x3FFE];
	_ =	sdelay $0x1  }
0x8a: {  	s1 =	srdreg.scid  }
0x8b: {  	s0 =	sand.u32 $0x1, s1  }
0x8c: {  	s16 =	sshll.u32 s0, $0xA;
	s2 =	sadd.s32 s3, s2  }
0x8d: {  	s2 =	sadd.s32 s2, s16  }
0x8e: {  	[smem:$0x3FB8] =	sst s2  }
0x8f: {  	_ = 	snop  }
0x90: {  	(tm) =	ssettm $0x1  }
0x91: {  	s17 =	sld [smem:$0x3FFB];
	_ =	sdelay $0x3  }
0x92: {  	_ =	strace s17  }
0x93: {  	s2 =	sld [smem:$0x3FFC];
	_ =	sdelay $0x3  }
0x94: {  	_ =	strace s2  }
0x95: {  	s2 =	sld [smem:$0x3FFD];
	_ =	sdelay $0x3  }
0x96: {  	_ =	strace s2  }
0x97: {  	_ =	strace $0x8FFFFFFF  }
0x98: {  	s18 =	sld [smem:$0x3FDB];
	_ =	sdelay $0x1  }
0x99: {  	s19 =	simm.s32 $_scs_section_size  }
0x9a: {  	s4 =	simm.s32 $_size__tile_overlayer_lowered;
	s5 =	simm.s32 $_tile_overlayer_lowered  }
0x9b: {  	s22 =	simm.s32 $0x1BFF;
	s21 =	sshll.u32 s5, $0x1;
	s2 =	sadd.s32 s19, s18  }
0x9c: {  	s6 =	simm.s32 $0x0;
	s20 =	sshll.u32 s4, $0x1;
	s4 =	sadd.s32 s21, s2  }
0x9d: {  	[timem:s6], [sflag:s22] =	dma.local [hbm:s4], s20  }
0x9e: {  	_ =	swait.ge [sflag:s22], s20  }
0x9f: {  	s3 =	ssub.s32 $0x0, s20;
	[sflag:s22] =	ssyncset.done $0x0  }
0xa0: {  	[sflag:s22] =	ssyncadd.s32 s3;
	_ =	sdelay $0x1  }
0xa1: {  	s23 =	simm.s32 $0x1B8B  }
0xa2: {  	_ =	swait.ge [sflag:s23], $0x1  }
0xa3: {  	[sflag:s23] =	ssyncset.done $0x0  }
0xa4: {  	s25 =	simm.s32 $0x1B8E;
	s24 =	sld [smem:$0x3FFE];
	[sflag:s23] =	ssyncadd.s32 $0xFFFFFFFF  }
0xa5: {  	s26 =	simm.s32 $execute0_lowered;
	[smem:$0x3FD2] =	sst s25  }
0xa6: {  	s4 =	sshll.u32 s26, $0x1;
	_ =	strace $0x80000061;
	[dreg:$0x1] =	wrdreg $0xFFFFFFFF  }
0xa7: {  	s28 =	simm.s32 $_size_execute0_lowered;
	s2 =	sadd.s32 s2, s4;
	[dreg:$0x0] =	wrdreg $0x0  }
0xa8: {  	s4 =	sshll.u32 s28, $0x1;
	[dreg:$0x2] =	wrdreg s2  }
0xa9: {  	[dreg:$0x3] =	wrdreg s4  }
0xaa: {  	[dreg:$0x4] =	wrdreg $0xC0  }
0xab: {  	_ =	task [dreg:s6], $0x5FFFF  }
0xac: {  	[dreg:$0x1] =	wrdreg $0xFFFFFFFF  }
0xad: {  	[dreg:$0x0] =	wrdreg $0x60  }
0xae: {  	[dreg:$0x2] =	wrdreg s24  }
0xaf: {  	[dreg:$0x3] =	wrdreg $0x20800  }
0xb0: {  	[dreg:$0x4] =	wrdreg $0xA  }
0xb1: {  	_ =	task.clear_ibuf [dreg:s6], $0x5FFFF;
	_ =	strace $0x90000061  }
0xb2: {  	s29 =	simm.s32 $0xA;
	_ =	strace $0x80000063  }
0xb3: {  	_ =	swait.ge [sflag:s29], $0x1  }
0xb4: {  	[sflag:s29] =	ssyncadd.s32 $0xFFFFFFFF  }
0xb5: {  	_ =	strace $0x90000063  }
0xb6: {  	_ =	sfence  }
0xb7: {  	s30 =	sld [smem:$0x0];
	_ =	sdelay $0x2  }
0xb8: {  	s31 =	sshll.u32 s1, $0xD;
	s1 =	sshrl.u32 s1, $0x2  }
0xb9: {  	s3 =	sand.u32 $0x4000, s31;
	s1 =	sadd.s32 s1, s30  }
0xba: {  	s0 =	sor.u32 s3, s0;
	s1 =	sshll.u32 s1, $0x11  }
0xbb: {  	s0 =	sor.u32 s1, s0  }
0xbc: {  	s0 =	sadd.s32 $0x8F2B, s0  }
0xbd: {  	[sflag:s0] =	ssyncadd.remote.s32 $0x1  }
0xbe: {  	_ =	sfence.sel $0xFFFF  }
0xbf: {  	[dreg:$0x0] =	wrdreg $0xFFFFFFFF;
	(pc) =	sbr.abs _section_cstart, $3  }
0xc0: {  	[dreg:$0x1] =	wrdreg $0xFFFFFFFF  }
0xc1: {  	_ =	task.clear_ibuf [dreg:s6], $0x2FFFF;
	_ =	strace $0x9FFFFFFF  }
0xc2: {  	(tm) =	ssettm $0x7FFFFFFF  }
0xc3: {  	_ =	shalt  }
tec
execute0_lowered:
.L_overlay_start_1:
0x0: {  	(tag) =	ssettag $0x1  }
0x1: {  	s0 =	srdreg.scid  }
0x2: {  	s11 =	stileid.u32;
	s4 =	rddreg [dreg:$0x0]  }
0x3: {  	s1 =	rddreg [dreg:$0x1];
	s5 =	smul.u32 $0xC400, s11  }
0x4: {  	s2 =	simm.s32 $0x0;
	s13 =	simm.s32 $0x0;
	s7 =	smul.u32 $0x62000, s11  }
0x5: {  	s3 =	sand.u32 $0x1, s0;
	s0 =	rddreg [dreg:$0x2];
	s8 =	smul.u32 $0x3100, s11  }
0x6: {  	[smem:$0x7FF] =	sst s2;
	p0 =	sne.s32 s11, $0x0;
	s6 =	smul.u32 $0xC4000, s3  }
0x7: {  	s11 =	sshll.u32 s11, $0x6;
	s26 =	smul.u32 $0x31000, s3;
	_ =	strace $0x80000062  }
0x8: {  	s29 =	ssub.s32 $0x2, s3;
	s3 =	sadd.s32 $0x2CE00, s4;
	s11 =	sor.u32 $0x1C01, s11  }
0x9: {  	s10 =	sadd.s32 s7, s4;
	s30 =	sshrl.u32 s29, $0x1;
	s31 =	sshrl.u32 s7, $0x2  }
0xa: {  	s5 =	sadd.s32 s5, s6;
	s28 =	sadd.s32 s8, s26;
	s12 =	sadd.s32 s31, s1  }
0xb: {  	s6 =	sadd.s32 $0x1FE600, s10;
	s8 =	sshrl.u32 @!p0 s1, $0x3;
	s5 =	sshrl.u32 s5, $0x3  }
0xc: {  	s10 =	simm.s32 $0x80;
	s9 =	sadd.s32 s5, s4;
	s4 =	sadd.s32 s28, s4  }
0xd: {  	s12 =	sshrl.u32 s12, $0x3;
	s5 =	ssub.s32 s29, s30;
	s4 =	sadd.s32 $0x5E000, s4  }
0xe: {  	s5 =	smax.u32 s5, $0x1;
	s7 =	sadd.s32 $0x1CD600, s9;
	s9 =	simm.s32 $0x1  }
.LBB2_1:
0xf: {  	s14 =	simm.s32 @!p0 $0x1C01  }
0x10: {  	[spmem:s8], [sflag:s14] =	dma.local @!p0 [hbm:s3], $0x31080  }
0x11: {  	s14 =	simm.s32 @!p0 $0x1  }
0x12: {  	_ =	swait.ge @!p0 [sflag:s14], $0x31080  }
0x13: {  	[sflag:s14] =	ssyncset.done @!p0 $0x0  }
0x14: {  	[sflag:s14] =	ssyncadd.s32 @!p0 $0xFFFCEF80  }
0x15: {  	s31 =	sadd.s32 $0x0, s7;
	[bflag:$0x0] =	sbarrier.arrive $0xFFFF  }
0x16: {  	[tilespmem:s2], [sflag:$0x1] =	stream.linear.gather [hbm4b:s31+s2], $0x80, $0x38;
	[tilespmem:$0x1A8C0] =	vst v63  }
0x17: {  	_ =	swait.ge [sflag:s9], $0x80  }
0x18: {  	[sflag:s9] =	ssyncset.done $0x0  }
0x19: {  	[sflag:s9] =	ssyncadd.s32 $0xFFFFFF80  }
0x1a: {  	[tilespmem:s10], [sflag:$0x1] =	stream.linear.gather [hbm4b:s6+s2], $0x2000, $0x38;
	[tilespmem:$0x1A8C0] =	vst v63  }
0x1b: {  	_ =	swait.ge [sflag:s9], $0x2000  }
0x1c: {  	[sflag:s9] =	ssyncset.done $0x0  }
0x1d: {  	[sflag:s9] =	ssyncadd.s32 $0xFFFFE000  }
0x1e: {  	[spmem:s1] =	stream.indirect.scatter.add.f32 [tilespmem:s10], [sflag:$0x1], $0x40, s2, s10, $0xb8;
	[tilespmem:$0x1A8C0] =	vst v63  }
0x1f: {  	s15 =	simm.s32 $0x10;
	_ =	swait.ge [sflag:s9], $0x2000  }
0x20: {  	s16 =	simm.s32 $0x20;
	s14 =	sadd.s32 $0x400, s6;
	[sflag:s9] =	ssyncset.done $0x0  }
.LBB2_2:
0x21: {  	s17 =	sadd.s32 s15, s7  }
0x22: {  	[sflag:s9] =	ssyncadd.s32 $0xFFFFE000;
	s15 =	smov.u32 s16;
	s18 =	sadd.s32 $0x10, s16  }
0x23: {  	[tilespmem:s2], [sflag:$0x1] =	stream.linear.gather [hbm4b:s17+s2], $0x80, $0x38;
	[tilespmem:$0x1A8C0] =	vst v63  }
0x24: {  	p1 =	sne.s32 s16, $0x1870;
	_ =	swait.ge [sflag:s9], $0x80  }
0x25: {  	[sflag:s9] =	ssyncset.done $0x0  }
0x26: {  	[sflag:s9] =	ssyncadd.s32 $0xFFFFFF80  }
0x27: {  	[tilespmem:s10], [sflag:$0x1] =	stream.linear.gather [hbm4b:s14+s2], $0x2000, $0x38;
	[tilespmem:$0x1A8C0] =	vst v63  }
0x28: {  	_ =	swait.ge [sflag:s9], $0x2000  }
.Ltmp0:
0x29: {  	[sflag:s9] =	ssyncset.done $0x0;
	(pc) =	sbr.rel @p1 .LBB2_2-.Ltmp0, $4  }
0x2a: {  	[sflag:s9] =	ssyncadd.s32 $0xFFFFE000  }
0x2b: {  	[spmem:s1] =	stream.indirect.scatter.add.f32 [tilespmem:s10], [sflag:$0x1], $0x40, s2, s10, $0xb8;
	[tilespmem:$0x1A8C0] =	vst v63  }
0x2c: {  	_ =	swait.ge [sflag:s9], $0x2000  }
0x2d: {  	s16 =	smov.u32 s18;
	s14 =	sadd.s32 $0x400, s14;
	[sflag:s9] =	ssyncset.done $0x0  }
0x2e: {  	s15 =	sadd.s32 s15, s7;
	[sflag:s9] =	ssyncadd.s32 $0xFFFFE000  }
0x2f: {  	[tilespmem:s2], [sflag:$0x1] =	stream.linear.gather [hbm4b:s15+s2], $0x80, $0x38;
	[tilespmem:$0x1A8C0] =	vst v63  }
0x30: {  	_ =	swait.ge [sflag:s9], $0x80  }
0x31: {  	[sflag:s9] =	ssyncset.done $0x0  }
0x32: {  	[sflag:s9] =	ssyncadd.s32 $0xFFFFFF80  }
0x33: {  	[tilespmem:s10], [sflag:$0x1] =	stream.linear.gather [hbm4b:s14+s2], $0x2000, $0x38;
	[tilespmem:$0x1A8C0] =	vst v63  }
0x34: {  	_ =	swait.ge [sflag:s9], $0x2000  }
0x35: {  	[sflag:s9] =	ssyncset.done $0x0  }
0x36: {  	[sflag:s9] =	ssyncadd.s32 $0xFFFFE000  }
0x37: {  	[spmem:s1] =	stream.indirect.scatter.add.f32 [tilespmem:s10], [sflag:$0x1], $0x40, s2, s10, $0xb8;
	[tilespmem:$0x1A8C0] =	vst v63  }
0x38: {  	_ =	swait.ge [sflag:s9], $0x2000  }
0x39: {  	s13 =	sadd.s32 $0x1, s13;
	[sflag:s9] =	ssyncset.done $0x0  }
0x3a: {  	p1 =	sne.s32 s13, s5;
	[sflag:s9] =	ssyncadd.s32 $0xFFFFE000  }
.Ltmp1:
0x3b: {  	[bflag:$0x0] =	sbarrier.arrive $0xFFFF;
	(pc) =	sbr.rel @p1 .LBB2_1-.Ltmp1, $4  }
0x3c: {  	[hbm:s4], [sflag:s11] =	dma.local [spmem:s12], $0x3100  }
0x3d: {  	_ =	swait.ge [sflag:s9], $0x3100  }
0x3e: {  	[sflag:s9] =	ssyncset.done $0x0  }
0x3f: {  	[sflag:s9] =	ssyncadd.s32 $0xFFFFCF00  }
0x40: {  	_ =	sfence.sel $0x180000  }
0x41: {  	[bflag:$0x0] =	sbarrier.arrive $0xFFFF  }
0x42: {  	_ =	strace $0x90000062  }
0x43: {  	s0 =	sadd.s32 @!p0 $0x100000, s0;
	[bflag:$0x2] =	sbarrier.arrive $0xFFFF  }
0x44: {  	[sflag:s0] =	ssyncadd.tile.s32 @!p0 $0x1;
	_ =	shalt  }
.Lfunc_end2:
_tile_overlayer_lowered:
.L_overlay_start_2:
0x45: {  	(tag) =	ssettag $0x2  }
0x46: {  	s0 =	rddreg [dreg:$0x0];
	s2 =	stileid.u32  }
0x47: {  	s1 =	rddreg [dreg:$0x1];
	p0 =	sne.s32 s2, $0x0  }
0x48: {  	s3 =	rddreg [dreg:$0x2];
	[bflag:$0x3] =	sbarrier.arrive $0xFFFF;
	s2 =	simm.s32 @!p0 $0x1C01  }
0x49: {  	[timem:s3], [sflag:s2] =	dma.local @!p0 [hbm:s0], s1  }
0x4a: {  	s0 =	simm.s32 @!p0 $0x1  }
0x4b: {  	_ =	swait.ge @!p0 [sflag:s0], s1  }
0x4c: {  	s1 =	ssub.s32 @!p0 $0x0, s1;
	[sflag:s0] =	ssyncset.done @!p0 $0x0  }
0x4d: {  	[sflag:s0] =	ssyncadd.s32 @!p0 s1  }
0x4e: {  	[bflag:$0x3] =	sbarrier.arrive $0xFFFF  }
0x4f: {  	_ =	shalt  }

// kernel: kernel.56.cloned.1.call-start
scs
__scs_entry_jumppad:
0x0: {  	(pc) =	sbr.rel $0x88, $3  }
0x1: {  	(tag) =	ssettag $0x0;
	lr =	simm.s32 $0x1  }
0x2: {  	[smem:$0x3F91] =	sst lr;
	_ =	strace $0xD0000000  }
0x3: {  	_ = 	snop  }
0x4: {  	_ = 	snop  }
0x5: {  	_ = 	snop  }
0x6: {  	_ = 	snop  }
0x7: {  	_ = 	snop  }
__scs_overlays_trampoline_lowered:
0x8: {  	[smem:$0x3FA0] =	sst s0  }
0x9: {  	[smem:$0x3FA1] =	sst s1  }
0xa: {  	[smem:$0x3FA2] =	sst s2  }
0xb: {  	[smem:$0x3FA3] =	sst s3  }
0xc: {  	[smem:$0x3FA4] =	sst s4  }
0xd: {  	[smem:$0x3FA5] =	sst s5  }
0xe: {  	[smem:$0x3FA6] =	sst s6  }
0xf: {  	[smem:$0x3FA7] =	sst s7  }
0x10: {  	[smem:$0x3FA8] =	sst s8  }
0x11: {  	[smem:$0x3FA9] =	sst s9;
	s0 =	simm.s32 @!p0 $0x0  }
0x12: {  	s1 =	sld [smem:$0x3F8F];
	s0 =	simm.s32 @p0 $0x1  }
0x13: {  	[smem:$0x3FAA] =	sst s0;
	s0 =	simm.s32 @!p1 $0x0  }
0x14: {  	s2 =	sld [smem:$0x3F8E];
	s0 =	simm.s32 @p1 $0x1  }
0x15: {  	[smem:$0x3FAB] =	sst s0;
	s0 =	simm.s32 @!p2 $0x0  }
0x16: {  	s3 =	sld [smem:$0x3FDB];
	s0 =	simm.s32 @p2 $0x1  }
0x17: {  	s4 =	simm.s32 $0x1BF5;
	[smem:$0x3FAD] =	sst s0  }
0x18: {  	s0 =	sld [smem:$0x3F90];
	_ =	swait.ge [sflag:s4], $0x0  }
0x19: {  	s7 =	sld [smem:$0x3F91]  }
0x1a: {  	s8 =	sadd.s32 $0xFFFFE003, lr  }
0x1b: {  	s9 =	sadd.s32 $0xFFFFFEF7, lr;
	s5 =	simm.s32 $0xFFFFFFFF;
	p2 =	slt.u32 s8, $0xFFFFF086  }
0x1c: {  	p1 =	slt.u32 s9, $0xF7A;
	s5 =	simm.s32 @!p2 $0x0  }
0x1d: {  	s5 =	simm.s32 @p1 $0x1;
	p0 =	seq.s32 s7, s2  }
0x1e: {  	s7 =	smul.u32 @!p0 $0xF7A, s2;
	p2 =	seq.s32 @!p0 s5, $0x0  }
0x1f: {  	s9 =	smul.u32 $0xF7A, s1;
	s8 =	simm.s32 @!p0 $0x1BF5;
	p2 =	por !p2, p0  }
0x20: {  	[sflag:s8] =	ssyncset.s32 @!p0 $0xFFFFF086;
	s6 =	sadd.s32 @!p0 s3, s7;
	s7 =	simm.s32 @!p0 $0x108  }
0x21: {  	s3 =	sadd.s32 s3, s9;
	s6 =	sadd.s32 @!p0 $0x88, s6;
	s7 =	simm.s32 @p2 $0x1082  }
0x22: {  	[simem:s7], [sflag:s8] =	dma.local @!p0 [hbm:s6], $0xF7A  }
0x23: {  	s9 =	sor.u32 $0xD0000000, s2;
	s6 =	simm.s32 $0x108;
	_ =	swait.ge @!p0 [sflag:s8], $0x0  }
0x24: {  	s3 =	sadd.s32 $0x88, s3;
	s6 =	simm.s32 @!p1 $0x1082;
	[sflag:s4] =	ssyncset.s32 $0xFFFFF086  }
0x25: {  	[simem:s6], [sflag:s4] =	dma.local [hbm:s3], $0xF7A  }
0x26: {  	[smem:$0x3F91] =	sst s1;
	(tag) =	ssettag s2;
	_ =	strace s9  }
0x27: {  	s1 =	sld [smem:$0x3FA1]  }
0x28: {  	s2 =	sld [smem:$0x3FA2]  }
0x29: {  	s4 =	sld [smem:$0x3FA4]  }
0x2a: {  	p0 =	seq.s32 s5, $0x0;
	s5 =	sld [smem:$0x3FA5]  }
0x2b: {  	s6 =	sld [smem:$0x3FA6]  }
0x2c: {  	s7 =	sld [smem:$0x3FA7]  }
0x2d: {  	s3 =	simm.s32 $0x108;
	s8 =	sld [smem:$0x3FA8]  }
0x2e: {  	s3 =	simm.s32 @!p0 $0x1082;
	s9 =	sld [smem:$0x3FA9]  }
0x2f: {  	lr =	sadd.s32 s0, s3;
	s0 =	sld [smem:$0x3FA0]  }
0x30: {  	s3 =	sld [smem:$0x3FA3]  }
0x31: {  	[smem:$0x3FAC] =	sst s10  }
0x32: {  	s10 =	sld [smem:$0x3FAA];
	_ =	sdelay $0x3  }
0x33: {  	p0 =	seq.s32 s10, $0x1;
	s10 =	sld [smem:$0x3FAC];
	_ =	sdelay $0x3  }
0x34: {  	[smem:$0x3FAC] =	sst s10  }
0x35: {  	s10 =	sld [smem:$0x3FAB];
	_ =	sdelay $0x3  }
0x36: {  	p1 =	seq.s32 s10, $0x1;
	s10 =	sld [smem:$0x3FAC];
	_ =	sdelay $0x3  }
0x37: {  	[smem:$0x3FAC] =	sst s10  }
0x38: {  	s10 =	sld [smem:$0x3FAD]  }
0x39: {  	_ = 	snop;
	(pc) =	sbr.ind lr, $3  }
0x3a: {  	_ = 	snop  }
0x3b: {  	_ = 	snop  }
0x3c: {  	p2 =	seq.s32 s10, $0x1;
	s10 =	sld [smem:$0x3FAC]  }
0x3d: {  	_ =	shalt  }
0x3e: {  	_ =	shalt  }
0x3f: {  	_ =	shalt  }
0x40: {  	_ =	shalt  }
0x41: {  	_ =	shalt  }
0x42: {  	_ =	shalt  }
0x43: {  	_ =	shalt  }
0x44: {  	_ =	shalt  }
0x45: {  	_ =	shalt  }
0x46: {  	_ =	shalt  }
0x47: {  	_ =	shalt  }
0x48: {  	_ =	shalt  }
0x49: {  	_ =	shalt  }
0x4a: {  	_ =	shalt  }
0x4b: {  	_ =	shalt  }
0x4c: {  	_ =	shalt  }
0x4d: {  	_ =	shalt  }
0x4e: {  	_ =	shalt  }
0x4f: {  	_ =	shalt  }
0x50: {  	_ =	shalt  }
0x51: {  	_ =	shalt  }
0x52: {  	_ =	shalt  }
0x53: {  	_ =	shalt  }
0x54: {  	_ =	shalt  }
0x55: {  	_ =	shalt  }
0x56: {  	_ =	shalt  }
0x57: {  	_ =	shalt  }
0x58: {  	_ =	shalt  }
0x59: {  	_ =	shalt  }
0x5a: {  	_ =	shalt  }
0x5b: {  	_ =	shalt  }
0x5c: {  	_ =	shalt  }
0x5d: {  	_ =	shalt  }
0x5e: {  	_ =	shalt  }
0x5f: {  	_ =	shalt  }
0x60: {  	_ =	shalt  }
0x61: {  	_ =	shalt  }
0x62: {  	_ =	shalt  }
0x63: {  	_ =	shalt  }
0x64: {  	_ =	shalt  }
0x65: {  	_ =	shalt  }
0x66: {  	_ =	shalt  }
0x67: {  	_ =	shalt  }
0x68: {  	_ =	shalt  }
0x69: {  	_ =	shalt  }
0x6a: {  	_ =	shalt  }
0x6b: {  	_ =	shalt  }
0x6c: {  	_ =	shalt  }
0x6d: {  	_ =	shalt  }
0x6e: {  	_ =	shalt  }
0x6f: {  	_ =	shalt  }
0x70: {  	_ =	shalt  }
0x71: {  	_ =	shalt  }
0x72: {  	_ =	shalt  }
0x73: {  	_ =	shalt  }
0x74: {  	_ =	shalt  }
0x75: {  	_ =	shalt  }
0x76: {  	_ =	shalt  }
0x77: {  	_ =	shalt  }
0x78: {  	_ =	shalt  }
0x79: {  	_ =	shalt  }
0x7a: {  	_ =	shalt  }
0x7b: {  	_ =	shalt  }
0x7c: {  	_ =	shalt  }
0x7d: {  	_ =	shalt  }
0x7e: {  	_ =	shalt  }
0x7f: {  	_ =	shalt  }
0x80: {  	_ =	shalt  }
0x81: {  	_ =	shalt  }
0x82: {  	_ =	shalt  }
0x83: {  	_ =	shalt  }
0x84: {  	_ =	shalt  }
0x85: {  	_ =	shalt  }
0x86: {  	_ =	shalt  }
0x87: {  	_ =	shalt  }
.Lfunc_end0:
.L_simem_size_0:
called_computation.11_lowered:
.L_overlay_start_0:
0x88: {  	s2 =	sld [smem:$0x3FD9]  }
0x89: {  	s3 =	sld [smem:$0x3FFE];
	_ =	sdelay $0x1  }
0x8a: {  	s1 =	srdreg.scid  }
0x8b: {  	s0 =	sand.u32 $0x1, s1  }
0x8c: {  	s16 =	sshll.u32 s0, $0xA;
	s2 =	sadd.s32 s3, s2  }
0x8d: {  	s2 =	sadd.s32 s2, s16  }
0x8e: {  	[smem:$0x3FB8] =	sst s2  }
0x8f: {  	_ = 	snop  }
0x90: {  	(tm) =	ssettm $0x1  }
0x91: {  	s17 =	sld [smem:$0x3FFB];
	_ =	sdelay $0x3  }
0x92: {  	_ =	strace s17  }
0x93: {  	s2 =	sld [smem:$0x3FFC];
	_ =	sdelay $0x3  }
0x94: {  	_ =	strace s2  }
0x95: {  	s2 =	sld [smem:$0x3FFD];
	_ =	sdelay $0x3  }
0x96: {  	_ =	strace s2  }
0x97: {  	_ =	strace $0x8FFFFFFF  }
0x98: {  	s18 =	sld [smem:$0x3FDB];
	_ =	sdelay $0x1  }
0x99: {  	s19 =	simm.s32 $_scs_section_size  }
0x9a: {  	s4 =	simm.s32 $_size__tile_overlayer_lowered;
	s5 =	simm.s32 $_tile_overlayer_lowered  }
0x9b: {  	s22 =	simm.s32 $0x1BFF;
	s21 =	sshll.u32 s5, $0x1;
	s2 =	sadd.s32 s19, s18  }
0x9c: {  	s6 =	simm.s32 $0x0;
	s20 =	sshll.u32 s4, $0x1;
	s4 =	sadd.s32 s21, s2  }
0x9d: {  	[timem:s6], [sflag:s22] =	dma.local [hbm:s4], s20  }
0x9e: {  	_ =	swait.ge [sflag:s22], s20  }
0x9f: {  	s3 =	ssub.s32 $0x0, s20;
	[sflag:s22] =	ssyncset.done $0x0  }
0xa0: {  	[sflag:s22] =	ssyncadd.s32 s3;
	_ =	sdelay $0x1  }
0xa1: {  	s23 =	simm.s32 $0x1B8B  }
0xa2: {  	_ =	swait.ge [sflag:s23], $0x1  }
0xa3: {  	[sflag:s23] =	ssyncset.done $0x0  }
0xa4: {  	s25 =	simm.s32 $0x1B8E;
	s24 =	sld [smem:$0x3FFE];
	[sflag:s23] =	ssyncadd.s32 $0xFFFFFFFF  }
0xa5: {  	s26 =	simm.s32 $execute0_lowered;
	[smem:$0x3FD2] =	sst s25  }
0xa6: {  	s4 =	sshll.u32 s26, $0x1;
	_ =	strace $0x80000067;
	[dreg:$0x1] =	wrdreg $0xFFFFFFFF  }
0xa7: {  	s28 =	simm.s32 $_size_execute0_lowered;
	s2 =	sadd.s32 s2, s4;
	[dreg:$0x0] =	wrdreg $0x0  }
0xa8: {  	s4 =	sshll.u32 s28, $0x1;
	[dreg:$0x2] =	wrdreg s2  }
0xa9: {  	[dreg:$0x3] =	wrdreg s4  }
0xaa: {  	[dreg:$0x4] =	wrdreg $0xC0  }
0xab: {  	_ =	task [dreg:s6], $0x5FFFF  }
0xac: {  	[dreg:$0x1] =	wrdreg $0xFFFFFFFF  }
0xad: {  	[dreg:$0x0] =	wrdreg $0x60  }
0xae: {  	[dreg:$0x2] =	wrdreg s24  }
0xaf: {  	[dreg:$0x3] =	wrdreg $0x4800  }
0xb0: {  	[dreg:$0x4] =	wrdreg $0x9  }
0xb1: {  	_ =	task.clear_ibuf [dreg:s6], $0x5FFFF;
	_ =	strace $0x90000067  }
0xb2: {  	s29 =	simm.s32 $0x9;
	_ =	strace $0x80000069  }
0xb3: {  	_ =	swait.ge [sflag:s29], $0x1  }
0xb4: {  	[sflag:s29] =	ssyncadd.s32 $0xFFFFFFFF  }
0xb5: {  	_ =	strace $0x90000069  }
0xb6: {  	_ =	sfence  }
0xb7: {  	s30 =	sld [smem:$0x0];
	_ =	sdelay $0x2  }
0xb8: {  	s31 =	sshll.u32 s1, $0xD;
	s1 =	sshrl.u32 s1, $0x2  }
0xb9: {  	s3 =	sand.u32 $0x4000, s31;
	s1 =	sadd.s32 s1, s30  }
0xba: {  	s0 =	sor.u32 s3, s0;
	s1 =	sshll.u32 s1, $0x11  }
0xbb: {  	s0 =	sor.u32 s1, s0  }
0xbc: {  	s0 =	sadd.s32 $0x8F2B, s0  }
0xbd: {  	[sflag:s0] =	ssyncadd.remote.s32 $0x1  }
0xbe: {  	_ =	sfence.sel $0xFFFF  }
0xbf: {  	[dreg:$0x0] =	wrdreg $0xFFFFFFFF;
	(pc) =	sbr.abs _section_cstart, $3  }
0xc0: {  	[dreg:$0x1] =	wrdreg $0xFFFFFFFF  }
0xc1: {  	_ =	task.clear_ibuf [dreg:s6], $0x2FFFF;
	_ =	strace $0x9FFFFFFF  }
0xc2: {  	(tm) =	ssettm $0x7FFFFFFF  }
0xc3: {  	_ =	shalt  }
tec
execute0_lowered:
.L_overlay_start_1:
0x0: {  	(tag) =	ssettag $0x1  }
0x1: {  	s0 =	srdreg.scid;
	s3 =	rddreg [dreg:$0x0]  }
0x2: {  	s11 =	stileid.u32;
	s1 =	rddreg [dreg:$0x1]  }
0x3: {  	s2 =	simm.s32 $0x0;
	s10 =	simm.s32 $0x80;
	s13 =	simm.s32 $0x0  }
0x4: {  	s4 =	sand.u32 $0x1, s0;
	s6 =	smul.u32 $0xC80, s11;
	s0 =	rddreg [dreg:$0x2]  }
0x5: {  	[smem:$0x7FF] =	sst s2;
	s29 =	sshll.u32 s11, $0x4;
	s31 =	sshll.u32 s11, $0x7  }
0x6: {  	p0 =	sne.s32 s11, $0x0;
	s11 =	sshll.u32 s11, $0x6;
	s5 =	smul.u32 $0xC800, s4  }
0x7: {  	_ =	strace $0x80000068;
	s8 =	ssub.s32 $0x2, s4;
	s4 =	sshll.u32 s4, $0x8  }
0x8: {  	s12 =	sadd.s32 s31, s1;
	s11 =	sor.u32 $0x1C01, s11;
	s9 =	sshrl.u32 s8, $0x1  }
0x9: {  	s12 =	sshrl.u32 s12, $0x3;
	s5 =	sadd.s32 s6, s5;
	s6 =	sadd.s32 s6, s3  }
0xa: {  	s30 =	ssub.s32 s8, s9;
	s8 =	sshrl.u32 @!p0 s1, $0x3;
	s5 =	sshrl.u32 s5, $0x3  }
0xb: {  	s9 =	simm.s32 $0x1;
	s7 =	sadd.s32 s5, s3;
	s5 =	sadd.s32 s29, s3  }
0xc: {  	s6 =	sadd.s32 $0x8200, s6;
	s3 =	sadd.s32 $0x14A00, s3;
	s4 =	sadd.s32 s4, s5  }
0xd: {  	s5 =	smax.u32 s30, $0x1;
	s7 =	sadd.s32 $0x1AA00, s7;
	s4 =	sadd.s32 $0x14C00, s4  }
.LBB2_1:
0xe: {  	s14 =	simm.s32 @!p0 $0x1C01  }
0xf: {  	[spmem:s8], [sflag:s14] =	dma.local @!p0 [hbm:s3], $0x110  }
0x10: {  	s14 =	simm.s32 @!p0 $0x1  }
0x11: {  	_ =	swait.ge @!p0 [sflag:s14], $0x110  }
0x12: {  	[sflag:s14] =	ssyncset.done @!p0 $0x0  }
0x13: {  	[sflag:s14] =	ssyncadd.s32 @!p0 $0xFFFFFEF0  }
0x14: {  	s31 =	sadd.s32 $0x0, s7;
	[bflag:$0x0] =	sbarrier.arrive $0xFFFF  }
0x15: {  	[tilespmem:s2], [sflag:$0x1] =	stream.linear.gather [hbm4b:s31+s2], $0x80, $0x38;
	[tilespmem:$0x508] =	vst v63  }
0x16: {  	_ =	swait.ge [sflag:s9], $0x80  }
0x17: {  	[sflag:s9] =	ssyncset.done $0x0  }
0x18: {  	[sflag:s9] =	ssyncadd.s32 $0xFFFFFF80  }
0x19: {  	[tilespmem:s10], [sflag:$0x1] =	stream.linear.gather [hbm4b:s6+s2], $0x400, $0x38;
	[tilespmem:$0x508] =	vst v63  }
0x1a: {  	_ =	swait.ge [sflag:s9], $0x400  }
0x1b: {  	[sflag:s9] =	ssyncset.done $0x0  }
0x1c: {  	[sflag:s9] =	ssyncadd.s32 $0xFFFFFC00  }
0x1d: {  	[spmem:s1] =	stream.indirect.scatter.add.f32 [tilespmem:s10], [sflag:$0x1], $0x8, s2, s10, $0xb8;
	[tilespmem:$0x508] =	vst v63  }
0x1e: {  	s15 =	simm.s32 $0x10;
	_ =	swait.ge [sflag:s9], $0x400  }
0x1f: {  	s16 =	simm.s32 $0x20;
	s14 =	sadd.s32 $0x80, s6;
	[sflag:s9] =	ssyncset.done $0x0  }
.LBB2_2:
0x20: {  	s17 =	sadd.s32 s15, s7  }
0x21: {  	[sflag:s9] =	ssyncadd.s32 $0xFFFFFC00;
	s15 =	smov.u32 s16;
	s18 =	sadd.s32 $0x10, s16  }
0x22: {  	[tilespmem:s2], [sflag:$0x1] =	stream.linear.gather [hbm4b:s17+s2], $0x80, $0x38;
	[tilespmem:$0x508] =	vst v63  }
0x23: {  	p1 =	sne.s32 s16, $0x180;
	_ =	swait.ge [sflag:s9], $0x80  }
0x24: {  	[sflag:s9] =	ssyncset.done $0x0  }
0x25: {  	[sflag:s9] =	ssyncadd.s32 $0xFFFFFF80  }
0x26: {  	[tilespmem:s10], [sflag:$0x1] =	stream.linear.gather [hbm4b:s14+s2], $0x400, $0x38;
	[tilespmem:$0x508] =	vst v63  }
0x27: {  	_ =	swait.ge [sflag:s9], $0x400  }
.Ltmp0:
0x28: {  	[sflag:s9] =	ssyncset.done $0x0;
	(pc) =	sbr.rel @p1 .LBB2_2-.Ltmp0, $4  }
0x29: {  	[sflag:s9] =	ssyncadd.s32 $0xFFFFFC00  }
0x2a: {  	[spmem:s1] =	stream.indirect.scatter.add.f32 [tilespmem:s10], [sflag:$0x1], $0x8, s2, s10, $0xb8;
	[tilespmem:$0x508] =	vst v63  }
0x2b: {  	_ =	swait.ge [sflag:s9], $0x400  }
0x2c: {  	s16 =	smov.u32 s18;
	s14 =	sadd.s32 $0x80, s14;
	[sflag:s9] =	ssyncset.done $0x0  }
0x2d: {  	s15 =	sadd.s32 s15, s7;
	[sflag:s9] =	ssyncadd.s32 $0xFFFFFC00  }
0x2e: {  	[tilespmem:s2], [sflag:$0x1] =	stream.linear.gather [hbm4b:s15+s2], $0x80, $0x38;
	[tilespmem:$0x508] =	vst v63  }
0x2f: {  	_ =	swait.ge [sflag:s9], $0x80  }
0x30: {  	[sflag:s9] =	ssyncset.done $0x0  }
0x31: {  	[sflag:s9] =	ssyncadd.s32 $0xFFFFFF80  }
0x32: {  	[tilespmem:s10], [sflag:$0x1] =	stream.linear.gather [hbm4b:s14+s2], $0x400, $0x38;
	[tilespmem:$0x508] =	vst v63  }
0x33: {  	_ =	swait.ge [sflag:s9], $0x400  }
0x34: {  	[sflag:s9] =	ssyncset.done $0x0  }
0x35: {  	[sflag:s9] =	ssyncadd.s32 $0xFFFFFC00  }
0x36: {  	[spmem:s1] =	stream.indirect.scatter.add.f32 [tilespmem:s10], [sflag:$0x1], $0x8, s2, s10, $0xb8;
	[tilespmem:$0x508] =	vst v63  }
0x37: {  	_ =	swait.ge [sflag:s9], $0x400  }
0x38: {  	s13 =	sadd.s32 $0x1, s13;
	[sflag:s9] =	ssyncset.done $0x0  }
0x39: {  	p1 =	sne.s32 s13, s5;
	[sflag:s9] =	ssyncadd.s32 $0xFFFFFC00  }
.Ltmp1:
0x3a: {  	[bflag:$0x0] =	sbarrier.arrive $0xFFFF;
	(pc) =	sbr.rel @p1 .LBB2_1-.Ltmp1, $4  }
0x3b: {  	[hbm:s4], [sflag:s11] =	dma.local [spmem:s12], $0x10  }
0x3c: {  	_ =	swait.ge [sflag:s9], $0x10  }
0x3d: {  	[sflag:s9] =	ssyncset.done $0x0  }
0x3e: {  	[sflag:s9] =	ssyncadd.s32 $0xFFFFFFF0  }
0x3f: {  	_ =	sfence.sel $0x180000  }
0x40: {  	[bflag:$0x0] =	sbarrier.arrive $0xFFFF  }
0x41: {  	_ =	strace $0x90000068  }
0x42: {  	s0 =	sadd.s32 @!p0 $0x100000, s0;
	[bflag:$0x2] =	sbarrier.arrive $0xFFFF  }
0x43: {  	[sflag:s0] =	ssyncadd.tile.s32 @!p0 $0x1;
	_ =	shalt  }
.Lfunc_end2:
_tile_overlayer_lowered:
.L_overlay_start_2:
0x44: {  	(tag) =	ssettag $0x2  }
0x45: {  	s0 =	rddreg [dreg:$0x0];
	s2 =	stileid.u32  }
0x46: {  	s1 =	rddreg [dreg:$0x1];
	p0 =	sne.s32 s2, $0x0  }
0x47: {  	s3 =	rddreg [dreg:$0x2];
	[bflag:$0x3] =	sbarrier.arrive $0xFFFF;
	s2 =	simm.s32 @!p0 $0x1C01  }
0x48: {  	[timem:s3], [sflag:s2] =	dma.local @!p0 [hbm:s0], s1  }
0x49: {  	s0 =	simm.s32 @!p0 $0x1  }
0x4a: {  	_ =	swait.ge @!p0 [sflag:s0], s1  }
0x4b: {  	s1 =	ssub.s32 @!p0 $0x0, s1;
	[sflag:s0] =	ssyncset.done @!p0 $0x0  }
0x4c: {  	[sflag:s0] =	ssyncadd.s32 @!p0 s1  }
0x4d: {  	[bflag:$0x3] =	sbarrier.arrive $0xFFFF  }
0x4e: {  	_ =	shalt  }

</sc_bundles>
